<compile_context>
chip_gen: v7x
topology: tpu7x:2x2x1
jax: 0.10.2.dev20260603
libtpu: 0.0.44.dev20260713+nightly
codegen_flags: <defaults>
</compile_context>

<pallas_src>
import jax
import jax.numpy as jnp
from jax import lax
from jax.experimental import pallas as pl
from jax.experimental.pallas import tpu as pltpu
from jax.experimental.pallas import tpu_sc as plsc

NEG_SLOPE = 0.01
NC = 2
NS = 16
WIN = 128


def _seg_sum_sc(n, d, e, count_only=False):
    nwin = e // WIN
    assert nwin * WIN == e
    NW = NC * NS
    chunk = (-(-nwin // NW) + 7) // 8 * 8
    tail_chunk = nwin - chunk * (NW - 1)
    assert 0 < tail_chunk <= chunk and tail_chunk % 2 == 0 and chunk % 2 == 0
    rows_per_sub = (n // NS) // 8 * 8
    tail_rows = n - rows_per_sub * NS
    assert rows_per_sub % 8 == 0 and tail_rows % 8 == 0
    nfull = rows_per_sub // WIN
    rem = rows_per_sub % WIN

    da = 32 if count_only else d
    mesh = plsc.VectorSubcoreMesh(core_axis_name="c", subcore_axis_name="s")
    out_type = jax.ShapeDtypeStruct((NC, n, da), jnp.float32)
    half = chunk // 2
    assert half % 2 == 0 and tail_chunk <= half
    scratch = [
        pltpu.VMEM((half, WIN), jnp.int32),
        pltpu.VMEM((half, WIN), jnp.int32),
        pltpu.VMEM((WIN, da), jnp.float32),
        pltpu.VMEM((WIN, d), jnp.float32),
        pltpu.VMEM_SHARED((n, da), jnp.float32),
        pltpu.SemaphoreType.DMA,
        pltpu.SemaphoreType.DMA,
    ]

    def body(h_hbm, ei_hbm, out_hbm, src_all, dst_all, rows0, rows1,
             acc_sh, sem0, sem1):
        c = lax.axis_index("c")
        s = lax.axis_index("s")
        k = c * NS + s

        @pl.loop(0, WIN)
        def _(r):
            @pl.loop(0, da, step=16)
            def _(q):
                rows0[r, pl.ds(q, 16)] = jnp.zeros((16,), jnp.float32)

        base_row = s * rows_per_sub
        is_last = s == NS - 1
        zoffs = [q * WIN for q in range(nfull)]
        if rem:
            zoffs.append(rows_per_sub - WIN)
        for off in zoffs:
            pltpu.sync_copy(rows0, acc_sh.at[pl.ds(base_row + off, WIN)])
        if tail_rows:
            @pl.when(is_last)
            def _():
                pltpu.sync_copy(rows0, acc_sh.at[pl.ds(n - WIN, WIN)])

        if count_only:
            @pl.loop(0, WIN)
            def _(r):
                @pl.loop(0, da, step=16)
                def _(q):
                    rows0[r, pl.ds(q, 16)] = jnp.ones((16,), jnp.float32)

        plsc.subcore_barrier()

        def run_chunk(m, wbase):
            pltpu.sync_copy(ei_hbm.at[1, pl.ds(wbase, m)],
                            dst_all.at[pl.ds(0, m)])
            if count_only:
                @pl.loop(0, m)
                def _(t):
                    pltpu.sync_copy(rows0, acc_sh.at[dst_all.at[t]], add=True)
                return
            pltpu.sync_copy(ei_hbm.at[0, pl.ds(wbase, m)],
                            src_all.at[pl.ds(0, m)])
            pltpu.async_copy(h_hbm.at[src_all.at[0]], rows0, sem0)
            pltpu.async_copy(h_hbm.at[src_all.at[1]], rows1, sem1)

            @pl.loop(0, m // 2)
            def _(u):
                t0 = 2 * u
                pltpu.make_async_copy(h_hbm.at[src_all.at[t0]], rows0,
                                      sem0).wait()
                pltpu.sync_copy(rows0, acc_sh.at[dst_all.at[t0]], add=True)

                @pl.when(t0 + 2 < m)
                def _():
                    pltpu.async_copy(h_hbm.at[src_all.at[t0 + 2]], rows0, sem0)

                pltpu.make_async_copy(h_hbm.at[src_all.at[t0 + 1]], rows1,
                                      sem1).wait()
                pltpu.sync_copy(rows1, acc_sh.at[dst_all.at[t0 + 1]], add=True)

                @pl.when(t0 + 3 < m)
                def _():
                    pltpu.async_copy(h_hbm.at[src_all.at[t0 + 3]], rows1, sem1)

        @pl.when(k < NW - 1)
        def _():
            run_chunk(half, k * chunk)
            run_chunk(half, k * chunk + half)

        @pl.when(k == NW - 1)
        def _():
            run_chunk(tail_chunk, (NW - 1) * chunk)

        plsc.subcore_barrier()

        pltpu.sync_copy(acc_sh.at[pl.ds(base_row, rows_per_sub)],
                        out_hbm.at[c, pl.ds(base_row, rows_per_sub)])
        if tail_rows:
            @pl.when(is_last)
            def _():
                pltpu.sync_copy(acc_sh.at[pl.ds(n - tail_rows, tail_rows)],
                                out_hbm.at[c, pl.ds(n - tail_rows, tail_rows)])

    return pl.kernel(body, out_type=out_type, mesh=mesh, scratch_types=scratch)


def _dot(a, b):
    return lax.dot_general(a, b, (((1,), (0,)), ((), ())),
                           preferred_element_type=jnp.float32)


def _matmul_bias(x, w, b, blk=1000):
    n, k = x.shape
    m = w.shape[1]
    assert n % blk == 0

    def body(x_ref, w_ref, b_ref, o_ref):
        o_ref[...] = _dot(x_ref[...], w_ref[...]) + b_ref[...]

    return pl.pallas_call(
        body,
        grid=(n // blk,),
        in_specs=[
            pl.BlockSpec((blk, k), lambda i: (i, 0)),
            pl.BlockSpec((k, m), lambda i: (0, 0)),
            pl.BlockSpec((1, m), lambda i: (0, 0)),
        ],
        out_specs=pl.BlockSpec((blk, m), lambda i: (i, 0)),
        out_shape=jax.ShapeDtypeStruct((n, m), jnp.float32),
    )(x, w, b)


def _sage_combine(h_self_b, part, degp, w_neigh, w_out=None, b_out=None,
                  blk=1000):
    n, d = h_self_b.shape
    fuse = w_out is not None
    m = w_out.shape[1] if fuse else d
    assert n % blk == 0

    def body(s_ref, p_ref, dg_ref, wn_ref, *rest):
        if fuse:
            wo_ref, bo_ref, o_ref = rest
        else:
            (o_ref,) = rest
        agg = p_ref[0] + p_ref[1]
        deg = dg_ref[0, :, 0:1] + dg_ref[1, :, 0:1]
        mean = agg / jnp.maximum(deg, 1.0)
        z = s_ref[...] + _dot(mean, wn_ref[...])
        z = jnp.where(z >= 0, z, NEG_SLOPE * z)
        if fuse:
            z = _dot(z, wo_ref[...]) + bo_ref[...]
        o_ref[...] = z

    in_specs = [
        pl.BlockSpec((blk, d), lambda i: (i, 0)),
        pl.BlockSpec((NC, blk, d), lambda i: (0, i, 0)),
        pl.BlockSpec((NC, blk, degp.shape[2]), lambda i: (0, i, 0)),
        pl.BlockSpec((d, d), lambda i: (0, 0)),
    ]
    args = [h_self_b, part, degp, w_neigh]
    if fuse:
        in_specs.append(pl.BlockSpec((d, m), lambda i: (0, 0)))
        in_specs.append(pl.BlockSpec((1, m), lambda i: (0, 0)))
        args.extend([w_out, b_out])

    return pl.pallas_call(
        body,
        grid=(n // blk,),
        in_specs=in_specs,
        out_specs=pl.BlockSpec((blk, m), lambda i: (i, 0)),
        out_shape=jax.ShapeDtypeStruct((n, m), jnp.float32),
    )(*args)


def kernel(features, edge_index, W_in, b_in, W_self1, W_neigh1, b1,
           W_self2, W_neigh2, b2, W_out, b_out):
    n, d = features.shape
    e = edge_index.shape[1]
    ei = edge_index.reshape(2, e // WIN, WIN)

    h0 = _matmul_bias(features, W_in, b_in.reshape(1, -1))
    seg = _seg_sum_sc(n, d, e)
    degp = _seg_sum_sc(n, d, e, count_only=True)(features, ei)
    part1 = seg(h0, ei)
    self1 = _matmul_bias(h0, W_self1, b1.reshape(1, -1))
    h1 = _sage_combine(self1, part1, degp, W_neigh1)
    part2 = seg(h1, ei)
    self2 = _matmul_bias(h1, W_self2, b2.reshape(1, -1))
    out = _sage_combine(self2, part2, degp, W_neigh2,
                        W_out, b_out.reshape(1, -1))
    return out

# --- scband reference (transcript-rebuilt; emitter-appended) ---
"""Pipeline reference for scband-graph-sage-63393717289265 (READ-ONLY COPY).

The authoritative reference and input builder live on the scoring server;
editing this copy changes nothing except your own understanding.
"""

import jax, jax.numpy as jnp
import numpy as np

N = 10000
E = 320000
D = 128
C = 64
NEG_SLOPE = 0.01


def setup_inputs(seed: int = 0) -> dict:
    key = jax.random.key(seed)
    ks = jax.random.split(key, 10)
    s = 0.05
    features = jax.random.normal(ks[0], (N, D), dtype=jnp.float32)
    edge_index = jax.random.randint(ks[1], (2, E), 0, N)
    W_in = jax.random.normal(ks[2], (D, D), dtype=jnp.float32) * s
    b_in = jnp.zeros((D,), dtype=jnp.float32)
    W_self1 = jax.random.normal(ks[3], (D, D), dtype=jnp.float32) * s
    W_neigh1 = jax.random.normal(ks[4], (D, D), dtype=jnp.float32) * s
    b1 = jnp.zeros((D,), dtype=jnp.float32)
    W_self2 = jax.random.normal(ks[5], (D, D), dtype=jnp.float32) * s
    W_neigh2 = jax.random.normal(ks[6], (D, D), dtype=jnp.float32) * s
    b2 = jnp.zeros((D,), dtype=jnp.float32)
    W_out = jax.random.normal(ks[7], (D, C), dtype=jnp.float32) * s
    b_out = jnp.zeros((C,), dtype=jnp.float32)
    return {
        "features": features,
        "edge_index": edge_index,
        "W_in": W_in,
        "b_in": b_in,
        "W_self1": W_self1,
        "W_neigh1": W_neigh1,
        "b1": b1,
        "W_self2": W_self2,
        "W_neigh2": W_neigh2,
        "b2": b2,
        "W_out": W_out,
        "b_out": b_out,
    }


def _sage_conv_mean(h, src, dst, W_self, W_neigh, b):
    # DGL SAGEConv with 'mean' aggregator:
    # h_neigh = mean over incoming edges of h[src]; rst = h @ W_self + h_neigh @ W_neigh + b
    msg = jnp.take(h, src, axis=0)
    agg = jax.ops.segment_sum(msg, dst, num_segments=N)
    deg = jax.ops.segment_sum(jnp.ones((dst.shape[0],), dtype=jnp.float32), dst, num_segments=N)
    mean = agg / jnp.clip(deg, 1.0, None)[:, None]
    rst = h @ W_self + mean @ W_neigh + b
    return jax.nn.leaky_relu(rst, NEG_SLOPE)


def reference(features, edge_index, W_in, b_in, W_self1, W_neigh1, b1, W_self2, W_neigh2, b2, W_out, b_out):
    src = edge_index[0]
    dst = edge_index[1]
    h = features @ W_in + b_in  # inplayer
    # dropout p=0.0 -> identity (eval mode)
    h = _sage_conv_mean(h, src, dst, W_self1, W_neigh1, b1)
    h = _sage_conv_mean(h, src, dst, W_self2, W_neigh2, b2)
    out = h @ W_out + b_out  # outlayer
    return out

if __name__ == "__main__":
    import jax
    _d = setup_inputs()
    print(jax.jit(kernel)(*tuple(_d.values())))

</pallas_src>

<mosaic_0001>
#map = affine_map<(d0, d1) -> (0, 0)>
#map1 = affine_map<(d0, d1) -> (0, 0, 0)>
module attributes {stable_mosaic.version = 14 : i64} {
  func.func @body(%arg0: i32, %arg1: i32, %arg2: memref<10000x128xf32, #tpu.memory_space<hbm>>, %arg3: memref<2x2500x128xi32, #tpu.memory_space<hbm>>, %arg4: memref<2x10000x32xf32, #tpu.memory_space<hbm>>, %arg5: memref<40x128xi32, #tpu.memory_space<vmem>>, %arg6: memref<40x128xi32, #tpu.memory_space<vmem>>, %arg7: memref<128x32xf32, #tpu.memory_space<vmem>>, %arg8: memref<128x128xf32, #tpu.memory_space<vmem>>, %arg9: memref<10000x32xf32, #tpu.memory_space<vmem_shared>>, %arg10: memref<!tpu.dma_semaphore, #tpu.memory_space<semaphore_mem>>, %arg11: memref<!tpu.dma_semaphore, #tpu.memory_space<semaphore_mem>>) attributes {dimension_semantics = [#tpu.dimension_semantics<core_parallel>, #tpu.dimension_semantics<subcore_parallel>], iteration_bounds = array<i64: 2, 16>, scalar_prefetch = 0 : i64, scratch_operands = 7 : i64, tpu.core_type = #tpu.core_type<sc_vector_subcore>, window_params = [{transform_indices = #map}, {transform_indices = #map1}, {transform_indices = #map1}]} {
    %mul3A = arith.constant 16 : i32
    %mul3A_0 = arith.muli %arg0, %mul3A : i32
    %add3A = arith.addi %mul3A_0, %arg1 : i32
    %scan3A = arith.constant 0 : i32
    %scan3A_1 = arith.constant 128 : i32
    %scan3A_2 = arith.addi %scan3A, %scan3A_1 : i32
    %scan3A_3 = arith.constant 1 : i32
    scf.for %scan3A_37 = %scan3A to %scan3A_2 step %scan3A_3  : i32 {
      %mul3A_38 = arith.constant 1 : i32
      %mul3A_39 = arith.muli %scan3A_37, %mul3A_38 : i32
      %add3A_40 = arith.constant 0 : i32
      %add3A_41 = arith.addi %add3A_40, %mul3A_39 : i32
      %scan3A_42 = arith.constant 0 : i32
      %scan3A_43 = arith.constant 2 : i32
      %scan3A_44 = arith.addi %scan3A_42, %scan3A_43 : i32
      %scan3A_45 = arith.constant 1 : i32
      scf.for %scan3A_47 = %scan3A_42 to %scan3A_44 step %scan3A_45  : i32 {
        %mul3A_48 = arith.constant 16 : i32
        %mul3A_49 = arith.muli %scan3A_47, %mul3A_48 : i32
        %add3A_50 = arith.constant 0 : i32
        %add3A_51 = arith.addi %add3A_50, %mul3A_49 : i32
        %broadcast_in_dim3A = arith.constant 0.000000e+00 : f32
        %broadcast_in_dim3A_52 = vector.broadcast %broadcast_in_dim3A : f32 to vector<16xf32>
        %swap3A = arith.index_cast %add3A_41 : i32 to index
        %swap3A_53 = arith.index_cast %add3A_51 : i32 to index
        %swap3A_54 = tpu.vector_load %arg7[%swap3A, %swap3A_53] {strides = array<i32>} : memref<128x32xf32, #tpu.memory_space<vmem>>, vector<1x16xf32>,
        %swap3A_55 = vector.shape_cast %swap3A_54 : vector<1x16xf32> to vector<16xf32>
        %swap3A_56 = vector.shape_cast %broadcast_in_dim3A_52 : vector<16xf32> to vector<1x16xf32>
        tpu.vector_store %arg7[%swap3A, %swap3A_53], %swap3A_56 {strides = array<i32>} : memref<128x32xf32, #tpu.memory_space<vmem>>, vector<1x16xf32>,
      }
      %scan3A_46 = arith.constant 2 : i32
    }
    %scan3A_4 = arith.constant 128 : i32
    %mul3A_5 = arith.constant 624 : i32
    %mul3A_6 = arith.muli %arg1, %mul3A_5 : i32
    %eq3A = arith.constant 15 : i32
    %eq3A_7 = arith.cmpi eq, %arg1, %eq3A : i32
    %add3A_8 = arith.constant 0 : i32
    %add3A_9 = arith.addi %mul3A_6, %add3A_8 : i32
    "tpu.region"() ({
      %run_scoped3A = tpu.sem_alloc : memref<!tpu.dma_semaphore, #tpu.memory_space<semaphore_mem>>
      %dma_start3A = arith.constant 0 : i32
      %dma_start3A_37 = tpu.memref_slice %arg9[%add3A_9, %dma_start3A] : memref<10000x32xf32, #tpu.memory_space<vmem_shared>> -> memref<128x32xf32, #tpu.memory_space<vmem_shared>>
      %dma_start3A_38 = arith.constant 0 : i32
      %dma_start3A_39 = tpu.memref_slice %arg9[%add3A_9, %dma_start3A_38] : memref<10000x32xf32, #tpu.memory_space<vmem_shared>> -> memref<128x32xf32, #tpu.memory_space<vmem_shared>>
      tpu.enqueue_dma source(%arg7 : memref<128x32xf32, #tpu.memory_space<vmem>>) target(%dma_start3A_39 : memref<128x32xf32, #tpu.memory_space<vmem_shared>>) target_semaphore(%run_scoped3A : memref<!tpu.dma_semaphore, #tpu.memory_space<semaphore_mem>>)
      %dma_wait3A = arith.constant 0 : i32
      %dma_wait3A_40 = tpu.memref_slice %arg9[%add3A_9, %dma_wait3A] : memref<10000x32xf32, #tpu.memory_space<vmem_shared>> -> memref<128x32xf32, #tpu.memory_space<vmem_shared>>
      %dma_wait3A_41 = arith.constant 0 : i32
      %dma_wait3A_42 = tpu.memref_slice %arg9[%add3A_9, %dma_wait3A_41] : memref<10000x32xf32, #tpu.memory_space<vmem_shared>> -> memref<128x32xf32, #tpu.memory_space<vmem_shared>>
      tpu.wait_dma2 semaphore(%run_scoped3A : memref<!tpu.dma_semaphore, #tpu.memory_space<semaphore_mem>>) src(%arg7 : memref<128x32xf32, #tpu.memory_space<vmem>>) dst(%dma_wait3A_42 : memref<128x32xf32, #tpu.memory_space<vmem_shared>>)
      tpu.yield
    }) : () -> ()
    %add3A_10 = arith.constant 128 : i32
    %add3A_11 = arith.addi %mul3A_6, %add3A_10 : i32
    "tpu.region"() ({
      %run_scoped3A = tpu.sem_alloc : memref<!tpu.dma_semaphore, #tpu.memory_space<semaphore_mem>>
      %dma_start3A = arith.constant 0 : i32
      %dma_start3A_37 = tpu.memref_slice %arg9[%add3A_11, %dma_start3A] : memref<10000x32xf32, #tpu.memory_space<vmem_shared>> -> memref<128x32xf32, #tpu.memory_space<vmem_shared>>
      %dma_start3A_38 = arith.constant 0 : i32
      %dma_start3A_39 = tpu.memref_slice %arg9[%add3A_11, %dma_start3A_38] : memref<10000x32xf32, #tpu.memory_space<vmem_shared>> -> memref<128x32xf32, #tpu.memory_space<vmem_shared>>
      tpu.enqueue_dma source(%arg7 : memref<128x32xf32, #tpu.memory_space<vmem>>) target(%dma_start3A_39 : memref<128x32xf32, #tpu.memory_space<vmem_shared>>) target_semaphore(%run_scoped3A : memref<!tpu.dma_semaphore, #tpu.memory_space<semaphore_mem>>)
      %dma_wait3A = arith.constant 0 : i32
      %dma_wait3A_40 = tpu.memref_slice %arg9[%add3A_11, %dma_wait3A] : memref<10000x32xf32, #tpu.memory_space<vmem_shared>> -> memref<128x32xf32, #tpu.memory_space<vmem_shared>>
      %dma_wait3A_41 = arith.constant 0 : i32
      %dma_wait3A_42 = tpu.memref_slice %arg9[%add3A_11, %dma_wait3A_41] : memref<10000x32xf32, #tpu.memory_space<vmem_shared>> -> memref<128x32xf32, #tpu.memory_space<vmem_shared>>
      tpu.wait_dma2 semaphore(%run_scoped3A : memref<!tpu.dma_semaphore, #tpu.memory_space<semaphore_mem>>) src(%arg7 : memref<128x32xf32, #tpu.memory_space<vmem>>) dst(%dma_wait3A_42 : memref<128x32xf32, #tpu.memory_space<vmem_shared>>)
      tpu.yield
    }) : () -> ()
    %add3A_12 = arith.constant 256 : i32
    %add3A_13 = arith.addi %mul3A_6, %add3A_12 : i32
    "tpu.region"() ({
      %run_scoped3A = tpu.sem_alloc : memref<!tpu.dma_semaphore, #tpu.memory_space<semaphore_mem>>
      %dma_start3A = arith.constant 0 : i32
      %dma_start3A_37 = tpu.memref_slice %arg9[%add3A_13, %dma_start3A] : memref<10000x32xf32, #tpu.memory_space<vmem_shared>> -> memref<128x32xf32, #tpu.memory_space<vmem_shared>>
      %dma_start3A_38 = arith.constant 0 : i32
      %dma_start3A_39 = tpu.memref_slice %arg9[%add3A_13, %dma_start3A_38] : memref<10000x32xf32, #tpu.memory_space<vmem_shared>> -> memref<128x32xf32, #tpu.memory_space<vmem_shared>>
      tpu.enqueue_dma source(%arg7 : memref<128x32xf32, #tpu.memory_space<vmem>>) target(%dma_start3A_39 : memref<128x32xf32, #tpu.memory_space<vmem_shared>>) target_semaphore(%run_scoped3A : memref<!tpu.dma_semaphore, #tpu.memory_space<semaphore_mem>>)
      %dma_wait3A = arith.constant 0 : i32
      %dma_wait3A_40 = tpu.memref_slice %arg9[%add3A_13, %dma_wait3A] : memref<10000x32xf32, #tpu.memory_space<vmem_shared>> -> memref<128x32xf32, #tpu.memory_space<vmem_shared>>
      %dma_wait3A_41 = arith.constant 0 : i32
      %dma_wait3A_42 = tpu.memref_slice %arg9[%add3A_13, %dma_wait3A_41] : memref<10000x32xf32, #tpu.memory_space<vmem_shared>> -> memref<128x32xf32, #tpu.memory_space<vmem_shared>>
      tpu.wait_dma2 semaphore(%run_scoped3A : memref<!tpu.dma_semaphore, #tpu.memory_space<semaphore_mem>>) src(%arg7 : memref<128x32xf32, #tpu.memory_space<vmem>>) dst(%dma_wait3A_42 : memref<128x32xf32, #tpu.memory_space<vmem_shared>>)
      tpu.yield
    }) : () -> ()
    %add3A_14 = arith.constant 384 : i32
    %add3A_15 = arith.addi %mul3A_6, %add3A_14 : i32
    "tpu.region"() ({
      %run_scoped3A = tpu.sem_alloc : memref<!tpu.dma_semaphore, #tpu.memory_space<semaphore_mem>>
      %dma_start3A = arith.constant 0 : i32
      %dma_start3A_37 = tpu.memref_slice %arg9[%add3A_15, %dma_start3A] : memref<10000x32xf32, #tpu.memory_space<vmem_shared>> -> memref<128x32xf32, #tpu.memory_space<vmem_shared>>
      %dma_start3A_38 = arith.constant 0 : i32
      %dma_start3A_39 = tpu.memref_slice %arg9[%add3A_15, %dma_start3A_38] : memref<10000x32xf32, #tpu.memory_space<vmem_shared>> -> memref<128x32xf32, #tpu.memory_space<vmem_shared>>
      tpu.enqueue_dma source(%arg7 : memref<128x32xf32, #tpu.memory_space<vmem>>) target(%dma_start3A_39 : memref<128x32xf32, #tpu.memory_space<vmem_shared>>) target_semaphore(%run_scoped3A : memref<!tpu.dma_semaphore, #tpu.memory_space<semaphore_mem>>)
      %dma_wait3A = arith.constant 0 : i32
      %dma_wait3A_40 = tpu.memref_slice %arg9[%add3A_15, %dma_wait3A] : memref<10000x32xf32, #tpu.memory_space<vmem_shared>> -> memref<128x32xf32, #tpu.memory_space<vmem_shared>>
      %dma_wait3A_41 = arith.constant 0 : i32
      %dma_wait3A_42 = tpu.memref_slice %arg9[%add3A_15, %dma_wait3A_41] : memref<10000x32xf32, #tpu.memory_space<vmem_shared>> -> memref<128x32xf32, #tpu.memory_space<vmem_shared>>
      tpu.wait_dma2 semaphore(%run_scoped3A : memref<!tpu.dma_semaphore, #tpu.memory_space<semaphore_mem>>) src(%arg7 : memref<128x32xf32, #tpu.memory_space<vmem>>) dst(%dma_wait3A_42 : memref<128x32xf32, #tpu.memory_space<vmem_shared>>)
      tpu.yield
    }) : () -> ()
    %add3A_16 = arith.constant 496 : i32
    %add3A_17 = arith.addi %mul3A_6, %add3A_16 : i32
    "tpu.region"() ({
      %run_scoped3A = tpu.sem_alloc : memref<!tpu.dma_semaphore, #tpu.memory_space<semaphore_mem>>
      %dma_start3A = arith.constant 0 : i32
      %dma_start3A_37 = tpu.memref_slice %arg9[%add3A_17, %dma_start3A] : memref<10000x32xf32, #tpu.memory_space<vmem_shared>> -> memref<128x32xf32, #tpu.memory_space<vmem_shared>>
      %dma_start3A_38 = arith.constant 0 : i32
      %dma_start3A_39 = tpu.memref_slice %arg9[%add3A_17, %dma_start3A_38] : memref<10000x32xf32, #tpu.memory_space<vmem_shared>> -> memref<128x32xf32, #tpu.memory_space<vmem_shared>>
      tpu.enqueue_dma source(%arg7 : memref<128x32xf32, #tpu.memory_space<vmem>>) target(%dma_start3A_39 : memref<128x32xf32, #tpu.memory_space<vmem_shared>>) target_semaphore(%run_scoped3A : memref<!tpu.dma_semaphore, #tpu.memory_space<semaphore_mem>>)
      %dma_wait3A = arith.constant 0 : i32
      %dma_wait3A_40 = tpu.memref_slice %arg9[%add3A_17, %dma_wait3A] : memref<10000x32xf32, #tpu.memory_space<vmem_shared>> -> memref<128x32xf32, #tpu.memory_space<vmem_shared>>
      %dma_wait3A_41 = arith.constant 0 : i32
      %dma_wait3A_42 = tpu.memref_slice %arg9[%add3A_17, %dma_wait3A_41] : memref<10000x32xf32, #tpu.memory_space<vmem_shared>> -> memref<128x32xf32, #tpu.memory_space<vmem_shared>>
      tpu.wait_dma2 semaphore(%run_scoped3A : memref<!tpu.dma_semaphore, #tpu.memory_space<semaphore_mem>>) src(%arg7 : memref<128x32xf32, #tpu.memory_space<vmem>>) dst(%dma_wait3A_42 : memref<128x32xf32, #tpu.memory_space<vmem_shared>>)
      tpu.yield
    }) : () -> ()
    %convert_element_type3A = arith.extui %eq3A_7 : i1 to i32
    %cond3A = arith.constant 0 : i32
    %cond3A_18 = arith.cmpi ne, %convert_element_type3A, %cond3A : i32
    scf.if %cond3A_18 {
      "tpu.region"() ({
        %run_scoped3A = tpu.sem_alloc : memref<!tpu.dma_semaphore, #tpu.memory_space<semaphore_mem>>
        %dma_start3A = arith.constant 9872 : i32
        %dma_start3A_37 = arith.constant 0 : i32
        %dma_start3A_38 = tpu.memref_slice %arg9[%dma_start3A, %dma_start3A_37] : memref<10000x32xf32, #tpu.memory_space<vmem_shared>> -> memref<128x32xf32, #tpu.memory_space<vmem_shared>>
        %dma_start3A_39 = arith.constant 9872 : i32
        %dma_start3A_40 = arith.constant 0 : i32
        %dma_start3A_41 = tpu.memref_slice %arg9[%dma_start3A_39, %dma_start3A_40] : memref<10000x32xf32, #tpu.memory_space<vmem_shared>> -> memref<128x32xf32, #tpu.memory_space<vmem_shared>>
        tpu.enqueue_dma source(%arg7 : memref<128x32xf32, #tpu.memory_space<vmem>>) target(%dma_start3A_41 : memref<128x32xf32, #tpu.memory_space<vmem_shared>>) target_semaphore(%run_scoped3A : memref<!tpu.dma_semaphore, #tpu.memory_space<semaphore_mem>>)
        %dma_wait3A = arith.constant 9872 : i32
        %dma_wait3A_42 = arith.constant 0 : i32
        %dma_wait3A_43 = tpu.memref_slice %arg9[%dma_wait3A, %dma_wait3A_42] : memref<10000x32xf32, #tpu.memory_space<vmem_shared>> -> memref<128x32xf32, #tpu.memory_space<vmem_shared>>
        %dma_wait3A_44 = arith.constant 9872 : i32
        %dma_wait3A_45 = arith.constant 0 : i32
        %dma_wait3A_46 = tpu.memref_slice %arg9[%dma_wait3A_44, %dma_wait3A_45] : memref<10000x32xf32, #tpu.memory_space<vmem_shared>> -> memref<128x32xf32, #tpu.memory_space<vmem_shared>>
        tpu.wait_dma2 semaphore(%run_scoped3A : memref<!tpu.dma_semaphore, #tpu.memory_space<semaphore_mem>>) src(%arg7 : memref<128x32xf32, #tpu.memory_space<vmem>>) dst(%dma_wait3A_46 : memref<128x32xf32, #tpu.memory_space<vmem_shared>>)
        tpu.yield
      }) : () -> ()
    } else {
    }
    %scan3A_19 = arith.constant 0 : i32
    %scan3A_20 = arith.constant 128 : i32
    %scan3A_21 = arith.addi %scan3A_19, %scan3A_20 : i32
    %scan3A_22 = arith.constant 1 : i32
    scf.for %scan3A_37 = %scan3A_19 to %scan3A_21 step %scan3A_22  : i32 {
      %mul3A_38 = arith.constant 1 : i32
      %mul3A_39 = arith.muli %scan3A_37, %mul3A_38 : i32
      %add3A_40 = arith.constant 0 : i32
      %add3A_41 = arith.addi %add3A_40, %mul3A_39 : i32
      %scan3A_42 = arith.constant 0 : i32
      %scan3A_43 = arith.constant 2 : i32
      %scan3A_44 = arith.addi %scan3A_42, %scan3A_43 : i32
      %scan3A_45 = arith.constant 1 : i32
      scf.for %scan3A_47 = %scan3A_42 to %scan3A_44 step %scan3A_45  : i32 {
        %mul3A_48 = arith.constant 16 : i32
        %mul3A_49 = arith.muli %scan3A_47, %mul3A_48 : i32
        %add3A_50 = arith.constant 0 : i32
        %add3A_51 = arith.addi %add3A_50, %mul3A_49 : i32
        %broadcast_in_dim3A = arith.constant 1.000000e+00 : f32
        %broadcast_in_dim3A_52 = vector.broadcast %broadcast_in_dim3A : f32 to vector<16xf32>
        %swap3A = arith.index_cast %add3A_41 : i32 to index
        %swap3A_53 = arith.index_cast %add3A_51 : i32 to index
        %swap3A_54 = tpu.vector_load %arg7[%swap3A, %swap3A_53] {strides = array<i32>} : memref<128x32xf32, #tpu.memory_space<vmem>>, vector<1x16xf32>,
        %swap3A_55 = vector.shape_cast %swap3A_54 : vector<1x16xf32> to vector<16xf32>
        %swap3A_56 = vector.shape_cast %broadcast_in_dim3A_52 : vector<16xf32> to vector<1x16xf32>
        tpu.vector_store %arg7[%swap3A, %swap3A_53], %swap3A_56 {strides = array<i32>} : memref<128x32xf32, #tpu.memory_space<vmem>>, vector<1x16xf32>,
      }
      %scan3A_46 = arith.constant 2 : i32
    }
    %scan3A_23 = arith.constant 128 : i32
    %barrier3A = arith.constant 0 : index
    tpu.barrier barrier_id(%barrier3A)
    %lt3A = arith.constant 31 : i32
    %lt3A_24 = arith.cmpi slt, %add3A, %lt3A : i32
    %convert_element_type3A_25 = arith.extui %lt3A_24 : i1 to i32
    %cond3A_26 = arith.constant 0 : i32
    %cond3A_27 = arith.cmpi ne, %convert_element_type3A_25, %cond3A_26 : i32
    scf.if %cond3A_27 {
      %mul3A_37 = arith.constant 80 : i32
      %mul3A_38 = arith.muli %add3A, %mul3A_37 : i32
      %run_scoped3A = arith.constant 1 : i32
      "tpu.region"() ({
        %run_scoped3A_54 = tpu.sem_alloc : memref<!tpu.dma_semaphore, #tpu.memory_space<semaphore_mem>>
        %dma_start3A = arith.constant 0 : i32
        %dma_start3A_55 = arith.constant 0 : i32
        %dma_start3A_56 = tpu.memref_slice %arg6[%dma_start3A, %dma_start3A_55] : memref<40x128xi32, #tpu.memory_space<vmem>> -> memref<40x128xi32, #tpu.memory_space<vmem>>
        %dma_start3A_57 = arith.constant 0 : i32
        %dma_start3A_58 = tpu.memref_slice %arg3[%run_scoped3A, %mul3A_38, %dma_start3A_57] : memref<2x2500x128xi32, #tpu.memory_space<hbm>> -> memref<1x40x128xi32, #tpu.memory_space<hbm>>
        %dma_start3A_59 = tpu.memref_squeeze %dma_start3A_58 : memref<1x40x128xi32, #tpu.memory_space<hbm>> -> memref<40x128xi32, #tpu.memory_space<hbm>>
        %dma_start3A_60 = arith.constant 0 : i32
        %dma_start3A_61 = arith.constant 0 : i32
        %dma_start3A_62 = tpu.memref_slice %arg6[%dma_start3A_60, %dma_start3A_61] : memref<40x128xi32, #tpu.memory_space<vmem>> -> memref<40x128xi32, #tpu.memory_space<vmem>>
        %dma_start3A_63 = arith.constant 0 : i32
        %dma_start3A_64 = tpu.memref_slice %arg3[%run_scoped3A, %mul3A_38, %dma_start3A_63] : memref<2x2500x128xi32, #tpu.memory_space<hbm>> -> memref<1x40x128xi32, #tpu.memory_space<hbm>>
        %dma_start3A_65 = tpu.memref_squeeze %dma_start3A_64 : memref<1x40x128xi32, #tpu.memory_space<hbm>> -> memref<40x128xi32, #tpu.memory_space<hbm>>
        tpu.enqueue_dma source(%dma_start3A_65 : memref<40x128xi32, #tpu.memory_space<hbm>>) target(%dma_start3A_62 : memref<40x128xi32, #tpu.memory_space<vmem>>) target_semaphore(%run_scoped3A_54 : memref<!tpu.dma_semaphore, #tpu.memory_space<semaphore_mem>>)
        %dma_wait3A = arith.constant 0 : i32
        %dma_wait3A_66 = arith.constant 0 : i32
        %dma_wait3A_67 = tpu.memref_slice %arg6[%dma_wait3A, %dma_wait3A_66] : memref<40x128xi32, #tpu.memory_space<vmem>> -> memref<40x128xi32, #tpu.memory_space<vmem>>
        %dma_wait3A_68 = arith.constant 0 : i32
        %dma_wait3A_69 = tpu.memref_slice %arg3[%run_scoped3A, %mul3A_38, %dma_wait3A_68] : memref<2x2500x128xi32, #tpu.memory_space<hbm>> -> memref<1x40x128xi32, #tpu.memory_space<hbm>>
        %dma_wait3A_70 = tpu.memref_squeeze %dma_wait3A_69 : memref<1x40x128xi32, #tpu.memory_space<hbm>> -> memref<40x128xi32, #tpu.memory_space<hbm>>
        %dma_wait3A_71 = arith.constant 0 : i32
        %dma_wait3A_72 = arith.constant 0 : i32
        %dma_wait3A_73 = tpu.memref_slice %arg6[%dma_wait3A_71, %dma_wait3A_72] : memref<40x128xi32, #tpu.memory_space<vmem>> -> memref<40x128xi32, #tpu.memory_space<vmem>>
        %dma_wait3A_74 = arith.constant 0 : i32
        %dma_wait3A_75 = tpu.memref_slice %arg3[%run_scoped3A, %mul3A_38, %dma_wait3A_74] : memref<2x2500x128xi32, #tpu.memory_space<hbm>> -> memref<1x40x128xi32, #tpu.memory_space<hbm>>
        %dma_wait3A_76 = tpu.memref_squeeze %dma_wait3A_75 : memref<1x40x128xi32, #tpu.memory_space<hbm>> -> memref<40x128xi32, #tpu.memory_space<hbm>>
        tpu.wait_dma2 semaphore(%run_scoped3A_54 : memref<!tpu.dma_semaphore, #tpu.memory_space<semaphore_mem>>) src(%dma_wait3A_76 : memref<40x128xi32, #tpu.memory_space<hbm>>) dst(%dma_wait3A_73 : memref<40x128xi32, #tpu.memory_space<vmem>>)
        tpu.yield
      }) : () -> ()
      %scan3A_39 = arith.constant 0 : i32
      %scan3A_40 = arith.constant 40 : i32
      %scan3A_41 = arith.addi %scan3A_39, %scan3A_40 : i32
      %scan3A_42 = arith.constant 1 : i32
      scf.for %scan3A_54 = %scan3A_39 to %scan3A_41 step %scan3A_42  : i32 {
        %mul3A_55 = arith.constant 1 : i32
        %mul3A_56 = arith.muli %scan3A_54, %mul3A_55 : i32
        %add3A_57 = arith.constant 0 : i32
        %add3A_58 = arith.addi %add3A_57, %mul3A_56 : i32
        "tpu.region"() ({
          %run_scoped3A_59 = tpu.sem_alloc : memref<!tpu.dma_semaphore, #tpu.memory_space<semaphore_mem>>
          %dma_start3A = arith.constant 0 : i32
          %dma_start3A_60 = tpu.memref_slice %arg6[%add3A_58, %dma_start3A] : memref<40x128xi32, #tpu.memory_space<vmem>> -> memref<1x128xi32, #tpu.memory_space<vmem>>
          %dma_start3A_61 = tpu.memref_squeeze %dma_start3A_60 : memref<1x128xi32, #tpu.memory_space<vmem>> -> memref<128xi32, #tpu.memory_space<vmem>>
          %dma_start3A_62 = arith.constant 0 : i32
          %dma_start3A_63 = arith.constant 0 : i32
          %dma_start3A_64 = tpu.memref_slice %arg9[%dma_start3A_62, %dma_start3A_63] : memref<10000x32xf32, #tpu.memory_space<vmem_shared>> -> memref<10000x32xf32, #tpu.memory_space<vmem_shared>>
          tpu.enqueue_indirect_dma source(%arg7 : memref<128x32xf32, #tpu.memory_space<vmem>>) target(%dma_start3A_64 : memref<10000x32xf32, #tpu.memory_space<vmem_shared>>) offsets(%dma_start3A_61 : memref<128xi32, #tpu.memory_space<vmem>>) semaphore(%run_scoped3A_59 : memref<!tpu.dma_semaphore, #tpu.memory_space<semaphore_mem>>) {add = true}
          %dma_wait3A = arith.constant 0 : i32
          %dma_wait3A_65 = tpu.memref_slice %arg6[%add3A_58, %dma_wait3A] : memref<40x128xi32, #tpu.memory_space<vmem>> -> memref<1x128xi32, #tpu.memory_space<vmem>>
          %dma_wait3A_66 = tpu.memref_squeeze %dma_wait3A_65 : memref<1x128xi32, #tpu.memory_space<vmem>> -> memref<128xi32, #tpu.memory_space<vmem>>
          %dma_wait3A_67 = arith.constant 0 : i32
          %dma_wait3A_68 = arith.constant 0 : i32
          %dma_wait3A_69 = tpu.memref_slice %arg9[%dma_wait3A_67, %dma_wait3A_68] : memref<10000x32xf32, #tpu.memory_space<vmem_shared>> -> memref<10000x32xf32, #tpu.memory_space<vmem_shared>>
          tpu.wait_indirect_dma semaphore(%run_scoped3A_59 : memref<!tpu.dma_semaphore, #tpu.memory_space<semaphore_mem>>) src(%arg7 : memref<128x32xf32, #tpu.memory_space<vmem>>) dst(%dma_wait3A_69 : memref<10000x32xf32, #tpu.memory_space<vmem_shared>>)
          tpu.yield
        }) : () -> ()
      }
      %scan3A_43 = arith.constant 40 : i32
      %mul3A_44 = arith.constant 80 : i32
      %mul3A_45 = arith.muli %add3A, %mul3A_44 : i32
      %add3A_46 = arith.constant 40 : i32
      %add3A_47 = arith.addi %mul3A_45, %add3A_46 : i32
      %run_scoped3A_48 = arith.constant 1 : i32
      "tpu.region"() ({
        %run_scoped3A_54 = tpu.sem_alloc : memref<!tpu.dma_semaphore, #tpu.memory_space<semaphore_mem>>
        %dma_start3A = arith.constant 0 : i32
        %dma_start3A_55 = arith.constant 0 : i32
        %dma_start3A_56 = tpu.memref_slice %arg6[%dma_start3A, %dma_start3A_55] : memref<40x128xi32, #tpu.memory_space<vmem>> -> memref<40x128xi32, #tpu.memory_space<vmem>>
        %dma_start3A_57 = arith.constant 0 : i32
        %dma_start3A_58 = tpu.memref_slice %arg3[%run_scoped3A_48, %add3A_47, %dma_start3A_57] : memref<2x2500x128xi32, #tpu.memory_space<hbm>> -> memref<1x40x128xi32, #tpu.memory_space<hbm>>
        %dma_start3A_59 = tpu.memref_squeeze %dma_start3A_58 : memref<1x40x128xi32, #tpu.memory_space<hbm>> -> memref<40x128xi32, #tpu.memory_space<hbm>>
        %dma_start3A_60 = arith.constant 0 : i32
        %dma_start3A_61 = arith.constant 0 : i32
        %dma_start3A_62 = tpu.memref_slice %arg6[%dma_start3A_60, %dma_start3A_61] : memref<40x128xi32, #tpu.memory_space<vmem>> -> memref<40x128xi32, #tpu.memory_space<vmem>>
        %dma_start3A_63 = arith.constant 0 : i32
        %dma_start3A_64 = tpu.memref_slice %arg3[%run_scoped3A_48, %add3A_47, %dma_start3A_63] : memref<2x2500x128xi32, #tpu.memory_space<hbm>> -> memref<1x40x128xi32, #tpu.memory_space<hbm>>
        %dma_start3A_65 = tpu.memref_squeeze %dma_start3A_64 : memref<1x40x128xi32, #tpu.memory_space<hbm>> -> memref<40x128xi32, #tpu.memory_space<hbm>>
        tpu.enqueue_dma source(%dma_start3A_65 : memref<40x128xi32, #tpu.memory_space<hbm>>) target(%dma_start3A_62 : memref<40x128xi32, #tpu.memory_space<vmem>>) target_semaphore(%run_scoped3A_54 : memref<!tpu.dma_semaphore, #tpu.memory_space<semaphore_mem>>)
        %dma_wait3A = arith.constant 0 : i32
        %dma_wait3A_66 = arith.constant 0 : i32
        %dma_wait3A_67 = tpu.memref_slice %arg6[%dma_wait3A, %dma_wait3A_66] : memref<40x128xi32, #tpu.memory_space<vmem>> -> memref<40x128xi32, #tpu.memory_space<vmem>>
        %dma_wait3A_68 = arith.constant 0 : i32
        %dma_wait3A_69 = tpu.memref_slice %arg3[%run_scoped3A_48, %add3A_47, %dma_wait3A_68] : memref<2x2500x128xi32, #tpu.memory_space<hbm>> -> memref<1x40x128xi32, #tpu.memory_space<hbm>>
        %dma_wait3A_70 = tpu.memref_squeeze %dma_wait3A_69 : memref<1x40x128xi32, #tpu.memory_space<hbm>> -> memref<40x128xi32, #tpu.memory_space<hbm>>
        %dma_wait3A_71 = arith.constant 0 : i32
        %dma_wait3A_72 = arith.constant 0 : i32
        %dma_wait3A_73 = tpu.memref_slice %arg6[%dma_wait3A_71, %dma_wait3A_72] : memref<40x128xi32, #tpu.memory_space<vmem>> -> memref<40x128xi32, #tpu.memory_space<vmem>>
        %dma_wait3A_74 = arith.constant 0 : i32
        %dma_wait3A_75 = tpu.memref_slice %arg3[%run_scoped3A_48, %add3A_47, %dma_wait3A_74] : memref<2x2500x128xi32, #tpu.memory_space<hbm>> -> memref<1x40x128xi32, #tpu.memory_space<hbm>>
        %dma_wait3A_76 = tpu.memref_squeeze %dma_wait3A_75 : memref<1x40x128xi32, #tpu.memory_space<hbm>> -> memref<40x128xi32, #tpu.memory_space<hbm>>
        tpu.wait_dma2 semaphore(%run_scoped3A_54 : memref<!tpu.dma_semaphore, #tpu.memory_space<semaphore_mem>>) src(%dma_wait3A_76 : memref<40x128xi32, #tpu.memory_space<hbm>>) dst(%dma_wait3A_73 : memref<40x128xi32, #tpu.memory_space<vmem>>)
        tpu.yield
      }) : () -> ()
      %scan3A_49 = arith.constant 0 : i32
      %scan3A_50 = arith.constant 40 : i32
      %scan3A_51 = arith.addi %scan3A_49, %scan3A_50 : i32
      %scan3A_52 = arith.constant 1 : i32
      scf.for %scan3A_54 = %scan3A_49 to %scan3A_51 step %scan3A_52  : i32 {
        %mul3A_55 = arith.constant 1 : i32
        %mul3A_56 = arith.muli %scan3A_54, %mul3A_55 : i32
        %add3A_57 = arith.constant 0 : i32
        %add3A_58 = arith.addi %add3A_57, %mul3A_56 : i32
        "tpu.region"() ({
          %run_scoped3A_59 = tpu.sem_alloc : memref<!tpu.dma_semaphore, #tpu.memory_space<semaphore_mem>>
          %dma_start3A = arith.constant 0 : i32
          %dma_start3A_60 = tpu.memref_slice %arg6[%add3A_58, %dma_start3A] : memref<40x128xi32, #tpu.memory_space<vmem>> -> memref<1x128xi32, #tpu.memory_space<vmem>>
          %dma_start3A_61 = tpu.memref_squeeze %dma_start3A_60 : memref<1x128xi32, #tpu.memory_space<vmem>> -> memref<128xi32, #tpu.memory_space<vmem>>
          %dma_start3A_62 = arith.constant 0 : i32
          %dma_start3A_63 = arith.constant 0 : i32
          %dma_start3A_64 = tpu.memref_slice %arg9[%dma_start3A_62, %dma_start3A_63] : memref<10000x32xf32, #tpu.memory_space<vmem_shared>> -> memref<10000x32xf32, #tpu.memory_space<vmem_shared>>
          tpu.enqueue_indirect_dma source(%arg7 : memref<128x32xf32, #tpu.memory_space<vmem>>) target(%dma_start3A_64 : memref<10000x32xf32, #tpu.memory_space<vmem_shared>>) offsets(%dma_start3A_61 : memref<128xi32, #tpu.memory_space<vmem>>) semaphore(%run_scoped3A_59 : memref<!tpu.dma_semaphore, #tpu.memory_space<semaphore_mem>>) {add = true}
          %dma_wait3A = arith.constant 0 : i32
          %dma_wait3A_65 = tpu.memref_slice %arg6[%add3A_58, %dma_wait3A] : memref<40x128xi32, #tpu.memory_space<vmem>> -> memref<1x128xi32, #tpu.memory_space<vmem>>
          %dma_wait3A_66 = tpu.memref_squeeze %dma_wait3A_65 : memref<1x128xi32, #tpu.memory_space<vmem>> -> memref<128xi32, #tpu.memory_space<vmem>>
          %dma_wait3A_67 = arith.constant 0 : i32
          %dma_wait3A_68 = arith.constant 0 : i32
          %dma_wait3A_69 = tpu.memref_slice %arg9[%dma_wait3A_67, %dma_wait3A_68] : memref<10000x32xf32, #tpu.memory_space<vmem_shared>> -> memref<10000x32xf32, #tpu.memory_space<vmem_shared>>
          tpu.wait_indirect_dma semaphore(%run_scoped3A_59 : memref<!tpu.dma_semaphore, #tpu.memory_space<semaphore_mem>>) src(%arg7 : memref<128x32xf32, #tpu.memory_space<vmem>>) dst(%dma_wait3A_69 : memref<10000x32xf32, #tpu.memory_space<vmem_shared>>)
          tpu.yield
        }) : () -> ()
      }
      %scan3A_53 = arith.constant 40 : i32
    } else {
    }
    %eq3A_28 = arith.constant 31 : i32
    %eq3A_29 = arith.cmpi eq, %add3A, %eq3A_28 : i32
    %convert_element_type3A_30 = arith.extui %eq3A_29 : i1 to i32
    %cond3A_31 = arith.constant 0 : i32
    %cond3A_32 = arith.cmpi ne, %convert_element_type3A_30, %cond3A_31 : i32
    scf.if %cond3A_32 {
      %run_scoped3A = arith.constant 1 : i32
      "tpu.region"() ({
        %run_scoped3A_42 = tpu.sem_alloc : memref<!tpu.dma_semaphore, #tpu.memory_space<semaphore_mem>>
        %dma_start3A = arith.constant 0 : i32
        %dma_start3A_43 = arith.constant 0 : i32
        %dma_start3A_44 = tpu.memref_slice %arg6[%dma_start3A, %dma_start3A_43] : memref<40x128xi32, #tpu.memory_space<vmem>> -> memref<20x128xi32, #tpu.memory_space<vmem>>
        %dma_start3A_45 = arith.constant 2480 : i32
        %dma_start3A_46 = arith.constant 0 : i32
        %dma_start3A_47 = tpu.memref_slice %arg3[%run_scoped3A, %dma_start3A_45, %dma_start3A_46] : memref<2x2500x128xi32, #tpu.memory_space<hbm>> -> memref<1x20x128xi32, #tpu.memory_space<hbm>>
        %dma_start3A_48 = tpu.memref_squeeze %dma_start3A_47 : memref<1x20x128xi32, #tpu.memory_space<hbm>> -> memref<20x128xi32, #tpu.memory_space<hbm>>
        %dma_start3A_49 = arith.constant 0 : i32
        %dma_start3A_50 = arith.constant 0 : i32
        %dma_start3A_51 = tpu.memref_slice %arg6[%dma_start3A_49, %dma_start3A_50] : memref<40x128xi32, #tpu.memory_space<vmem>> -> memref<20x128xi32, #tpu.memory_space<vmem>>
        %dma_start3A_52 = arith.constant 2480 : i32
        %dma_start3A_53 = arith.constant 0 : i32
        %dma_start3A_54 = tpu.memref_slice %arg3[%run_scoped3A, %dma_start3A_52, %dma_start3A_53] : memref<2x2500x128xi32, #tpu.memory_space<hbm>> -> memref<1x20x128xi32, #tpu.memory_space<hbm>>
        %dma_start3A_55 = tpu.memref_squeeze %dma_start3A_54 : memref<1x20x128xi32, #tpu.memory_space<hbm>> -> memref<20x128xi32, #tpu.memory_space<hbm>>
        tpu.enqueue_dma source(%dma_start3A_55 : memref<20x128xi32, #tpu.memory_space<hbm>>) target(%dma_start3A_51 : memref<20x128xi32, #tpu.memory_space<vmem>>) target_semaphore(%run_scoped3A_42 : memref<!tpu.dma_semaphore, #tpu.memory_space<semaphore_mem>>)
        %dma_wait3A = arith.constant 0 : i32
        %dma_wait3A_56 = arith.constant 0 : i32
        %dma_wait3A_57 = tpu.memref_slice %arg6[%dma_wait3A, %dma_wait3A_56] : memref<40x128xi32, #tpu.memory_space<vmem>> -> memref<20x128xi32, #tpu.memory_space<vmem>>
        %dma_wait3A_58 = arith.constant 2480 : i32
        %dma_wait3A_59 = arith.constant 0 : i32
        %dma_wait3A_60 = tpu.memref_slice %arg3[%run_scoped3A, %dma_wait3A_58, %dma_wait3A_59] : memref<2x2500x128xi32, #tpu.memory_space<hbm>> -> memref<1x20x128xi32, #tpu.memory_space<hbm>>
        %dma_wait3A_61 = tpu.memref_squeeze %dma_wait3A_60 : memref<1x20x128xi32, #tpu.memory_space<hbm>> -> memref<20x128xi32, #tpu.memory_space<hbm>>
        %dma_wait3A_62 = arith.constant 0 : i32
        %dma_wait3A_63 = arith.constant 0 : i32
        %dma_wait3A_64 = tpu.memref_slice %arg6[%dma_wait3A_62, %dma_wait3A_63] : memref<40x128xi32, #tpu.memory_space<vmem>> -> memref<20x128xi32, #tpu.memory_space<vmem>>
        %dma_wait3A_65 = arith.constant 2480 : i32
        %dma_wait3A_66 = arith.constant 0 : i32
        %dma_wait3A_67 = tpu.memref_slice %arg3[%run_scoped3A, %dma_wait3A_65, %dma_wait3A_66] : memref<2x2500x128xi32, #tpu.memory_space<hbm>> -> memref<1x20x128xi32, #tpu.memory_space<hbm>>
        %dma_wait3A_68 = tpu.memref_squeeze %dma_wait3A_67 : memref<1x20x128xi32, #tpu.memory_space<hbm>> -> memref<20x128xi32, #tpu.memory_space<hbm>>
        tpu.wait_dma2 semaphore(%run_scoped3A_42 : memref<!tpu.dma_semaphore, #tpu.memory_space<semaphore_mem>>) src(%dma_wait3A_68 : memref<20x128xi32, #tpu.memory_space<hbm>>) dst(%dma_wait3A_64 : memref<20x128xi32, #tpu.memory_space<vmem>>)
        tpu.yield
      }) : () -> ()
      %scan3A_37 = arith.constant 0 : i32
      %scan3A_38 = arith.constant 20 : i32
      %scan3A_39 = arith.addi %scan3A_37, %scan3A_38 : i32
      %scan3A_40 = arith.constant 1 : i32
      scf.for %scan3A_42 = %scan3A_37 to %scan3A_39 step %scan3A_40  : i32 {
        %mul3A_43 = arith.constant 1 : i32
        %mul3A_44 = arith.muli %scan3A_42, %mul3A_43 : i32
        %add3A_45 = arith.constant 0 : i32
        %add3A_46 = arith.addi %add3A_45, %mul3A_44 : i32
        "tpu.region"() ({
          %run_scoped3A_47 = tpu.sem_alloc : memref<!tpu.dma_semaphore, #tpu.memory_space<semaphore_mem>>
          %dma_start3A = arith.constant 0 : i32
          %dma_start3A_48 = tpu.memref_slice %arg6[%add3A_46, %dma_start3A] : memref<40x128xi32, #tpu.memory_space<vmem>> -> memref<1x128xi32, #tpu.memory_space<vmem>>
          %dma_start3A_49 = tpu.memref_squeeze %dma_start3A_48 : memref<1x128xi32, #tpu.memory_space<vmem>> -> memref<128xi32, #tpu.memory_space<vmem>>
          %dma_start3A_50 = arith.constant 0 : i32
          %dma_start3A_51 = arith.constant 0 : i32
          %dma_start3A_52 = tpu.memref_slice %arg9[%dma_start3A_50, %dma_start3A_51] : memref<10000x32xf32, #tpu.memory_space<vmem_shared>> -> memref<10000x32xf32, #tpu.memory_space<vmem_shared>>
          tpu.enqueue_indirect_dma source(%arg7 : memref<128x32xf32, #tpu.memory_space<vmem>>) target(%dma_start3A_52 : memref<10000x32xf32, #tpu.memory_space<vmem_shared>>) offsets(%dma_start3A_49 : memref<128xi32, #tpu.memory_space<vmem>>) semaphore(%run_scoped3A_47 : memref<!tpu.dma_semaphore, #tpu.memory_space<semaphore_mem>>) {add = true}
          %dma_wait3A = arith.constant 0 : i32
          %dma_wait3A_53 = tpu.memref_slice %arg6[%add3A_46, %dma_wait3A] : memref<40x128xi32, #tpu.memory_space<vmem>> -> memref<1x128xi32, #tpu.memory_space<vmem>>
          %dma_wait3A_54 = tpu.memref_squeeze %dma_wait3A_53 : memref<1x128xi32, #tpu.memory_space<vmem>> -> memref<128xi32, #tpu.memory_space<vmem>>
          %dma_wait3A_55 = arith.constant 0 : i32
          %dma_wait3A_56 = arith.constant 0 : i32
          %dma_wait3A_57 = tpu.memref_slice %arg9[%dma_wait3A_55, %dma_wait3A_56] : memref<10000x32xf32, #tpu.memory_space<vmem_shared>> -> memref<10000x32xf32, #tpu.memory_space<vmem_shared>>
          tpu.wait_indirect_dma semaphore(%run_scoped3A_47 : memref<!tpu.dma_semaphore, #tpu.memory_space<semaphore_mem>>) src(%arg7 : memref<128x32xf32, #tpu.memory_space<vmem>>) dst(%dma_wait3A_57 : memref<10000x32xf32, #tpu.memory_space<vmem_shared>>)
          tpu.yield
        }) : () -> ()
      }
      %scan3A_41 = arith.constant 20 : i32
    } else {
    }
    %barrier3A_33 = arith.constant 0 : index
    tpu.barrier barrier_id(%barrier3A_33)
    "tpu.region"() ({
      %run_scoped3A = tpu.sem_alloc : memref<!tpu.dma_semaphore, #tpu.memory_space<semaphore_mem>>
      %dma_start3A = arith.constant 0 : i32
      %dma_start3A_37 = tpu.memref_slice %arg4[%arg0, %mul3A_6, %dma_start3A] : memref<2x10000x32xf32, #tpu.memory_space<hbm>> -> memref<1x624x32xf32, #tpu.memory_space<hbm>>
      %dma_start3A_38 = tpu.memref_squeeze %dma_start3A_37 : memref<1x624x32xf32, #tpu.memory_space<hbm>> -> memref<624x32xf32, #tpu.memory_space<hbm>>
      %dma_start3A_39 = arith.constant 0 : i32
      %dma_start3A_40 = tpu.memref_slice %arg9[%mul3A_6, %dma_start3A_39] : memref<10000x32xf32, #tpu.memory_space<vmem_shared>> -> memref<624x32xf32, #tpu.memory_space<vmem_shared>>
      tpu.enqueue_dma source(%dma_start3A_40 : memref<624x32xf32, #tpu.memory_space<vmem_shared>>) target(%dma_start3A_38 : memref<624x32xf32, #tpu.memory_space<hbm>>) target_semaphore(%run_scoped3A : memref<!tpu.dma_semaphore, #tpu.memory_space<semaphore_mem>>)
      %dma_wait3A = arith.constant 0 : i32
      %dma_wait3A_41 = tpu.memref_slice %arg4[%arg0, %mul3A_6, %dma_wait3A] : memref<2x10000x32xf32, #tpu.memory_space<hbm>> -> memref<1x624x32xf32, #tpu.memory_space<hbm>>
      %dma_wait3A_42 = tpu.memref_squeeze %dma_wait3A_41 : memref<1x624x32xf32, #tpu.memory_space<hbm>> -> memref<624x32xf32, #tpu.memory_space<hbm>>
      %dma_wait3A_43 = arith.constant 0 : i32
      %dma_wait3A_44 = tpu.memref_slice %arg9[%mul3A_6, %dma_wait3A_43] : memref<10000x32xf32, #tpu.memory_space<vmem_shared>> -> memref<624x32xf32, #tpu.memory_space<vmem_shared>>
      tpu.wait_dma2 semaphore(%run_scoped3A : memref<!tpu.dma_semaphore, #tpu.memory_space<semaphore_mem>>) src(%dma_wait3A_44 : memref<624x32xf32, #tpu.memory_space<vmem_shared>>) dst(%dma_wait3A_42 : memref<624x32xf32, #tpu.memory_space<hbm>>)
      tpu.yield
    }) : () -> ()
    %convert_element_type3A_34 = arith.extui %eq3A_7 : i1 to i32
    %cond3A_35 = arith.constant 0 : i32
    %cond3A_36 = arith.cmpi ne, %convert_element_type3A_34, %cond3A_35 : i32
    scf.if %cond3A_36 {
      "tpu.region"() ({
        %run_scoped3A = tpu.sem_alloc : memref<!tpu.dma_semaphore, #tpu.memory_space<semaphore_mem>>
        %dma_start3A = arith.constant 9984 : i32
        %dma_start3A_37 = arith.constant 0 : i32
        %dma_start3A_38 = tpu.memref_slice %arg4[%arg0, %dma_start3A, %dma_start3A_37] : memref<2x10000x32xf32, #tpu.memory_space<hbm>> -> memref<1x16x32xf32, #tpu.memory_space<hbm>>
        %dma_start3A_39 = tpu.memref_squeeze %dma_start3A_38 : memref<1x16x32xf32, #tpu.memory_space<hbm>> -> memref<16x32xf32, #tpu.memory_space<hbm>>
        %dma_start3A_40 = arith.constant 9984 : i32
        %dma_start3A_41 = arith.constant 0 : i32
        %dma_start3A_42 = tpu.memref_slice %arg9[%dma_start3A_40, %dma_start3A_41] : memref<10000x32xf32, #tpu.memory_space<vmem_shared>> -> memref<16x32xf32, #tpu.memory_space<vmem_shared>>
        tpu.enqueue_dma source(%dma_start3A_42 : memref<16x32xf32, #tpu.memory_space<vmem_shared>>) target(%dma_start3A_39 : memref<16x32xf32, #tpu.memory_space<hbm>>) target_semaphore(%run_scoped3A : memref<!tpu.dma_semaphore, #tpu.memory_space<semaphore_mem>>)
        %dma_wait3A = arith.constant 9984 : i32
        %dma_wait3A_43 = arith.constant 0 : i32
        %dma_wait3A_44 = tpu.memref_slice %arg4[%arg0, %dma_wait3A, %dma_wait3A_43] : memref<2x10000x32xf32, #tpu.memory_space<hbm>> -> memref<1x16x32xf32, #tpu.memory_space<hbm>>
        %dma_wait3A_45 = tpu.memref_squeeze %dma_wait3A_44 : memref<1x16x32xf32, #tpu.memory_space<hbm>> -> memref<16x32xf32, #tpu.memory_space<hbm>>
        %dma_wait3A_46 = arith.constant 9984 : i32
        %dma_wait3A_47 = arith.constant 0 : i32
        %dma_wait3A_48 = tpu.memref_slice %arg9[%dma_wait3A_46, %dma_wait3A_47] : memref<10000x32xf32, #tpu.memory_space<vmem_shared>> -> memref<16x32xf32, #tpu.memory_space<vmem_shared>>
        tpu.wait_dma2 semaphore(%run_scoped3A : memref<!tpu.dma_semaphore, #tpu.memory_space<semaphore_mem>>) src(%dma_wait3A_48 : memref<16x32xf32, #tpu.memory_space<vmem_shared>>) dst(%dma_wait3A_45 : memref<16x32xf32, #tpu.memory_space<hbm>>)
        tpu.yield
      }) : () -> ()
    } else {
    }
    return
  }
}

#map = affine_map<(d0, d1) -> (0, 0)>
#map1 = affine_map<(d0, d1) -> (0, 0, 0)>
module attributes {stable_mosaic.version = 14 : i64} {
  func.func @body(%arg0: i32, %arg1: i32, %arg2: memref<10000x128xf32, #tpu.memory_space<hbm>>, %arg3: memref<2x2500x128xi32, #tpu.memory_space<hbm>>, %arg4: memref<2x10000x128xf32, #tpu.memory_space<hbm>>, %arg5: memref<40x128xi32, #tpu.memory_space<vmem>>, %arg6: memref<40x128xi32, #tpu.memory_space<vmem>>, %arg7: memref<128x128xf32, #tpu.memory_space<vmem>>, %arg8: memref<128x128xf32, #tpu.memory_space<vmem>>, %arg9: memref<10000x128xf32, #tpu.memory_space<vmem_shared>>, %arg10: memref<!tpu.dma_semaphore, #tpu.memory_space<semaphore_mem>>, %arg11: memref<!tpu.dma_semaphore, #tpu.memory_space<semaphore_mem>>) attributes {dimension_semantics = [#tpu.dimension_semantics<core_parallel>, #tpu.dimension_semantics<subcore_parallel>], iteration_bounds = array<i64: 2, 16>, scalar_prefetch = 0 : i64, scratch_operands = 7 : i64, tpu.core_type = #tpu.core_type<sc_vector_subcore>, window_params = [{transform_indices = #map}, {transform_indices = #map1}, {transform_indices = #map1}]} {
    %mul3A = arith.constant 16 : i32
    %mul3A_0 = arith.muli %arg0, %mul3A : i32
    %add3A = arith.addi %mul3A_0, %arg1 : i32
    %scan3A = arith.constant 0 : i32
    %scan3A_1 = arith.constant 128 : i32
    %scan3A_2 = arith.addi %scan3A, %scan3A_1 : i32
    %scan3A_3 = arith.constant 1 : i32
    scf.for %scan3A_32 = %scan3A to %scan3A_2 step %scan3A_3  : i32 {
      %mul3A_33 = arith.constant 1 : i32
      %mul3A_34 = arith.muli %scan3A_32, %mul3A_33 : i32
      %add3A_35 = arith.constant 0 : i32
      %add3A_36 = arith.addi %add3A_35, %mul3A_34 : i32
      %scan3A_37 = arith.constant 0 : i32
      %scan3A_38 = arith.constant 8 : i32
      %scan3A_39 = arith.addi %scan3A_37, %scan3A_38 : i32
      %scan3A_40 = arith.constant 1 : i32
      scf.for %scan3A_42 = %scan3A_37 to %scan3A_39 step %scan3A_40  : i32 {
        %mul3A_43 = arith.constant 16 : i32
        %mul3A_44 = arith.muli %scan3A_42, %mul3A_43 : i32
        %add3A_45 = arith.constant 0 : i32
        %add3A_46 = arith.addi %add3A_45, %mul3A_44 : i32
        %broadcast_in_dim3A = arith.constant 0.000000e+00 : f32
        %broadcast_in_dim3A_47 = vector.broadcast %broadcast_in_dim3A : f32 to vector<16xf32>
        %swap3A = arith.index_cast %add3A_36 : i32 to index
        %swap3A_48 = arith.index_cast %add3A_46 : i32 to index
        %swap3A_49 = tpu.vector_load %arg7[%swap3A, %swap3A_48] {strides = array<i32>} : memref<128x128xf32, #tpu.memory_space<vmem>>, vector<1x16xf32>,
        %swap3A_50 = vector.shape_cast %swap3A_49 : vector<1x16xf32> to vector<16xf32>
        %swap3A_51 = vector.shape_cast %broadcast_in_dim3A_47 : vector<16xf32> to vector<1x16xf32>
        tpu.vector_store %arg7[%swap3A, %swap3A_48], %swap3A_51 {strides = array<i32>} : memref<128x128xf32, #tpu.memory_space<vmem>>, vector<1x16xf32>,
      }
      %scan3A_41 = arith.constant 8 : i32
    }
    %scan3A_4 = arith.constant 128 : i32
    %mul3A_5 = arith.constant 624 : i32
    %mul3A_6 = arith.muli %arg1, %mul3A_5 : i32
    %eq3A = arith.constant 15 : i32
    %eq3A_7 = arith.cmpi eq, %arg1, %eq3A : i32
    %add3A_8 = arith.constant 0 : i32
    %add3A_9 = arith.addi %mul3A_6, %add3A_8 : i32
    "tpu.region"() ({
      %run_scoped3A = tpu.sem_alloc : memref<!tpu.dma_semaphore, #tpu.memory_space<semaphore_mem>>
      %dma_start3A = arith.constant 0 : i32
      %dma_start3A_32 = tpu.memref_slice %arg9[%add3A_9, %dma_start3A] : memref<10000x128xf32, #tpu.memory_space<vmem_shared>> -> memref<128x128xf32, #tpu.memory_space<vmem_shared>>
      %dma_start3A_33 = arith.constant 0 : i32
      %dma_start3A_34 = tpu.memref_slice %arg9[%add3A_9, %dma_start3A_33] : memref<10000x128xf32, #tpu.memory_space<vmem_shared>> -> memref<128x128xf32, #tpu.memory_space<vmem_shared>>
      tpu.enqueue_dma source(%arg7 : memref<128x128xf32, #tpu.memory_space<vmem>>) target(%dma_start3A_34 : memref<128x128xf32, #tpu.memory_space<vmem_shared>>) target_semaphore(%run_scoped3A : memref<!tpu.dma_semaphore, #tpu.memory_space<semaphore_mem>>)
      %dma_wait3A = arith.constant 0 : i32
      %dma_wait3A_35 = tpu.memref_slice %arg9[%add3A_9, %dma_wait3A] : memref<10000x128xf32, #tpu.memory_space<vmem_shared>> -> memref<128x128xf32, #tpu.memory_space<vmem_shared>>
      %dma_wait3A_36 = arith.constant 0 : i32
      %dma_wait3A_37 = tpu.memref_slice %arg9[%add3A_9, %dma_wait3A_36] : memref<10000x128xf32, #tpu.memory_space<vmem_shared>> -> memref<128x128xf32, #tpu.memory_space<vmem_shared>>
      tpu.wait_dma2 semaphore(%run_scoped3A : memref<!tpu.dma_semaphore, #tpu.memory_space<semaphore_mem>>) src(%arg7 : memref<128x128xf32, #tpu.memory_space<vmem>>) dst(%dma_wait3A_37 : memref<128x128xf32, #tpu.memory_space<vmem_shared>>)
      tpu.yield
    }) : () -> ()
    %add3A_10 = arith.constant 128 : i32
    %add3A_11 = arith.addi %mul3A_6, %add3A_10 : i32
    "tpu.region"() ({
      %run_scoped3A = tpu.sem_alloc : memref<!tpu.dma_semaphore, #tpu.memory_space<semaphore_mem>>
      %dma_start3A = arith.constant 0 : i32
      %dma_start3A_32 = tpu.memref_slice %arg9[%add3A_11, %dma_start3A] : memref<10000x128xf32, #tpu.memory_space<vmem_shared>> -> memref<128x128xf32, #tpu.memory_space<vmem_shared>>
      %dma_start3A_33 = arith.constant 0 : i32
      %dma_start3A_34 = tpu.memref_slice %arg9[%add3A_11, %dma_start3A_33] : memref<10000x128xf32, #tpu.memory_space<vmem_shared>> -> memref<128x128xf32, #tpu.memory_space<vmem_shared>>
      tpu.enqueue_dma source(%arg7 : memref<128x128xf32, #tpu.memory_space<vmem>>) target(%dma_start3A_34 : memref<128x128xf32, #tpu.memory_space<vmem_shared>>) target_semaphore(%run_scoped3A : memref<!tpu.dma_semaphore, #tpu.memory_space<semaphore_mem>>)
      %dma_wait3A = arith.constant 0 : i32
      %dma_wait3A_35 = tpu.memref_slice %arg9[%add3A_11, %dma_wait3A] : memref<10000x128xf32, #tpu.memory_space<vmem_shared>> -> memref<128x128xf32, #tpu.memory_space<vmem_shared>>
      %dma_wait3A_36 = arith.constant 0 : i32
      %dma_wait3A_37 = tpu.memref_slice %arg9[%add3A_11, %dma_wait3A_36] : memref<10000x128xf32, #tpu.memory_space<vmem_shared>> -> memref<128x128xf32, #tpu.memory_space<vmem_shared>>
      tpu.wait_dma2 semaphore(%run_scoped3A : memref<!tpu.dma_semaphore, #tpu.memory_space<semaphore_mem>>) src(%arg7 : memref<128x128xf32, #tpu.memory_space<vmem>>) dst(%dma_wait3A_37 : memref<128x128xf32, #tpu.memory_space<vmem_shared>>)
      tpu.yield
    }) : () -> ()
    %add3A_12 = arith.constant 256 : i32
    %add3A_13 = arith.addi %mul3A_6, %add3A_12 : i32
    "tpu.region"() ({
      %run_scoped3A = tpu.sem_alloc : memref<!tpu.dma_semaphore, #tpu.memory_space<semaphore_mem>>
      %dma_start3A = arith.constant 0 : i32
      %dma_start3A_32 = tpu.memref_slice %arg9[%add3A_13, %dma_start3A] : memref<10000x128xf32, #tpu.memory_space<vmem_shared>> -> memref<128x128xf32, #tpu.memory_space<vmem_shared>>
      %dma_start3A_33 = arith.constant 0 : i32
      %dma_start3A_34 = tpu.memref_slice %arg9[%add3A_13, %dma_start3A_33] : memref<10000x128xf32, #tpu.memory_space<vmem_shared>> -> memref<128x128xf32, #tpu.memory_space<vmem_shared>>
      tpu.enqueue_dma source(%arg7 : memref<128x128xf32, #tpu.memory_space<vmem>>) target(%dma_start3A_34 : memref<128x128xf32, #tpu.memory_space<vmem_shared>>) target_semaphore(%run_scoped3A : memref<!tpu.dma_semaphore, #tpu.memory_space<semaphore_mem>>)
      %dma_wait3A = arith.constant 0 : i32
      %dma_wait3A_35 = tpu.memref_slice %arg9[%add3A_13, %dma_wait3A] : memref<10000x128xf32, #tpu.memory_space<vmem_shared>> -> memref<128x128xf32, #tpu.memory_space<vmem_shared>>
      %dma_wait3A_36 = arith.constant 0 : i32
      %dma_wait3A_37 = tpu.memref_slice %arg9[%add3A_13, %dma_wait3A_36] : memref<10000x128xf32, #tpu.memory_space<vmem_shared>> -> memref<128x128xf32, #tpu.memory_space<vmem_shared>>
      tpu.wait_dma2 semaphore(%run_scoped3A : memref<!tpu.dma_semaphore, #tpu.memory_space<semaphore_mem>>) src(%arg7 : memref<128x128xf32, #tpu.memory_space<vmem>>) dst(%dma_wait3A_37 : memref<128x128xf32, #tpu.memory_space<vmem_shared>>)
      tpu.yield
    }) : () -> ()
    %add3A_14 = arith.constant 384 : i32
    %add3A_15 = arith.addi %mul3A_6, %add3A_14 : i32
    "tpu.region"() ({
      %run_scoped3A = tpu.sem_alloc : memref<!tpu.dma_semaphore, #tpu.memory_space<semaphore_mem>>
      %dma_start3A = arith.constant 0 : i32
      %dma_start3A_32 = tpu.memref_slice %arg9[%add3A_15, %dma_start3A] : memref<10000x128xf32, #tpu.memory_space<vmem_shared>> -> memref<128x128xf32, #tpu.memory_space<vmem_shared>>
      %dma_start3A_33 = arith.constant 0 : i32
      %dma_start3A_34 = tpu.memref_slice %arg9[%add3A_15, %dma_start3A_33] : memref<10000x128xf32, #tpu.memory_space<vmem_shared>> -> memref<128x128xf32, #tpu.memory_space<vmem_shared>>
      tpu.enqueue_dma source(%arg7 : memref<128x128xf32, #tpu.memory_space<vmem>>) target(%dma_start3A_34 : memref<128x128xf32, #tpu.memory_space<vmem_shared>>) target_semaphore(%run_scoped3A : memref<!tpu.dma_semaphore, #tpu.memory_space<semaphore_mem>>)
      %dma_wait3A = arith.constant 0 : i32
      %dma_wait3A_35 = tpu.memref_slice %arg9[%add3A_15, %dma_wait3A] : memref<10000x128xf32, #tpu.memory_space<vmem_shared>> -> memref<128x128xf32, #tpu.memory_space<vmem_shared>>
      %dma_wait3A_36 = arith.constant 0 : i32
      %dma_wait3A_37 = tpu.memref_slice %arg9[%add3A_15, %dma_wait3A_36] : memref<10000x128xf32, #tpu.memory_space<vmem_shared>> -> memref<128x128xf32, #tpu.memory_space<vmem_shared>>
      tpu.wait_dma2 semaphore(%run_scoped3A : memref<!tpu.dma_semaphore, #tpu.memory_space<semaphore_mem>>) src(%arg7 : memref<128x128xf32, #tpu.memory_space<vmem>>) dst(%dma_wait3A_37 : memref<128x128xf32, #tpu.memory_space<vmem_shared>>)
      tpu.yield
    }) : () -> ()
    %add3A_16 = arith.constant 496 : i32
    %add3A_17 = arith.addi %mul3A_6, %add3A_16 : i32
    "tpu.region"() ({
      %run_scoped3A = tpu.sem_alloc : memref<!tpu.dma_semaphore, #tpu.memory_space<semaphore_mem>>
      %dma_start3A = arith.constant 0 : i32
      %dma_start3A_32 = tpu.memref_slice %arg9[%add3A_17, %dma_start3A] : memref<10000x128xf32, #tpu.memory_space<vmem_shared>> -> memref<128x128xf32, #tpu.memory_space<vmem_shared>>
      %dma_start3A_33 = arith.constant 0 : i32
      %dma_start3A_34 = tpu.memref_slice %arg9[%add3A_17, %dma_start3A_33] : memref<10000x128xf32, #tpu.memory_space<vmem_shared>> -> memref<128x128xf32, #tpu.memory_space<vmem_shared>>
      tpu.enqueue_dma source(%arg7 : memref<128x128xf32, #tpu.memory_space<vmem>>) target(%dma_start3A_34 : memref<128x128xf32, #tpu.memory_space<vmem_shared>>) target_semaphore(%run_scoped3A : memref<!tpu.dma_semaphore, #tpu.memory_space<semaphore_mem>>)
      %dma_wait3A = arith.constant 0 : i32
      %dma_wait3A_35 = tpu.memref_slice %arg9[%add3A_17, %dma_wait3A] : memref<10000x128xf32, #tpu.memory_space<vmem_shared>> -> memref<128x128xf32, #tpu.memory_space<vmem_shared>>
      %dma_wait3A_36 = arith.constant 0 : i32
      %dma_wait3A_37 = tpu.memref_slice %arg9[%add3A_17, %dma_wait3A_36] : memref<10000x128xf32, #tpu.memory_space<vmem_shared>> -> memref<128x128xf32, #tpu.memory_space<vmem_shared>>
      tpu.wait_dma2 semaphore(%run_scoped3A : memref<!tpu.dma_semaphore, #tpu.memory_space<semaphore_mem>>) src(%arg7 : memref<128x128xf32, #tpu.memory_space<vmem>>) dst(%dma_wait3A_37 : memref<128x128xf32, #tpu.memory_space<vmem_shared>>)
      tpu.yield
    }) : () -> ()
    %convert_element_type3A = arith.extui %eq3A_7 : i1 to i32
    %cond3A = arith.constant 0 : i32
    %cond3A_18 = arith.cmpi ne, %convert_element_type3A, %cond3A : i32
    scf.if %cond3A_18 {
      "tpu.region"() ({
        %run_scoped3A = tpu.sem_alloc : memref<!tpu.dma_semaphore, #tpu.memory_space<semaphore_mem>>
        %dma_start3A = arith.constant 9872 : i32
        %dma_start3A_32 = arith.constant 0 : i32
        %dma_start3A_33 = tpu.memref_slice %arg9[%dma_start3A, %dma_start3A_32] : memref<10000x128xf32, #tpu.memory_space<vmem_shared>> -> memref<128x128xf32, #tpu.memory_space<vmem_shared>>
        %dma_start3A_34 = arith.constant 9872 : i32
        %dma_start3A_35 = arith.constant 0 : i32
        %dma_start3A_36 = tpu.memref_slice %arg9[%dma_start3A_34, %dma_start3A_35] : memref<10000x128xf32, #tpu.memory_space<vmem_shared>> -> memref<128x128xf32, #tpu.memory_space<vmem_shared>>
        tpu.enqueue_dma source(%arg7 : memref<128x128xf32, #tpu.memory_space<vmem>>) target(%dma_start3A_36 : memref<128x128xf32, #tpu.memory_space<vmem_shared>>) target_semaphore(%run_scoped3A : memref<!tpu.dma_semaphore, #tpu.memory_space<semaphore_mem>>)
        %dma_wait3A = arith.constant 9872 : i32
        %dma_wait3A_37 = arith.constant 0 : i32
        %dma_wait3A_38 = tpu.memref_slice %arg9[%dma_wait3A, %dma_wait3A_37] : memref<10000x128xf32, #tpu.memory_space<vmem_shared>> -> memref<128x128xf32, #tpu.memory_space<vmem_shared>>
        %dma_wait3A_39 = arith.constant 9872 : i32
        %dma_wait3A_40 = arith.constant 0 : i32
        %dma_wait3A_41 = tpu.memref_slice %arg9[%dma_wait3A_39, %dma_wait3A_40] : memref<10000x128xf32, #tpu.memory_space<vmem_shared>> -> memref<128x128xf32, #tpu.memory_space<vmem_shared>>
        tpu.wait_dma2 semaphore(%run_scoped3A : memref<!tpu.dma_semaphore, #tpu.memory_space<semaphore_mem>>) src(%arg7 : memref<128x128xf32, #tpu.memory_space<vmem>>) dst(%dma_wait3A_41 : memref<128x128xf32, #tpu.memory_space<vmem_shared>>)
        tpu.yield
      }) : () -> ()
    } else {
    }
    %barrier3A = arith.constant 0 : index
    tpu.barrier barrier_id(%barrier3A)
    %lt3A = arith.constant 31 : i32
    %lt3A_19 = arith.cmpi slt, %add3A, %lt3A : i32
    %convert_element_type3A_20 = arith.extui %lt3A_19 : i1 to i32
    %cond3A_21 = arith.constant 0 : i32
    %cond3A_22 = arith.cmpi ne, %convert_element_type3A_20, %cond3A_21 : i32
    scf.if %cond3A_22 {
      %mul3A_32 = arith.constant 80 : i32
      %mul3A_33 = arith.muli %add3A, %mul3A_32 : i32
      %run_scoped3A = arith.constant 1 : i32
      "tpu.region"() ({
        %run_scoped3A_78 = tpu.sem_alloc : memref<!tpu.dma_semaphore, #tpu.memory_space<semaphore_mem>>
        %dma_start3A_79 = arith.constant 0 : i32
        %dma_start3A_80 = arith.constant 0 : i32
        %dma_start3A_81 = tpu.memref_slice %arg6[%dma_start3A_79, %dma_start3A_80] : memref<40x128xi32, #tpu.memory_space<vmem>> -> memref<40x128xi32, #tpu.memory_space<vmem>>
        %dma_start3A_82 = arith.constant 0 : i32
        %dma_start3A_83 = tpu.memref_slice %arg3[%run_scoped3A, %mul3A_33, %dma_start3A_82] : memref<2x2500x128xi32, #tpu.memory_space<hbm>> -> memref<1x40x128xi32, #tpu.memory_space<hbm>>
        %dma_start3A_84 = tpu.memref_squeeze %dma_start3A_83 : memref<1x40x128xi32, #tpu.memory_space<hbm>> -> memref<40x128xi32, #tpu.memory_space<hbm>>
        %dma_start3A_85 = arith.constant 0 : i32
        %dma_start3A_86 = arith.constant 0 : i32
        %dma_start3A_87 = tpu.memref_slice %arg6[%dma_start3A_85, %dma_start3A_86] : memref<40x128xi32, #tpu.memory_space<vmem>> -> memref<40x128xi32, #tpu.memory_space<vmem>>
        %dma_start3A_88 = arith.constant 0 : i32
        %dma_start3A_89 = tpu.memref_slice %arg3[%run_scoped3A, %mul3A_33, %dma_start3A_88] : memref<2x2500x128xi32, #tpu.memory_space<hbm>> -> memref<1x40x128xi32, #tpu.memory_space<hbm>>
        %dma_start3A_90 = tpu.memref_squeeze %dma_start3A_89 : memref<1x40x128xi32, #tpu.memory_space<hbm>> -> memref<40x128xi32, #tpu.memory_space<hbm>>
        tpu.enqueue_dma source(%dma_start3A_90 : memref<40x128xi32, #tpu.memory_space<hbm>>) target(%dma_start3A_87 : memref<40x128xi32, #tpu.memory_space<vmem>>) target_semaphore(%run_scoped3A_78 : memref<!tpu.dma_semaphore, #tpu.memory_space<semaphore_mem>>)
        %dma_wait3A = arith.constant 0 : i32
        %dma_wait3A_91 = arith.constant 0 : i32
        %dma_wait3A_92 = tpu.memref_slice %arg6[%dma_wait3A, %dma_wait3A_91] : memref<40x128xi32, #tpu.memory_space<vmem>> -> memref<40x128xi32, #tpu.memory_space<vmem>>
        %dma_wait3A_93 = arith.constant 0 : i32
        %dma_wait3A_94 = tpu.memref_slice %arg3[%run_scoped3A, %mul3A_33, %dma_wait3A_93] : memref<2x2500x128xi32, #tpu.memory_space<hbm>> -> memref<1x40x128xi32, #tpu.memory_space<hbm>>
        %dma_wait3A_95 = tpu.memref_squeeze %dma_wait3A_94 : memref<1x40x128xi32, #tpu.memory_space<hbm>> -> memref<40x128xi32, #tpu.memory_space<hbm>>
        %dma_wait3A_96 = arith.constant 0 : i32
        %dma_wait3A_97 = arith.constant 0 : i32
        %dma_wait3A_98 = tpu.memref_slice %arg6[%dma_wait3A_96, %dma_wait3A_97] : memref<40x128xi32, #tpu.memory_space<vmem>> -> memref<40x128xi32, #tpu.memory_space<vmem>>
        %dma_wait3A_99 = arith.constant 0 : i32
        %dma_wait3A_100 = tpu.memref_slice %arg3[%run_scoped3A, %mul3A_33, %dma_wait3A_99] : memref<2x2500x128xi32, #tpu.memory_space<hbm>> -> memref<1x40x128xi32, #tpu.memory_space<hbm>>
        %dma_wait3A_101 = tpu.memref_squeeze %dma_wait3A_100 : memref<1x40x128xi32, #tpu.memory_space<hbm>> -> memref<40x128xi32, #tpu.memory_space<hbm>>
        tpu.wait_dma2 semaphore(%run_scoped3A_78 : memref<!tpu.dma_semaphore, #tpu.memory_space<semaphore_mem>>) src(%dma_wait3A_101 : memref<40x128xi32, #tpu.memory_space<hbm>>) dst(%dma_wait3A_98 : memref<40x128xi32, #tpu.memory_space<vmem>>)
        tpu.yield
      }) : () -> ()
      %run_scoped3A_34 = arith.constant 0 : i32
      "tpu.region"() ({
        %run_scoped3A_78 = tpu.sem_alloc : memref<!tpu.dma_semaphore, #tpu.memory_space<semaphore_mem>>
        %dma_start3A_79 = arith.constant 0 : i32
        %dma_start3A_80 = arith.constant 0 : i32
        %dma_start3A_81 = tpu.memref_slice %arg5[%dma_start3A_79, %dma_start3A_80] : memref<40x128xi32, #tpu.memory_space<vmem>> -> memref<40x128xi32, #tpu.memory_space<vmem>>
        %dma_start3A_82 = arith.constant 0 : i32
        %dma_start3A_83 = tpu.memref_slice %arg3[%run_scoped3A_34, %mul3A_33, %dma_start3A_82] : memref<2x2500x128xi32, #tpu.memory_space<hbm>> -> memref<1x40x128xi32, #tpu.memory_space<hbm>>
        %dma_start3A_84 = tpu.memref_squeeze %dma_start3A_83 : memref<1x40x128xi32, #tpu.memory_space<hbm>> -> memref<40x128xi32, #tpu.memory_space<hbm>>
        %dma_start3A_85 = arith.constant 0 : i32
        %dma_start3A_86 = arith.constant 0 : i32
        %dma_start3A_87 = tpu.memref_slice %arg5[%dma_start3A_85, %dma_start3A_86] : memref<40x128xi32, #tpu.memory_space<vmem>> -> memref<40x128xi32, #tpu.memory_space<vmem>>
        %dma_start3A_88 = arith.constant 0 : i32
        %dma_start3A_89 = tpu.memref_slice %arg3[%run_scoped3A_34, %mul3A_33, %dma_start3A_88] : memref<2x2500x128xi32, #tpu.memory_space<hbm>> -> memref<1x40x128xi32, #tpu.memory_space<hbm>>
        %dma_start3A_90 = tpu.memref_squeeze %dma_start3A_89 : memref<1x40x128xi32, #tpu.memory_space<hbm>> -> memref<40x128xi32, #tpu.memory_space<hbm>>
        tpu.enqueue_dma source(%dma_start3A_90 : memref<40x128xi32, #tpu.memory_space<hbm>>) target(%dma_start3A_87 : memref<40x128xi32, #tpu.memory_space<vmem>>) target_semaphore(%run_scoped3A_78 : memref<!tpu.dma_semaphore, #tpu.memory_space<semaphore_mem>>)
        %dma_wait3A = arith.constant 0 : i32
        %dma_wait3A_91 = arith.constant 0 : i32
        %dma_wait3A_92 = tpu.memref_slice %arg5[%dma_wait3A, %dma_wait3A_91] : memref<40x128xi32, #tpu.memory_space<vmem>> -> memref<40x128xi32, #tpu.memory_space<vmem>>
        %dma_wait3A_93 = arith.constant 0 : i32
        %dma_wait3A_94 = tpu.memref_slice %arg3[%run_scoped3A_34, %mul3A_33, %dma_wait3A_93] : memref<2x2500x128xi32, #tpu.memory_space<hbm>> -> memref<1x40x128xi32, #tpu.memory_space<hbm>>
        %dma_wait3A_95 = tpu.memref_squeeze %dma_wait3A_94 : memref<1x40x128xi32, #tpu.memory_space<hbm>> -> memref<40x128xi32, #tpu.memory_space<hbm>>
        %dma_wait3A_96 = arith.constant 0 : i32
        %dma_wait3A_97 = arith.constant 0 : i32
        %dma_wait3A_98 = tpu.memref_slice %arg5[%dma_wait3A_96, %dma_wait3A_97] : memref<40x128xi32, #tpu.memory_space<vmem>> -> memref<40x128xi32, #tpu.memory_space<vmem>>
        %dma_wait3A_99 = arith.constant 0 : i32
        %dma_wait3A_100 = tpu.memref_slice %arg3[%run_scoped3A_34, %mul3A_33, %dma_wait3A_99] : memref<2x2500x128xi32, #tpu.memory_space<hbm>> -> memref<1x40x128xi32, #tpu.memory_space<hbm>>
        %dma_wait3A_101 = tpu.memref_squeeze %dma_wait3A_100 : memref<1x40x128xi32, #tpu.memory_space<hbm>> -> memref<40x128xi32, #tpu.memory_space<hbm>>
        tpu.wait_dma2 semaphore(%run_scoped3A_78 : memref<!tpu.dma_semaphore, #tpu.memory_space<semaphore_mem>>) src(%dma_wait3A_101 : memref<40x128xi32, #tpu.memory_space<hbm>>) dst(%dma_wait3A_98 : memref<40x128xi32, #tpu.memory_space<vmem>>)
        tpu.yield
      }) : () -> ()
      %dma_start3A = arith.constant 0 : i32
      %dma_start3A_35 = arith.constant 0 : i32
      %dma_start3A_36 = tpu.memref_slice %arg5[%dma_start3A, %dma_start3A_35] : memref<40x128xi32, #tpu.memory_space<vmem>> -> memref<1x128xi32, #tpu.memory_space<vmem>>
      %dma_start3A_37 = tpu.memref_squeeze %dma_start3A_36 : memref<1x128xi32, #tpu.memory_space<vmem>> -> memref<128xi32, #tpu.memory_space<vmem>>
      %dma_start3A_38 = arith.constant 0 : i32
      %dma_start3A_39 = arith.constant 0 : i32
      %dma_start3A_40 = tpu.memref_slice %arg2[%dma_start3A_38, %dma_start3A_39] : memref<10000x128xf32, #tpu.memory_space<hbm>> -> memref<10000x128xf32, #tpu.memory_space<hbm>>
      tpu.enqueue_indirect_dma source(%dma_start3A_40 : memref<10000x128xf32, #tpu.memory_space<hbm>>) target(%arg7 : memref<128x128xf32, #tpu.memory_space<vmem>>) offsets(%dma_start3A_37 : memref<128xi32, #tpu.memory_space<vmem>>) semaphore(%arg10 : memref<!tpu.dma_semaphore, #tpu.memory_space<semaphore_mem>>)
      %dma_start3A_41 = arith.constant 1 : i32
      %dma_start3A_42 = arith.constant 0 : i32
      %dma_start3A_43 = tpu.memref_slice %arg5[%dma_start3A_41, %dma_start3A_42] : memref<40x128xi32, #tpu.memory_space<vmem>> -> memref<1x128xi32, #tpu.memory_space<vmem>>
      %dma_start3A_44 = tpu.memref_squeeze %dma_start3A_43 : memref<1x128xi32, #tpu.memory_space<vmem>> -> memref<128xi32, #tpu.memory_space<vmem>>
      %dma_start3A_45 = arith.constant 0 : i32
      %dma_start3A_46 = arith.constant 0 : i32
      %dma_start3A_47 = tpu.memref_slice %arg2[%dma_start3A_45, %dma_start3A_46] : memref<10000x128xf32, #tpu.memory_space<hbm>> -> memref<10000x128xf32, #tpu.memory_space<hbm>>
      tpu.enqueue_indirect_dma source(%dma_start3A_47 : memref<10000x128xf32, #tpu.memory_space<hbm>>) target(%arg8 : memref<128x128xf32, #tpu.memory_space<vmem>>) offsets(%dma_start3A_44 : memref<128xi32, #tpu.memory_space<vmem>>) semaphore(%arg11 : memref<!tpu.dma_semaphore, #tpu.memory_space<semaphore_mem>>)
      %scan3A_48 = arith.constant 0 : i32
      %scan3A_49 = arith.constant 20 : i32
      %scan3A_50 = arith.addi %scan3A_48, %scan3A_49 : i32
      %scan3A_51 = arith.constant 1 : i32
      scf.for %scan3A_78 = %scan3A_48 to %scan3A_50 step %scan3A_51  : i32 {
        %mul3A_79 = arith.constant 1 : i32
        %mul3A_80 = arith.muli %scan3A_78, %mul3A_79 : i32
        %add3A_81 = arith.constant 0 : i32
        %add3A_82 = arith.addi %add3A_81, %mul3A_80 : i32
        %mul3A_83 = arith.constant 2 : i32
        %mul3A_84 = arith.muli %mul3A_83, %add3A_82 : i32
        %dma_wait3A = arith.constant 0 : i32
        %dma_wait3A_85 = tpu.memref_slice %arg5[%mul3A_84, %dma_wait3A] : memref<40x128xi32, #tpu.memory_space<vmem>> -> memref<1x128xi32, #tpu.memory_space<vmem>>
        %dma_wait3A_86 = tpu.memref_squeeze %dma_wait3A_85 : memref<1x128xi32, #tpu.memory_space<vmem>> -> memref<128xi32, #tpu.memory_space<vmem>>
        %dma_wait3A_87 = arith.constant 0 : i32
        %dma_wait3A_88 = arith.constant 0 : i32
        %dma_wait3A_89 = tpu.memref_slice %arg2[%dma_wait3A_87, %dma_wait3A_88] : memref<10000x128xf32, #tpu.memory_space<hbm>> -> memref<10000x128xf32, #tpu.memory_space<hbm>>
        tpu.wait_indirect_dma semaphore(%arg10 : memref<!tpu.dma_semaphore, #tpu.memory_space<semaphore_mem>>) src(%dma_wait3A_89 : memref<10000x128xf32, #tpu.memory_space<hbm>>) dst(%arg7 : memref<128x128xf32, #tpu.memory_space<vmem>>)
        "tpu.region"() ({
          %run_scoped3A_114 = tpu.sem_alloc : memref<!tpu.dma_semaphore, #tpu.memory_space<semaphore_mem>>
          %dma_start3A_115 = arith.constant 0 : i32
          %dma_start3A_116 = tpu.memref_slice %arg6[%mul3A_84, %dma_start3A_115] : memref<40x128xi32, #tpu.memory_space<vmem>> -> memref<1x128xi32, #tpu.memory_space<vmem>>
          %dma_start3A_117 = tpu.memref_squeeze %dma_start3A_116 : memref<1x128xi32, #tpu.memory_space<vmem>> -> memref<128xi32, #tpu.memory_space<vmem>>
          %dma_start3A_118 = arith.constant 0 : i32
          %dma_start3A_119 = arith.constant 0 : i32
          %dma_start3A_120 = tpu.memref_slice %arg9[%dma_start3A_118, %dma_start3A_119] : memref<10000x128xf32, #tpu.memory_space<vmem_shared>> -> memref<10000x128xf32, #tpu.memory_space<vmem_shared>>
          tpu.enqueue_indirect_dma source(%arg7 : memref<128x128xf32, #tpu.memory_space<vmem>>) target(%dma_start3A_120 : memref<10000x128xf32, #tpu.memory_space<vmem_shared>>) offsets(%dma_start3A_117 : memref<128xi32, #tpu.memory_space<vmem>>) semaphore(%run_scoped3A_114 : memref<!tpu.dma_semaphore, #tpu.memory_space<semaphore_mem>>) {add = true}
          %dma_wait3A_121 = arith.constant 0 : i32
          %dma_wait3A_122 = tpu.memref_slice %arg6[%mul3A_84, %dma_wait3A_121] : memref<40x128xi32, #tpu.memory_space<vmem>> -> memref<1x128xi32, #tpu.memory_space<vmem>>
          %dma_wait3A_123 = tpu.memref_squeeze %dma_wait3A_122 : memref<1x128xi32, #tpu.memory_space<vmem>> -> memref<128xi32, #tpu.memory_space<vmem>>
          %dma_wait3A_124 = arith.constant 0 : i32
          %dma_wait3A_125 = arith.constant 0 : i32
          %dma_wait3A_126 = tpu.memref_slice %arg9[%dma_wait3A_124, %dma_wait3A_125] : memref<10000x128xf32, #tpu.memory_space<vmem_shared>> -> memref<10000x128xf32, #tpu.memory_space<vmem_shared>>
          tpu.wait_indirect_dma semaphore(%run_scoped3A_114 : memref<!tpu.dma_semaphore, #tpu.memory_space<semaphore_mem>>) src(%arg7 : memref<128x128xf32, #tpu.memory_space<vmem>>) dst(%dma_wait3A_126 : memref<10000x128xf32, #tpu.memory_space<vmem_shared>>)
          tpu.yield
        }) : () -> ()
        %add3A_90 = arith.constant 2 : i32
        %add3A_91 = arith.addi %mul3A_84, %add3A_90 : i32
        %lt3A_92 = arith.constant 40 : i32
        %lt3A_93 = arith.cmpi slt, %add3A_91, %lt3A_92 : i32
        %convert_element_type3A_94 = arith.extui %lt3A_93 : i1 to i32
        %cond3A_95 = arith.constant 0 : i32
        %cond3A_96 = arith.cmpi ne, %convert_element_type3A_94, %cond3A_95 : i32
        scf.if %cond3A_96 {
          %add3A_114 = arith.constant 2 : i32
          %add3A_115 = arith.addi %mul3A_84, %add3A_114 : i32
          %dma_start3A_116 = arith.constant 0 : i32
          %dma_start3A_117 = tpu.memref_slice %arg5[%add3A_115, %dma_start3A_116] : memref<40x128xi32, #tpu.memory_space<vmem>> -> memref<1x128xi32, #tpu.memory_space<vmem>>
          %dma_start3A_118 = tpu.memref_squeeze %dma_start3A_117 : memref<1x128xi32, #tpu.memory_space<vmem>> -> memref<128xi32, #tpu.memory_space<vmem>>
          %dma_start3A_119 = arith.constant 0 : i32
          %dma_start3A_120 = arith.constant 0 : i32
          %dma_start3A_121 = tpu.memref_slice %arg2[%dma_start3A_119, %dma_start3A_120] : memref<10000x128xf32, #tpu.memory_space<hbm>> -> memref<10000x128xf32, #tpu.memory_space<hbm>>
          tpu.enqueue_indirect_dma source(%dma_start3A_121 : memref<10000x128xf32, #tpu.memory_space<hbm>>) target(%arg7 : memref<128x128xf32, #tpu.memory_space<vmem>>) offsets(%dma_start3A_118 : memref<128xi32, #tpu.memory_space<vmem>>) semaphore(%arg10 : memref<!tpu.dma_semaphore, #tpu.memory_space<semaphore_mem>>)
        } else {
        }
        %add3A_97 = arith.constant 1 : i32
        %add3A_98 = arith.addi %mul3A_84, %add3A_97 : i32
        %dma_wait3A_99 = arith.constant 0 : i32
        %dma_wait3A_100 = tpu.memref_slice %arg5[%add3A_98, %dma_wait3A_99] : memref<40x128xi32, #tpu.memory_space<vmem>> -> memref<1x128xi32, #tpu.memory_space<vmem>>
        %dma_wait3A_101 = tpu.memref_squeeze %dma_wait3A_100 : memref<1x128xi32, #tpu.memory_space<vmem>> -> memref<128xi32, #tpu.memory_space<vmem>>
        %dma_wait3A_102 = arith.constant 0 : i32
        %dma_wait3A_103 = arith.constant 0 : i32
        %dma_wait3A_104 = tpu.memref_slice %arg2[%dma_wait3A_102, %dma_wait3A_103] : memref<10000x128xf32, #tpu.memory_space<hbm>> -> memref<10000x128xf32, #tpu.memory_space<hbm>>
        tpu.wait_indirect_dma semaphore(%arg11 : memref<!tpu.dma_semaphore, #tpu.memory_space<semaphore_mem>>) src(%dma_wait3A_104 : memref<10000x128xf32, #tpu.memory_space<hbm>>) dst(%arg8 : memref<128x128xf32, #tpu.memory_space<vmem>>)
        %add3A_105 = arith.constant 1 : i32
        %add3A_106 = arith.addi %mul3A_84, %add3A_105 : i32
        "tpu.region"() ({
          %run_scoped3A_114 = tpu.sem_alloc : memref<!tpu.dma_semaphore, #tpu.memory_space<semaphore_mem>>
          %dma_start3A_115 = arith.constant 0 : i32
          %dma_start3A_116 = tpu.memref_slice %arg6[%add3A_106, %dma_start3A_115] : memref<40x128xi32, #tpu.memory_space<vmem>> -> memref<1x128xi32, #tpu.memory_space<vmem>>
          %dma_start3A_117 = tpu.memref_squeeze %dma_start3A_116 : memref<1x128xi32, #tpu.memory_space<vmem>> -> memref<128xi32, #tpu.memory_space<vmem>>
          %dma_start3A_118 = arith.constant 0 : i32
          %dma_start3A_119 = arith.constant 0 : i32
          %dma_start3A_120 = tpu.memref_slice %arg9[%dma_start3A_118, %dma_start3A_119] : memref<10000x128xf32, #tpu.memory_space<vmem_shared>> -> memref<10000x128xf32, #tpu.memory_space<vmem_shared>>
          tpu.enqueue_indirect_dma source(%arg8 : memref<128x128xf32, #tpu.memory_space<vmem>>) target(%dma_start3A_120 : memref<10000x128xf32, #tpu.memory_space<vmem_shared>>) offsets(%dma_start3A_117 : memref<128xi32, #tpu.memory_space<vmem>>) semaphore(%run_scoped3A_114 : memref<!tpu.dma_semaphore, #tpu.memory_space<semaphore_mem>>) {add = true}
          %dma_wait3A_121 = arith.constant 0 : i32
          %dma_wait3A_122 = tpu.memref_slice %arg6[%add3A_106, %dma_wait3A_121] : memref<40x128xi32, #tpu.memory_space<vmem>> -> memref<1x128xi32, #tpu.memory_space<vmem>>
          %dma_wait3A_123 = tpu.memref_squeeze %dma_wait3A_122 : memref<1x128xi32, #tpu.memory_space<vmem>> -> memref<128xi32, #tpu.memory_space<vmem>>
          %dma_wait3A_124 = arith.constant 0 : i32
          %dma_wait3A_125 = arith.constant 0 : i32
          %dma_wait3A_126 = tpu.memref_slice %arg9[%dma_wait3A_124, %dma_wait3A_125] : memref<10000x128xf32, #tpu.memory_space<vmem_shared>> -> memref<10000x128xf32, #tpu.memory_space<vmem_shared>>
          tpu.wait_indirect_dma semaphore(%run_scoped3A_114 : memref<!tpu.dma_semaphore, #tpu.memory_space<semaphore_mem>>) src(%arg8 : memref<128x128xf32, #tpu.memory_space<vmem>>) dst(%dma_wait3A_126 : memref<10000x128xf32, #tpu.memory_space<vmem_shared>>)
          tpu.yield
        }) : () -> ()
        %add3A_107 = arith.constant 3 : i32
        %add3A_108 = arith.addi %mul3A_84, %add3A_107 : i32
        %lt3A_109 = arith.constant 40 : i32
        %lt3A_110 = arith.cmpi slt, %add3A_108, %lt3A_109 : i32
        %convert_element_type3A_111 = arith.extui %lt3A_110 : i1 to i32
        %cond3A_112 = arith.constant 0 : i32
        %cond3A_113 = arith.cmpi ne, %convert_element_type3A_111, %cond3A_112 : i32
        scf.if %cond3A_113 {
          %add3A_114 = arith.constant 3 : i32
          %add3A_115 = arith.addi %mul3A_84, %add3A_114 : i32
          %dma_start3A_116 = arith.constant 0 : i32
          %dma_start3A_117 = tpu.memref_slice %arg5[%add3A_115, %dma_start3A_116] : memref<40x128xi32, #tpu.memory_space<vmem>> -> memref<1x128xi32, #tpu.memory_space<vmem>>
          %dma_start3A_118 = tpu.memref_squeeze %dma_start3A_117 : memref<1x128xi32, #tpu.memory_space<vmem>> -> memref<128xi32, #tpu.memory_space<vmem>>
          %dma_start3A_119 = arith.constant 0 : i32
          %dma_start3A_120 = arith.constant 0 : i32
          %dma_start3A_121 = tpu.memref_slice %arg2[%dma_start3A_119, %dma_start3A_120] : memref<10000x128xf32, #tpu.memory_space<hbm>> -> memref<10000x128xf32, #tpu.memory_space<hbm>>
          tpu.enqueue_indirect_dma source(%dma_start3A_121 : memref<10000x128xf32, #tpu.memory_space<hbm>>) target(%arg8 : memref<128x128xf32, #tpu.memory_space<vmem>>) offsets(%dma_start3A_118 : memref<128xi32, #tpu.memory_space<vmem>>) semaphore(%arg11 : memref<!tpu.dma_semaphore, #tpu.memory_space<semaphore_mem>>)
        } else {
        }
      }
      %scan3A_52 = arith.constant 20 : i32
      %mul3A_53 = arith.constant 80 : i32
      %mul3A_54 = arith.muli %add3A, %mul3A_53 : i32
      %add3A_55 = arith.constant 40 : i32
      %add3A_56 = arith.addi %mul3A_54, %add3A_55 : i32
      %run_scoped3A_57 = arith.constant 1 : i32
      "tpu.region"() ({
        %run_scoped3A_78 = tpu.sem_alloc : memref<!tpu.dma_semaphore, #tpu.memory_space<semaphore_mem>>
        %dma_start3A_79 = arith.constant 0 : i32
        %dma_start3A_80 = arith.constant 0 : i32
        %dma_start3A_81 = tpu.memref_slice %arg6[%dma_start3A_79, %dma_start3A_80] : memref<40x128xi32, #tpu.memory_space<vmem>> -> memref<40x128xi32, #tpu.memory_space<vmem>>
        %dma_start3A_82 = arith.constant 0 : i32
        %dma_start3A_83 = tpu.memref_slice %arg3[%run_scoped3A_57, %add3A_56, %dma_start3A_82] : memref<2x2500x128xi32, #tpu.memory_space<hbm>> -> memref<1x40x128xi32, #tpu.memory_space<hbm>>
        %dma_start3A_84 = tpu.memref_squeeze %dma_start3A_83 : memref<1x40x128xi32, #tpu.memory_space<hbm>> -> memref<40x128xi32, #tpu.memory_space<hbm>>
        %dma_start3A_85 = arith.constant 0 : i32
        %dma_start3A_86 = arith.constant 0 : i32
        %dma_start3A_87 = tpu.memref_slice %arg6[%dma_start3A_85, %dma_start3A_86] : memref<40x128xi32, #tpu.memory_space<vmem>> -> memref<40x128xi32, #tpu.memory_space<vmem>>
        %dma_start3A_88 = arith.constant 0 : i32
        %dma_start3A_89 = tpu.memref_slice %arg3[%run_scoped3A_57, %add3A_56, %dma_start3A_88] : memref<2x2500x128xi32, #tpu.memory_space<hbm>> -> memref<1x40x128xi32, #tpu.memory_space<hbm>>
        %dma_start3A_90 = tpu.memref_squeeze %dma_start3A_89 : memref<1x40x128xi32, #tpu.memory_space<hbm>> -> memref<40x128xi32, #tpu.memory_space<hbm>>
        tpu.enqueue_dma source(%dma_start3A_90 : memref<40x128xi32, #tpu.memory_space<hbm>>) target(%dma_start3A_87 : memref<40x128xi32, #tpu.memory_space<vmem>>) target_semaphore(%run_scoped3A_78 : memref<!tpu.dma_semaphore, #tpu.memory_space<semaphore_mem>>)
        %dma_wait3A = arith.constant 0 : i32
        %dma_wait3A_91 = arith.constant 0 : i32
        %dma_wait3A_92 = tpu.memref_slice %arg6[%dma_wait3A, %dma_wait3A_91] : memref<40x128xi32, #tpu.memory_space<vmem>> -> memref<40x128xi32, #tpu.memory_space<vmem>>
        %dma_wait3A_93 = arith.constant 0 : i32
        %dma_wait3A_94 = tpu.memref_slice %arg3[%run_scoped3A_57, %add3A_56, %dma_wait3A_93] : memref<2x2500x128xi32, #tpu.memory_space<hbm>> -> memref<1x40x128xi32, #tpu.memory_space<hbm>>
        %dma_wait3A_95 = tpu.memref_squeeze %dma_wait3A_94 : memref<1x40x128xi32, #tpu.memory_space<hbm>> -> memref<40x128xi32, #tpu.memory_space<hbm>>
        %dma_wait3A_96 = arith.constant 0 : i32
        %dma_wait3A_97 = arith.constant 0 : i32
        %dma_wait3A_98 = tpu.memref_slice %arg6[%dma_wait3A_96, %dma_wait3A_97] : memref<40x128xi32, #tpu.memory_space<vmem>> -> memref<40x128xi32, #tpu.memory_space<vmem>>
        %dma_wait3A_99 = arith.constant 0 : i32
        %dma_wait3A_100 = tpu.memref_slice %arg3[%run_scoped3A_57, %add3A_56, %dma_wait3A_99] : memref<2x2500x128xi32, #tpu.memory_space<hbm>> -> memref<1x40x128xi32, #tpu.memory_space<hbm>>
        %dma_wait3A_101 = tpu.memref_squeeze %dma_wait3A_100 : memref<1x40x128xi32, #tpu.memory_space<hbm>> -> memref<40x128xi32, #tpu.memory_space<hbm>>
        tpu.wait_dma2 semaphore(%run_scoped3A_78 : memref<!tpu.dma_semaphore, #tpu.memory_space<semaphore_mem>>) src(%dma_wait3A_101 : memref<40x128xi32, #tpu.memory_space<hbm>>) dst(%dma_wait3A_98 : memref<40x128xi32, #tpu.memory_space<vmem>>)
        tpu.yield
      }) : () -> ()
      %run_scoped3A_58 = arith.constant 0 : i32
      "tpu.region"() ({
        %run_scoped3A_78 = tpu.sem_alloc : memref<!tpu.dma_semaphore, #tpu.memory_space<semaphore_mem>>
        %dma_start3A_79 = arith.constant 0 : i32
        %dma_start3A_80 = arith.constant 0 : i32
        %dma_start3A_81 = tpu.memref_slice %arg5[%dma_start3A_79, %dma_start3A_80] : memref<40x128xi32, #tpu.memory_space<vmem>> -> memref<40x128xi32, #tpu.memory_space<vmem>>
        %dma_start3A_82 = arith.constant 0 : i32
        %dma_start3A_83 = tpu.memref_slice %arg3[%run_scoped3A_58, %add3A_56, %dma_start3A_82] : memref<2x2500x128xi32, #tpu.memory_space<hbm>> -> memref<1x40x128xi32, #tpu.memory_space<hbm>>
        %dma_start3A_84 = tpu.memref_squeeze %dma_start3A_83 : memref<1x40x128xi32, #tpu.memory_space<hbm>> -> memref<40x128xi32, #tpu.memory_space<hbm>>
        %dma_start3A_85 = arith.constant 0 : i32
        %dma_start3A_86 = arith.constant 0 : i32
        %dma_start3A_87 = tpu.memref_slice %arg5[%dma_start3A_85, %dma_start3A_86] : memref<40x128xi32, #tpu.memory_space<vmem>> -> memref<40x128xi32, #tpu.memory_space<vmem>>
        %dma_start3A_88 = arith.constant 0 : i32
        %dma_start3A_89 = tpu.memref_slice %arg3[%run_scoped3A_58, %add3A_56, %dma_start3A_88] : memref<2x2500x128xi32, #tpu.memory_space<hbm>> -> memref<1x40x128xi32, #tpu.memory_space<hbm>>
        %dma_start3A_90 = tpu.memref_squeeze %dma_start3A_89 : memref<1x40x128xi32, #tpu.memory_space<hbm>> -> memref<40x128xi32, #tpu.memory_space<hbm>>
        tpu.enqueue_dma source(%dma_start3A_90 : memref<40x128xi32, #tpu.memory_space<hbm>>) target(%dma_start3A_87 : memref<40x128xi32, #tpu.memory_space<vmem>>) target_semaphore(%run_scoped3A_78 : memref<!tpu.dma_semaphore, #tpu.memory_space<semaphore_mem>>)
        %dma_wait3A = arith.constant 0 : i32
        %dma_wait3A_91 = arith.constant 0 : i32
        %dma_wait3A_92 = tpu.memref_slice %arg5[%dma_wait3A, %dma_wait3A_91] : memref<40x128xi32, #tpu.memory_space<vmem>> -> memref<40x128xi32, #tpu.memory_space<vmem>>
        %dma_wait3A_93 = arith.constant 0 : i32
        %dma_wait3A_94 = tpu.memref_slice %arg3[%run_scoped3A_58, %add3A_56, %dma_wait3A_93] : memref<2x2500x128xi32, #tpu.memory_space<hbm>> -> memref<1x40x128xi32, #tpu.memory_space<hbm>>
        %dma_wait3A_95 = tpu.memref_squeeze %dma_wait3A_94 : memref<1x40x128xi32, #tpu.memory_space<hbm>> -> memref<40x128xi32, #tpu.memory_space<hbm>>
        %dma_wait3A_96 = arith.constant 0 : i32
        %dma_wait3A_97 = arith.constant 0 : i32
        %dma_wait3A_98 = tpu.memref_slice %arg5[%dma_wait3A_96, %dma_wait3A_97] : memref<40x128xi32, #tpu.memory_space<vmem>> -> memref<40x128xi32, #tpu.memory_space<vmem>>
        %dma_wait3A_99 = arith.constant 0 : i32
        %dma_wait3A_100 = tpu.memref_slice %arg3[%run_scoped3A_58, %add3A_56, %dma_wait3A_99] : memref<2x2500x128xi32, #tpu.memory_space<hbm>> -> memref<1x40x128xi32, #tpu.memory_space<hbm>>
        %dma_wait3A_101 = tpu.memref_squeeze %dma_wait3A_100 : memref<1x40x128xi32, #tpu.memory_space<hbm>> -> memref<40x128xi32, #tpu.memory_space<hbm>>
        tpu.wait_dma2 semaphore(%run_scoped3A_78 : memref<!tpu.dma_semaphore, #tpu.memory_space<semaphore_mem>>) src(%dma_wait3A_101 : memref<40x128xi32, #tpu.memory_space<hbm>>) dst(%dma_wait3A_98 : memref<40x128xi32, #tpu.memory_space<vmem>>)
        tpu.yield
      }) : () -> ()
      %dma_start3A_59 = arith.constant 0 : i32
      %dma_start3A_60 = arith.constant 0 : i32
      %dma_start3A_61 = tpu.memref_slice %arg5[%dma_start3A_59, %dma_start3A_60] : memref<40x128xi32, #tpu.memory_space<vmem>> -> memref<1x128xi32, #tpu.memory_space<vmem>>
      %dma_start3A_62 = tpu.memref_squeeze %dma_start3A_61 : memref<1x128xi32, #tpu.memory_space<vmem>> -> memref<128xi32, #tpu.memory_space<vmem>>
      %dma_start3A_63 = arith.constant 0 : i32
      %dma_start3A_64 = arith.constant 0 : i32
      %dma_start3A_65 = tpu.memref_slice %arg2[%dma_start3A_63, %dma_start3A_64] : memref<10000x128xf32, #tpu.memory_space<hbm>> -> memref<10000x128xf32, #tpu.memory_space<hbm>>
      tpu.enqueue_indirect_dma source(%dma_start3A_65 : memref<10000x128xf32, #tpu.memory_space<hbm>>) target(%arg7 : memref<128x128xf32, #tpu.memory_space<vmem>>) offsets(%dma_start3A_62 : memref<128xi32, #tpu.memory_space<vmem>>) semaphore(%arg10 : memref<!tpu.dma_semaphore, #tpu.memory_space<semaphore_mem>>)
      %dma_start3A_66 = arith.constant 1 : i32
      %dma_start3A_67 = arith.constant 0 : i32
      %dma_start3A_68 = tpu.memref_slice %arg5[%dma_start3A_66, %dma_start3A_67] : memref<40x128xi32, #tpu.memory_space<vmem>> -> memref<1x128xi32, #tpu.memory_space<vmem>>
      %dma_start3A_69 = tpu.memref_squeeze %dma_start3A_68 : memref<1x128xi32, #tpu.memory_space<vmem>> -> memref<128xi32, #tpu.memory_space<vmem>>
      %dma_start3A_70 = arith.constant 0 : i32
      %dma_start3A_71 = arith.constant 0 : i32
      %dma_start3A_72 = tpu.memref_slice %arg2[%dma_start3A_70, %dma_start3A_71] : memref<10000x128xf32, #tpu.memory_space<hbm>> -> memref<10000x128xf32, #tpu.memory_space<hbm>>
      tpu.enqueue_indirect_dma source(%dma_start3A_72 : memref<10000x128xf32, #tpu.memory_space<hbm>>) target(%arg8 : memref<128x128xf32, #tpu.memory_space<vmem>>) offsets(%dma_start3A_69 : memref<128xi32, #tpu.memory_space<vmem>>) semaphore(%arg11 : memref<!tpu.dma_semaphore, #tpu.memory_space<semaphore_mem>>)
      %scan3A_73 = arith.constant 0 : i32
      %scan3A_74 = arith.constant 20 : i32
      %scan3A_75 = arith.addi %scan3A_73, %scan3A_74 : i32
      %scan3A_76 = arith.constant 1 : i32
      scf.for %scan3A_78 = %scan3A_73 to %scan3A_75 step %scan3A_76  : i32 {
        %mul3A_79 = arith.constant 1 : i32
        %mul3A_80 = arith.muli %scan3A_78, %mul3A_79 : i32
        %add3A_81 = arith.constant 0 : i32
        %add3A_82 = arith.addi %add3A_81, %mul3A_80 : i32
        %mul3A_83 = arith.constant 2 : i32
        %mul3A_84 = arith.muli %mul3A_83, %add3A_82 : i32
        %dma_wait3A = arith.constant 0 : i32
        %dma_wait3A_85 = tpu.memref_slice %arg5[%mul3A_84, %dma_wait3A] : memref<40x128xi32, #tpu.memory_space<vmem>> -> memref<1x128xi32, #tpu.memory_space<vmem>>
        %dma_wait3A_86 = tpu.memref_squeeze %dma_wait3A_85 : memref<1x128xi32, #tpu.memory_space<vmem>> -> memref<128xi32, #tpu.memory_space<vmem>>
        %dma_wait3A_87 = arith.constant 0 : i32
        %dma_wait3A_88 = arith.constant 0 : i32
        %dma_wait3A_89 = tpu.memref_slice %arg2[%dma_wait3A_87, %dma_wait3A_88] : memref<10000x128xf32, #tpu.memory_space<hbm>> -> memref<10000x128xf32, #tpu.memory_space<hbm>>
        tpu.wait_indirect_dma semaphore(%arg10 : memref<!tpu.dma_semaphore, #tpu.memory_space<semaphore_mem>>) src(%dma_wait3A_89 : memref<10000x128xf32, #tpu.memory_space<hbm>>) dst(%arg7 : memref<128x128xf32, #tpu.memory_space<vmem>>)
        "tpu.region"() ({
          %run_scoped3A_114 = tpu.sem_alloc : memref<!tpu.dma_semaphore, #tpu.memory_space<semaphore_mem>>
          %dma_start3A_115 = arith.constant 0 : i32
          %dma_start3A_116 = tpu.memref_slice %arg6[%mul3A_84, %dma_start3A_115] : memref<40x128xi32, #tpu.memory_space<vmem>> -> memref<1x128xi32, #tpu.memory_space<vmem>>
          %dma_start3A_117 = tpu.memref_squeeze %dma_start3A_116 : memref<1x128xi32, #tpu.memory_space<vmem>> -> memref<128xi32, #tpu.memory_space<vmem>>
          %dma_start3A_118 = arith.constant 0 : i32
          %dma_start3A_119 = arith.constant 0 : i32
          %dma_start3A_120 = tpu.memref_slice %arg9[%dma_start3A_118, %dma_start3A_119] : memref<10000x128xf32, #tpu.memory_space<vmem_shared>> -> memref<10000x128xf32, #tpu.memory_space<vmem_shared>>
          tpu.enqueue_indirect_dma source(%arg7 : memref<128x128xf32, #tpu.memory_space<vmem>>) target(%dma_start3A_120 : memref<10000x128xf32, #tpu.memory_space<vmem_shared>>) offsets(%dma_start3A_117 : memref<128xi32, #tpu.memory_space<vmem>>) semaphore(%run_scoped3A_114 : memref<!tpu.dma_semaphore, #tpu.memory_space<semaphore_mem>>) {add = true}
          %dma_wait3A_121 = arith.constant 0 : i32
          %dma_wait3A_122 = tpu.memref_slice %arg6[%mul3A_84, %dma_wait3A_121] : memref<40x128xi32, #tpu.memory_space<vmem>> -> memref<1x128xi32, #tpu.memory_space<vmem>>
          %dma_wait3A_123 = tpu.memref_squeeze %dma_wait3A_122 : memref<1x128xi32, #tpu.memory_space<vmem>> -> memref<128xi32, #tpu.memory_space<vmem>>
          %dma_wait3A_124 = arith.constant 0 : i32
          %dma_wait3A_125 = arith.constant 0 : i32
          %dma_wait3A_126 = tpu.memref_slice %arg9[%dma_wait3A_124, %dma_wait3A_125] : memref<10000x128xf32, #tpu.memory_space<vmem_shared>> -> memref<10000x128xf32, #tpu.memory_space<vmem_shared>>
          tpu.wait_indirect_dma semaphore(%run_scoped3A_114 : memref<!tpu.dma_semaphore, #tpu.memory_space<semaphore_mem>>) src(%arg7 : memref<128x128xf32, #tpu.memory_space<vmem>>) dst(%dma_wait3A_126 : memref<10000x128xf32, #tpu.memory_space<vmem_shared>>)
          tpu.yield
        }) : () -> ()
        %add3A_90 = arith.constant 2 : i32
        %add3A_91 = arith.addi %mul3A_84, %add3A_90 : i32
        %lt3A_92 = arith.constant 40 : i32
        %lt3A_93 = arith.cmpi slt, %add3A_91, %lt3A_92 : i32
        %convert_element_type3A_94 = arith.extui %lt3A_93 : i1 to i32
        %cond3A_95 = arith.constant 0 : i32
        %cond3A_96 = arith.cmpi ne, %convert_element_type3A_94, %cond3A_95 : i32
        scf.if %cond3A_96 {
          %add3A_114 = arith.constant 2 : i32
          %add3A_115 = arith.addi %mul3A_84, %add3A_114 : i32
          %dma_start3A_116 = arith.constant 0 : i32
          %dma_start3A_117 = tpu.memref_slice %arg5[%add3A_115, %dma_start3A_116] : memref<40x128xi32, #tpu.memory_space<vmem>> -> memref<1x128xi32, #tpu.memory_space<vmem>>
          %dma_start3A_118 = tpu.memref_squeeze %dma_start3A_117 : memref<1x128xi32, #tpu.memory_space<vmem>> -> memref<128xi32, #tpu.memory_space<vmem>>
          %dma_start3A_119 = arith.constant 0 : i32
          %dma_start3A_120 = arith.constant 0 : i32
          %dma_start3A_121 = tpu.memref_slice %arg2[%dma_start3A_119, %dma_start3A_120] : memref<10000x128xf32, #tpu.memory_space<hbm>> -> memref<10000x128xf32, #tpu.memory_space<hbm>>
          tpu.enqueue_indirect_dma source(%dma_start3A_121 : memref<10000x128xf32, #tpu.memory_space<hbm>>) target(%arg7 : memref<128x128xf32, #tpu.memory_space<vmem>>) offsets(%dma_start3A_118 : memref<128xi32, #tpu.memory_space<vmem>>) semaphore(%arg10 : memref<!tpu.dma_semaphore, #tpu.memory_space<semaphore_mem>>)
        } else {
        }
        %add3A_97 = arith.constant 1 : i32
        %add3A_98 = arith.addi %mul3A_84, %add3A_97 : i32
        %dma_wait3A_99 = arith.constant 0 : i32
        %dma_wait3A_100 = tpu.memref_slice %arg5[%add3A_98, %dma_wait3A_99] : memref<40x128xi32, #tpu.memory_space<vmem>> -> memref<1x128xi32, #tpu.memory_space<vmem>>
        %dma_wait3A_101 = tpu.memref_squeeze %dma_wait3A_100 : memref<1x128xi32, #tpu.memory_space<vmem>> -> memref<128xi32, #tpu.memory_space<vmem>>
        %dma_wait3A_102 = arith.constant 0 : i32
        %dma_wait3A_103 = arith.constant 0 : i32
        %dma_wait3A_104 = tpu.memref_slice %arg2[%dma_wait3A_102, %dma_wait3A_103] : memref<10000x128xf32, #tpu.memory_space<hbm>> -> memref<10000x128xf32, #tpu.memory_space<hbm>>
        tpu.wait_indirect_dma semaphore(%arg11 : memref<!tpu.dma_semaphore, #tpu.memory_space<semaphore_mem>>) src(%dma_wait3A_104 : memref<10000x128xf32, #tpu.memory_space<hbm>>) dst(%arg8 : memref<128x128xf32, #tpu.memory_space<vmem>>)
        %add3A_105 = arith.constant 1 : i32
        %add3A_106 = arith.addi %mul3A_84, %add3A_105 : i32
        "tpu.region"() ({
          %run_scoped3A_114 = tpu.sem_alloc : memref<!tpu.dma_semaphore, #tpu.memory_space<semaphore_mem>>
          %dma_start3A_115 = arith.constant 0 : i32
          %dma_start3A_116 = tpu.memref_slice %arg6[%add3A_106, %dma_start3A_115] : memref<40x128xi32, #tpu.memory_space<vmem>> -> memref<1x128xi32, #tpu.memory_space<vmem>>
          %dma_start3A_117 = tpu.memref_squeeze %dma_start3A_116 : memref<1x128xi32, #tpu.memory_space<vmem>> -> memref<128xi32, #tpu.memory_space<vmem>>
          %dma_start3A_118 = arith.constant 0 : i32
          %dma_start3A_119 = arith.constant 0 : i32
          %dma_start3A_120 = tpu.memref_slice %arg9[%dma_start3A_118, %dma_start3A_119] : memref<10000x128xf32, #tpu.memory_space<vmem_shared>> -> memref<10000x128xf32, #tpu.memory_space<vmem_shared>>
          tpu.enqueue_indirect_dma source(%arg8 : memref<128x128xf32, #tpu.memory_space<vmem>>) target(%dma_start3A_120 : memref<10000x128xf32, #tpu.memory_space<vmem_shared>>) offsets(%dma_start3A_117 : memref<128xi32, #tpu.memory_space<vmem>>) semaphore(%run_scoped3A_114 : memref<!tpu.dma_semaphore, #tpu.memory_space<semaphore_mem>>) {add = true}
          %dma_wait3A_121 = arith.constant 0 : i32
          %dma_wait3A_122 = tpu.memref_slice %arg6[%add3A_106, %dma_wait3A_121] : memref<40x128xi32, #tpu.memory_space<vmem>> -> memref<1x128xi32, #tpu.memory_space<vmem>>
          %dma_wait3A_123 = tpu.memref_squeeze %dma_wait3A_122 : memref<1x128xi32, #tpu.memory_space<vmem>> -> memref<128xi32, #tpu.memory_space<vmem>>
          %dma_wait3A_124 = arith.constant 0 : i32
          %dma_wait3A_125 = arith.constant 0 : i32
          %dma_wait3A_126 = tpu.memref_slice %arg9[%dma_wait3A_124, %dma_wait3A_125] : memref<10000x128xf32, #tpu.memory_space<vmem_shared>> -> memref<10000x128xf32, #tpu.memory_space<vmem_shared>>
          tpu.wait_indirect_dma semaphore(%run_scoped3A_114 : memref<!tpu.dma_semaphore, #tpu.memory_space<semaphore_mem>>) src(%arg8 : memref<128x128xf32, #tpu.memory_space<vmem>>) dst(%dma_wait3A_126 : memref<10000x128xf32, #tpu.memory_space<vmem_shared>>)
          tpu.yield
        }) : () -> ()
        %add3A_107 = arith.constant 3 : i32
        %add3A_108 = arith.addi %mul3A_84, %add3A_107 : i32
        %lt3A_109 = arith.constant 40 : i32
        %lt3A_110 = arith.cmpi slt, %add3A_108, %lt3A_109 : i32
        %convert_element_type3A_111 = arith.extui %lt3A_110 : i1 to i32
        %cond3A_112 = arith.constant 0 : i32
        %cond3A_113 = arith.cmpi ne, %convert_element_type3A_111, %cond3A_112 : i32
        scf.if %cond3A_113 {
          %add3A_114 = arith.constant 3 : i32
          %add3A_115 = arith.addi %mul3A_84, %add3A_114 : i32
          %dma_start3A_116 = arith.constant 0 : i32
          %dma_start3A_117 = tpu.memref_slice %arg5[%add3A_115, %dma_start3A_116] : memref<40x128xi32, #tpu.memory_space<vmem>> -> memref<1x128xi32, #tpu.memory_space<vmem>>
          %dma_start3A_118 = tpu.memref_squeeze %dma_start3A_117 : memref<1x128xi32, #tpu.memory_space<vmem>> -> memref<128xi32, #tpu.memory_space<vmem>>
          %dma_start3A_119 = arith.constant 0 : i32
          %dma_start3A_120 = arith.constant 0 : i32
          %dma_start3A_121 = tpu.memref_slice %arg2[%dma_start3A_119, %dma_start3A_120] : memref<10000x128xf32, #tpu.memory_space<hbm>> -> memref<10000x128xf32, #tpu.memory_space<hbm>>
          tpu.enqueue_indirect_dma source(%dma_start3A_121 : memref<10000x128xf32, #tpu.memory_space<hbm>>) target(%arg8 : memref<128x128xf32, #tpu.memory_space<vmem>>) offsets(%dma_start3A_118 : memref<128xi32, #tpu.memory_space<vmem>>) semaphore(%arg11 : memref<!tpu.dma_semaphore, #tpu.memory_space<semaphore_mem>>)
        } else {
        }
      }
      %scan3A_77 = arith.constant 20 : i32
    } else {
    }
    %eq3A_23 = arith.constant 31 : i32
    %eq3A_24 = arith.cmpi eq, %add3A, %eq3A_23 : i32
    %convert_element_type3A_25 = arith.extui %eq3A_24 : i1 to i32
    %cond3A_26 = arith.constant 0 : i32
    %cond3A_27 = arith.cmpi ne, %convert_element_type3A_25, %cond3A_26 : i32
    scf.if %cond3A_27 {
      %run_scoped3A = arith.constant 1 : i32
      "tpu.region"() ({
        %run_scoped3A_51 = tpu.sem_alloc : memref<!tpu.dma_semaphore, #tpu.memory_space<semaphore_mem>>
        %dma_start3A_52 = arith.constant 0 : i32
        %dma_start3A_53 = arith.constant 0 : i32
        %dma_start3A_54 = tpu.memref_slice %arg6[%dma_start3A_52, %dma_start3A_53] : memref<40x128xi32, #tpu.memory_space<vmem>> -> memref<20x128xi32, #tpu.memory_space<vmem>>
        %dma_start3A_55 = arith.constant 2480 : i32
        %dma_start3A_56 = arith.constant 0 : i32
        %dma_start3A_57 = tpu.memref_slice %arg3[%run_scoped3A, %dma_start3A_55, %dma_start3A_56] : memref<2x2500x128xi32, #tpu.memory_space<hbm>> -> memref<1x20x128xi32, #tpu.memory_space<hbm>>
        %dma_start3A_58 = tpu.memref_squeeze %dma_start3A_57 : memref<1x20x128xi32, #tpu.memory_space<hbm>> -> memref<20x128xi32, #tpu.memory_space<hbm>>
        %dma_start3A_59 = arith.constant 0 : i32
        %dma_start3A_60 = arith.constant 0 : i32
        %dma_start3A_61 = tpu.memref_slice %arg6[%dma_start3A_59, %dma_start3A_60] : memref<40x128xi32, #tpu.memory_space<vmem>> -> memref<20x128xi32, #tpu.memory_space<vmem>>
        %dma_start3A_62 = arith.constant 2480 : i32
        %dma_start3A_63 = arith.constant 0 : i32
        %dma_start3A_64 = tpu.memref_slice %arg3[%run_scoped3A, %dma_start3A_62, %dma_start3A_63] : memref<2x2500x128xi32, #tpu.memory_space<hbm>> -> memref<1x20x128xi32, #tpu.memory_space<hbm>>
        %dma_start3A_65 = tpu.memref_squeeze %dma_start3A_64 : memref<1x20x128xi32, #tpu.memory_space<hbm>> -> memref<20x128xi32, #tpu.memory_space<hbm>>
        tpu.enqueue_dma source(%dma_start3A_65 : memref<20x128xi32, #tpu.memory_space<hbm>>) target(%dma_start3A_61 : memref<20x128xi32, #tpu.memory_space<vmem>>) target_semaphore(%run_scoped3A_51 : memref<!tpu.dma_semaphore, #tpu.memory_space<semaphore_mem>>)
        %dma_wait3A = arith.constant 0 : i32
        %dma_wait3A_66 = arith.constant 0 : i32
        %dma_wait3A_67 = tpu.memref_slice %arg6[%dma_wait3A, %dma_wait3A_66] : memref<40x128xi32, #tpu.memory_space<vmem>> -> memref<20x128xi32, #tpu.memory_space<vmem>>
        %dma_wait3A_68 = arith.constant 2480 : i32
        %dma_wait3A_69 = arith.constant 0 : i32
        %dma_wait3A_70 = tpu.memref_slice %arg3[%run_scoped3A, %dma_wait3A_68, %dma_wait3A_69] : memref<2x2500x128xi32, #tpu.memory_space<hbm>> -> memref<1x20x128xi32, #tpu.memory_space<hbm>>
        %dma_wait3A_71 = tpu.memref_squeeze %dma_wait3A_70 : memref<1x20x128xi32, #tpu.memory_space<hbm>> -> memref<20x128xi32, #tpu.memory_space<hbm>>
        %dma_wait3A_72 = arith.constant 0 : i32
        %dma_wait3A_73 = arith.constant 0 : i32
        %dma_wait3A_74 = tpu.memref_slice %arg6[%dma_wait3A_72, %dma_wait3A_73] : memref<40x128xi32, #tpu.memory_space<vmem>> -> memref<20x128xi32, #tpu.memory_space<vmem>>
        %dma_wait3A_75 = arith.constant 2480 : i32
        %dma_wait3A_76 = arith.constant 0 : i32
        %dma_wait3A_77 = tpu.memref_slice %arg3[%run_scoped3A, %dma_wait3A_75, %dma_wait3A_76] : memref<2x2500x128xi32, #tpu.memory_space<hbm>> -> memref<1x20x128xi32, #tpu.memory_space<hbm>>
        %dma_wait3A_78 = tpu.memref_squeeze %dma_wait3A_77 : memref<1x20x128xi32, #tpu.memory_space<hbm>> -> memref<20x128xi32, #tpu.memory_space<hbm>>
        tpu.wait_dma2 semaphore(%run_scoped3A_51 : memref<!tpu.dma_semaphore, #tpu.memory_space<semaphore_mem>>) src(%dma_wait3A_78 : memref<20x128xi32, #tpu.memory_space<hbm>>) dst(%dma_wait3A_74 : memref<20x128xi32, #tpu.memory_space<vmem>>)
        tpu.yield
      }) : () -> ()
      %run_scoped3A_32 = arith.constant 0 : i32
      "tpu.region"() ({
        %run_scoped3A_51 = tpu.sem_alloc : memref<!tpu.dma_semaphore, #tpu.memory_space<semaphore_mem>>
        %dma_start3A_52 = arith.constant 0 : i32
        %dma_start3A_53 = arith.constant 0 : i32
        %dma_start3A_54 = tpu.memref_slice %arg5[%dma_start3A_52, %dma_start3A_53] : memref<40x128xi32, #tpu.memory_space<vmem>> -> memref<20x128xi32, #tpu.memory_space<vmem>>
        %dma_start3A_55 = arith.constant 2480 : i32
        %dma_start3A_56 = arith.constant 0 : i32
        %dma_start3A_57 = tpu.memref_slice %arg3[%run_scoped3A_32, %dma_start3A_55, %dma_start3A_56] : memref<2x2500x128xi32, #tpu.memory_space<hbm>> -> memref<1x20x128xi32, #tpu.memory_space<hbm>>
        %dma_start3A_58 = tpu.memref_squeeze %dma_start3A_57 : memref<1x20x128xi32, #tpu.memory_space<hbm>> -> memref<20x128xi32, #tpu.memory_space<hbm>>
        %dma_start3A_59 = arith.constant 0 : i32
        %dma_start3A_60 = arith.constant 0 : i32
        %dma_start3A_61 = tpu.memref_slice %arg5[%dma_start3A_59, %dma_start3A_60] : memref<40x128xi32, #tpu.memory_space<vmem>> -> memref<20x128xi32, #tpu.memory_space<vmem>>
        %dma_start3A_62 = arith.constant 2480 : i32
        %dma_start3A_63 = arith.constant 0 : i32
        %dma_start3A_64 = tpu.memref_slice %arg3[%run_scoped3A_32, %dma_start3A_62, %dma_start3A_63] : memref<2x2500x128xi32, #tpu.memory_space<hbm>> -> memref<1x20x128xi32, #tpu.memory_space<hbm>>
        %dma_start3A_65 = tpu.memref_squeeze %dma_start3A_64 : memref<1x20x128xi32, #tpu.memory_space<hbm>> -> memref<20x128xi32, #tpu.memory_space<hbm>>
        tpu.enqueue_dma source(%dma_start3A_65 : memref<20x128xi32, #tpu.memory_space<hbm>>) target(%dma_start3A_61 : memref<20x128xi32, #tpu.memory_space<vmem>>) target_semaphore(%run_scoped3A_51 : memref<!tpu.dma_semaphore, #tpu.memory_space<semaphore_mem>>)
        %dma_wait3A = arith.constant 0 : i32
        %dma_wait3A_66 = arith.constant 0 : i32
        %dma_wait3A_67 = tpu.memref_slice %arg5[%dma_wait3A, %dma_wait3A_66] : memref<40x128xi32, #tpu.memory_space<vmem>> -> memref<20x128xi32, #tpu.memory_space<vmem>>
        %dma_wait3A_68 = arith.constant 2480 : i32
        %dma_wait3A_69 = arith.constant 0 : i32
        %dma_wait3A_70 = tpu.memref_slice %arg3[%run_scoped3A_32, %dma_wait3A_68, %dma_wait3A_69] : memref<2x2500x128xi32, #tpu.memory_space<hbm>> -> memref<1x20x128xi32, #tpu.memory_space<hbm>>
        %dma_wait3A_71 = tpu.memref_squeeze %dma_wait3A_70 : memref<1x20x128xi32, #tpu.memory_space<hbm>> -> memref<20x128xi32, #tpu.memory_space<hbm>>
        %dma_wait3A_72 = arith.constant 0 : i32
        %dma_wait3A_73 = arith.constant 0 : i32
        %dma_wait3A_74 = tpu.memref_slice %arg5[%dma_wait3A_72, %dma_wait3A_73] : memref<40x128xi32, #tpu.memory_space<vmem>> -> memref<20x128xi32, #tpu.memory_space<vmem>>
        %dma_wait3A_75 = arith.constant 2480 : i32
        %dma_wait3A_76 = arith.constant 0 : i32
        %dma_wait3A_77 = tpu.memref_slice %arg3[%run_scoped3A_32, %dma_wait3A_75, %dma_wait3A_76] : memref<2x2500x128xi32, #tpu.memory_space<hbm>> -> memref<1x20x128xi32, #tpu.memory_space<hbm>>
        %dma_wait3A_78 = tpu.memref_squeeze %dma_wait3A_77 : memref<1x20x128xi32, #tpu.memory_space<hbm>> -> memref<20x128xi32, #tpu.memory_space<hbm>>
        tpu.wait_dma2 semaphore(%run_scoped3A_51 : memref<!tpu.dma_semaphore, #tpu.memory_space<semaphore_mem>>) src(%dma_wait3A_78 : memref<20x128xi32, #tpu.memory_space<hbm>>) dst(%dma_wait3A_74 : memref<20x128xi32, #tpu.memory_space<vmem>>)
        tpu.yield
      }) : () -> ()
      %dma_start3A = arith.constant 0 : i32
      %dma_start3A_33 = arith.constant 0 : i32
      %dma_start3A_34 = tpu.memref_slice %arg5[%dma_start3A, %dma_start3A_33] : memref<40x128xi32, #tpu.memory_space<vmem>> -> memref<1x128xi32, #tpu.memory_space<vmem>>
      %dma_start3A_35 = tpu.memref_squeeze %dma_start3A_34 : memref<1x128xi32, #tpu.memory_space<vmem>> -> memref<128xi32, #tpu.memory_space<vmem>>
      %dma_start3A_36 = arith.constant 0 : i32
      %dma_start3A_37 = arith.constant 0 : i32
      %dma_start3A_38 = tpu.memref_slice %arg2[%dma_start3A_36, %dma_start3A_37] : memref<10000x128xf32, #tpu.memory_space<hbm>> -> memref<10000x128xf32, #tpu.memory_space<hbm>>
      tpu.enqueue_indirect_dma source(%dma_start3A_38 : memref<10000x128xf32, #tpu.memory_space<hbm>>) target(%arg7 : memref<128x128xf32, #tpu.memory_space<vmem>>) offsets(%dma_start3A_35 : memref<128xi32, #tpu.memory_space<vmem>>) semaphore(%arg10 : memref<!tpu.dma_semaphore, #tpu.memory_space<semaphore_mem>>)
      %dma_start3A_39 = arith.constant 1 : i32
      %dma_start3A_40 = arith.constant 0 : i32
      %dma_start3A_41 = tpu.memref_slice %arg5[%dma_start3A_39, %dma_start3A_40] : memref<40x128xi32, #tpu.memory_space<vmem>> -> memref<1x128xi32, #tpu.memory_space<vmem>>
      %dma_start3A_42 = tpu.memref_squeeze %dma_start3A_41 : memref<1x128xi32, #tpu.memory_space<vmem>> -> memref<128xi32, #tpu.memory_space<vmem>>
      %dma_start3A_43 = arith.constant 0 : i32
      %dma_start3A_44 = arith.constant 0 : i32
      %dma_start3A_45 = tpu.memref_slice %arg2[%dma_start3A_43, %dma_start3A_44] : memref<10000x128xf32, #tpu.memory_space<hbm>> -> memref<10000x128xf32, #tpu.memory_space<hbm>>
      tpu.enqueue_indirect_dma source(%dma_start3A_45 : memref<10000x128xf32, #tpu.memory_space<hbm>>) target(%arg8 : memref<128x128xf32, #tpu.memory_space<vmem>>) offsets(%dma_start3A_42 : memref<128xi32, #tpu.memory_space<vmem>>) semaphore(%arg11 : memref<!tpu.dma_semaphore, #tpu.memory_space<semaphore_mem>>)
      %scan3A_46 = arith.constant 0 : i32
      %scan3A_47 = arith.constant 10 : i32
      %scan3A_48 = arith.addi %scan3A_46, %scan3A_47 : i32
      %scan3A_49 = arith.constant 1 : i32
      scf.for %scan3A_51 = %scan3A_46 to %scan3A_48 step %scan3A_49  : i32 {
        %mul3A_52 = arith.constant 1 : i32
        %mul3A_53 = arith.muli %scan3A_51, %mul3A_52 : i32
        %add3A_54 = arith.constant 0 : i32
        %add3A_55 = arith.addi %add3A_54, %mul3A_53 : i32
        %mul3A_56 = arith.constant 2 : i32
        %mul3A_57 = arith.muli %mul3A_56, %add3A_55 : i32
        %dma_wait3A = arith.constant 0 : i32
        %dma_wait3A_58 = tpu.memref_slice %arg5[%mul3A_57, %dma_wait3A] : memref<40x128xi32, #tpu.memory_space<vmem>> -> memref<1x128xi32, #tpu.memory_space<vmem>>
        %dma_wait3A_59 = tpu.memref_squeeze %dma_wait3A_58 : memref<1x128xi32, #tpu.memory_space<vmem>> -> memref<128xi32, #tpu.memory_space<vmem>>
        %dma_wait3A_60 = arith.constant 0 : i32
        %dma_wait3A_61 = arith.constant 0 : i32
        %dma_wait3A_62 = tpu.memref_slice %arg2[%dma_wait3A_60, %dma_wait3A_61] : memref<10000x128xf32, #tpu.memory_space<hbm>> -> memref<10000x128xf32, #tpu.memory_space<hbm>>
        tpu.wait_indirect_dma semaphore(%arg10 : memref<!tpu.dma_semaphore, #tpu.memory_space<semaphore_mem>>) src(%dma_wait3A_62 : memref<10000x128xf32, #tpu.memory_space<hbm>>) dst(%arg7 : memref<128x128xf32, #tpu.memory_space<vmem>>)
        "tpu.region"() ({
          %run_scoped3A_87 = tpu.sem_alloc : memref<!tpu.dma_semaphore, #tpu.memory_space<semaphore_mem>>
          %dma_start3A_88 = arith.constant 0 : i32
          %dma_start3A_89 = tpu.memref_slice %arg6[%mul3A_57, %dma_start3A_88] : memref<40x128xi32, #tpu.memory_space<vmem>> -> memref<1x128xi32, #tpu.memory_space<vmem>>
          %dma_start3A_90 = tpu.memref_squeeze %dma_start3A_89 : memref<1x128xi32, #tpu.memory_space<vmem>> -> memref<128xi32, #tpu.memory_space<vmem>>
          %dma_start3A_91 = arith.constant 0 : i32
          %dma_start3A_92 = arith.constant 0 : i32
          %dma_start3A_93 = tpu.memref_slice %arg9[%dma_start3A_91, %dma_start3A_92] : memref<10000x128xf32, #tpu.memory_space<vmem_shared>> -> memref<10000x128xf32, #tpu.memory_space<vmem_shared>>
          tpu.enqueue_indirect_dma source(%arg7 : memref<128x128xf32, #tpu.memory_space<vmem>>) target(%dma_start3A_93 : memref<10000x128xf32, #tpu.memory_space<vmem_shared>>) offsets(%dma_start3A_90 : memref<128xi32, #tpu.memory_space<vmem>>) semaphore(%run_scoped3A_87 : memref<!tpu.dma_semaphore, #tpu.memory_space<semaphore_mem>>) {add = true}
          %dma_wait3A_94 = arith.constant 0 : i32
          %dma_wait3A_95 = tpu.memref_slice %arg6[%mul3A_57, %dma_wait3A_94] : memref<40x128xi32, #tpu.memory_space<vmem>> -> memref<1x128xi32, #tpu.memory_space<vmem>>
          %dma_wait3A_96 = tpu.memref_squeeze %dma_wait3A_95 : memref<1x128xi32, #tpu.memory_space<vmem>> -> memref<128xi32, #tpu.memory_space<vmem>>
          %dma_wait3A_97 = arith.constant 0 : i32
          %dma_wait3A_98 = arith.constant 0 : i32
          %dma_wait3A_99 = tpu.memref_slice %arg9[%dma_wait3A_97, %dma_wait3A_98] : memref<10000x128xf32, #tpu.memory_space<vmem_shared>> -> memref<10000x128xf32, #tpu.memory_space<vmem_shared>>
          tpu.wait_indirect_dma semaphore(%run_scoped3A_87 : memref<!tpu.dma_semaphore, #tpu.memory_space<semaphore_mem>>) src(%arg7 : memref<128x128xf32, #tpu.memory_space<vmem>>) dst(%dma_wait3A_99 : memref<10000x128xf32, #tpu.memory_space<vmem_shared>>)
          tpu.yield
        }) : () -> ()
        %add3A_63 = arith.constant 2 : i32
        %add3A_64 = arith.addi %mul3A_57, %add3A_63 : i32
        %lt3A_65 = arith.constant 20 : i32
        %lt3A_66 = arith.cmpi slt, %add3A_64, %lt3A_65 : i32
        %convert_element_type3A_67 = arith.extui %lt3A_66 : i1 to i32
        %cond3A_68 = arith.constant 0 : i32
        %cond3A_69 = arith.cmpi ne, %convert_element_type3A_67, %cond3A_68 : i32
        scf.if %cond3A_69 {
          %add3A_87 = arith.constant 2 : i32
          %add3A_88 = arith.addi %mul3A_57, %add3A_87 : i32
          %dma_start3A_89 = arith.constant 0 : i32
          %dma_start3A_90 = tpu.memref_slice %arg5[%add3A_88, %dma_start3A_89] : memref<40x128xi32, #tpu.memory_space<vmem>> -> memref<1x128xi32, #tpu.memory_space<vmem>>
          %dma_start3A_91 = tpu.memref_squeeze %dma_start3A_90 : memref<1x128xi32, #tpu.memory_space<vmem>> -> memref<128xi32, #tpu.memory_space<vmem>>
          %dma_start3A_92 = arith.constant 0 : i32
          %dma_start3A_93 = arith.constant 0 : i32
          %dma_start3A_94 = tpu.memref_slice %arg2[%dma_start3A_92, %dma_start3A_93] : memref<10000x128xf32, #tpu.memory_space<hbm>> -> memref<10000x128xf32, #tpu.memory_space<hbm>>
          tpu.enqueue_indirect_dma source(%dma_start3A_94 : memref<10000x128xf32, #tpu.memory_space<hbm>>) target(%arg7 : memref<128x128xf32, #tpu.memory_space<vmem>>) offsets(%dma_start3A_91 : memref<128xi32, #tpu.memory_space<vmem>>) semaphore(%arg10 : memref<!tpu.dma_semaphore, #tpu.memory_space<semaphore_mem>>)
        } else {
        }
        %add3A_70 = arith.constant 1 : i32
        %add3A_71 = arith.addi %mul3A_57, %add3A_70 : i32
        %dma_wait3A_72 = arith.constant 0 : i32
        %dma_wait3A_73 = tpu.memref_slice %arg5[%add3A_71, %dma_wait3A_72] : memref<40x128xi32, #tpu.memory_space<vmem>> -> memref<1x128xi32, #tpu.memory_space<vmem>>
        %dma_wait3A_74 = tpu.memref_squeeze %dma_wait3A_73 : memref<1x128xi32, #tpu.memory_space<vmem>> -> memref<128xi32, #tpu.memory_space<vmem>>
        %dma_wait3A_75 = arith.constant 0 : i32
        %dma_wait3A_76 = arith.constant 0 : i32
        %dma_wait3A_77 = tpu.memref_slice %arg2[%dma_wait3A_75, %dma_wait3A_76] : memref<10000x128xf32, #tpu.memory_space<hbm>> -> memref<10000x128xf32, #tpu.memory_space<hbm>>
        tpu.wait_indirect_dma semaphore(%arg11 : memref<!tpu.dma_semaphore, #tpu.memory_space<semaphore_mem>>) src(%dma_wait3A_77 : memref<10000x128xf32, #tpu.memory_space<hbm>>) dst(%arg8 : memref<128x128xf32, #tpu.memory_space<vmem>>)
        %add3A_78 = arith.constant 1 : i32
        %add3A_79 = arith.addi %mul3A_57, %add3A_78 : i32
        "tpu.region"() ({
          %run_scoped3A_87 = tpu.sem_alloc : memref<!tpu.dma_semaphore, #tpu.memory_space<semaphore_mem>>
          %dma_start3A_88 = arith.constant 0 : i32
          %dma_start3A_89 = tpu.memref_slice %arg6[%add3A_79, %dma_start3A_88] : memref<40x128xi32, #tpu.memory_space<vmem>> -> memref<1x128xi32, #tpu.memory_space<vmem>>
          %dma_start3A_90 = tpu.memref_squeeze %dma_start3A_89 : memref<1x128xi32, #tpu.memory_space<vmem>> -> memref<128xi32, #tpu.memory_space<vmem>>
          %dma_start3A_91 = arith.constant 0 : i32
          %dma_start3A_92 = arith.constant 0 : i32
          %dma_start3A_93 = tpu.memref_slice %arg9[%dma_start3A_91, %dma_start3A_92] : memref<10000x128xf32, #tpu.memory_space<vmem_shared>> -> memref<10000x128xf32, #tpu.memory_space<vmem_shared>>
          tpu.enqueue_indirect_dma source(%arg8 : memref<128x128xf32, #tpu.memory_space<vmem>>) target(%dma_start3A_93 : memref<10000x128xf32, #tpu.memory_space<vmem_shared>>) offsets(%dma_start3A_90 : memref<128xi32, #tpu.memory_space<vmem>>) semaphore(%run_scoped3A_87 : memref<!tpu.dma_semaphore, #tpu.memory_space<semaphore_mem>>) {add = true}
          %dma_wait3A_94 = arith.constant 0 : i32
          %dma_wait3A_95 = tpu.memref_slice %arg6[%add3A_79, %dma_wait3A_94] : memref<40x128xi32, #tpu.memory_space<vmem>> -> memref<1x128xi32, #tpu.memory_space<vmem>>
          %dma_wait3A_96 = tpu.memref_squeeze %dma_wait3A_95 : memref<1x128xi32, #tpu.memory_space<vmem>> -> memref<128xi32, #tpu.memory_space<vmem>>
          %dma_wait3A_97 = arith.constant 0 : i32
          %dma_wait3A_98 = arith.constant 0 : i32
          %dma_wait3A_99 = tpu.memref_slice %arg9[%dma_wait3A_97, %dma_wait3A_98] : memref<10000x128xf32, #tpu.memory_space<vmem_shared>> -> memref<10000x128xf32, #tpu.memory_space<vmem_shared>>
          tpu.wait_indirect_dma semaphore(%run_scoped3A_87 : memref<!tpu.dma_semaphore, #tpu.memory_space<semaphore_mem>>) src(%arg8 : memref<128x128xf32, #tpu.memory_space<vmem>>) dst(%dma_wait3A_99 : memref<10000x128xf32, #tpu.memory_space<vmem_shared>>)
          tpu.yield
        }) : () -> ()
        %add3A_80 = arith.constant 3 : i32
        %add3A_81 = arith.addi %mul3A_57, %add3A_80 : i32
        %lt3A_82 = arith.constant 20 : i32
        %lt3A_83 = arith.cmpi slt, %add3A_81, %lt3A_82 : i32
        %convert_element_type3A_84 = arith.extui %lt3A_83 : i1 to i32
        %cond3A_85 = arith.constant 0 : i32
        %cond3A_86 = arith.cmpi ne, %convert_element_type3A_84, %cond3A_85 : i32
        scf.if %cond3A_86 {
          %add3A_87 = arith.constant 3 : i32
          %add3A_88 = arith.addi %mul3A_57, %add3A_87 : i32
          %dma_start3A_89 = arith.constant 0 : i32
          %dma_start3A_90 = tpu.memref_slice %arg5[%add3A_88, %dma_start3A_89] : memref<40x128xi32, #tpu.memory_space<vmem>> -> memref<1x128xi32, #tpu.memory_space<vmem>>
          %dma_start3A_91 = tpu.memref_squeeze %dma_start3A_90 : memref<1x128xi32, #tpu.memory_space<vmem>> -> memref<128xi32, #tpu.memory_space<vmem>>
          %dma_start3A_92 = arith.constant 0 : i32
          %dma_start3A_93 = arith.constant 0 : i32
          %dma_start3A_94 = tpu.memref_slice %arg2[%dma_start3A_92, %dma_start3A_93] : memref<10000x128xf32, #tpu.memory_space<hbm>> -> memref<10000x128xf32, #tpu.memory_space<hbm>>
          tpu.enqueue_indirect_dma source(%dma_start3A_94 : memref<10000x128xf32, #tpu.memory_space<hbm>>) target(%arg8 : memref<128x128xf32, #tpu.memory_space<vmem>>) offsets(%dma_start3A_91 : memref<128xi32, #tpu.memory_space<vmem>>) semaphore(%arg11 : memref<!tpu.dma_semaphore, #tpu.memory_space<semaphore_mem>>)
        } else {
        }
      }
      %scan3A_50 = arith.constant 10 : i32
    } else {
    }
    %barrier3A_28 = arith.constant 0 : index
    tpu.barrier barrier_id(%barrier3A_28)
    "tpu.region"() ({
      %run_scoped3A = tpu.sem_alloc : memref<!tpu.dma_semaphore, #tpu.memory_space<semaphore_mem>>
      %dma_start3A = arith.constant 0 : i32
      %dma_start3A_32 = tpu.memref_slice %arg4[%arg0, %mul3A_6, %dma_start3A] : memref<2x10000x128xf32, #tpu.memory_space<hbm>> -> memref<1x624x128xf32, #tpu.memory_space<hbm>>
      %dma_start3A_33 = tpu.memref_squeeze %dma_start3A_32 : memref<1x624x128xf32, #tpu.memory_space<hbm>> -> memref<624x128xf32, #tpu.memory_space<hbm>>
      %dma_start3A_34 = arith.constant 0 : i32
      %dma_start3A_35 = tpu.memref_slice %arg9[%mul3A_6, %dma_start3A_34] : memref<10000x128xf32, #tpu.memory_space<vmem_shared>> -> memref<624x128xf32, #tpu.memory_space<vmem_shared>>
      tpu.enqueue_dma source(%dma_start3A_35 : memref<624x128xf32, #tpu.memory_space<vmem_shared>>) target(%dma_start3A_33 : memref<624x128xf32, #tpu.memory_space<hbm>>) target_semaphore(%run_scoped3A : memref<!tpu.dma_semaphore, #tpu.memory_space<semaphore_mem>>)
      %dma_wait3A = arith.constant 0 : i32
      %dma_wait3A_36 = tpu.memref_slice %arg4[%arg0, %mul3A_6, %dma_wait3A] : memref<2x10000x128xf32, #tpu.memory_space<hbm>> -> memref<1x624x128xf32, #tpu.memory_space<hbm>>
      %dma_wait3A_37 = tpu.memref_squeeze %dma_wait3A_36 : memref<1x624x128xf32, #tpu.memory_space<hbm>> -> memref<624x128xf32, #tpu.memory_space<hbm>>
      %dma_wait3A_38 = arith.constant 0 : i32
      %dma_wait3A_39 = tpu.memref_slice %arg9[%mul3A_6, %dma_wait3A_38] : memref<10000x128xf32, #tpu.memory_space<vmem_shared>> -> memref<624x128xf32, #tpu.memory_space<vmem_shared>>
      tpu.wait_dma2 semaphore(%run_scoped3A : memref<!tpu.dma_semaphore, #tpu.memory_space<semaphore_mem>>) src(%dma_wait3A_39 : memref<624x128xf32, #tpu.memory_space<vmem_shared>>) dst(%dma_wait3A_37 : memref<624x128xf32, #tpu.memory_space<hbm>>)
      tpu.yield
    }) : () -> ()
    %convert_element_type3A_29 = arith.extui %eq3A_7 : i1 to i32
    %cond3A_30 = arith.constant 0 : i32
    %cond3A_31 = arith.cmpi ne, %convert_element_type3A_29, %cond3A_30 : i32
    scf.if %cond3A_31 {
      "tpu.region"() ({
        %run_scoped3A = tpu.sem_alloc : memref<!tpu.dma_semaphore, #tpu.memory_space<semaphore_mem>>
        %dma_start3A = arith.constant 9984 : i32
        %dma_start3A_32 = arith.constant 0 : i32
        %dma_start3A_33 = tpu.memref_slice %arg4[%arg0, %dma_start3A, %dma_start3A_32] : memref<2x10000x128xf32, #tpu.memory_space<hbm>> -> memref<1x16x128xf32, #tpu.memory_space<hbm>>
        %dma_start3A_34 = tpu.memref_squeeze %dma_start3A_33 : memref<1x16x128xf32, #tpu.memory_space<hbm>> -> memref<16x128xf32, #tpu.memory_space<hbm>>
        %dma_start3A_35 = arith.constant 9984 : i32
        %dma_start3A_36 = arith.constant 0 : i32
        %dma_start3A_37 = tpu.memref_slice %arg9[%dma_start3A_35, %dma_start3A_36] : memref<10000x128xf32, #tpu.memory_space<vmem_shared>> -> memref<16x128xf32, #tpu.memory_space<vmem_shared>>
        tpu.enqueue_dma source(%dma_start3A_37 : memref<16x128xf32, #tpu.memory_space<vmem_shared>>) target(%dma_start3A_34 : memref<16x128xf32, #tpu.memory_space<hbm>>) target_semaphore(%run_scoped3A : memref<!tpu.dma_semaphore, #tpu.memory_space<semaphore_mem>>)
        %dma_wait3A = arith.constant 9984 : i32
        %dma_wait3A_38 = arith.constant 0 : i32
        %dma_wait3A_39 = tpu.memref_slice %arg4[%arg0, %dma_wait3A, %dma_wait3A_38] : memref<2x10000x128xf32, #tpu.memory_space<hbm>> -> memref<1x16x128xf32, #tpu.memory_space<hbm>>
        %dma_wait3A_40 = tpu.memref_squeeze %dma_wait3A_39 : memref<1x16x128xf32, #tpu.memory_space<hbm>> -> memref<16x128xf32, #tpu.memory_space<hbm>>
        %dma_wait3A_41 = arith.constant 9984 : i32
        %dma_wait3A_42 = arith.constant 0 : i32
        %dma_wait3A_43 = tpu.memref_slice %arg9[%dma_wait3A_41, %dma_wait3A_42] : memref<10000x128xf32, #tpu.memory_space<vmem_shared>> -> memref<16x128xf32, #tpu.memory_space<vmem_shared>>
        tpu.wait_dma2 semaphore(%run_scoped3A : memref<!tpu.dma_semaphore, #tpu.memory_space<semaphore_mem>>) src(%dma_wait3A_43 : memref<16x128xf32, #tpu.memory_space<vmem_shared>>) dst(%dma_wait3A_40 : memref<16x128xf32, #tpu.memory_space<hbm>>)
        tpu.yield
      }) : () -> ()
    } else {
    }
    return
  }
}

#map = affine_map<(d0, d1) -> (0, 0)>
#map1 = affine_map<(d0, d1) -> (0, 0, 0)>
module attributes {stable_mosaic.version = 14 : i64} {
  func.func @body(%arg0: i32, %arg1: i32, %arg2: memref<10000x128xf32, #tpu.memory_space<hbm>>, %arg3: memref<2x2500x128xi32, #tpu.memory_space<hbm>>, %arg4: memref<2x10000x128xf32, #tpu.memory_space<hbm>>, %arg5: memref<40x128xi32, #tpu.memory_space<vmem>>, %arg6: memref<40x128xi32, #tpu.memory_space<vmem>>, %arg7: memref<128x128xf32, #tpu.memory_space<vmem>>, %arg8: memref<128x128xf32, #tpu.memory_space<vmem>>, %arg9: memref<10000x128xf32, #tpu.memory_space<vmem_shared>>, %arg10: memref<!tpu.dma_semaphore, #tpu.memory_space<semaphore_mem>>, %arg11: memref<!tpu.dma_semaphore, #tpu.memory_space<semaphore_mem>>) attributes {dimension_semantics = [#tpu.dimension_semantics<core_parallel>, #tpu.dimension_semantics<subcore_parallel>], iteration_bounds = array<i64: 2, 16>, scalar_prefetch = 0 : i64, scratch_operands = 7 : i64, tpu.core_type = #tpu.core_type<sc_vector_subcore>, window_params = [{transform_indices = #map}, {transform_indices = #map1}, {transform_indices = #map1}]} {
    %mul3A = arith.constant 16 : i32
    %mul3A_0 = arith.muli %arg0, %mul3A : i32
    %add3A = arith.addi %mul3A_0, %arg1 : i32
    %scan3A = arith.constant 0 : i32
    %scan3A_1 = arith.constant 128 : i32
    %scan3A_2 = arith.addi %scan3A, %scan3A_1 : i32
    %scan3A_3 = arith.constant 1 : i32
    scf.for %scan3A_32 = %scan3A to %scan3A_2 step %scan3A_3  : i32 {
      %mul3A_33 = arith.constant 1 : i32
      %mul3A_34 = arith.muli %scan3A_32, %mul3A_33 : i32
      %add3A_35 = arith.constant 0 : i32
      %add3A_36 = arith.addi %add3A_35, %mul3A_34 : i32
      %scan3A_37 = arith.constant 0 : i32
      %scan3A_38 = arith.constant 8 : i32
      %scan3A_39 = arith.addi %scan3A_37, %scan3A_38 : i32
      %scan3A_40 = arith.constant 1 : i32
      scf.for %scan3A_42 = %scan3A_37 to %scan3A_39 step %scan3A_40  : i32 {
        %mul3A_43 = arith.constant 16 : i32
        %mul3A_44 = arith.muli %scan3A_42, %mul3A_43 : i32
        %add3A_45 = arith.constant 0 : i32
        %add3A_46 = arith.addi %add3A_45, %mul3A_44 : i32
        %broadcast_in_dim3A = arith.constant 0.000000e+00 : f32
        %broadcast_in_dim3A_47 = vector.broadcast %broadcast_in_dim3A : f32 to vector<16xf32>
        %swap3A = arith.index_cast %add3A_36 : i32 to index
        %swap3A_48 = arith.index_cast %add3A_46 : i32 to index
        %swap3A_49 = tpu.vector_load %arg7[%swap3A, %swap3A_48] {strides = array<i32>} : memref<128x128xf32, #tpu.memory_space<vmem>>, vector<1x16xf32>,
        %swap3A_50 = vector.shape_cast %swap3A_49 : vector<1x16xf32> to vector<16xf32>
        %swap3A_51 = vector.shape_cast %broadcast_in_dim3A_47 : vector<16xf32> to vector<1x16xf32>
        tpu.vector_store %arg7[%swap3A, %swap3A_48], %swap3A_51 {strides = array<i32>} : memref<128x128xf32, #tpu.memory_space<vmem>>, vector<1x16xf32>,
      }
      %scan3A_41 = arith.constant 8 : i32
    }
    %scan3A_4 = arith.constant 128 : i32
    %mul3A_5 = arith.constant 624 : i32
    %mul3A_6 = arith.muli %arg1, %mul3A_5 : i32
    %eq3A = arith.constant 15 : i32
    %eq3A_7 = arith.cmpi eq, %arg1, %eq3A : i32
    %add3A_8 = arith.constant 0 : i32
    %add3A_9 = arith.addi %mul3A_6, %add3A_8 : i32
    "tpu.region"() ({
      %run_scoped3A = tpu.sem_alloc : memref<!tpu.dma_semaphore, #tpu.memory_space<semaphore_mem>>
      %dma_start3A = arith.constant 0 : i32
      %dma_start3A_32 = tpu.memref_slice %arg9[%add3A_9, %dma_start3A] : memref<10000x128xf32, #tpu.memory_space<vmem_shared>> -> memref<128x128xf32, #tpu.memory_space<vmem_shared>>
      %dma_start3A_33 = arith.constant 0 : i32
      %dma_start3A_34 = tpu.memref_slice %arg9[%add3A_9, %dma_start3A_33] : memref<10000x128xf32, #tpu.memory_space<vmem_shared>> -> memref<128x128xf32, #tpu.memory_space<vmem_shared>>
      tpu.enqueue_dma source(%arg7 : memref<128x128xf32, #tpu.memory_space<vmem>>) target(%dma_start3A_34 : memref<128x128xf32, #tpu.memory_space<vmem_shared>>) target_semaphore(%run_scoped3A : memref<!tpu.dma_semaphore, #tpu.memory_space<semaphore_mem>>)
      %dma_wait3A = arith.constant 0 : i32
      %dma_wait3A_35 = tpu.memref_slice %arg9[%add3A_9, %dma_wait3A] : memref<10000x128xf32, #tpu.memory_space<vmem_shared>> -> memref<128x128xf32, #tpu.memory_space<vmem_shared>>
      %dma_wait3A_36 = arith.constant 0 : i32
      %dma_wait3A_37 = tpu.memref_slice %arg9[%add3A_9, %dma_wait3A_36] : memref<10000x128xf32, #tpu.memory_space<vmem_shared>> -> memref<128x128xf32, #tpu.memory_space<vmem_shared>>
      tpu.wait_dma2 semaphore(%run_scoped3A : memref<!tpu.dma_semaphore, #tpu.memory_space<semaphore_mem>>) src(%arg7 : memref<128x128xf32, #tpu.memory_space<vmem>>) dst(%dma_wait3A_37 : memref<128x128xf32, #tpu.memory_space<vmem_shared>>)
      tpu.yield
    }) : () -> ()
    %add3A_10 = arith.constant 128 : i32
    %add3A_11 = arith.addi %mul3A_6, %add3A_10 : i32
    "tpu.region"() ({
      %run_scoped3A = tpu.sem_alloc : memref<!tpu.dma_semaphore, #tpu.memory_space<semaphore_mem>>
      %dma_start3A = arith.constant 0 : i32
      %dma_start3A_32 = tpu.memref_slice %arg9[%add3A_11, %dma_start3A] : memref<10000x128xf32, #tpu.memory_space<vmem_shared>> -> memref<128x128xf32, #tpu.memory_space<vmem_shared>>
      %dma_start3A_33 = arith.constant 0 : i32
      %dma_start3A_34 = tpu.memref_slice %arg9[%add3A_11, %dma_start3A_33] : memref<10000x128xf32, #tpu.memory_space<vmem_shared>> -> memref<128x128xf32, #tpu.memory_space<vmem_shared>>
      tpu.enqueue_dma source(%arg7 : memref<128x128xf32, #tpu.memory_space<vmem>>) target(%dma_start3A_34 : memref<128x128xf32, #tpu.memory_space<vmem_shared>>) target_semaphore(%run_scoped3A : memref<!tpu.dma_semaphore, #tpu.memory_space<semaphore_mem>>)
      %dma_wait3A = arith.constant 0 : i32
      %dma_wait3A_35 = tpu.memref_slice %arg9[%add3A_11, %dma_wait3A] : memref<10000x128xf32, #tpu.memory_space<vmem_shared>> -> memref<128x128xf32, #tpu.memory_space<vmem_shared>>
      %dma_wait3A_36 = arith.constant 0 : i32
      %dma_wait3A_37 = tpu.memref_slice %arg9[%add3A_11, %dma_wait3A_36] : memref<10000x128xf32, #tpu.memory_space<vmem_shared>> -> memref<128x128xf32, #tpu.memory_space<vmem_shared>>
      tpu.wait_dma2 semaphore(%run_scoped3A : memref<!tpu.dma_semaphore, #tpu.memory_space<semaphore_mem>>) src(%arg7 : memref<128x128xf32, #tpu.memory_space<vmem>>) dst(%dma_wait3A_37 : memref<128x128xf32, #tpu.memory_space<vmem_shared>>)
      tpu.yield
    }) : () -> ()
    %add3A_12 = arith.constant 256 : i32
    %add3A_13 = arith.addi %mul3A_6, %add3A_12 : i32
    "tpu.region"() ({
      %run_scoped3A = tpu.sem_alloc : memref<!tpu.dma_semaphore, #tpu.memory_space<semaphore_mem>>
      %dma_start3A = arith.constant 0 : i32
      %dma_start3A_32 = tpu.memref_slice %arg9[%add3A_13, %dma_start3A] : memref<10000x128xf32, #tpu.memory_space<vmem_shared>> -> memref<128x128xf32, #tpu.memory_space<vmem_shared>>
      %dma_start3A_33 = arith.constant 0 : i32
      %dma_start3A_34 = tpu.memref_slice %arg9[%add3A_13, %dma_start3A_33] : memref<10000x128xf32, #tpu.memory_space<vmem_shared>> -> memref<128x128xf32, #tpu.memory_space<vmem_shared>>
      tpu.enqueue_dma source(%arg7 : memref<128x128xf32, #tpu.memory_space<vmem>>) target(%dma_start3A_34 : memref<128x128xf32, #tpu.memory_space<vmem_shared>>) target_semaphore(%run_scoped3A : memref<!tpu.dma_semaphore, #tpu.memory_space<semaphore_mem>>)
      %dma_wait3A = arith.constant 0 : i32
      %dma_wait3A_35 = tpu.memref_slice %arg9[%add3A_13, %dma_wait3A] : memref<10000x128xf32, #tpu.memory_space<vmem_shared>> -> memref<128x128xf32, #tpu.memory_space<vmem_shared>>
      %dma_wait3A_36 = arith.constant 0 : i32
      %dma_wait3A_37 = tpu.memref_slice %arg9[%add3A_13, %dma_wait3A_36] : memref<10000x128xf32, #tpu.memory_space<vmem_shared>> -> memref<128x128xf32, #tpu.memory_space<vmem_shared>>
      tpu.wait_dma2 semaphore(%run_scoped3A : memref<!tpu.dma_semaphore, #tpu.memory_space<semaphore_mem>>) src(%arg7 : memref<128x128xf32, #tpu.memory_space<vmem>>) dst(%dma_wait3A_37 : memref<128x128xf32, #tpu.memory_space<vmem_shared>>)
      tpu.yield
    }) : () -> ()
    %add3A_14 = arith.constant 384 : i32
    %add3A_15 = arith.addi %mul3A_6, %add3A_14 : i32
    "tpu.region"() ({
      %run_scoped3A = tpu.sem_alloc : memref<!tpu.dma_semaphore, #tpu.memory_space<semaphore_mem>>
      %dma_start3A = arith.constant 0 : i32
      %dma_start3A_32 = tpu.memref_slice %arg9[%add3A_15, %dma_start3A] : memref<10000x128xf32, #tpu.memory_space<vmem_shared>> -> memref<128x128xf32, #tpu.memory_space<vmem_shared>>
      %dma_start3A_33 = arith.constant 0 : i32
      %dma_start3A_34 = tpu.memref_slice %arg9[%add3A_15, %dma_start3A_33] : memref<10000x128xf32, #tpu.memory_space<vmem_shared>> -> memref<128x128xf32, #tpu.memory_space<vmem_shared>>
      tpu.enqueue_dma source(%arg7 : memref<128x128xf32, #tpu.memory_space<vmem>>) target(%dma_start3A_34 : memref<128x128xf32, #tpu.memory_space<vmem_shared>>) target_semaphore(%run_scoped3A : memref<!tpu.dma_semaphore, #tpu.memory_space<semaphore_mem>>)
      %dma_wait3A = arith.constant 0 : i32
      %dma_wait3A_35 = tpu.memref_slice %arg9[%add3A_15, %dma_wait3A] : memref<10000x128xf32, #tpu.memory_space<vmem_shared>> -> memref<128x128xf32, #tpu.memory_space<vmem_shared>>
      %dma_wait3A_36 = arith.constant 0 : i32
      %dma_wait3A_37 = tpu.memref_slice %arg9[%add3A_15, %dma_wait3A_36] : memref<10000x128xf32, #tpu.memory_space<vmem_shared>> -> memref<128x128xf32, #tpu.memory_space<vmem_shared>>
      tpu.wait_dma2 semaphore(%run_scoped3A : memref<!tpu.dma_semaphore, #tpu.memory_space<semaphore_mem>>) src(%arg7 : memref<128x128xf32, #tpu.memory_space<vmem>>) dst(%dma_wait3A_37 : memref<128x128xf32, #tpu.memory_space<vmem_shared>>)
      tpu.yield
    }) : () -> ()
    %add3A_16 = arith.constant 496 : i32
    %add3A_17 = arith.addi %mul3A_6, %add3A_16 : i32
    "tpu.region"() ({
      %run_scoped3A = tpu.sem_alloc : memref<!tpu.dma_semaphore, #tpu.memory_space<semaphore_mem>>
      %dma_start3A = arith.constant 0 : i32
      %dma_start3A_32 = tpu.memref_slice %arg9[%add3A_17, %dma_start3A] : memref<10000x128xf32, #tpu.memory_space<vmem_shared>> -> memref<128x128xf32, #tpu.memory_space<vmem_shared>>
      %dma_start3A_33 = arith.constant 0 : i32
      %dma_start3A_34 = tpu.memref_slice %arg9[%add3A_17, %dma_start3A_33] : memref<10000x128xf32, #tpu.memory_space<vmem_shared>> -> memref<128x128xf32, #tpu.memory_space<vmem_shared>>
      tpu.enqueue_dma source(%arg7 : memref<128x128xf32, #tpu.memory_space<vmem>>) target(%dma_start3A_34 : memref<128x128xf32, #tpu.memory_space<vmem_shared>>) target_semaphore(%run_scoped3A : memref<!tpu.dma_semaphore, #tpu.memory_space<semaphore_mem>>)
      %dma_wait3A = arith.constant 0 : i32
      %dma_wait3A_35 = tpu.memref_slice %arg9[%add3A_17, %dma_wait3A] : memref<10000x128xf32, #tpu.memory_space<vmem_shared>> -> memref<128x128xf32, #tpu.memory_space<vmem_shared>>
      %dma_wait3A_36 = arith.constant 0 : i32
      %dma_wait3A_37 = tpu.memref_slice %arg9[%add3A_17, %dma_wait3A_36] : memref<10000x128xf32, #tpu.memory_space<vmem_shared>> -> memref<128x128xf32, #tpu.memory_space<vmem_shared>>
      tpu.wait_dma2 semaphore(%run_scoped3A : memref<!tpu.dma_semaphore, #tpu.memory_space<semaphore_mem>>) src(%arg7 : memref<128x128xf32, #tpu.memory_space<vmem>>) dst(%dma_wait3A_37 : memref<128x128xf32, #tpu.memory_space<vmem_shared>>)
      tpu.yield
    }) : () -> ()
    %convert_element_type3A = arith.extui %eq3A_7 : i1 to i32
    %cond3A = arith.constant 0 : i32
    %cond3A_18 = arith.cmpi ne, %convert_element_type3A, %cond3A : i32
    scf.if %cond3A_18 {
      "tpu.region"() ({
        %run_scoped3A = tpu.sem_alloc : memref<!tpu.dma_semaphore, #tpu.memory_space<semaphore_mem>>
        %dma_start3A = arith.constant 9872 : i32
        %dma_start3A_32 = arith.constant 0 : i32
        %dma_start3A_33 = tpu.memref_slice %arg9[%dma_start3A, %dma_start3A_32] : memref<10000x128xf32, #tpu.memory_space<vmem_shared>> -> memref<128x128xf32, #tpu.memory_space<vmem_shared>>
        %dma_start3A_34 = arith.constant 9872 : i32
        %dma_start3A_35 = arith.constant 0 : i32
        %dma_start3A_36 = tpu.memref_slice %arg9[%dma_start3A_34, %dma_start3A_35] : memref<10000x128xf32, #tpu.memory_space<vmem_shared>> -> memref<128x128xf32, #tpu.memory_space<vmem_shared>>
        tpu.enqueue_dma source(%arg7 : memref<128x128xf32, #tpu.memory_space<vmem>>) target(%dma_start3A_36 : memref<128x128xf32, #tpu.memory_space<vmem_shared>>) target_semaphore(%run_scoped3A : memref<!tpu.dma_semaphore, #tpu.memory_space<semaphore_mem>>)
        %dma_wait3A = arith.constant 9872 : i32
        %dma_wait3A_37 = arith.constant 0 : i32
        %dma_wait3A_38 = tpu.memref_slice %arg9[%dma_wait3A, %dma_wait3A_37] : memref<10000x128xf32, #tpu.memory_space<vmem_shared>> -> memref<128x128xf32, #tpu.memory_space<vmem_shared>>
        %dma_wait3A_39 = arith.constant 9872 : i32
        %dma_wait3A_40 = arith.constant 0 : i32
        %dma_wait3A_41 = tpu.memref_slice %arg9[%dma_wait3A_39, %dma_wait3A_40] : memref<10000x128xf32, #tpu.memory_space<vmem_shared>> -> memref<128x128xf32, #tpu.memory_space<vmem_shared>>
        tpu.wait_dma2 semaphore(%run_scoped3A : memref<!tpu.dma_semaphore, #tpu.memory_space<semaphore_mem>>) src(%arg7 : memref<128x128xf32, #tpu.memory_space<vmem>>) dst(%dma_wait3A_41 : memref<128x128xf32, #tpu.memory_space<vmem_shared>>)
        tpu.yield
      }) : () -> ()
    } else {
    }
    %barrier3A = arith.constant 0 : index
    tpu.barrier barrier_id(%barrier3A)
    %lt3A = arith.constant 31 : i32
    %lt3A_19 = arith.cmpi slt, %add3A, %lt3A : i32
    %convert_element_type3A_20 = arith.extui %lt3A_19 : i1 to i32
    %cond3A_21 = arith.constant 0 : i32
    %cond3A_22 = arith.cmpi ne, %convert_element_type3A_20, %cond3A_21 : i32
    scf.if %cond3A_22 {
      %mul3A_32 = arith.constant 80 : i32
      %mul3A_33 = arith.muli %add3A, %mul3A_32 : i32
      %run_scoped3A = arith.constant 1 : i32
      "tpu.region"() ({
        %run_scoped3A_78 = tpu.sem_alloc : memref<!tpu.dma_semaphore, #tpu.memory_space<semaphore_mem>>
        %dma_start3A_79 = arith.constant 0 : i32
        %dma_start3A_80 = arith.constant 0 : i32
        %dma_start3A_81 = tpu.memref_slice %arg6[%dma_start3A_79, %dma_start3A_80] : memref<40x128xi32, #tpu.memory_space<vmem>> -> memref<40x128xi32, #tpu.memory_space<vmem>>
        %dma_start3A_82 = arith.constant 0 : i32
        %dma_start3A_83 = tpu.memref_slice %arg3[%run_scoped3A, %mul3A_33, %dma_start3A_82] : memref<2x2500x128xi32, #tpu.memory_space<hbm>> -> memref<1x40x128xi32, #tpu.memory_space<hbm>>
        %dma_start3A_84 = tpu.memref_squeeze %dma_start3A_83 : memref<1x40x128xi32, #tpu.memory_space<hbm>> -> memref<40x128xi32, #tpu.memory_space<hbm>>
        %dma_start3A_85 = arith.constant 0 : i32
        %dma_start3A_86 = arith.constant 0 : i32
        %dma_start3A_87 = tpu.memref_slice %arg6[%dma_start3A_85, %dma_start3A_86] : memref<40x128xi32, #tpu.memory_space<vmem>> -> memref<40x128xi32, #tpu.memory_space<vmem>>
        %dma_start3A_88 = arith.constant 0 : i32
        %dma_start3A_89 = tpu.memref_slice %arg3[%run_scoped3A, %mul3A_33, %dma_start3A_88] : memref<2x2500x128xi32, #tpu.memory_space<hbm>> -> memref<1x40x128xi32, #tpu.memory_space<hbm>>
        %dma_start3A_90 = tpu.memref_squeeze %dma_start3A_89 : memref<1x40x128xi32, #tpu.memory_space<hbm>> -> memref<40x128xi32, #tpu.memory_space<hbm>>
        tpu.enqueue_dma source(%dma_start3A_90 : memref<40x128xi32, #tpu.memory_space<hbm>>) target(%dma_start3A_87 : memref<40x128xi32, #tpu.memory_space<vmem>>) target_semaphore(%run_scoped3A_78 : memref<!tpu.dma_semaphore, #tpu.memory_space<semaphore_mem>>)
        %dma_wait3A = arith.constant 0 : i32
        %dma_wait3A_91 = arith.constant 0 : i32
        %dma_wait3A_92 = tpu.memref_slice %arg6[%dma_wait3A, %dma_wait3A_91] : memref<40x128xi32, #tpu.memory_space<vmem>> -> memref<40x128xi32, #tpu.memory_space<vmem>>
        %dma_wait3A_93 = arith.constant 0 : i32
        %dma_wait3A_94 = tpu.memref_slice %arg3[%run_scoped3A, %mul3A_33, %dma_wait3A_93] : memref<2x2500x128xi32, #tpu.memory_space<hbm>> -> memref<1x40x128xi32, #tpu.memory_space<hbm>>
        %dma_wait3A_95 = tpu.memref_squeeze %dma_wait3A_94 : memref<1x40x128xi32, #tpu.memory_space<hbm>> -> memref<40x128xi32, #tpu.memory_space<hbm>>
        %dma_wait3A_96 = arith.constant 0 : i32
        %dma_wait3A_97 = arith.constant 0 : i32
        %dma_wait3A_98 = tpu.memref_slice %arg6[%dma_wait3A_96, %dma_wait3A_97] : memref<40x128xi32, #tpu.memory_space<vmem>> -> memref<40x128xi32, #tpu.memory_space<vmem>>
        %dma_wait3A_99 = arith.constant 0 : i32
        %dma_wait3A_100 = tpu.memref_slice %arg3[%run_scoped3A, %mul3A_33, %dma_wait3A_99] : memref<2x2500x128xi32, #tpu.memory_space<hbm>> -> memref<1x40x128xi32, #tpu.memory_space<hbm>>
        %dma_wait3A_101 = tpu.memref_squeeze %dma_wait3A_100 : memref<1x40x128xi32, #tpu.memory_space<hbm>> -> memref<40x128xi32, #tpu.memory_space<hbm>>
        tpu.wait_dma2 semaphore(%run_scoped3A_78 : memref<!tpu.dma_semaphore, #tpu.memory_space<semaphore_mem>>) src(%dma_wait3A_101 : memref<40x128xi32, #tpu.memory_space<hbm>>) dst(%dma_wait3A_98 : memref<40x128xi32, #tpu.memory_space<vmem>>)
        tpu.yield
      }) : () -> ()
      %run_scoped3A_34 = arith.constant 0 : i32
      "tpu.region"() ({
        %run_scoped3A_78 = tpu.sem_alloc : memref<!tpu.dma_semaphore, #tpu.memory_space<semaphore_mem>>
        %dma_start3A_79 = arith.constant 0 : i32
        %dma_start3A_80 = arith.constant 0 : i32
        %dma_start3A_81 = tpu.memref_slice %arg5[%dma_start3A_79, %dma_start3A_80] : memref<40x128xi32, #tpu.memory_space<vmem>> -> memref<40x128xi32, #tpu.memory_space<vmem>>
        %dma_start3A_82 = arith.constant 0 : i32
        %dma_start3A_83 = tpu.memref_slice %arg3[%run_scoped3A_34, %mul3A_33, %dma_start3A_82] : memref<2x2500x128xi32, #tpu.memory_space<hbm>> -> memref<1x40x128xi32, #tpu.memory_space<hbm>>
        %dma_start3A_84 = tpu.memref_squeeze %dma_start3A_83 : memref<1x40x128xi32, #tpu.memory_space<hbm>> -> memref<40x128xi32, #tpu.memory_space<hbm>>
        %dma_start3A_85 = arith.constant 0 : i32
        %dma_start3A_86 = arith.constant 0 : i32
        %dma_start3A_87 = tpu.memref_slice %arg5[%dma_start3A_85, %dma_start3A_86] : memref<40x128xi32, #tpu.memory_space<vmem>> -> memref<40x128xi32, #tpu.memory_space<vmem>>
        %dma_start3A_88 = arith.constant 0 : i32
        %dma_start3A_89 = tpu.memref_slice %arg3[%run_scoped3A_34, %mul3A_33, %dma_start3A_88] : memref<2x2500x128xi32, #tpu.memory_space<hbm>> -> memref<1x40x128xi32, #tpu.memory_space<hbm>>
        %dma_start3A_90 = tpu.memref_squeeze %dma_start3A_89 : memref<1x40x128xi32, #tpu.memory_space<hbm>> -> memref<40x128xi32, #tpu.memory_space<hbm>>
        tpu.enqueue_dma source(%dma_start3A_90 : memref<40x128xi32, #tpu.memory_space<hbm>>) target(%dma_start3A_87 : memref<40x128xi32, #tpu.memory_space<vmem>>) target_semaphore(%run_scoped3A_78 : memref<!tpu.dma_semaphore, #tpu.memory_space<semaphore_mem>>)
        %dma_wait3A = arith.constant 0 : i32
        %dma_wait3A_91 = arith.constant 0 : i32
        %dma_wait3A_92 = tpu.memref_slice %arg5[%dma_wait3A, %dma_wait3A_91] : memref<40x128xi32, #tpu.memory_space<vmem>> -> memref<40x128xi32, #tpu.memory_space<vmem>>
        %dma_wait3A_93 = arith.constant 0 : i32
        %dma_wait3A_94 = tpu.memref_slice %arg3[%run_scoped3A_34, %mul3A_33, %dma_wait3A_93] : memref<2x2500x128xi32, #tpu.memory_space<hbm>> -> memref<1x40x128xi32, #tpu.memory_space<hbm>>
        %dma_wait3A_95 = tpu.memref_squeeze %dma_wait3A_94 : memref<1x40x128xi32, #tpu.memory_space<hbm>> -> memref<40x128xi32, #tpu.memory_space<hbm>>
        %dma_wait3A_96 = arith.constant 0 : i32
        %dma_wait3A_97 = arith.constant 0 : i32
        %dma_wait3A_98 = tpu.memref_slice %arg5[%dma_wait3A_96, %dma_wait3A_97] : memref<40x128xi32, #tpu.memory_space<vmem>> -> memref<40x128xi32, #tpu.memory_space<vmem>>
        %dma_wait3A_99 = arith.constant 0 : i32
        %dma_wait3A_100 = tpu.memref_slice %arg3[%run_scoped3A_34, %mul3A_33, %dma_wait3A_99] : memref<2x2500x128xi32, #tpu.memory_space<hbm>> -> memref<1x40x128xi32, #tpu.memory_space<hbm>>
        %dma_wait3A_101 = tpu.memref_squeeze %dma_wait3A_100 : memref<1x40x128xi32, #tpu.memory_space<hbm>> -> memref<40x128xi32, #tpu.memory_space<hbm>>
        tpu.wait_dma2 semaphore(%run_scoped3A_78 : memref<!tpu.dma_semaphore, #tpu.memory_space<semaphore_mem>>) src(%dma_wait3A_101 : memref<40x128xi32, #tpu.memory_space<hbm>>) dst(%dma_wait3A_98 : memref<40x128xi32, #tpu.memory_space<vmem>>)
        tpu.yield
      }) : () -> ()
      %dma_start3A = arith.constant 0 : i32
      %dma_start3A_35 = arith.constant 0 : i32
      %dma_start3A_36 = tpu.memref_slice %arg5[%dma_start3A, %dma_start3A_35] : memref<40x128xi32, #tpu.memory_space<vmem>> -> memref<1x128xi32, #tpu.memory_space<vmem>>
      %dma_start3A_37 = tpu.memref_squeeze %dma_start3A_36 : memref<1x128xi32, #tpu.memory_space<vmem>> -> memref<128xi32, #tpu.memory_space<vmem>>
      %dma_start3A_38 = arith.constant 0 : i32
      %dma_start3A_39 = arith.constant 0 : i32
      %dma_start3A_40 = tpu.memref_slice %arg2[%dma_start3A_38, %dma_start3A_39] : memref<10000x128xf32, #tpu.memory_space<hbm>> -> memref<10000x128xf32, #tpu.memory_space<hbm>>
      tpu.enqueue_indirect_dma source(%dma_start3A_40 : memref<10000x128xf32, #tpu.memory_space<hbm>>) target(%arg7 : memref<128x128xf32, #tpu.memory_space<vmem>>) offsets(%dma_start3A_37 : memref<128xi32, #tpu.memory_space<vmem>>) semaphore(%arg10 : memref<!tpu.dma_semaphore, #tpu.memory_space<semaphore_mem>>)
      %dma_start3A_41 = arith.constant 1 : i32
      %dma_start3A_42 = arith.constant 0 : i32
      %dma_start3A_43 = tpu.memref_slice %arg5[%dma_start3A_41, %dma_start3A_42] : memref<40x128xi32, #tpu.memory_space<vmem>> -> memref<1x128xi32, #tpu.memory_space<vmem>>
      %dma_start3A_44 = tpu.memref_squeeze %dma_start3A_43 : memref<1x128xi32, #tpu.memory_space<vmem>> -> memref<128xi32, #tpu.memory_space<vmem>>
      %dma_start3A_45 = arith.constant 0 : i32
      %dma_start3A_46 = arith.constant 0 : i32
      %dma_start3A_47 = tpu.memref_slice %arg2[%dma_start3A_45, %dma_start3A_46] : memref<10000x128xf32, #tpu.memory_space<hbm>> -> memref<10000x128xf32, #tpu.memory_space<hbm>>
      tpu.enqueue_indirect_dma source(%dma_start3A_47 : memref<10000x128xf32, #tpu.memory_space<hbm>>) target(%arg8 : memref<128x128xf32, #tpu.memory_space<vmem>>) offsets(%dma_start3A_44 : memref<128xi32, #tpu.memory_space<vmem>>) semaphore(%arg11 : memref<!tpu.dma_semaphore, #tpu.memory_space<semaphore_mem>>)
      %scan3A_48 = arith.constant 0 : i32
      %scan3A_49 = arith.constant 20 : i32
      %scan3A_50 = arith.addi %scan3A_48, %scan3A_49 : i32
      %scan3A_51 = arith.constant 1 : i32
      scf.for %scan3A_78 = %scan3A_48 to %scan3A_50 step %scan3A_51  : i32 {
        %mul3A_79 = arith.constant 1 : i32
        %mul3A_80 = arith.muli %scan3A_78, %mul3A_79 : i32
        %add3A_81 = arith.constant 0 : i32
        %add3A_82 = arith.addi %add3A_81, %mul3A_80 : i32
        %mul3A_83 = arith.constant 2 : i32
        %mul3A_84 = arith.muli %mul3A_83, %add3A_82 : i32
        %dma_wait3A = arith.constant 0 : i32
        %dma_wait3A_85 = tpu.memref_slice %arg5[%mul3A_84, %dma_wait3A] : memref<40x128xi32, #tpu.memory_space<vmem>> -> memref<1x128xi32, #tpu.memory_space<vmem>>
        %dma_wait3A_86 = tpu.memref_squeeze %dma_wait3A_85 : memref<1x128xi32, #tpu.memory_space<vmem>> -> memref<128xi32, #tpu.memory_space<vmem>>
        %dma_wait3A_87 = arith.constant 0 : i32
        %dma_wait3A_88 = arith.constant 0 : i32
        %dma_wait3A_89 = tpu.memref_slice %arg2[%dma_wait3A_87, %dma_wait3A_88] : memref<10000x128xf32, #tpu.memory_space<hbm>> -> memref<10000x128xf32, #tpu.memory_space<hbm>>
        tpu.wait_indirect_dma semaphore(%arg10 : memref<!tpu.dma_semaphore, #tpu.memory_space<semaphore_mem>>) src(%dma_wait3A_89 : memref<10000x128xf32, #tpu.memory_space<hbm>>) dst(%arg7 : memref<128x128xf32, #tpu.memory_space<vmem>>)
        "tpu.region"() ({
          %run_scoped3A_114 = tpu.sem_alloc : memref<!tpu.dma_semaphore, #tpu.memory_space<semaphore_mem>>
          %dma_start3A_115 = arith.constant 0 : i32
          %dma_start3A_116 = tpu.memref_slice %arg6[%mul3A_84, %dma_start3A_115] : memref<40x128xi32, #tpu.memory_space<vmem>> -> memref<1x128xi32, #tpu.memory_space<vmem>>
          %dma_start3A_117 = tpu.memref_squeeze %dma_start3A_116 : memref<1x128xi32, #tpu.memory_space<vmem>> -> memref<128xi32, #tpu.memory_space<vmem>>
          %dma_start3A_118 = arith.constant 0 : i32
          %dma_start3A_119 = arith.constant 0 : i32
          %dma_start3A_120 = tpu.memref_slice %arg9[%dma_start3A_118, %dma_start3A_119] : memref<10000x128xf32, #tpu.memory_space<vmem_shared>> -> memref<10000x128xf32, #tpu.memory_space<vmem_shared>>
          tpu.enqueue_indirect_dma source(%arg7 : memref<128x128xf32, #tpu.memory_space<vmem>>) target(%dma_start3A_120 : memref<10000x128xf32, #tpu.memory_space<vmem_shared>>) offsets(%dma_start3A_117 : memref<128xi32, #tpu.memory_space<vmem>>) semaphore(%run_scoped3A_114 : memref<!tpu.dma_semaphore, #tpu.memory_space<semaphore_mem>>) {add = true}
          %dma_wait3A_121 = arith.constant 0 : i32
          %dma_wait3A_122 = tpu.memref_slice %arg6[%mul3A_84, %dma_wait3A_121] : memref<40x128xi32, #tpu.memory_space<vmem>> -> memref<1x128xi32, #tpu.memory_space<vmem>>
          %dma_wait3A_123 = tpu.memref_squeeze %dma_wait3A_122 : memref<1x128xi32, #tpu.memory_space<vmem>> -> memref<128xi32, #tpu.memory_space<vmem>>
          %dma_wait3A_124 = arith.constant 0 : i32
          %dma_wait3A_125 = arith.constant 0 : i32
          %dma_wait3A_126 = tpu.memref_slice %arg9[%dma_wait3A_124, %dma_wait3A_125] : memref<10000x128xf32, #tpu.memory_space<vmem_shared>> -> memref<10000x128xf32, #tpu.memory_space<vmem_shared>>
          tpu.wait_indirect_dma semaphore(%run_scoped3A_114 : memref<!tpu.dma_semaphore, #tpu.memory_space<semaphore_mem>>) src(%arg7 : memref<128x128xf32, #tpu.memory_space<vmem>>) dst(%dma_wait3A_126 : memref<10000x128xf32, #tpu.memory_space<vmem_shared>>)
          tpu.yield
        }) : () -> ()
        %add3A_90 = arith.constant 2 : i32
        %add3A_91 = arith.addi %mul3A_84, %add3A_90 : i32
        %lt3A_92 = arith.constant 40 : i32
        %lt3A_93 = arith.cmpi slt, %add3A_91, %lt3A_92 : i32
        %convert_element_type3A_94 = arith.extui %lt3A_93 : i1 to i32
        %cond3A_95 = arith.constant 0 : i32
        %cond3A_96 = arith.cmpi ne, %convert_element_type3A_94, %cond3A_95 : i32
        scf.if %cond3A_96 {
          %add3A_114 = arith.constant 2 : i32
          %add3A_115 = arith.addi %mul3A_84, %add3A_114 : i32
          %dma_start3A_116 = arith.constant 0 : i32
          %dma_start3A_117 = tpu.memref_slice %arg5[%add3A_115, %dma_start3A_116] : memref<40x128xi32, #tpu.memory_space<vmem>> -> memref<1x128xi32, #tpu.memory_space<vmem>>
          %dma_start3A_118 = tpu.memref_squeeze %dma_start3A_117 : memref<1x128xi32, #tpu.memory_space<vmem>> -> memref<128xi32, #tpu.memory_space<vmem>>
          %dma_start3A_119 = arith.constant 0 : i32
          %dma_start3A_120 = arith.constant 0 : i32
          %dma_start3A_121 = tpu.memref_slice %arg2[%dma_start3A_119, %dma_start3A_120] : memref<10000x128xf32, #tpu.memory_space<hbm>> -> memref<10000x128xf32, #tpu.memory_space<hbm>>
          tpu.enqueue_indirect_dma source(%dma_start3A_121 : memref<10000x128xf32, #tpu.memory_space<hbm>>) target(%arg7 : memref<128x128xf32, #tpu.memory_space<vmem>>) offsets(%dma_start3A_118 : memref<128xi32, #tpu.memory_space<vmem>>) semaphore(%arg10 : memref<!tpu.dma_semaphore, #tpu.memory_space<semaphore_mem>>)
        } else {
        }
        %add3A_97 = arith.constant 1 : i32
        %add3A_98 = arith.addi %mul3A_84, %add3A_97 : i32
        %dma_wait3A_99 = arith.constant 0 : i32
        %dma_wait3A_100 = tpu.memref_slice %arg5[%add3A_98, %dma_wait3A_99] : memref<40x128xi32, #tpu.memory_space<vmem>> -> memref<1x128xi32, #tpu.memory_space<vmem>>
        %dma_wait3A_101 = tpu.memref_squeeze %dma_wait3A_100 : memref<1x128xi32, #tpu.memory_space<vmem>> -> memref<128xi32, #tpu.memory_space<vmem>>
        %dma_wait3A_102 = arith.constant 0 : i32
        %dma_wait3A_103 = arith.constant 0 : i32
        %dma_wait3A_104 = tpu.memref_slice %arg2[%dma_wait3A_102, %dma_wait3A_103] : memref<10000x128xf32, #tpu.memory_space<hbm>> -> memref<10000x128xf32, #tpu.memory_space<hbm>>
        tpu.wait_indirect_dma semaphore(%arg11 : memref<!tpu.dma_semaphore, #tpu.memory_space<semaphore_mem>>) src(%dma_wait3A_104 : memref<10000x128xf32, #tpu.memory_space<hbm>>) dst(%arg8 : memref<128x128xf32, #tpu.memory_space<vmem>>)
        %add3A_105 = arith.constant 1 : i32
        %add3A_106 = arith.addi %mul3A_84, %add3A_105 : i32
        "tpu.region"() ({
          %run_scoped3A_114 = tpu.sem_alloc : memref<!tpu.dma_semaphore, #tpu.memory_space<semaphore_mem>>
          %dma_start3A_115 = arith.constant 0 : i32
          %dma_start3A_116 = tpu.memref_slice %arg6[%add3A_106, %dma_start3A_115] : memref<40x128xi32, #tpu.memory_space<vmem>> -> memref<1x128xi32, #tpu.memory_space<vmem>>
          %dma_start3A_117 = tpu.memref_squeeze %dma_start3A_116 : memref<1x128xi32, #tpu.memory_space<vmem>> -> memref<128xi32, #tpu.memory_space<vmem>>
          %dma_start3A_118 = arith.constant 0 : i32
          %dma_start3A_119 = arith.constant 0 : i32
          %dma_start3A_120 = tpu.memref_slice %arg9[%dma_start3A_118, %dma_start3A_119] : memref<10000x128xf32, #tpu.memory_space<vmem_shared>> -> memref<10000x128xf32, #tpu.memory_space<vmem_shared>>
          tpu.enqueue_indirect_dma source(%arg8 : memref<128x128xf32, #tpu.memory_space<vmem>>) target(%dma_start3A_120 : memref<10000x128xf32, #tpu.memory_space<vmem_shared>>) offsets(%dma_start3A_117 : memref<128xi32, #tpu.memory_space<vmem>>) semaphore(%run_scoped3A_114 : memref<!tpu.dma_semaphore, #tpu.memory_space<semaphore_mem>>) {add = true}
          %dma_wait3A_121 = arith.constant 0 : i32
          %dma_wait3A_122 = tpu.memref_slice %arg6[%add3A_106, %dma_wait3A_121] : memref<40x128xi32, #tpu.memory_space<vmem>> -> memref<1x128xi32, #tpu.memory_space<vmem>>
          %dma_wait3A_123 = tpu.memref_squeeze %dma_wait3A_122 : memref<1x128xi32, #tpu.memory_space<vmem>> -> memref<128xi32, #tpu.memory_space<vmem>>
          %dma_wait3A_124 = arith.constant 0 : i32
          %dma_wait3A_125 = arith.constant 0 : i32
          %dma_wait3A_126 = tpu.memref_slice %arg9[%dma_wait3A_124, %dma_wait3A_125] : memref<10000x128xf32, #tpu.memory_space<vmem_shared>> -> memref<10000x128xf32, #tpu.memory_space<vmem_shared>>
          tpu.wait_indirect_dma semaphore(%run_scoped3A_114 : memref<!tpu.dma_semaphore, #tpu.memory_space<semaphore_mem>>) src(%arg8 : memref<128x128xf32, #tpu.memory_space<vmem>>) dst(%dma_wait3A_126 : memref<10000x128xf32, #tpu.memory_space<vmem_shared>>)
          tpu.yield
        }) : () -> ()
        %add3A_107 = arith.constant 3 : i32
        %add3A_108 = arith.addi %mul3A_84, %add3A_107 : i32
        %lt3A_109 = arith.constant 40 : i32
        %lt3A_110 = arith.cmpi slt, %add3A_108, %lt3A_109 : i32
        %convert_element_type3A_111 = arith.extui %lt3A_110 : i1 to i32
        %cond3A_112 = arith.constant 0 : i32
        %cond3A_113 = arith.cmpi ne, %convert_element_type3A_111, %cond3A_112 : i32
        scf.if %cond3A_113 {
          %add3A_114 = arith.constant 3 : i32
          %add3A_115 = arith.addi %mul3A_84, %add3A_114 : i32
          %dma_start3A_116 = arith.constant 0 : i32
          %dma_start3A_117 = tpu.memref_slice %arg5[%add3A_115, %dma_start3A_116] : memref<40x128xi32, #tpu.memory_space<vmem>> -> memref<1x128xi32, #tpu.memory_space<vmem>>
          %dma_start3A_118 = tpu.memref_squeeze %dma_start3A_117 : memref<1x128xi32, #tpu.memory_space<vmem>> -> memref<128xi32, #tpu.memory_space<vmem>>
          %dma_start3A_119 = arith.constant 0 : i32
          %dma_start3A_120 = arith.constant 0 : i32
          %dma_start3A_121 = tpu.memref_slice %arg2[%dma_start3A_119, %dma_start3A_120] : memref<10000x128xf32, #tpu.memory_space<hbm>> -> memref<10000x128xf32, #tpu.memory_space<hbm>>
          tpu.enqueue_indirect_dma source(%dma_start3A_121 : memref<10000x128xf32, #tpu.memory_space<hbm>>) target(%arg8 : memref<128x128xf32, #tpu.memory_space<vmem>>) offsets(%dma_start3A_118 : memref<128xi32, #tpu.memory_space<vmem>>) semaphore(%arg11 : memref<!tpu.dma_semaphore, #tpu.memory_space<semaphore_mem>>)
        } else {
        }
      }
      %scan3A_52 = arith.constant 20 : i32
      %mul3A_53 = arith.constant 80 : i32
      %mul3A_54 = arith.muli %add3A, %mul3A_53 : i32
      %add3A_55 = arith.constant 40 : i32
      %add3A_56 = arith.addi %mul3A_54, %add3A_55 : i32
      %run_scoped3A_57 = arith.constant 1 : i32
      "tpu.region"() ({
        %run_scoped3A_78 = tpu.sem_alloc : memref<!tpu.dma_semaphore, #tpu.memory_space<semaphore_mem>>
        %dma_start3A_79 = arith.constant 0 : i32
        %dma_start3A_80 = arith.constant 0 : i32
        %dma_start3A_81 = tpu.memref_slice %arg6[%dma_start3A_79, %dma_start3A_80] : memref<40x128xi32, #tpu.memory_space<vmem>> -> memref<40x128xi32, #tpu.memory_space<vmem>>
        %dma_start3A_82 = arith.constant 0 : i32
        %dma_start3A_83 = tpu.memref_slice %arg3[%run_scoped3A_57, %add3A_56, %dma_start3A_82] : memref<2x2500x128xi32, #tpu.memory_space<hbm>> -> memref<1x40x128xi32, #tpu.memory_space<hbm>>
        %dma_start3A_84 = tpu.memref_squeeze %dma_start3A_83 : memref<1x40x128xi32, #tpu.memory_space<hbm>> -> memref<40x128xi32, #tpu.memory_space<hbm>>
        %dma_start3A_85 = arith.constant 0 : i32
        %dma_start3A_86 = arith.constant 0 : i32
        %dma_start3A_87 = tpu.memref_slice %arg6[%dma_start3A_85, %dma_start3A_86] : memref<40x128xi32, #tpu.memory_space<vmem>> -> memref<40x128xi32, #tpu.memory_space<vmem>>
        %dma_start3A_88 = arith.constant 0 : i32
        %dma_start3A_89 = tpu.memref_slice %arg3[%run_scoped3A_57, %add3A_56, %dma_start3A_88] : memref<2x2500x128xi32, #tpu.memory_space<hbm>> -> memref<1x40x128xi32, #tpu.memory_space<hbm>>
        %dma_start3A_90 = tpu.memref_squeeze %dma_start3A_89 : memref<1x40x128xi32, #tpu.memory_space<hbm>> -> memref<40x128xi32, #tpu.memory_space<hbm>>
        tpu.enqueue_dma source(%dma_start3A_90 : memref<40x128xi32, #tpu.memory_space<hbm>>) target(%dma_start3A_87 : memref<40x128xi32, #tpu.memory_space<vmem>>) target_semaphore(%run_scoped3A_78 : memref<!tpu.dma_semaphore, #tpu.memory_space<semaphore_mem>>)
        %dma_wait3A = arith.constant 0 : i32
        %dma_wait3A_91 = arith.constant 0 : i32
        %dma_wait3A_92 = tpu.memref_slice %arg6[%dma_wait3A, %dma_wait3A_91] : memref<40x128xi32, #tpu.memory_space<vmem>> -> memref<40x128xi32, #tpu.memory_space<vmem>>
        %dma_wait3A_93 = arith.constant 0 : i32
        %dma_wait3A_94 = tpu.memref_slice %arg3[%run_scoped3A_57, %add3A_56, %dma_wait3A_93] : memref<2x2500x128xi32, #tpu.memory_space<hbm>> -> memref<1x40x128xi32, #tpu.memory_space<hbm>>
        %dma_wait3A_95 = tpu.memref_squeeze %dma_wait3A_94 : memref<1x40x128xi32, #tpu.memory_space<hbm>> -> memref<40x128xi32, #tpu.memory_space<hbm>>
        %dma_wait3A_96 = arith.constant 0 : i32
        %dma_wait3A_97 = arith.constant 0 : i32
        %dma_wait3A_98 = tpu.memref_slice %arg6[%dma_wait3A_96, %dma_wait3A_97] : memref<40x128xi32, #tpu.memory_space<vmem>> -> memref<40x128xi32, #tpu.memory_space<vmem>>
        %dma_wait3A_99 = arith.constant 0 : i32
        %dma_wait3A_100 = tpu.memref_slice %arg3[%run_scoped3A_57, %add3A_56, %dma_wait3A_99] : memref<2x2500x128xi32, #tpu.memory_space<hbm>> -> memref<1x40x128xi32, #tpu.memory_space<hbm>>
        %dma_wait3A_101 = tpu.memref_squeeze %dma_wait3A_100 : memref<1x40x128xi32, #tpu.memory_space<hbm>> -> memref<40x128xi32, #tpu.memory_space<hbm>>
        tpu.wait_dma2 semaphore(%run_scoped3A_78 : memref<!tpu.dma_semaphore, #tpu.memory_space<semaphore_mem>>) src(%dma_wait3A_101 : memref<40x128xi32, #tpu.memory_space<hbm>>) dst(%dma_wait3A_98 : memref<40x128xi32, #tpu.memory_space<vmem>>)
        tpu.yield
      }) : () -> ()
      %run_scoped3A_58 = arith.constant 0 : i32
      "tpu.region"() ({
        %run_scoped3A_78 = tpu.sem_alloc : memref<!tpu.dma_semaphore, #tpu.memory_space<semaphore_mem>>
        %dma_start3A_79 = arith.constant 0 : i32
        %dma_start3A_80 = arith.constant 0 : i32
        %dma_start3A_81 = tpu.memref_slice %arg5[%dma_start3A_79, %dma_start3A_80] : memref<40x128xi32, #tpu.memory_space<vmem>> -> memref<40x128xi32, #tpu.memory_space<vmem>>
        %dma_start3A_82 = arith.constant 0 : i32
        %dma_start3A_83 = tpu.memref_slice %arg3[%run_scoped3A_58, %add3A_56, %dma_start3A_82] : memref<2x2500x128xi32, #tpu.memory_space<hbm>> -> memref<1x40x128xi32, #tpu.memory_space<hbm>>
        %dma_start3A_84 = tpu.memref_squeeze %dma_start3A_83 : memref<1x40x128xi32, #tpu.memory_space<hbm>> -> memref<40x128xi32, #tpu.memory_space<hbm>>
        %dma_start3A_85 = arith.constant 0 : i32
        %dma_start3A_86 = arith.constant 0 : i32
        %dma_start3A_87 = tpu.memref_slice %arg5[%dma_start3A_85, %dma_start3A_86] : memref<40x128xi32, #tpu.memory_space<vmem>> -> memref<40x128xi32, #tpu.memory_space<vmem>>
        %dma_start3A_88 = arith.constant 0 : i32
        %dma_start3A_89 = tpu.memref_slice %arg3[%run_scoped3A_58, %add3A_56, %dma_start3A_88] : memref<2x2500x128xi32, #tpu.memory_space<hbm>> -> memref<1x40x128xi32, #tpu.memory_space<hbm>>
        %dma_start3A_90 = tpu.memref_squeeze %dma_start3A_89 : memref<1x40x128xi32, #tpu.memory_space<hbm>> -> memref<40x128xi32, #tpu.memory_space<hbm>>
        tpu.enqueue_dma source(%dma_start3A_90 : memref<40x128xi32, #tpu.memory_space<hbm>>) target(%dma_start3A_87 : memref<40x128xi32, #tpu.memory_space<vmem>>) target_semaphore(%run_scoped3A_78 : memref<!tpu.dma_semaphore, #tpu.memory_space<semaphore_mem>>)
        %dma_wait3A = arith.constant 0 : i32
        %dma_wait3A_91 = arith.constant 0 : i32
        %dma_wait3A_92 = tpu.memref_slice %arg5[%dma_wait3A, %dma_wait3A_91] : memref<40x128xi32, #tpu.memory_space<vmem>> -> memref<40x128xi32, #tpu.memory_space<vmem>>
        %dma_wait3A_93 = arith.constant 0 : i32
        %dma_wait3A_94 = tpu.memref_slice %arg3[%run_scoped3A_58, %add3A_56, %dma_wait3A_93] : memref<2x2500x128xi32, #tpu.memory_space<hbm>> -> memref<1x40x128xi32, #tpu.memory_space<hbm>>
        %dma_wait3A_95 = tpu.memref_squeeze %dma_wait3A_94 : memref<1x40x128xi32, #tpu.memory_space<hbm>> -> memref<40x128xi32, #tpu.memory_space<hbm>>
        %dma_wait3A_96 = arith.constant 0 : i32
        %dma_wait3A_97 = arith.constant 0 : i32
        %dma_wait3A_98 = tpu.memref_slice %arg5[%dma_wait3A_96, %dma_wait3A_97] : memref<40x128xi32, #tpu.memory_space<vmem>> -> memref<40x128xi32, #tpu.memory_space<vmem>>
        %dma_wait3A_99 = arith.constant 0 : i32
        %dma_wait3A_100 = tpu.memref_slice %arg3[%run_scoped3A_58, %add3A_56, %dma_wait3A_99] : memref<2x2500x128xi32, #tpu.memory_space<hbm>> -> memref<1x40x128xi32, #tpu.memory_space<hbm>>
        %dma_wait3A_101 = tpu.memref_squeeze %dma_wait3A_100 : memref<1x40x128xi32, #tpu.memory_space<hbm>> -> memref<40x128xi32, #tpu.memory_space<hbm>>
        tpu.wait_dma2 semaphore(%run_scoped3A_78 : memref<!tpu.dma_semaphore, #tpu.memory_space<semaphore_mem>>) src(%dma_wait3A_101 : memref<40x128xi32, #tpu.memory_space<hbm>>) dst(%dma_wait3A_98 : memref<40x128xi32, #tpu.memory_space<vmem>>)
        tpu.yield
      }) : () -> ()
      %dma_start3A_59 = arith.constant 0 : i32
      %dma_start3A_60 = arith.constant 0 : i32
      %dma_start3A_61 = tpu.memref_slice %arg5[%dma_start3A_59, %dma_start3A_60] : memref<40x128xi32, #tpu.memory_space<vmem>> -> memref<1x128xi32, #tpu.memory_space<vmem>>
      %dma_start3A_62 = tpu.memref_squeeze %dma_start3A_61 : memref<1x128xi32, #tpu.memory_space<vmem>> -> memref<128xi32, #tpu.memory_space<vmem>>
      %dma_start3A_63 = arith.constant 0 : i32
      %dma_start3A_64 = arith.constant 0 : i32
      %dma_start3A_65 = tpu.memref_slice %arg2[%dma_start3A_63, %dma_start3A_64] : memref<10000x128xf32, #tpu.memory_space<hbm>> -> memref<10000x128xf32, #tpu.memory_space<hbm>>
      tpu.enqueue_indirect_dma source(%dma_start3A_65 : memref<10000x128xf32, #tpu.memory_space<hbm>>) target(%arg7 : memref<128x128xf32, #tpu.memory_space<vmem>>) offsets(%dma_start3A_62 : memref<128xi32, #tpu.memory_space<vmem>>) semaphore(%arg10 : memref<!tpu.dma_semaphore, #tpu.memory_space<semaphore_mem>>)
      %dma_start3A_66 = arith.constant 1 : i32
      %dma_start3A_67 = arith.constant 0 : i32
      %dma_start3A_68 = tpu.memref_slice %arg5[%dma_start3A_66, %dma_start3A_67] : memref<40x128xi32, #tpu.memory_space<vmem>> -> memref<1x128xi32, #tpu.memory_space<vmem>>
      %dma_start3A_69 = tpu.memref_squeeze %dma_start3A_68 : memref<1x128xi32, #tpu.memory_space<vmem>> -> memref<128xi32, #tpu.memory_space<vmem>>
      %dma_start3A_70 = arith.constant 0 : i32
      %dma_start3A_71 = arith.constant 0 : i32
      %dma_start3A_72 = tpu.memref_slice %arg2[%dma_start3A_70, %dma_start3A_71] : memref<10000x128xf32, #tpu.memory_space<hbm>> -> memref<10000x128xf32, #tpu.memory_space<hbm>>
      tpu.enqueue_indirect_dma source(%dma_start3A_72 : memref<10000x128xf32, #tpu.memory_space<hbm>>) target(%arg8 : memref<128x128xf32, #tpu.memory_space<vmem>>) offsets(%dma_start3A_69 : memref<128xi32, #tpu.memory_space<vmem>>) semaphore(%arg11 : memref<!tpu.dma_semaphore, #tpu.memory_space<semaphore_mem>>)
      %scan3A_73 = arith.constant 0 : i32
      %scan3A_74 = arith.constant 20 : i32
      %scan3A_75 = arith.addi %scan3A_73, %scan3A_74 : i32
      %scan3A_76 = arith.constant 1 : i32
      scf.for %scan3A_78 = %scan3A_73 to %scan3A_75 step %scan3A_76  : i32 {
        %mul3A_79 = arith.constant 1 : i32
        %mul3A_80 = arith.muli %scan3A_78, %mul3A_79 : i32
        %add3A_81 = arith.constant 0 : i32
        %add3A_82 = arith.addi %add3A_81, %mul3A_80 : i32
        %mul3A_83 = arith.constant 2 : i32
        %mul3A_84 = arith.muli %mul3A_83, %add3A_82 : i32
        %dma_wait3A = arith.constant 0 : i32
        %dma_wait3A_85 = tpu.memref_slice %arg5[%mul3A_84, %dma_wait3A] : memref<40x128xi32, #tpu.memory_space<vmem>> -> memref<1x128xi32, #tpu.memory_space<vmem>>
        %dma_wait3A_86 = tpu.memref_squeeze %dma_wait3A_85 : memref<1x128xi32, #tpu.memory_space<vmem>> -> memref<128xi32, #tpu.memory_space<vmem>>
        %dma_wait3A_87 = arith.constant 0 : i32
        %dma_wait3A_88 = arith.constant 0 : i32
        %dma_wait3A_89 = tpu.memref_slice %arg2[%dma_wait3A_87, %dma_wait3A_88] : memref<10000x128xf32, #tpu.memory_space<hbm>> -> memref<10000x128xf32, #tpu.memory_space<hbm>>
        tpu.wait_indirect_dma semaphore(%arg10 : memref<!tpu.dma_semaphore, #tpu.memory_space<semaphore_mem>>) src(%dma_wait3A_89 : memref<10000x128xf32, #tpu.memory_space<hbm>>) dst(%arg7 : memref<128x128xf32, #tpu.memory_space<vmem>>)
        "tpu.region"() ({
          %run_scoped3A_114 = tpu.sem_alloc : memref<!tpu.dma_semaphore, #tpu.memory_space<semaphore_mem>>
          %dma_start3A_115 = arith.constant 0 : i32
          %dma_start3A_116 = tpu.memref_slice %arg6[%mul3A_84, %dma_start3A_115] : memref<40x128xi32, #tpu.memory_space<vmem>> -> memref<1x128xi32, #tpu.memory_space<vmem>>
          %dma_start3A_117 = tpu.memref_squeeze %dma_start3A_116 : memref<1x128xi32, #tpu.memory_space<vmem>> -> memref<128xi32, #tpu.memory_space<vmem>>
          %dma_start3A_118 = arith.constant 0 : i32
          %dma_start3A_119 = arith.constant 0 : i32
          %dma_start3A_120 = tpu.memref_slice %arg9[%dma_start3A_118, %dma_start3A_119] : memref<10000x128xf32, #tpu.memory_space<vmem_shared>> -> memref<10000x128xf32, #tpu.memory_space<vmem_shared>>
          tpu.enqueue_indirect_dma source(%arg7 : memref<128x128xf32, #tpu.memory_space<vmem>>) target(%dma_start3A_120 : memref<10000x128xf32, #tpu.memory_space<vmem_shared>>) offsets(%dma_start3A_117 : memref<128xi32, #tpu.memory_space<vmem>>) semaphore(%run_scoped3A_114 : memref<!tpu.dma_semaphore, #tpu.memory_space<semaphore_mem>>) {add = true}
          %dma_wait3A_121 = arith.constant 0 : i32
          %dma_wait3A_122 = tpu.memref_slice %arg6[%mul3A_84, %dma_wait3A_121] : memref<40x128xi32, #tpu.memory_space<vmem>> -> memref<1x128xi32, #tpu.memory_space<vmem>>
          %dma_wait3A_123 = tpu.memref_squeeze %dma_wait3A_122 : memref<1x128xi32, #tpu.memory_space<vmem>> -> memref<128xi32, #tpu.memory_space<vmem>>
          %dma_wait3A_124 = arith.constant 0 : i32
          %dma_wait3A_125 = arith.constant 0 : i32
          %dma_wait3A_126 = tpu.memref_slice %arg9[%dma_wait3A_124, %dma_wait3A_125] : memref<10000x128xf32, #tpu.memory_space<vmem_shared>> -> memref<10000x128xf32, #tpu.memory_space<vmem_shared>>
          tpu.wait_indirect_dma semaphore(%run_scoped3A_114 : memref<!tpu.dma_semaphore, #tpu.memory_space<semaphore_mem>>) src(%arg7 : memref<128x128xf32, #tpu.memory_space<vmem>>) dst(%dma_wait3A_126 : memref<10000x128xf32, #tpu.memory_space<vmem_shared>>)
          tpu.yield
        }) : () -> ()
        %add3A_90 = arith.constant 2 : i32
        %add3A_91 = arith.addi %mul3A_84, %add3A_90 : i32
        %lt3A_92 = arith.constant 40 : i32
        %lt3A_93 = arith.cmpi slt, %add3A_91, %lt3A_92 : i32
        %convert_element_type3A_94 = arith.extui %lt3A_93 : i1 to i32
        %cond3A_95 = arith.constant 0 : i32
        %cond3A_96 = arith.cmpi ne, %convert_element_type3A_94, %cond3A_95 : i32
        scf.if %cond3A_96 {
          %add3A_114 = arith.constant 2 : i32
          %add3A_115 = arith.addi %mul3A_84, %add3A_114 : i32
          %dma_start3A_116 = arith.constant 0 : i32
          %dma_start3A_117 = tpu.memref_slice %arg5[%add3A_115, %dma_start3A_116] : memref<40x128xi32, #tpu.memory_space<vmem>> -> memref<1x128xi32, #tpu.memory_space<vmem>>
          %dma_start3A_118 = tpu.memref_squeeze %dma_start3A_117 : memref<1x128xi32, #tpu.memory_space<vmem>> -> memref<128xi32, #tpu.memory_space<vmem>>
          %dma_start3A_119 = arith.constant 0 : i32
          %dma_start3A_120 = arith.constant 0 : i32
          %dma_start3A_121 = tpu.memref_slice %arg2[%dma_start3A_119, %dma_start3A_120] : memref<10000x128xf32, #tpu.memory_space<hbm>> -> memref<10000x128xf32, #tpu.memory_space<hbm>>
          tpu.enqueue_indirect_dma source(%dma_start3A_121 : memref<10000x128xf32, #tpu.memory_space<hbm>>) target(%arg7 : memref<128x128xf32, #tpu.memory_space<vmem>>) offsets(%dma_start3A_118 : memref<128xi32, #tpu.memory_space<vmem>>) semaphore(%arg10 : memref<!tpu.dma_semaphore, #tpu.memory_space<semaphore_mem>>)
        } else {
        }
        %add3A_97 = arith.constant 1 : i32
        %add3A_98 = arith.addi %mul3A_84, %add3A_97 : i32
        %dma_wait3A_99 = arith.constant 0 : i32
        %dma_wait3A_100 = tpu.memref_slice %arg5[%add3A_98, %dma_wait3A_99] : memref<40x128xi32, #tpu.memory_space<vmem>> -> memref<1x128xi32, #tpu.memory_space<vmem>>
        %dma_wait3A_101 = tpu.memref_squeeze %dma_wait3A_100 : memref<1x128xi32, #tpu.memory_space<vmem>> -> memref<128xi32, #tpu.memory_space<vmem>>
        %dma_wait3A_102 = arith.constant 0 : i32
        %dma_wait3A_103 = arith.constant 0 : i32
        %dma_wait3A_104 = tpu.memref_slice %arg2[%dma_wait3A_102, %dma_wait3A_103] : memref<10000x128xf32, #tpu.memory_space<hbm>> -> memref<10000x128xf32, #tpu.memory_space<hbm>>
        tpu.wait_indirect_dma semaphore(%arg11 : memref<!tpu.dma_semaphore, #tpu.memory_space<semaphore_mem>>) src(%dma_wait3A_104 : memref<10000x128xf32, #tpu.memory_space<hbm>>) dst(%arg8 : memref<128x128xf32, #tpu.memory_space<vmem>>)
        %add3A_105 = arith.constant 1 : i32
        %add3A_106 = arith.addi %mul3A_84, %add3A_105 : i32
        "tpu.region"() ({
          %run_scoped3A_114 = tpu.sem_alloc : memref<!tpu.dma_semaphore, #tpu.memory_space<semaphore_mem>>
          %dma_start3A_115 = arith.constant 0 : i32
          %dma_start3A_116 = tpu.memref_slice %arg6[%add3A_106, %dma_start3A_115] : memref<40x128xi32, #tpu.memory_space<vmem>> -> memref<1x128xi32, #tpu.memory_space<vmem>>
          %dma_start3A_117 = tpu.memref_squeeze %dma_start3A_116 : memref<1x128xi32, #tpu.memory_space<vmem>> -> memref<128xi32, #tpu.memory_space<vmem>>
          %dma_start3A_118 = arith.constant 0 : i32
          %dma_start3A_119 = arith.constant 0 : i32
          %dma_start3A_120 = tpu.memref_slice %arg9[%dma_start3A_118, %dma_start3A_119] : memref<10000x128xf32, #tpu.memory_space<vmem_shared>> -> memref<10000x128xf32, #tpu.memory_space<vmem_shared>>
          tpu.enqueue_indirect_dma source(%arg8 : memref<128x128xf32, #tpu.memory_space<vmem>>) target(%dma_start3A_120 : memref<10000x128xf32, #tpu.memory_space<vmem_shared>>) offsets(%dma_start3A_117 : memref<128xi32, #tpu.memory_space<vmem>>) semaphore(%run_scoped3A_114 : memref<!tpu.dma_semaphore, #tpu.memory_space<semaphore_mem>>) {add = true}
          %dma_wait3A_121 = arith.constant 0 : i32
          %dma_wait3A_122 = tpu.memref_slice %arg6[%add3A_106, %dma_wait3A_121] : memref<40x128xi32, #tpu.memory_space<vmem>> -> memref<1x128xi32, #tpu.memory_space<vmem>>
          %dma_wait3A_123 = tpu.memref_squeeze %dma_wait3A_122 : memref<1x128xi32, #tpu.memory_space<vmem>> -> memref<128xi32, #tpu.memory_space<vmem>>
          %dma_wait3A_124 = arith.constant 0 : i32
          %dma_wait3A_125 = arith.constant 0 : i32
          %dma_wait3A_126 = tpu.memref_slice %arg9[%dma_wait3A_124, %dma_wait3A_125] : memref<10000x128xf32, #tpu.memory_space<vmem_shared>> -> memref<10000x128xf32, #tpu.memory_space<vmem_shared>>
          tpu.wait_indirect_dma semaphore(%run_scoped3A_114 : memref<!tpu.dma_semaphore, #tpu.memory_space<semaphore_mem>>) src(%arg8 : memref<128x128xf32, #tpu.memory_space<vmem>>) dst(%dma_wait3A_126 : memref<10000x128xf32, #tpu.memory_space<vmem_shared>>)
          tpu.yield
        }) : () -> ()
        %add3A_107 = arith.constant 3 : i32
        %add3A_108 = arith.addi %mul3A_84, %add3A_107 : i32
        %lt3A_109 = arith.constant 40 : i32
        %lt3A_110 = arith.cmpi slt, %add3A_108, %lt3A_109 : i32
        %convert_element_type3A_111 = arith.extui %lt3A_110 : i1 to i32
        %cond3A_112 = arith.constant 0 : i32
        %cond3A_113 = arith.cmpi ne, %convert_element_type3A_111, %cond3A_112 : i32
        scf.if %cond3A_113 {
          %add3A_114 = arith.constant 3 : i32
          %add3A_115 = arith.addi %mul3A_84, %add3A_114 : i32
          %dma_start3A_116 = arith.constant 0 : i32
          %dma_start3A_117 = tpu.memref_slice %arg5[%add3A_115, %dma_start3A_116] : memref<40x128xi32, #tpu.memory_space<vmem>> -> memref<1x128xi32, #tpu.memory_space<vmem>>
          %dma_start3A_118 = tpu.memref_squeeze %dma_start3A_117 : memref<1x128xi32, #tpu.memory_space<vmem>> -> memref<128xi32, #tpu.memory_space<vmem>>
          %dma_start3A_119 = arith.constant 0 : i32
          %dma_start3A_120 = arith.constant 0 : i32
          %dma_start3A_121 = tpu.memref_slice %arg2[%dma_start3A_119, %dma_start3A_120] : memref<10000x128xf32, #tpu.memory_space<hbm>> -> memref<10000x128xf32, #tpu.memory_space<hbm>>
          tpu.enqueue_indirect_dma source(%dma_start3A_121 : memref<10000x128xf32, #tpu.memory_space<hbm>>) target(%arg8 : memref<128x128xf32, #tpu.memory_space<vmem>>) offsets(%dma_start3A_118 : memref<128xi32, #tpu.memory_space<vmem>>) semaphore(%arg11 : memref<!tpu.dma_semaphore, #tpu.memory_space<semaphore_mem>>)
        } else {
        }
      }
      %scan3A_77 = arith.constant 20 : i32
    } else {
    }
    %eq3A_23 = arith.constant 31 : i32
    %eq3A_24 = arith.cmpi eq, %add3A, %eq3A_23 : i32
    %convert_element_type3A_25 = arith.extui %eq3A_24 : i1 to i32
    %cond3A_26 = arith.constant 0 : i32
    %cond3A_27 = arith.cmpi ne, %convert_element_type3A_25, %cond3A_26 : i32
    scf.if %cond3A_27 {
      %run_scoped3A = arith.constant 1 : i32
      "tpu.region"() ({
        %run_scoped3A_51 = tpu.sem_alloc : memref<!tpu.dma_semaphore, #tpu.memory_space<semaphore_mem>>
        %dma_start3A_52 = arith.constant 0 : i32
        %dma_start3A_53 = arith.constant 0 : i32
        %dma_start3A_54 = tpu.memref_slice %arg6[%dma_start3A_52, %dma_start3A_53] : memref<40x128xi32, #tpu.memory_space<vmem>> -> memref<20x128xi32, #tpu.memory_space<vmem>>
        %dma_start3A_55 = arith.constant 2480 : i32
        %dma_start3A_56 = arith.constant 0 : i32
        %dma_start3A_57 = tpu.memref_slice %arg3[%run_scoped3A, %dma_start3A_55, %dma_start3A_56] : memref<2x2500x128xi32, #tpu.memory_space<hbm>> -> memref<1x20x128xi32, #tpu.memory_space<hbm>>
        %dma_start3A_58 = tpu.memref_squeeze %dma_start3A_57 : memref<1x20x128xi32, #tpu.memory_space<hbm>> -> memref<20x128xi32, #tpu.memory_space<hbm>>
        %dma_start3A_59 = arith.constant 0 : i32
        %dma_start3A_60 = arith.constant 0 : i32
        %dma_start3A_61 = tpu.memref_slice %arg6[%dma_start3A_59, %dma_start3A_60] : memref<40x128xi32, #tpu.memory_space<vmem>> -> memref<20x128xi32, #tpu.memory_space<vmem>>
        %dma_start3A_62 = arith.constant 2480 : i32
        %dma_start3A_63 = arith.constant 0 : i32
        %dma_start3A_64 = tpu.memref_slice %arg3[%run_scoped3A, %dma_start3A_62, %dma_start3A_63] : memref<2x2500x128xi32, #tpu.memory_space<hbm>> -> memref<1x20x128xi32, #tpu.memory_space<hbm>>
        %dma_start3A_65 = tpu.memref_squeeze %dma_start3A_64 : memref<1x20x128xi32, #tpu.memory_space<hbm>> -> memref<20x128xi32, #tpu.memory_space<hbm>>
        tpu.enqueue_dma source(%dma_start3A_65 : memref<20x128xi32, #tpu.memory_space<hbm>>) target(%dma_start3A_61 : memref<20x128xi32, #tpu.memory_space<vmem>>) target_semaphore(%run_scoped3A_51 : memref<!tpu.dma_semaphore, #tpu.memory_space<semaphore_mem>>)
        %dma_wait3A = arith.constant 0 : i32
        %dma_wait3A_66 = arith.constant 0 : i32
        %dma_wait3A_67 = tpu.memref_slice %arg6[%dma_wait3A, %dma_wait3A_66] : memref<40x128xi32, #tpu.memory_space<vmem>> -> memref<20x128xi32, #tpu.memory_space<vmem>>
        %dma_wait3A_68 = arith.constant 2480 : i32
        %dma_wait3A_69 = arith.constant 0 : i32
        %dma_wait3A_70 = tpu.memref_slice %arg3[%run_scoped3A, %dma_wait3A_68, %dma_wait3A_69] : memref<2x2500x128xi32, #tpu.memory_space<hbm>> -> memref<1x20x128xi32, #tpu.memory_space<hbm>>
        %dma_wait3A_71 = tpu.memref_squeeze %dma_wait3A_70 : memref<1x20x128xi32, #tpu.memory_space<hbm>> -> memref<20x128xi32, #tpu.memory_space<hbm>>
        %dma_wait3A_72 = arith.constant 0 : i32
        %dma_wait3A_73 = arith.constant 0 : i32
        %dma_wait3A_74 = tpu.memref_slice %arg6[%dma_wait3A_72, %dma_wait3A_73] : memref<40x128xi32, #tpu.memory_space<vmem>> -> memref<20x128xi32, #tpu.memory_space<vmem>>
        %dma_wait3A_75 = arith.constant 2480 : i32
        %dma_wait3A_76 = arith.constant 0 : i32
        %dma_wait3A_77 = tpu.memref_slice %arg3[%run_scoped3A, %dma_wait3A_75, %dma_wait3A_76] : memref<2x2500x128xi32, #tpu.memory_space<hbm>> -> memref<1x20x128xi32, #tpu.memory_space<hbm>>
        %dma_wait3A_78 = tpu.memref_squeeze %dma_wait3A_77 : memref<1x20x128xi32, #tpu.memory_space<hbm>> -> memref<20x128xi32, #tpu.memory_space<hbm>>
        tpu.wait_dma2 semaphore(%run_scoped3A_51 : memref<!tpu.dma_semaphore, #tpu.memory_space<semaphore_mem>>) src(%dma_wait3A_78 : memref<20x128xi32, #tpu.memory_space<hbm>>) dst(%dma_wait3A_74 : memref<20x128xi32, #tpu.memory_space<vmem>>)
        tpu.yield
      }) : () -> ()
      %run_scoped3A_32 = arith.constant 0 : i32
      "tpu.region"() ({
        %run_scoped3A_51 = tpu.sem_alloc : memref<!tpu.dma_semaphore, #tpu.memory_space<semaphore_mem>>
        %dma_start3A_52 = arith.constant 0 : i32
        %dma_start3A_53 = arith.constant 0 : i32
        %dma_start3A_54 = tpu.memref_slice %arg5[%dma_start3A_52, %dma_start3A_53] : memref<40x128xi32, #tpu.memory_space<vmem>> -> memref<20x128xi32, #tpu.memory_space<vmem>>
        %dma_start3A_55 = arith.constant 2480 : i32
        %dma_start3A_56 = arith.constant 0 : i32
        %dma_start3A_57 = tpu.memref_slice %arg3[%run_scoped3A_32, %dma_start3A_55, %dma_start3A_56] : memref<2x2500x128xi32, #tpu.memory_space<hbm>> -> memref<1x20x128xi32, #tpu.memory_space<hbm>>
        %dma_start3A_58 = tpu.memref_squeeze %dma_start3A_57 : memref<1x20x128xi32, #tpu.memory_space<hbm>> -> memref<20x128xi32, #tpu.memory_space<hbm>>
        %dma_start3A_59 = arith.constant 0 : i32
        %dma_start3A_60 = arith.constant 0 : i32
        %dma_start3A_61 = tpu.memref_slice %arg5[%dma_start3A_59, %dma_start3A_60] : memref<40x128xi32, #tpu.memory_space<vmem>> -> memref<20x128xi32, #tpu.memory_space<vmem>>
        %dma_start3A_62 = arith.constant 2480 : i32
        %dma_start3A_63 = arith.constant 0 : i32
        %dma_start3A_64 = tpu.memref_slice %arg3[%run_scoped3A_32, %dma_start3A_62, %dma_start3A_63] : memref<2x2500x128xi32, #tpu.memory_space<hbm>> -> memref<1x20x128xi32, #tpu.memory_space<hbm>>
        %dma_start3A_65 = tpu.memref_squeeze %dma_start3A_64 : memref<1x20x128xi32, #tpu.memory_space<hbm>> -> memref<20x128xi32, #tpu.memory_space<hbm>>
        tpu.enqueue_dma source(%dma_start3A_65 : memref<20x128xi32, #tpu.memory_space<hbm>>) target(%dma_start3A_61 : memref<20x128xi32, #tpu.memory_space<vmem>>) target_semaphore(%run_scoped3A_51 : memref<!tpu.dma_semaphore, #tpu.memory_space<semaphore_mem>>)
        %dma_wait3A = arith.constant 0 : i32
        %dma_wait3A_66 = arith.constant 0 : i32
        %dma_wait3A_67 = tpu.memref_slice %arg5[%dma_wait3A, %dma_wait3A_66] : memref<40x128xi32, #tpu.memory_space<vmem>> -> memref<20x128xi32, #tpu.memory_space<vmem>>
        %dma_wait3A_68 = arith.constant 2480 : i32
        %dma_wait3A_69 = arith.constant 0 : i32
        %dma_wait3A_70 = tpu.memref_slice %arg3[%run_scoped3A_32, %dma_wait3A_68, %dma_wait3A_69] : memref<2x2500x128xi32, #tpu.memory_space<hbm>> -> memref<1x20x128xi32, #tpu.memory_space<hbm>>
        %dma_wait3A_71 = tpu.memref_squeeze %dma_wait3A_70 : memref<1x20x128xi32, #tpu.memory_space<hbm>> -> memref<20x128xi32, #tpu.memory_space<hbm>>
        %dma_wait3A_72 = arith.constant 0 : i32
        %dma_wait3A_73 = arith.constant 0 : i32
        %dma_wait3A_74 = tpu.memref_slice %arg5[%dma_wait3A_72, %dma_wait3A_73] : memref<40x128xi32, #tpu.memory_space<vmem>> -> memref<20x128xi32, #tpu.memory_space<vmem>>
        %dma_wait3A_75 = arith.constant 2480 : i32
        %dma_wait3A_76 = arith.constant 0 : i32
        %dma_wait3A_77 = tpu.memref_slice %arg3[%run_scoped3A_32, %dma_wait3A_75, %dma_wait3A_76] : memref<2x2500x128xi32, #tpu.memory_space<hbm>> -> memref<1x20x128xi32, #tpu.memory_space<hbm>>
        %dma_wait3A_78 = tpu.memref_squeeze %dma_wait3A_77 : memref<1x20x128xi32, #tpu.memory_space<hbm>> -> memref<20x128xi32, #tpu.memory_space<hbm>>
        tpu.wait_dma2 semaphore(%run_scoped3A_51 : memref<!tpu.dma_semaphore, #tpu.memory_space<semaphore_mem>>) src(%dma_wait3A_78 : memref<20x128xi32, #tpu.memory_space<hbm>>) dst(%dma_wait3A_74 : memref<20x128xi32, #tpu.memory_space<vmem>>)
        tpu.yield
      }) : () -> ()
      %dma_start3A = arith.constant 0 : i32
      %dma_start3A_33 = arith.constant 0 : i32
      %dma_start3A_34 = tpu.memref_slice %arg5[%dma_start3A, %dma_start3A_33] : memref<40x128xi32, #tpu.memory_space<vmem>> -> memref<1x128xi32, #tpu.memory_space<vmem>>
      %dma_start3A_35 = tpu.memref_squeeze %dma_start3A_34 : memref<1x128xi32, #tpu.memory_space<vmem>> -> memref<128xi32, #tpu.memory_space<vmem>>
      %dma_start3A_36 = arith.constant 0 : i32
      %dma_start3A_37 = arith.constant 0 : i32
      %dma_start3A_38 = tpu.memref_slice %arg2[%dma_start3A_36, %dma_start3A_37] : memref<10000x128xf32, #tpu.memory_space<hbm>> -> memref<10000x128xf32, #tpu.memory_space<hbm>>
      tpu.enqueue_indirect_dma source(%dma_start3A_38 : memref<10000x128xf32, #tpu.memory_space<hbm>>) target(%arg7 : memref<128x128xf32, #tpu.memory_space<vmem>>) offsets(%dma_start3A_35 : memref<128xi32, #tpu.memory_space<vmem>>) semaphore(%arg10 : memref<!tpu.dma_semaphore, #tpu.memory_space<semaphore_mem>>)
      %dma_start3A_39 = arith.constant 1 : i32
      %dma_start3A_40 = arith.constant 0 : i32
      %dma_start3A_41 = tpu.memref_slice %arg5[%dma_start3A_39, %dma_start3A_40] : memref<40x128xi32, #tpu.memory_space<vmem>> -> memref<1x128xi32, #tpu.memory_space<vmem>>
      %dma_start3A_42 = tpu.memref_squeeze %dma_start3A_41 : memref<1x128xi32, #tpu.memory_space<vmem>> -> memref<128xi32, #tpu.memory_space<vmem>>
      %dma_start3A_43 = arith.constant 0 : i32
      %dma_start3A_44 = arith.constant 0 : i32
      %dma_start3A_45 = tpu.memref_slice %arg2[%dma_start3A_43, %dma_start3A_44] : memref<10000x128xf32, #tpu.memory_space<hbm>> -> memref<10000x128xf32, #tpu.memory_space<hbm>>
      tpu.enqueue_indirect_dma source(%dma_start3A_45 : memref<10000x128xf32, #tpu.memory_space<hbm>>) target(%arg8 : memref<128x128xf32, #tpu.memory_space<vmem>>) offsets(%dma_start3A_42 : memref<128xi32, #tpu.memory_space<vmem>>) semaphore(%arg11 : memref<!tpu.dma_semaphore, #tpu.memory_space<semaphore_mem>>)
      %scan3A_46 = arith.constant 0 : i32
      %scan3A_47 = arith.constant 10 : i32
      %scan3A_48 = arith.addi %scan3A_46, %scan3A_47 : i32
      %scan3A_49 = arith.constant 1 : i32
      scf.for %scan3A_51 = %scan3A_46 to %scan3A_48 step %scan3A_49  : i32 {
        %mul3A_52 = arith.constant 1 : i32
        %mul3A_53 = arith.muli %scan3A_51, %mul3A_52 : i32
        %add3A_54 = arith.constant 0 : i32
        %add3A_55 = arith.addi %add3A_54, %mul3A_53 : i32
        %mul3A_56 = arith.constant 2 : i32
        %mul3A_57 = arith.muli %mul3A_56, %add3A_55 : i32
        %dma_wait3A = arith.constant 0 : i32
        %dma_wait3A_58 = tpu.memref_slice %arg5[%mul3A_57, %dma_wait3A] : memref<40x128xi32, #tpu.memory_space<vmem>> -> memref<1x128xi32, #tpu.memory_space<vmem>>
        %dma_wait3A_59 = tpu.memref_squeeze %dma_wait3A_58 : memref<1x128xi32, #tpu.memory_space<vmem>> -> memref<128xi32, #tpu.memory_space<vmem>>
        %dma_wait3A_60 = arith.constant 0 : i32
        %dma_wait3A_61 = arith.constant 0 : i32
        %dma_wait3A_62 = tpu.memref_slice %arg2[%dma_wait3A_60, %dma_wait3A_61] : memref<10000x128xf32, #tpu.memory_space<hbm>> -> memref<10000x128xf32, #tpu.memory_space<hbm>>
        tpu.wait_indirect_dma semaphore(%arg10 : memref<!tpu.dma_semaphore, #tpu.memory_space<semaphore_mem>>) src(%dma_wait3A_62 : memref<10000x128xf32, #tpu.memory_space<hbm>>) dst(%arg7 : memref<128x128xf32, #tpu.memory_space<vmem>>)
        "tpu.region"() ({
          %run_scoped3A_87 = tpu.sem_alloc : memref<!tpu.dma_semaphore, #tpu.memory_space<semaphore_mem>>
          %dma_start3A_88 = arith.constant 0 : i32
          %dma_start3A_89 = tpu.memref_slice %arg6[%mul3A_57, %dma_start3A_88] : memref<40x128xi32, #tpu.memory_space<vmem>> -> memref<1x128xi32, #tpu.memory_space<vmem>>
          %dma_start3A_90 = tpu.memref_squeeze %dma_start3A_89 : memref<1x128xi32, #tpu.memory_space<vmem>> -> memref<128xi32, #tpu.memory_space<vmem>>
          %dma_start3A_91 = arith.constant 0 : i32
          %dma_start3A_92 = arith.constant 0 : i32
          %dma_start3A_93 = tpu.memref_slice %arg9[%dma_start3A_91, %dma_start3A_92] : memref<10000x128xf32, #tpu.memory_space<vmem_shared>> -> memref<10000x128xf32, #tpu.memory_space<vmem_shared>>
          tpu.enqueue_indirect_dma source(%arg7 : memref<128x128xf32, #tpu.memory_space<vmem>>) target(%dma_start3A_93 : memref<10000x128xf32, #tpu.memory_space<vmem_shared>>) offsets(%dma_start3A_90 : memref<128xi32, #tpu.memory_space<vmem>>) semaphore(%run_scoped3A_87 : memref<!tpu.dma_semaphore, #tpu.memory_space<semaphore_mem>>) {add = true}
          %dma_wait3A_94 = arith.constant 0 : i32
          %dma_wait3A_95 = tpu.memref_slice %arg6[%mul3A_57, %dma_wait3A_94] : memref<40x128xi32, #tpu.memory_space<vmem>> -> memref<1x128xi32, #tpu.memory_space<vmem>>
          %dma_wait3A_96 = tpu.memref_squeeze %dma_wait3A_95 : memref<1x128xi32, #tpu.memory_space<vmem>> -> memref<128xi32, #tpu.memory_space<vmem>>
          %dma_wait3A_97 = arith.constant 0 : i32
          %dma_wait3A_98 = arith.constant 0 : i32
          %dma_wait3A_99 = tpu.memref_slice %arg9[%dma_wait3A_97, %dma_wait3A_98] : memref<10000x128xf32, #tpu.memory_space<vmem_shared>> -> memref<10000x128xf32, #tpu.memory_space<vmem_shared>>
          tpu.wait_indirect_dma semaphore(%run_scoped3A_87 : memref<!tpu.dma_semaphore, #tpu.memory_space<semaphore_mem>>) src(%arg7 : memref<128x128xf32, #tpu.memory_space<vmem>>) dst(%dma_wait3A_99 : memref<10000x128xf32, #tpu.memory_space<vmem_shared>>)
          tpu.yield
        }) : () -> ()
        %add3A_63 = arith.constant 2 : i32
        %add3A_64 = arith.addi %mul3A_57, %add3A_63 : i32
        %lt3A_65 = arith.constant 20 : i32
        %lt3A_66 = arith.cmpi slt, %add3A_64, %lt3A_65 : i32
        %convert_element_type3A_67 = arith.extui %lt3A_66 : i1 to i32
        %cond3A_68 = arith.constant 0 : i32
        %cond3A_69 = arith.cmpi ne, %convert_element_type3A_67, %cond3A_68 : i32
        scf.if %cond3A_69 {
          %add3A_87 = arith.constant 2 : i32
          %add3A_88 = arith.addi %mul3A_57, %add3A_87 : i32
          %dma_start3A_89 = arith.constant 0 : i32
          %dma_start3A_90 = tpu.memref_slice %arg5[%add3A_88, %dma_start3A_89] : memref<40x128xi32, #tpu.memory_space<vmem>> -> memref<1x128xi32, #tpu.memory_space<vmem>>
          %dma_start3A_91 = tpu.memref_squeeze %dma_start3A_90 : memref<1x128xi32, #tpu.memory_space<vmem>> -> memref<128xi32, #tpu.memory_space<vmem>>
          %dma_start3A_92 = arith.constant 0 : i32
          %dma_start3A_93 = arith.constant 0 : i32
          %dma_start3A_94 = tpu.memref_slice %arg2[%dma_start3A_92, %dma_start3A_93] : memref<10000x128xf32, #tpu.memory_space<hbm>> -> memref<10000x128xf32, #tpu.memory_space<hbm>>
          tpu.enqueue_indirect_dma source(%dma_start3A_94 : memref<10000x128xf32, #tpu.memory_space<hbm>>) target(%arg7 : memref<128x128xf32, #tpu.memory_space<vmem>>) offsets(%dma_start3A_91 : memref<128xi32, #tpu.memory_space<vmem>>) semaphore(%arg10 : memref<!tpu.dma_semaphore, #tpu.memory_space<semaphore_mem>>)
        } else {
        }
        %add3A_70 = arith.constant 1 : i32
        %add3A_71 = arith.addi %mul3A_57, %add3A_70 : i32
        %dma_wait3A_72 = arith.constant 0 : i32
        %dma_wait3A_73 = tpu.memref_slice %arg5[%add3A_71, %dma_wait3A_72] : memref<40x128xi32, #tpu.memory_space<vmem>> -> memref<1x128xi32, #tpu.memory_space<vmem>>
        %dma_wait3A_74 = tpu.memref_squeeze %dma_wait3A_73 : memref<1x128xi32, #tpu.memory_space<vmem>> -> memref<128xi32, #tpu.memory_space<vmem>>
        %dma_wait3A_75 = arith.constant 0 : i32
        %dma_wait3A_76 = arith.constant 0 : i32
        %dma_wait3A_77 = tpu.memref_slice %arg2[%dma_wait3A_75, %dma_wait3A_76] : memref<10000x128xf32, #tpu.memory_space<hbm>> -> memref<10000x128xf32, #tpu.memory_space<hbm>>
        tpu.wait_indirect_dma semaphore(%arg11 : memref<!tpu.dma_semaphore, #tpu.memory_space<semaphore_mem>>) src(%dma_wait3A_77 : memref<10000x128xf32, #tpu.memory_space<hbm>>) dst(%arg8 : memref<128x128xf32, #tpu.memory_space<vmem>>)
        %add3A_78 = arith.constant 1 : i32
        %add3A_79 = arith.addi %mul3A_57, %add3A_78 : i32
        "tpu.region"() ({
          %run_scoped3A_87 = tpu.sem_alloc : memref<!tpu.dma_semaphore, #tpu.memory_space<semaphore_mem>>
          %dma_start3A_88 = arith.constant 0 : i32
          %dma_start3A_89 = tpu.memref_slice %arg6[%add3A_79, %dma_start3A_88] : memref<40x128xi32, #tpu.memory_space<vmem>> -> memref<1x128xi32, #tpu.memory_space<vmem>>
          %dma_start3A_90 = tpu.memref_squeeze %dma_start3A_89 : memref<1x128xi32, #tpu.memory_space<vmem>> -> memref<128xi32, #tpu.memory_space<vmem>>
          %dma_start3A_91 = arith.constant 0 : i32
          %dma_start3A_92 = arith.constant 0 : i32
          %dma_start3A_93 = tpu.memref_slice %arg9[%dma_start3A_91, %dma_start3A_92] : memref<10000x128xf32, #tpu.memory_space<vmem_shared>> -> memref<10000x128xf32, #tpu.memory_space<vmem_shared>>
          tpu.enqueue_indirect_dma source(%arg8 : memref<128x128xf32, #tpu.memory_space<vmem>>) target(%dma_start3A_93 : memref<10000x128xf32, #tpu.memory_space<vmem_shared>>) offsets(%dma_start3A_90 : memref<128xi32, #tpu.memory_space<vmem>>) semaphore(%run_scoped3A_87 : memref<!tpu.dma_semaphore, #tpu.memory_space<semaphore_mem>>) {add = true}
          %dma_wait3A_94 = arith.constant 0 : i32
          %dma_wait3A_95 = tpu.memref_slice %arg6[%add3A_79, %dma_wait3A_94] : memref<40x128xi32, #tpu.memory_space<vmem>> -> memref<1x128xi32, #tpu.memory_space<vmem>>
          %dma_wait3A_96 = tpu.memref_squeeze %dma_wait3A_95 : memref<1x128xi32, #tpu.memory_space<vmem>> -> memref<128xi32, #tpu.memory_space<vmem>>
          %dma_wait3A_97 = arith.constant 0 : i32
          %dma_wait3A_98 = arith.constant 0 : i32
          %dma_wait3A_99 = tpu.memref_slice %arg9[%dma_wait3A_97, %dma_wait3A_98] : memref<10000x128xf32, #tpu.memory_space<vmem_shared>> -> memref<10000x128xf32, #tpu.memory_space<vmem_shared>>
          tpu.wait_indirect_dma semaphore(%run_scoped3A_87 : memref<!tpu.dma_semaphore, #tpu.memory_space<semaphore_mem>>) src(%arg8 : memref<128x128xf32, #tpu.memory_space<vmem>>) dst(%dma_wait3A_99 : memref<10000x128xf32, #tpu.memory_space<vmem_shared>>)
          tpu.yield
        }) : () -> ()
        %add3A_80 = arith.constant 3 : i32
        %add3A_81 = arith.addi %mul3A_57, %add3A_80 : i32
        %lt3A_82 = arith.constant 20 : i32
        %lt3A_83 = arith.cmpi slt, %add3A_81, %lt3A_82 : i32
        %convert_element_type3A_84 = arith.extui %lt3A_83 : i1 to i32
        %cond3A_85 = arith.constant 0 : i32
        %cond3A_86 = arith.cmpi ne, %convert_element_type3A_84, %cond3A_85 : i32
        scf.if %cond3A_86 {
          %add3A_87 = arith.constant 3 : i32
          %add3A_88 = arith.addi %mul3A_57, %add3A_87 : i32
          %dma_start3A_89 = arith.constant 0 : i32
          %dma_start3A_90 = tpu.memref_slice %arg5[%add3A_88, %dma_start3A_89] : memref<40x128xi32, #tpu.memory_space<vmem>> -> memref<1x128xi32, #tpu.memory_space<vmem>>
          %dma_start3A_91 = tpu.memref_squeeze %dma_start3A_90 : memref<1x128xi32, #tpu.memory_space<vmem>> -> memref<128xi32, #tpu.memory_space<vmem>>
          %dma_start3A_92 = arith.constant 0 : i32
          %dma_start3A_93 = arith.constant 0 : i32
          %dma_start3A_94 = tpu.memref_slice %arg2[%dma_start3A_92, %dma_start3A_93] : memref<10000x128xf32, #tpu.memory_space<hbm>> -> memref<10000x128xf32, #tpu.memory_space<hbm>>
          tpu.enqueue_indirect_dma source(%dma_start3A_94 : memref<10000x128xf32, #tpu.memory_space<hbm>>) target(%arg8 : memref<128x128xf32, #tpu.memory_space<vmem>>) offsets(%dma_start3A_91 : memref<128xi32, #tpu.memory_space<vmem>>) semaphore(%arg11 : memref<!tpu.dma_semaphore, #tpu.memory_space<semaphore_mem>>)
        } else {
        }
      }
      %scan3A_50 = arith.constant 10 : i32
    } else {
    }
    %barrier3A_28 = arith.constant 0 : index
    tpu.barrier barrier_id(%barrier3A_28)
    "tpu.region"() ({
      %run_scoped3A = tpu.sem_alloc : memref<!tpu.dma_semaphore, #tpu.memory_space<semaphore_mem>>
      %dma_start3A = arith.constant 0 : i32
      %dma_start3A_32 = tpu.memref_slice %arg4[%arg0, %mul3A_6, %dma_start3A] : memref<2x10000x128xf32, #tpu.memory_space<hbm>> -> memref<1x624x128xf32, #tpu.memory_space<hbm>>
      %dma_start3A_33 = tpu.memref_squeeze %dma_start3A_32 : memref<1x624x128xf32, #tpu.memory_space<hbm>> -> memref<624x128xf32, #tpu.memory_space<hbm>>
      %dma_start3A_34 = arith.constant 0 : i32
      %dma_start3A_35 = tpu.memref_slice %arg9[%mul3A_6, %dma_start3A_34] : memref<10000x128xf32, #tpu.memory_space<vmem_shared>> -> memref<624x128xf32, #tpu.memory_space<vmem_shared>>
      tpu.enqueue_dma source(%dma_start3A_35 : memref<624x128xf32, #tpu.memory_space<vmem_shared>>) target(%dma_start3A_33 : memref<624x128xf32, #tpu.memory_space<hbm>>) target_semaphore(%run_scoped3A : memref<!tpu.dma_semaphore, #tpu.memory_space<semaphore_mem>>)
      %dma_wait3A = arith.constant 0 : i32
      %dma_wait3A_36 = tpu.memref_slice %arg4[%arg0, %mul3A_6, %dma_wait3A] : memref<2x10000x128xf32, #tpu.memory_space<hbm>> -> memref<1x624x128xf32, #tpu.memory_space<hbm>>
      %dma_wait3A_37 = tpu.memref_squeeze %dma_wait3A_36 : memref<1x624x128xf32, #tpu.memory_space<hbm>> -> memref<624x128xf32, #tpu.memory_space<hbm>>
      %dma_wait3A_38 = arith.constant 0 : i32
      %dma_wait3A_39 = tpu.memref_slice %arg9[%mul3A_6, %dma_wait3A_38] : memref<10000x128xf32, #tpu.memory_space<vmem_shared>> -> memref<624x128xf32, #tpu.memory_space<vmem_shared>>
      tpu.wait_dma2 semaphore(%run_scoped3A : memref<!tpu.dma_semaphore, #tpu.memory_space<semaphore_mem>>) src(%dma_wait3A_39 : memref<624x128xf32, #tpu.memory_space<vmem_shared>>) dst(%dma_wait3A_37 : memref<624x128xf32, #tpu.memory_space<hbm>>)
      tpu.yield
    }) : () -> ()
    %convert_element_type3A_29 = arith.extui %eq3A_7 : i1 to i32
    %cond3A_30 = arith.constant 0 : i32
    %cond3A_31 = arith.cmpi ne, %convert_element_type3A_29, %cond3A_30 : i32
    scf.if %cond3A_31 {
      "tpu.region"() ({
        %run_scoped3A = tpu.sem_alloc : memref<!tpu.dma_semaphore, #tpu.memory_space<semaphore_mem>>
        %dma_start3A = arith.constant 9984 : i32
        %dma_start3A_32 = arith.constant 0 : i32
        %dma_start3A_33 = tpu.memref_slice %arg4[%arg0, %dma_start3A, %dma_start3A_32] : memref<2x10000x128xf32, #tpu.memory_space<hbm>> -> memref<1x16x128xf32, #tpu.memory_space<hbm>>
        %dma_start3A_34 = tpu.memref_squeeze %dma_start3A_33 : memref<1x16x128xf32, #tpu.memory_space<hbm>> -> memref<16x128xf32, #tpu.memory_space<hbm>>
        %dma_start3A_35 = arith.constant 9984 : i32
        %dma_start3A_36 = arith.constant 0 : i32
        %dma_start3A_37 = tpu.memref_slice %arg9[%dma_start3A_35, %dma_start3A_36] : memref<10000x128xf32, #tpu.memory_space<vmem_shared>> -> memref<16x128xf32, #tpu.memory_space<vmem_shared>>
        tpu.enqueue_dma source(%dma_start3A_37 : memref<16x128xf32, #tpu.memory_space<vmem_shared>>) target(%dma_start3A_34 : memref<16x128xf32, #tpu.memory_space<hbm>>) target_semaphore(%run_scoped3A : memref<!tpu.dma_semaphore, #tpu.memory_space<semaphore_mem>>)
        %dma_wait3A = arith.constant 9984 : i32
        %dma_wait3A_38 = arith.constant 0 : i32
        %dma_wait3A_39 = tpu.memref_slice %arg4[%arg0, %dma_wait3A, %dma_wait3A_38] : memref<2x10000x128xf32, #tpu.memory_space<hbm>> -> memref<1x16x128xf32, #tpu.memory_space<hbm>>
        %dma_wait3A_40 = tpu.memref_squeeze %dma_wait3A_39 : memref<1x16x128xf32, #tpu.memory_space<hbm>> -> memref<16x128xf32, #tpu.memory_space<hbm>>
        %dma_wait3A_41 = arith.constant 9984 : i32
        %dma_wait3A_42 = arith.constant 0 : i32
        %dma_wait3A_43 = tpu.memref_slice %arg9[%dma_wait3A_41, %dma_wait3A_42] : memref<10000x128xf32, #tpu.memory_space<vmem_shared>> -> memref<16x128xf32, #tpu.memory_space<vmem_shared>>
        tpu.wait_dma2 semaphore(%run_scoped3A : memref<!tpu.dma_semaphore, #tpu.memory_space<semaphore_mem>>) src(%dma_wait3A_43 : memref<16x128xf32, #tpu.memory_space<vmem_shared>>) dst(%dma_wait3A_40 : memref<16x128xf32, #tpu.memory_space<hbm>>)
        tpu.yield
      }) : () -> ()
    } else {
    }
    return
  }
}

module attributes {stable_mosaic.version = 14 : i64} {
  func.func @body(%arg0: i32, %arg1: memref<1000x128xf32, #tpu.memory_space<vmem>>, %arg2: memref<128x128xf32, #tpu.memory_space<vmem>>, %arg3: memref<1x128xf32, #tpu.memory_space<vmem>>, %arg4: memref<1000x128xf32, #tpu.memory_space<vmem>>) attributes {dimension_semantics = [#tpu.dimension_semantics<arbitrary>], iteration_bounds = array<i64: 10>, scalar_prefetch = 0 : i64, scratch_operands = 0 : i64, tpu.core_type = #tpu.core_type<tc>, window_params = [{transform_indices = @transform_0, window_bounds = array<i64: 1000, 128>}, {pipeline_mode = #tpu.pipeline_mode<synchronous>, transform_indices = @transform_1, window_bounds = array<i64: 128, 128>}, {pipeline_mode = #tpu.pipeline_mode<synchronous>, transform_indices = @transform_2, window_bounds = array<i64: 1, 128>}, {transform_indices = @transform_3, window_bounds = array<i64: 1000, 128>}]} {
    %get3A = arith.constant 0 : index
    %get3A_0 = arith.constant 0 : index
    %get3A_1 = vector.load %arg1[%get3A, %get3A_0] : memref<1000x128xf32, #tpu.memory_space<vmem>>, vector<1000x128xf32>
    %get3A_2 = arith.constant 0 : index
    %get3A_3 = arith.constant 0 : index
    %get3A_4 = vector.load %arg2[%get3A_2, %get3A_3] : memref<128x128xf32, #tpu.memory_space<vmem>>, vector<128x128xf32>
    %dot_general3A = arith.constant dense<0.000000e+00> : vector<1000x128xf32>
    %dot_general3A_5 = tpu.matmul %get3A_1, %get3A_4, %dot_general3A {dimension_numbers = #tpu.dot_dimension_numbers<[1], [0], [0], [1], [0, 0, 1, 1], [], []>, transpose_lhs_hint = false} : vector<1000x128xf32>, vector<128x128xf32>, vector<1000x128xf32> -> vector<1000x128xf32>
    %get3A_6 = arith.constant 0 : index
    %get3A_7 = arith.constant 0 : index
    %get3A_8 = vector.load %arg3[%get3A_6, %get3A_7] : memref<1x128xf32, #tpu.memory_space<vmem>>, vector<1x128xf32>
    %add3A = vector.broadcast %get3A_8 : vector<1x128xf32> to vector<1000x128xf32>
    %add3A_9 = arith.addf %dot_general3A_5, %add3A : vector<1000x128xf32>
    %swap3A = arith.constant 0 : index
    %swap3A_10 = arith.constant 0 : index
    %swap3A_11 = vector.load %arg4[%swap3A, %swap3A_10] : memref<1000x128xf32, #tpu.memory_space<vmem>>, vector<1000x128xf32>
    tpu.vector_store %arg4[%swap3A, %swap3A_10], %add3A_9 {strides = array<i32>} : memref<1000x128xf32, #tpu.memory_space<vmem>>, vector<1000x128xf32>,
    return
  }
  func.func @transform_0(%arg0: i32) -> (i32, i32) {
    %c0_i32 = arith.constant 0 : i32
    %c0_i32_0 = arith.constant 0 : i32
    return %arg0, %c0_i32 : i32, i32
  }
  func.func @transform_1(%arg0: i32) -> (i32, i32) {
    %c0_i32 = arith.constant 0 : i32
    %c0_i32_0 = arith.constant 0 : i32
    %c0_i32_1 = arith.constant 0 : i32
    return %c0_i32, %c0_i32_0 : i32, i32
  }
  func.func @transform_2(%arg0: i32) -> (i32, i32) {
    %c0_i32 = arith.constant 0 : i32
    %c0_i32_0 = arith.constant 0 : i32
    %c0_i32_1 = arith.constant 0 : i32
    return %c0_i32, %c0_i32_0 : i32, i32
  }
  func.func @transform_3(%arg0: i32) -> (i32, i32) {
    %c0_i32 = arith.constant 0 : i32
    %c0_i32_0 = arith.constant 0 : i32
    return %arg0, %c0_i32 : i32, i32
  }
}

module attributes {stable_mosaic.version = 14 : i64} {
  func.func @body(%arg0: i32, %arg1: memref<1000x128xf32, #tpu.memory_space<vmem>>, %arg2: memref<2x1000x128xf32, #tpu.memory_space<vmem>>, %arg3: memref<2x1000x32xf32, #tpu.memory_space<vmem>>, %arg4: memref<128x128xf32, #tpu.memory_space<vmem>>, %arg5: memref<1000x128xf32, #tpu.memory_space<vmem>>) attributes {dimension_semantics = [#tpu.dimension_semantics<arbitrary>], iteration_bounds = array<i64: 10>, scalar_prefetch = 0 : i64, scratch_operands = 0 : i64, tpu.core_type = #tpu.core_type<tc>, window_params = [{transform_indices = @transform_0, window_bounds = array<i64: 1000, 128>}, {transform_indices = @transform_1, window_bounds = array<i64: 2, 1000, 128>}, {transform_indices = @transform_2, window_bounds = array<i64: 2, 1000, 32>}, {pipeline_mode = #tpu.pipeline_mode<synchronous>, transform_indices = @transform_3, window_bounds = array<i64: 128, 128>}, {transform_indices = @transform_4, window_bounds = array<i64: 1000, 128>}]} {
    %get3A = arith.constant 0 : index
    %get3A_0 = arith.constant 0 : index
    %get3A_1 = arith.constant 0 : index
    %get3A_2 = vector.load %arg2[%get3A, %get3A_0, %get3A_1] : memref<2x1000x128xf32, #tpu.memory_space<vmem>>, vector<1x1000x128xf32>
    %get3A_3 = vector.shape_cast %get3A_2 : vector<1x1000x128xf32> to vector<1000x128xf32>
    %get3A_4 = arith.constant 1 : index
    %get3A_5 = arith.constant 0 : index
    %get3A_6 = arith.constant 0 : index
    %get3A_7 = vector.load %arg2[%get3A_4, %get3A_5, %get3A_6] : memref<2x1000x128xf32, #tpu.memory_space<vmem>>, vector<1x1000x128xf32>
    %get3A_8 = vector.shape_cast %get3A_7 : vector<1x1000x128xf32> to vector<1000x128xf32>
    %add3A = arith.addf %get3A_3, %get3A_8 : vector<1000x128xf32>
    %get3A_9 = arith.constant 0 : index
    %get3A_10 = arith.constant 0 : index
    %get3A_11 = arith.constant 0 : index
    %get3A_12 = vector.load %arg3[%get3A_9, %get3A_10, %get3A_11] : memref<2x1000x32xf32, #tpu.memory_space<vmem>>, vector<1x1000x1xf32>
    %get3A_13 = vector.shape_cast %get3A_12 : vector<1x1000x1xf32> to vector<1000x1xf32>
    %get3A_14 = arith.constant 1 : index
    %get3A_15 = arith.constant 0 : index
    %get3A_16 = arith.constant 0 : index
    %get3A_17 = vector.load %arg3[%get3A_14, %get3A_15, %get3A_16] : memref<2x1000x32xf32, #tpu.memory_space<vmem>>, vector<1x1000x1xf32>
    %get3A_18 = vector.shape_cast %get3A_17 : vector<1x1000x1xf32> to vector<1000x1xf32>
    %add3A_19 = arith.addf %get3A_13, %get3A_18 : vector<1000x1xf32>
    %max3A = arith.constant 1.000000e+00 : f32
    %max3A_20 = vector.broadcast %max3A : f32 to vector<1000x1xf32>
    %max3A_21 = arith.maximumf %add3A_19, %max3A_20 : vector<1000x1xf32>
    %div3A = vector.broadcast %max3A_21 : vector<1000x1xf32> to vector<1000x128xf32>
    %div3A_22 = arith.divf %add3A, %div3A : vector<1000x128xf32>
    %get3A_23 = arith.constant 0 : index
    %get3A_24 = arith.constant 0 : index
    %get3A_25 = vector.load %arg1[%get3A_23, %get3A_24] : memref<1000x128xf32, #tpu.memory_space<vmem>>, vector<1000x128xf32>
    %get3A_26 = arith.constant 0 : index
    %get3A_27 = arith.constant 0 : index
    %get3A_28 = vector.load %arg4[%get3A_26, %get3A_27] : memref<128x128xf32, #tpu.memory_space<vmem>>, vector<128x128xf32>
    %dot_general3A = arith.constant dense<0.000000e+00> : vector<1000x128xf32>
    %dot_general3A_29 = tpu.matmul %div3A_22, %get3A_28, %dot_general3A {dimension_numbers = #tpu.dot_dimension_numbers<[1], [0], [0], [1], [0, 0, 1, 1], [], []>, transpose_lhs_hint = false} : vector<1000x128xf32>, vector<128x128xf32>, vector<1000x128xf32> -> vector<1000x128xf32>
    %add3A_30 = arith.addf %get3A_25, %dot_general3A_29 : vector<1000x128xf32>
    %ge3A = arith.constant 0.000000e+00 : f32
    %ge3A_31 = vector.broadcast %ge3A : f32 to vector<1000x128xf32>
    %ge3A_32 = arith.cmpf oge, %add3A_30, %ge3A_31 : vector<1000x128xf32>
    %mul3A = arith.constant 0.00999999977 : f32
    %mul3A_33 = vector.broadcast %mul3A : f32 to vector<1000x128xf32>
    %mul3A_34 = arith.mulf %mul3A_33, %add3A_30 : vector<1000x128xf32>
    %select_n3A = arith.select %ge3A_32, %add3A_30, %mul3A_34 : vector<1000x128xi1>, vector<1000x128xf32>
    %swap3A = arith.constant 0 : index
    %swap3A_35 = arith.constant 0 : index
    %swap3A_36 = vector.load %arg5[%swap3A, %swap3A_35] : memref<1000x128xf32, #tpu.memory_space<vmem>>, vector<1000x128xf32>
    tpu.vector_store %arg5[%swap3A, %swap3A_35], %select_n3A {strides = array<i32>} : memref<1000x128xf32, #tpu.memory_space<vmem>>, vector<1000x128xf32>,
    return
  }
  func.func @transform_0(%arg0: i32) -> (i32, i32) {
    %c0_i32 = arith.constant 0 : i32
    %c0_i32_0 = arith.constant 0 : i32
    return %arg0, %c0_i32 : i32, i32
  }
  func.func @transform_1(%arg0: i32) -> (i32, i32, i32) {
    %c0_i32 = arith.constant 0 : i32
    %c0_i32_0 = arith.constant 0 : i32
    %c0_i32_1 = arith.constant 0 : i32
    return %c0_i32, %arg0, %c0_i32_0 : i32, i32, i32
  }
  func.func @transform_2(%arg0: i32) -> (i32, i32, i32) {
    %c0_i32 = arith.constant 0 : i32
    %c0_i32_0 = arith.constant 0 : i32
    %c0_i32_1 = arith.constant 0 : i32
    return %c0_i32, %arg0, %c0_i32_0 : i32, i32, i32
  }
  func.func @transform_3(%arg0: i32) -> (i32, i32) {
    %c0_i32 = arith.constant 0 : i32
    %c0_i32_0 = arith.constant 0 : i32
    %c0_i32_1 = arith.constant 0 : i32
    return %c0_i32, %c0_i32_0 : i32, i32
  }
  func.func @transform_4(%arg0: i32) -> (i32, i32) {
    %c0_i32 = arith.constant 0 : i32
    %c0_i32_0 = arith.constant 0 : i32
    return %arg0, %c0_i32 : i32, i32
  }
}

module attributes {stable_mosaic.version = 14 : i64} {
  func.func @body(%arg0: i32, %arg1: memref<1000x128xf32, #tpu.memory_space<vmem>>, %arg2: memref<2x1000x128xf32, #tpu.memory_space<vmem>>, %arg3: memref<2x1000x32xf32, #tpu.memory_space<vmem>>, %arg4: memref<128x128xf32, #tpu.memory_space<vmem>>, %arg5: memref<128x64xf32, #tpu.memory_space<vmem>>, %arg6: memref<1x64xf32, #tpu.memory_space<vmem>>, %arg7: memref<1000x64xf32, #tpu.memory_space<vmem>>) attributes {dimension_semantics = [#tpu.dimension_semantics<arbitrary>], iteration_bounds = array<i64: 10>, scalar_prefetch = 0 : i64, scratch_operands = 0 : i64, tpu.core_type = #tpu.core_type<tc>, window_params = [{transform_indices = @transform_0, window_bounds = array<i64: 1000, 128>}, {transform_indices = @transform_1, window_bounds = array<i64: 2, 1000, 128>}, {transform_indices = @transform_2, window_bounds = array<i64: 2, 1000, 32>}, {pipeline_mode = #tpu.pipeline_mode<synchronous>, transform_indices = @transform_3, window_bounds = array<i64: 128, 128>}, {pipeline_mode = #tpu.pipeline_mode<synchronous>, transform_indices = @transform_4, window_bounds = array<i64: 128, 64>}, {pipeline_mode = #tpu.pipeline_mode<synchronous>, transform_indices = @transform_5, window_bounds = array<i64: 1, 64>}, {transform_indices = @transform_6, window_bounds = array<i64: 1000, 64>}]} {
    %get3A = arith.constant 0 : index
    %get3A_0 = arith.constant 0 : index
    %get3A_1 = arith.constant 0 : index
    %get3A_2 = vector.load %arg2[%get3A, %get3A_0, %get3A_1] : memref<2x1000x128xf32, #tpu.memory_space<vmem>>, vector<1x1000x128xf32>
    %get3A_3 = vector.shape_cast %get3A_2 : vector<1x1000x128xf32> to vector<1000x128xf32>
    %get3A_4 = arith.constant 1 : index
    %get3A_5 = arith.constant 0 : index
    %get3A_6 = arith.constant 0 : index
    %get3A_7 = vector.load %arg2[%get3A_4, %get3A_5, %get3A_6] : memref<2x1000x128xf32, #tpu.memory_space<vmem>>, vector<1x1000x128xf32>
    %get3A_8 = vector.shape_cast %get3A_7 : vector<1x1000x128xf32> to vector<1000x128xf32>
    %add3A = arith.addf %get3A_3, %get3A_8 : vector<1000x128xf32>
    %get3A_9 = arith.constant 0 : index
    %get3A_10 = arith.constant 0 : index
    %get3A_11 = arith.constant 0 : index
    %get3A_12 = vector.load %arg3[%get3A_9, %get3A_10, %get3A_11] : memref<2x1000x32xf32, #tpu.memory_space<vmem>>, vector<1x1000x1xf32>
    %get3A_13 = vector.shape_cast %get3A_12 : vector<1x1000x1xf32> to vector<1000x1xf32>
    %get3A_14 = arith.constant 1 : index
    %get3A_15 = arith.constant 0 : index
    %get3A_16 = arith.constant 0 : index
    %get3A_17 = vector.load %arg3[%get3A_14, %get3A_15, %get3A_16] : memref<2x1000x32xf32, #tpu.memory_space<vmem>>, vector<1x1000x1xf32>
    %get3A_18 = vector.shape_cast %get3A_17 : vector<1x1000x1xf32> to vector<1000x1xf32>
    %add3A_19 = arith.addf %get3A_13, %get3A_18 : vector<1000x1xf32>
    %max3A = arith.constant 1.000000e+00 : f32
    %max3A_20 = vector.broadcast %max3A : f32 to vector<1000x1xf32>
    %max3A_21 = arith.maximumf %add3A_19, %max3A_20 : vector<1000x1xf32>
    %div3A = vector.broadcast %max3A_21 : vector<1000x1xf32> to vector<1000x128xf32>
    %div3A_22 = arith.divf %add3A, %div3A : vector<1000x128xf32>
    %get3A_23 = arith.constant 0 : index
    %get3A_24 = arith.constant 0 : index
    %get3A_25 = vector.load %arg1[%get3A_23, %get3A_24] : memref<1000x128xf32, #tpu.memory_space<vmem>>, vector<1000x128xf32>
    %get3A_26 = arith.constant 0 : index
    %get3A_27 = arith.constant 0 : index
    %get3A_28 = vector.load %arg4[%get3A_26, %get3A_27] : memref<128x128xf32, #tpu.memory_space<vmem>>, vector<128x128xf32>
    %dot_general3A = arith.constant dense<0.000000e+00> : vector<1000x128xf32>
    %dot_general3A_29 = tpu.matmul %div3A_22, %get3A_28, %dot_general3A {dimension_numbers = #tpu.dot_dimension_numbers<[1], [0], [0], [1], [0, 0, 1, 1], [], []>, transpose_lhs_hint = false} : vector<1000x128xf32>, vector<128x128xf32>, vector<1000x128xf32> -> vector<1000x128xf32>
    %add3A_30 = arith.addf %get3A_25, %dot_general3A_29 : vector<1000x128xf32>
    %ge3A = arith.constant 0.000000e+00 : f32
    %ge3A_31 = vector.broadcast %ge3A : f32 to vector<1000x128xf32>
    %ge3A_32 = arith.cmpf oge, %add3A_30, %ge3A_31 : vector<1000x128xf32>
    %mul3A = arith.constant 0.00999999977 : f32
    %mul3A_33 = vector.broadcast %mul3A : f32 to vector<1000x128xf32>
    %mul3A_34 = arith.mulf %mul3A_33, %add3A_30 : vector<1000x128xf32>
    %select_n3A = arith.select %ge3A_32, %add3A_30, %mul3A_34 : vector<1000x128xi1>, vector<1000x128xf32>
    %get3A_35 = arith.constant 0 : index
    %get3A_36 = arith.constant 0 : index
    %get3A_37 = vector.load %arg5[%get3A_35, %get3A_36] : memref<128x64xf32, #tpu.memory_space<vmem>>, vector<128x64xf32>
    %dot_general3A_38 = arith.constant dense<0.000000e+00> : vector<1000x64xf32>
    %dot_general3A_39 = tpu.matmul %select_n3A, %get3A_37, %dot_general3A_38 {dimension_numbers = #tpu.dot_dimension_numbers<[1], [0], [0], [1], [0, 0, 1, 1], [], []>, transpose_lhs_hint = false} : vector<1000x128xf32>, vector<128x64xf32>, vector<1000x64xf32> -> vector<1000x64xf32>
    %get3A_40 = arith.constant 0 : index
    %get3A_41 = arith.constant 0 : index
    %get3A_42 = vector.load %arg6[%get3A_40, %get3A_41] : memref<1x64xf32, #tpu.memory_space<vmem>>, vector<1x64xf32>
    %add3A_43 = vector.broadcast %get3A_42 : vector<1x64xf32> to vector<1000x64xf32>
    %add3A_44 = arith.addf %dot_general3A_39, %add3A_43 : vector<1000x64xf32>
    %swap3A = arith.constant 0 : index
    %swap3A_45 = arith.constant 0 : index
    %swap3A_46 = vector.load %arg7[%swap3A, %swap3A_45] : memref<1000x64xf32, #tpu.memory_space<vmem>>, vector<1000x64xf32>
    tpu.vector_store %arg7[%swap3A, %swap3A_45], %add3A_44 {strides = array<i32>} : memref<1000x64xf32, #tpu.memory_space<vmem>>, vector<1000x64xf32>,
    return
  }
  func.func @transform_0(%arg0: i32) -> (i32, i32) {
    %c0_i32 = arith.constant 0 : i32
    %c0_i32_0 = arith.constant 0 : i32
    return %arg0, %c0_i32 : i32, i32
  }
  func.func @transform_1(%arg0: i32) -> (i32, i32, i32) {
    %c0_i32 = arith.constant 0 : i32
    %c0_i32_0 = arith.constant 0 : i32
    %c0_i32_1 = arith.constant 0 : i32
    return %c0_i32, %arg0, %c0_i32_0 : i32, i32, i32
  }
  func.func @transform_2(%arg0: i32) -> (i32, i32, i32) {
    %c0_i32 = arith.constant 0 : i32
    %c0_i32_0 = arith.constant 0 : i32
    %c0_i32_1 = arith.constant 0 : i32
    return %c0_i32, %arg0, %c0_i32_0 : i32, i32, i32
  }
  func.func @transform_3(%arg0: i32) -> (i32, i32) {
    %c0_i32 = arith.constant 0 : i32
    %c0_i32_0 = arith.constant 0 : i32
    %c0_i32_1 = arith.constant 0 : i32
    return %c0_i32, %c0_i32_0 : i32, i32
  }
  func.func @transform_4(%arg0: i32) -> (i32, i32) {
    %c0_i32 = arith.constant 0 : i32
    %c0_i32_0 = arith.constant 0 : i32
    %c0_i32_1 = arith.constant 0 : i32
    return %c0_i32, %c0_i32_0 : i32, i32
  }
  func.func @transform_5(%arg0: i32) -> (i32, i32) {
    %c0_i32 = arith.constant 0 : i32
    %c0_i32_0 = arith.constant 0 : i32
    %c0_i32_1 = arith.constant 0 : i32
    return %c0_i32, %c0_i32_0 : i32, i32
  }
  func.func @transform_6(%arg0: i32) -> (i32, i32) {
    %c0_i32 = arith.constant 0 : i32
    %c0_i32_0 = arith.constant 0 : i32
    return %arg0, %c0_i32 : i32, i32
  }
}

</mosaic_0001>

<sc_bundles>
// kernel: kernel.10.cloned.1.call-start
scs
__scs_entry_jumppad:
0x0: {  	(pc) =	sbr.rel $0x88, $3  }
0x1: {  	(tag) =	ssettag $0x0;
	lr =	simm.s32 $0x1  }
0x2: {  	[smem:$0x3F95] =	sst lr;
	_ =	strace $0xD0000000  }
0x3: {  	_ = 	snop  }
0x4: {  	_ = 	snop  }
0x5: {  	_ = 	snop  }
0x6: {  	_ = 	snop  }
0x7: {  	_ = 	snop  }
__scs_overlays_trampoline_lowered:
0x8: {  	[smem:$0x3FA4] =	sst s0  }
0x9: {  	[smem:$0x3FA5] =	sst s1  }
0xa: {  	[smem:$0x3FA6] =	sst s2  }
0xb: {  	[smem:$0x3FA7] =	sst s3  }
0xc: {  	[smem:$0x3FA8] =	sst s4  }
0xd: {  	[smem:$0x3FA9] =	sst s5  }
0xe: {  	[smem:$0x3FAA] =	sst s6  }
0xf: {  	[smem:$0x3FAB] =	sst s7  }
0x10: {  	[smem:$0x3FAC] =	sst s8  }
0x11: {  	[smem:$0x3FAD] =	sst s9;
	s0 =	simm.s32 @!p0 $0x0  }
0x12: {  	s1 =	sld [smem:$0x3F93];
	s0 =	simm.s32 @p0 $0x1  }
0x13: {  	[smem:$0x3FAE] =	sst s0;
	s0 =	simm.s32 @!p1 $0x0  }
0x14: {  	s2 =	sld [smem:$0x3F92];
	s0 =	simm.s32 @p1 $0x1  }
0x15: {  	[smem:$0x3FAF] =	sst s0;
	s0 =	simm.s32 @!p2 $0x0  }
0x16: {  	s3 =	sld [smem:$0x3FDB];
	s0 =	simm.s32 @p2 $0x1  }
0x17: {  	s4 =	simm.s32 $0x1BF5;
	[smem:$0x3FB1] =	sst s0  }
0x18: {  	s0 =	sld [smem:$0x3F94];
	_ =	swait.ge [sflag:s4], $0x0  }
0x19: {  	s7 =	sld [smem:$0x3F95]  }
0x1a: {  	s8 =	sadd.s32 $0xFFFFE003, lr  }
0x1b: {  	s9 =	sadd.s32 $0xFFFFFEF7, lr;
	s5 =	simm.s32 $0xFFFFFFFF;
	p2 =	slt.u32 s8, $0xFFFFF086  }
0x1c: {  	p1 =	slt.u32 s9, $0xF7A;
	s5 =	simm.s32 @!p2 $0x0  }
0x1d: {  	s5 =	simm.s32 @p1 $0x1;
	p0 =	seq.s32 s7, s2  }
0x1e: {  	s7 =	smul.u32 @!p0 $0xF7A, s2;
	p2 =	seq.s32 @!p0 s5, $0x0  }
0x1f: {  	s9 =	smul.u32 $0xF7A, s1;
	s8 =	simm.s32 @!p0 $0x1BF5;
	p2 =	por !p2, p0  }
0x20: {  	[sflag:s8] =	ssyncset.s32 @!p0 $0xFFFFF086;
	s6 =	sadd.s32 @!p0 s3, s7;
	s7 =	simm.s32 @!p0 $0x108  }
0x21: {  	s3 =	sadd.s32 s3, s9;
	s6 =	sadd.s32 @!p0 $0x88, s6;
	s7 =	simm.s32 @p2 $0x1082  }
0x22: {  	[simem:s7], [sflag:s8] =	dma.local @!p0 [hbm:s6], $0xF7A  }
0x23: {  	s9 =	sor.u32 $0xD0000000, s2;
	s6 =	simm.s32 $0x108;
	_ =	swait.ge @!p0 [sflag:s8], $0x0  }
0x24: {  	s3 =	sadd.s32 $0x88, s3;
	s6 =	simm.s32 @!p1 $0x1082;
	[sflag:s4] =	ssyncset.s32 $0xFFFFF086  }
0x25: {  	[simem:s6], [sflag:s4] =	dma.local [hbm:s3], $0xF7A  }
0x26: {  	[smem:$0x3F95] =	sst s1;
	(tag) =	ssettag s2;
	_ =	strace s9  }
0x27: {  	s1 =	sld [smem:$0x3FA5]  }
0x28: {  	s2 =	sld [smem:$0x3FA6]  }
0x29: {  	s4 =	sld [smem:$0x3FA8]  }
0x2a: {  	p0 =	seq.s32 s5, $0x0;
	s5 =	sld [smem:$0x3FA9]  }
0x2b: {  	s6 =	sld [smem:$0x3FAA]  }
0x2c: {  	s7 =	sld [smem:$0x3FAB]  }
0x2d: {  	s3 =	simm.s32 $0x108;
	s8 =	sld [smem:$0x3FAC]  }
0x2e: {  	s3 =	simm.s32 @!p0 $0x1082;
	s9 =	sld [smem:$0x3FAD]  }
0x2f: {  	lr =	sadd.s32 s0, s3;
	s0 =	sld [smem:$0x3FA4]  }
0x30: {  	s3 =	sld [smem:$0x3FA7]  }
0x31: {  	[smem:$0x3FB0] =	sst s10  }
0x32: {  	s10 =	sld [smem:$0x3FAE];
	_ =	sdelay $0x3  }
0x33: {  	p0 =	seq.s32 s10, $0x1;
	s10 =	sld [smem:$0x3FB0];
	_ =	sdelay $0x3  }
0x34: {  	[smem:$0x3FB0] =	sst s10  }
0x35: {  	s10 =	sld [smem:$0x3FAF];
	_ =	sdelay $0x3  }
0x36: {  	p1 =	seq.s32 s10, $0x1;
	s10 =	sld [smem:$0x3FB0];
	_ =	sdelay $0x3  }
0x37: {  	[smem:$0x3FB0] =	sst s10  }
0x38: {  	s10 =	sld [smem:$0x3FB1]  }
0x39: {  	_ = 	snop;
	(pc) =	sbr.ind lr, $3  }
0x3a: {  	_ = 	snop  }
0x3b: {  	_ = 	snop  }
0x3c: {  	p2 =	seq.s32 s10, $0x1;
	s10 =	sld [smem:$0x3FB0]  }
0x3d: {  	_ =	shalt  }
0x3e: {  	_ =	shalt  }
0x3f: {  	_ =	shalt  }
0x40: {  	_ =	shalt  }
0x41: {  	_ =	shalt  }
0x42: {  	_ =	shalt  }
0x43: {  	_ =	shalt  }
0x44: {  	_ =	shalt  }
0x45: {  	_ =	shalt  }
0x46: {  	_ =	shalt  }
0x47: {  	_ =	shalt  }
0x48: {  	_ =	shalt  }
0x49: {  	_ =	shalt  }
0x4a: {  	_ =	shalt  }
0x4b: {  	_ =	shalt  }
0x4c: {  	_ =	shalt  }
0x4d: {  	_ =	shalt  }
0x4e: {  	_ =	shalt  }
0x4f: {  	_ =	shalt  }
0x50: {  	_ =	shalt  }
0x51: {  	_ =	shalt  }
0x52: {  	_ =	shalt  }
0x53: {  	_ =	shalt  }
0x54: {  	_ =	shalt  }
0x55: {  	_ =	shalt  }
0x56: {  	_ =	shalt  }
0x57: {  	_ =	shalt  }
0x58: {  	_ =	shalt  }
0x59: {  	_ =	shalt  }
0x5a: {  	_ =	shalt  }
0x5b: {  	_ =	shalt  }
0x5c: {  	_ =	shalt  }
0x5d: {  	_ =	shalt  }
0x5e: {  	_ =	shalt  }
0x5f: {  	_ =	shalt  }
0x60: {  	_ =	shalt  }
0x61: {  	_ =	shalt  }
0x62: {  	_ =	shalt  }
0x63: {  	_ =	shalt  }
0x64: {  	_ =	shalt  }
0x65: {  	_ =	shalt  }
0x66: {  	_ =	shalt  }
0x67: {  	_ =	shalt  }
0x68: {  	_ =	shalt  }
0x69: {  	_ =	shalt  }
0x6a: {  	_ =	shalt  }
0x6b: {  	_ =	shalt  }
0x6c: {  	_ =	shalt  }
0x6d: {  	_ =	shalt  }
0x6e: {  	_ =	shalt  }
0x6f: {  	_ =	shalt  }
0x70: {  	_ =	shalt  }
0x71: {  	_ =	shalt  }
0x72: {  	_ =	shalt  }
0x73: {  	_ =	shalt  }
0x74: {  	_ =	shalt  }
0x75: {  	_ =	shalt  }
0x76: {  	_ =	shalt  }
0x77: {  	_ =	shalt  }
0x78: {  	_ =	shalt  }
0x79: {  	_ =	shalt  }
0x7a: {  	_ =	shalt  }
0x7b: {  	_ =	shalt  }
0x7c: {  	_ =	shalt  }
0x7d: {  	_ =	shalt  }
0x7e: {  	_ =	shalt  }
0x7f: {  	_ =	shalt  }
0x80: {  	_ =	shalt  }
0x81: {  	_ =	shalt  }
0x82: {  	_ =	shalt  }
0x83: {  	_ =	shalt  }
0x84: {  	_ =	shalt  }
0x85: {  	_ =	shalt  }
0x86: {  	_ =	shalt  }
0x87: {  	_ =	shalt  }
.Lfunc_end0:
.L_simem_size_0:
called_computation_lowered:
.L_overlay_start_0:
0x88: {  	s2 =	sld [smem:$0x3FD9]  }
0x89: {  	s3 =	sld [smem:$0x3FFE];
	_ =	sdelay $0x1  }
0x8a: {  	s1 =	srdreg.scid  }
0x8b: {  	s0 =	sand.u32 $0x1, s1  }
0x8c: {  	s17 =	sshll.u32 s0, $0xA;
	s2 =	sadd.s32 s3, s2  }
0x8d: {  	s2 =	sadd.s32 s2, s17  }
0x8e: {  	[smem:$0x3FBC] =	sst s2  }
0x8f: {  	_ = 	snop  }
0x90: {  	s18 =	sld [smem:$0x3FD0];
	(tm) =	ssettm $0x1  }
0x91: {  	s19 =	sld [smem:$0x3FFB];
	_ =	sdelay $0x3  }
0x92: {  	_ =	strace s19  }
0x93: {  	s2 =	sld [smem:$0x3FFC];
	_ =	sdelay $0x3  }
0x94: {  	_ =	strace s2  }
0x95: {  	s2 =	sld [smem:$0x3FFD];
	_ =	sdelay $0x3  }
0x96: {  	_ =	strace s2  }
0x97: {  	_ =	strace $0x8FFFFFFF  }
0x98: {  	s20 =	sld [smem:$0x3FDB];
	_ =	sdelay $0x1  }
0x99: {  	s4 =	simm.s32 $_scs_section_size  }
0x9a: {  	s5 =	simm.s32 $_size__tile_overlayer_lowered;
	s6 =	simm.s32 $_tile_overlayer_lowered  }
0x9b: {  	s7 =	simm.s32 $0x1BFF;
	s21 =	sshll.u32 s6, $0x1;
	s4 =	sadd.s32 s4, s20  }
0x9c: {  	s22 =	simm.s32 $0x0;
	s5 =	sshll.u32 s5, $0x1;
	s6 =	sadd.s32 s21, s4  }
0x9d: {  	[timem:s22], [sflag:s7] =	dma.local [hbm:s6], s5  }
0x9e: {  	_ =	swait.ge [sflag:s7], s5  }
0x9f: {  	s5 =	ssub.s32 $0x0, s5;
	[sflag:s7] =	ssyncset.done $0x0  }
0xa0: {  	[sflag:s7] =	ssyncadd.s32 s5;
	_ =	sdelay $0x1  }
0xa1: {  	s23 =	simm.s32 $0x1B8B  }
0xa2: {  	_ =	swait.ge [sflag:s23], $0x1  }
0xa3: {  	[sflag:s23] =	ssyncset.done $0x0  }
0xa4: {  	[sflag:s23] =	ssyncadd.s32 $0xFFFFFFFF  }
0xa5: {  	s5 =	sld [smem:$0x0]  }
0xa6: {  	s6 =	sand.u32 $0xFFFFFFFE, s1  }
0xa7: {  	p0 =	sne.s32 s1, s6  }
0xa8: {  	s6 =	sshll.u32 @p0 s6, $0xE  }
0xa9: {  	s6 =	sadd.s32 @p0 $0x11B8D, s6;
	s7 =	sshll.u32 @p0 s5, $0x11  }
0xaa: {  	s6 =	sor.u32 @p0 s7, s6  }
0xab: {  	[sflag:s6] =	ssyncadd.remote.s32 @p0 $0x1;
	_ =	sdelay $0x1  }
0xac: {  	s6 =	simm.s32 @p0 $0x1B8D  }
0xad: {  	_ =	swait.eq @p0 [sflag:s6], $0x1  }
0xae: {  	[sflag:s6] =	ssyncadd.s32 @p0 $0xFFFFFFFF  }
0xaf: {  	s7 =	sshll.u32 @!p0 s1, $0xE  }
0xb0: {  	s7 =	sor.u32 @!p0 $0x4000, s7;
	s6 =	simm.s32 @!p0 $0x1B8D  }
0xb1: {  	s5 =	sshll.u32 @!p0 s5, $0x11;
	s7 =	sadd.s32 @!p0 $0x11B8D, s7;
	_ =	swait.eq @!p0 [sflag:s6], $0x1  }
0xb2: {  	s5 =	sor.u32 @!p0 s5, s7;
	[sflag:s6] =	ssyncadd.s32 @!p0 $0xFFFFFFFF  }
0xb3: {  	s25 =	simm.s32 $0x1B8E;
	s24 =	sld [smem:$0x3FFE];
	[sflag:s5] =	ssyncadd.remote.s32 @!p0 $0x1  }
0xb4: {  	s26 =	simm.s32 $execute0_lowered;
	[smem:$0x3FD2] =	sst s25  }
0xb5: {  	s6 =	sshll.u32 s26, $0x1;
	_ =	strace $0x80000049;
	[dreg:$0x1] =	wrdreg $0xFFFFFFFF  }
0xb6: {  	s28 =	simm.s32 $_size_execute0_lowered;
	s4 =	sadd.s32 s4, s6;
	[dreg:$0x0] =	wrdreg $0x0  }
0xb7: {  	s6 =	sshll.u32 s28, $0x1;
	[dreg:$0x2] =	wrdreg s4  }
0xb8: {  	[dreg:$0x3] =	wrdreg s6  }
0xb9: {  	[dreg:$0x4] =	wrdreg $0xC0  }
0xba: {  	_ =	task [dreg:s22], $0x5FFFF  }
0xbb: {  	[dreg:$0x1] =	wrdreg $0xFFFFFFFF  }
0xbc: {  	[dreg:$0x0] =	wrdreg $0x60  }
0xbd: {  	[dreg:$0x2] =	wrdreg s18  }
0xbe: {  	[dreg:$0x3] =	wrdreg s24  }
0xbf: {  	[dreg:$0x4] =	wrdreg $0x54000  }
0xc0: {  	[dreg:$0x5] =	wrdreg $0x9  }
0xc1: {  	_ =	task.clear_ibuf [dreg:s22], $0x6FFFF;
	_ =	strace $0x90000049  }
0xc2: {  	s29 =	simm.s32 $0x9;
	_ =	strace $0x8000004B  }
0xc3: {  	_ =	swait.ge [sflag:s29], $0x1  }
0xc4: {  	[sflag:s29] =	ssyncadd.s32 $0xFFFFFFFF  }
0xc5: {  	_ =	strace $0x9000004B  }
0xc6: {  	_ =	sfence  }
0xc7: {  	s30 =	sld [smem:$0x0];
	_ =	sdelay $0x2  }
0xc8: {  	s31 =	sshll.u32 s1, $0xD;
	s1 =	sshrl.u32 s1, $0x2  }
0xc9: {  	s4 =	sand.u32 $0x4000, s31;
	s1 =	sadd.s32 s1, s30  }
0xca: {  	s0 =	sor.u32 s4, s0;
	s1 =	sshll.u32 s1, $0x11  }
0xcb: {  	s0 =	sor.u32 s1, s0  }
0xcc: {  	s0 =	sadd.s32 $0x8F2B, s0  }
0xcd: {  	[sflag:s0] =	ssyncadd.remote.s32 $0x1  }
0xce: {  	_ =	sfence.sel $0xFFFF  }
0xcf: {  	[dreg:$0x0] =	wrdreg $0xFFFFFFFF;
	(pc) =	sbr.abs _section_cstart, $3  }
0xd0: {  	[dreg:$0x1] =	wrdreg $0xFFFFFFFF  }
0xd1: {  	_ =	task.clear_ibuf [dreg:s22], $0x2FFFF;
	_ =	strace $0x9FFFFFFF  }
0xd2: {  	(tm) =	ssettm $0x7FFFFFFF  }
0xd3: {  	_ =	shalt  }
tec
execute0_lowered:
.L_overlay_start_1:
0x0: {  	(tag) =	ssettag $0x1  }
0x1: {  	s0 =	rddreg [dreg:$0x0]  }
0x2: {  	s4 =	rddreg [dreg:$0x1]  }
0x3: {  	s1 =	rddreg [dreg:$0x2];
	s3 =	simm.s32 $0x0  }
0x4: {  	s5 =	srdreg.scid;
	s2 =	stileid.u32;
	s17 =	simm.s32 $0x1  }
0x5: {  	s31 =	simm.s32 $0x600;
	s19 =	simm.s32 $0x700;
	s20 =	simm.s32 $0x780  }
0x6: {  	s21 =	simm.s32 $0x800;
	s22 =	simm.s32 $0x880;
	s23 =	simm.s32 $0x900  }
0x7: {  	s24 =	simm.s32 $0x980;
	[smem:$0x7FF] =	sst s3;
	s7 =	sand.u32 $0x1, s5  }
0x8: {  	s26 =	smul.u32 $0x4E000, s2;
	s13 =	sadd.s32 $0x78800, s4;
	s9 =	sadd.s32 $0x134800, s1  }
0x9: {  	s12 =	smul.u32 $0x13800, s2;
	p0 =	sne.s32 s2, $0xF;
	_ =	strace $0x8000004A  }
0xa: {  	s28 =	ssub.s32 $0x2, s7;
	s6 =	sshll.u32 s7, $0x4;
	s11 =	smul.u32 $0x138800, s7  }
0xb: {  	s8 =	sshrl.u32 s28, $0x1;
	s18 =	sor.u32 s2, s6;
	s5 =	sshrl.u32 s26, $0x2  }
0xc: {  	s26 =	simm.s32 $0x0;
	s15 =	ssub.s32 s28, s8;
	s4 =	sadd.s32 s5, s1  }
0xd: {  	s29 =	smul.u32 $0x2800, s18;
	s12 =	sadd.s32 s12, s11;
	s16 =	sshrl.u32 s11, $0x3  }
0xe: {  	p1 =	seq.s32 s18, $0x1F;
	s18 =	simm.s32 $0x80;
	s5 =	sadd.s32 $0x4000, s4  }
0xf: {  	s6 =	sadd.s32 $0x8000, s4;
	s7 =	sadd.s32 $0xC000, s4;
	s8 =	sadd.s32 $0xF800, s4  }
.Ltmp0:
0x10: {  	s30 =	sshrl.u32 s12, $0x3;
	s16 =	sadd.s32 s13, s16;
	(pc) =	sbr.rel .LBB2_1-.Ltmp0, $4  }
0x11: {  	s12 =	sadd.s32 $0x13780, s0;
	s15 =	smax.u32 s15, $0x1;
	s10 =	sshrl.u32 s29, $0x3  }
0x12: {  	s13 =	sadd.s32 s13, s30;
	s14 =	sadd.s32 s0, s10;
	s0 =	sadd.s32 $0x138000, s1  }
0x13: {  	s10 =	sadd.s32 $0x9C80, s14;
	s11 =	sadd.s32 $0x9F00, s14;
	s14 =	sadd.s32 $0x27000, s16  }
0x14: {  	v0 =	vimm.f32 $0.0e+00;
	v1 =	vimm.f32 $1.000000000e+00;
	s16 =	simm.s32 $0x1400;
	s25 =	sshrl.u32 @!p0 s0, $0x3;
	s0 =	simm.s32 $0x680  }
.LBB2_11:
0x15: {  	[tilespmem:s3], [sflag:$0x1] =	stream.linear.gather [hbm4b:s12+s3], $0xA00, $0x38;
	[tilespmem:$0xA220] =	vst v63  }
0x16: {  	_ =	swait.ge [sflag:s17], $0xA00  }
0x17: {  	[sflag:s17] =	ssyncset.done $0x0  }
0x18: {  	[sflag:s17] =	ssyncadd.s32 $0xFFFFF600  }
0x19: {  	[spmem:s1] =	stream.indirect.scatter.add.f32 [tilespmem:s16], [sflag:$0x1], $0x20, s3, s18, $0xb8;
	[tilespmem:$0xA220] =	vst v63  }
0x1a: {  	_ =	swait.ge [sflag:s17], $0x1000  }
0x1b: {  	[sflag:s17] =	ssyncset.done $0x0  }
0x1c: {  	[sflag:s17] =	ssyncadd.s32 $0xFFFFF000  }
0x1d: {  	[spmem:s1] =	stream.indirect.scatter.add.f32 [tilespmem:s16], [sflag:$0x1], $0x20, s18, s18, $0xb8;
	[tilespmem:$0xA220] =	vst v63  }
0x1e: {  	_ =	swait.ge [sflag:s17], $0x1000  }
0x1f: {  	[sflag:s17] =	ssyncset.done $0x0  }
0x20: {  	s28 =	simm.s32 $0x100;
	[sflag:s17] =	ssyncadd.s32 $0xFFFFF000  }
0x21: {  	[spmem:s1] =	stream.indirect.scatter.add.f32 [tilespmem:s16], [sflag:$0x1], $0x20, s28, s18, $0xb8;
	[tilespmem:$0xA220] =	vst v63  }
0x22: {  	_ =	swait.ge [sflag:s17], $0x1000  }
0x23: {  	[sflag:s17] =	ssyncset.done $0x0  }
0x24: {  	s30 =	simm.s32 $0x180;
	[sflag:s17] =	ssyncadd.s32 $0xFFFFF000  }
0x25: {  	[spmem:s1] =	stream.indirect.scatter.add.f32 [tilespmem:s16], [sflag:$0x1], $0x20, s30, s18, $0xb8;
	[tilespmem:$0xA220] =	vst v63  }
0x26: {  	_ =	swait.ge [sflag:s17], $0x1000  }
0x27: {  	[sflag:s17] =	ssyncset.done $0x0  }
0x28: {  	s29 =	simm.s32 $0x200;
	[sflag:s17] =	ssyncadd.s32 $0xFFFFF000  }
0x29: {  	[spmem:s1] =	stream.indirect.scatter.add.f32 [tilespmem:s16], [sflag:$0x1], $0x20, s29, s18, $0xb8;
	[tilespmem:$0xA220] =	vst v63  }
0x2a: {  	_ =	swait.ge [sflag:s17], $0x1000  }
0x2b: {  	[sflag:s17] =	ssyncset.done $0x0  }
0x2c: {  	s30 =	simm.s32 $0x280;
	[sflag:s17] =	ssyncadd.s32 $0xFFFFF000  }
0x2d: {  	[spmem:s1] =	stream.indirect.scatter.add.f32 [tilespmem:s16], [sflag:$0x1], $0x20, s30, s18, $0xb8;
	[tilespmem:$0xA220] =	vst v63  }
0x2e: {  	_ =	swait.ge [sflag:s17], $0x1000  }
0x2f: {  	[sflag:s17] =	ssyncset.done $0x0  }
0x30: {  	s29 =	simm.s32 $0x300;
	[sflag:s17] =	ssyncadd.s32 $0xFFFFF000  }
0x31: {  	[spmem:s1] =	stream.indirect.scatter.add.f32 [tilespmem:s16], [sflag:$0x1], $0x20, s29, s18, $0xb8;
	[tilespmem:$0xA220] =	vst v63  }
0x32: {  	_ =	swait.ge [sflag:s17], $0x1000  }
0x33: {  	[sflag:s17] =	ssyncset.done $0x0  }
0x34: {  	s30 =	simm.s32 $0x380;
	[sflag:s17] =	ssyncadd.s32 $0xFFFFF000  }
0x35: {  	[spmem:s1] =	stream.indirect.scatter.add.f32 [tilespmem:s16], [sflag:$0x1], $0x20, s30, s18, $0xb8;
	[tilespmem:$0xA220] =	vst v63  }
0x36: {  	_ =	swait.ge [sflag:s17], $0x1000  }
0x37: {  	[sflag:s17] =	ssyncset.done $0x0  }
0x38: {  	s29 =	simm.s32 $0x400;
	[sflag:s17] =	ssyncadd.s32 $0xFFFFF000  }
0x39: {  	[spmem:s1] =	stream.indirect.scatter.add.f32 [tilespmem:s16], [sflag:$0x1], $0x20, s29, s18, $0xb8;
	[tilespmem:$0xA220] =	vst v63  }
0x3a: {  	_ =	swait.ge [sflag:s17], $0x1000  }
0x3b: {  	[sflag:s17] =	ssyncset.done $0x0  }
0x3c: {  	s30 =	simm.s32 $0x480;
	[sflag:s17] =	ssyncadd.s32 $0xFFFFF000  }
0x3d: {  	[spmem:s1] =	stream.indirect.scatter.add.f32 [tilespmem:s16], [sflag:$0x1], $0x20, s30, s18, $0xb8;
	[tilespmem:$0xA220] =	vst v63  }
0x3e: {  	_ =	swait.ge [sflag:s17], $0x1000  }
0x3f: {  	[sflag:s17] =	ssyncset.done $0x0  }
0x40: {  	s29 =	simm.s32 $0x500;
	[sflag:s17] =	ssyncadd.s32 $0xFFFFF000  }
0x41: {  	[spmem:s1] =	stream.indirect.scatter.add.f32 [tilespmem:s16], [sflag:$0x1], $0x20, s29, s18, $0xb8;
	[tilespmem:$0xA220] =	vst v63  }
0x42: {  	_ =	swait.ge [sflag:s17], $0x1000  }
0x43: {  	[sflag:s17] =	ssyncset.done $0x0  }
0x44: {  	s30 =	simm.s32 $0x580;
	[sflag:s17] =	ssyncadd.s32 $0xFFFFF000  }
0x45: {  	[spmem:s1] =	stream.indirect.scatter.add.f32 [tilespmem:s16], [sflag:$0x1], $0x20, s30, s18, $0xb8;
	[tilespmem:$0xA220] =	vst v63  }
0x46: {  	_ =	swait.ge [sflag:s17], $0x1000  }
0x47: {  	[sflag:s17] =	ssyncset.done $0x0  }
0x48: {  	[sflag:s17] =	ssyncadd.s32 $0xFFFFF000  }
0x49: {  	[spmem:s1] =	stream.indirect.scatter.add.f32 [tilespmem:s16], [sflag:$0x1], $0x20, s31, s18, $0xb8;
	[tilespmem:$0xA220] =	vst v63  }
0x4a: {  	_ =	swait.ge [sflag:s17], $0x1000  }
0x4b: {  	[sflag:s17] =	ssyncset.done $0x0  }
0x4c: {  	[sflag:s17] =	ssyncadd.s32 $0xFFFFF000  }
0x4d: {  	[spmem:s1] =	stream.indirect.scatter.add.f32 [tilespmem:s16], [sflag:$0x1], $0x20, s0, s18, $0xb8;
	[tilespmem:$0xA220] =	vst v63  }
0x4e: {  	_ =	swait.ge [sflag:s17], $0x1000  }
0x4f: {  	[sflag:s17] =	ssyncset.done $0x0  }
0x50: {  	[sflag:s17] =	ssyncadd.s32 $0xFFFFF000  }
0x51: {  	[spmem:s1] =	stream.indirect.scatter.add.f32 [tilespmem:s16], [sflag:$0x1], $0x20, s19, s18, $0xb8;
	[tilespmem:$0xA220] =	vst v63  }
0x52: {  	_ =	swait.ge [sflag:s17], $0x1000  }
0x53: {  	[sflag:s17] =	ssyncset.done $0x0  }
0x54: {  	[sflag:s17] =	ssyncadd.s32 $0xFFFFF000  }
0x55: {  	[spmem:s1] =	stream.indirect.scatter.add.f32 [tilespmem:s16], [sflag:$0x1], $0x20, s20, s18, $0xb8;
	[tilespmem:$0xA220] =	vst v63  }
0x56: {  	_ =	swait.ge [sflag:s17], $0x1000  }
0x57: {  	[sflag:s17] =	ssyncset.done $0x0  }
0x58: {  	[sflag:s17] =	ssyncadd.s32 $0xFFFFF000  }
0x59: {  	[spmem:s1] =	stream.indirect.scatter.add.f32 [tilespmem:s16], [sflag:$0x1], $0x20, s21, s18, $0xb8;
	[tilespmem:$0xA220] =	vst v63  }
0x5a: {  	_ =	swait.ge [sflag:s17], $0x1000  }
0x5b: {  	[sflag:s17] =	ssyncset.done $0x0  }
0x5c: {  	[sflag:s17] =	ssyncadd.s32 $0xFFFFF000  }
0x5d: {  	[spmem:s1] =	stream.indirect.scatter.add.f32 [tilespmem:s16], [sflag:$0x1], $0x20, s22, s18, $0xb8;
	[tilespmem:$0xA220] =	vst v63  }
0x5e: {  	_ =	swait.ge [sflag:s17], $0x1000  }
0x5f: {  	[sflag:s17] =	ssyncset.done $0x0  }
0x60: {  	[sflag:s17] =	ssyncadd.s32 $0xFFFFF000  }
0x61: {  	[spmem:s1] =	stream.indirect.scatter.add.f32 [tilespmem:s16], [sflag:$0x1], $0x20, s23, s18, $0xb8;
	[tilespmem:$0xA220] =	vst v63  }
0x62: {  	_ =	swait.ge [sflag:s17], $0x1000  }
0x63: {  	[sflag:s17] =	ssyncset.done $0x0  }
0x64: {  	[sflag:s17] =	ssyncadd.s32 $0xFFFFF000  }
0x65: {  	[spmem:s1] =	stream.indirect.scatter.add.f32 [tilespmem:s16], [sflag:$0x1], $0x20, s24, s18, $0xb8;
	[tilespmem:$0xA220] =	vst v63  }
0x66: {  	_ =	swait.ge [sflag:s17], $0x1000  }
0x67: {  	[sflag:s17] =	ssyncset.done $0x0  }
0x68: {  	[sflag:s17] =	ssyncadd.s32 $0xFFFFF000  }
.LBB2_12:
0x69: {  	s28 =	sshll.u32 s2, $0x6  }
0x6a: {  	[bflag:$0x0] =	sbarrier.arrive $0xFFFF;
	s29 =	sshrl.u32 s4, $0x3;
	s28 =	sor.u32 $0x1C01, s28  }
0x6b: {  	[hbm:s13], [sflag:s28] =	dma.local [spmem:s29], $0x2700  }
0x6c: {  	_ =	swait.ge [sflag:s17], $0x2700  }
0x6d: {  	s26 =	sadd.s32 $0x1, s26;
	[sflag:s17] =	ssyncset.done $0x0  }
0x6e: {  	p2 =	sne.s32 s26, s15;
	[sflag:s17] =	ssyncadd.s32 $0xFFFFD900  }
0x6f: {  	[hbm:s14], [sflag:s28] =	dma.local @!p0 [spmem:s25], $0x100  }
.Ltmp1:
0x70: {  	_ = 	snop;
	(pc) =	sbr.rel @!p2 .LBB2_13-.Ltmp1, $4  }
0x71: {  	s28 =	simm.s32 @!p0 $0x1  }
0x72: {  	_ =	swait.ge @!p0 [sflag:s28], $0x100  }
0x73: {  	[sflag:s28] =	ssyncset.done @!p0 $0x0  }
0x74: {  	[sflag:s28] =	ssyncadd.s32 @!p0 $0xFFFFFF00  }
.LBB2_1:
0x75: {  	s28 =	simm.s32 $0x200;
	s29 =	simm.s32 $0x0  }
.LBB2_2:
0x76: {  	p2 =	sne.s32 s28, $0xFE00;
	[tilespmem:s29+$0x1400] =	vst v0;
	s30 =	smov.u32 s28;
	s28 =	sadd.s32 $0x200, s28  }
.Ltmp2:
0x77: {  	[tilespmem:s29+$0x1410] =	vst v0;
	(pc) =	sbr.rel @p2 .LBB2_2-.Ltmp2, $2  }
0x78: {  	_ =	sdelay $0x2  }
0x79: {  	s29 =	sshra.s32 s30, $0x2  }
0x7a: {  	[tilespmem:s29+$0x1400] =	vst v0  }
0x7b: {  	[tilespmem:s29+$0x1410] =	vst v0  }
0x7c: {  	[spmem:s4] =	stream.linear.scatter [tilespmem:s16], [sflag:$0x1], $0x4000, $0x38;
	[tilespmem:$0xA220] =	vst v63  }
0x7d: {  	_ =	swait.ge [sflag:s17], $0x4000  }
0x7e: {  	[sflag:s17] =	ssyncset.done $0x0  }
0x7f: {  	[sflag:s17] =	ssyncadd.s32 $0xFFFFC000  }
0x80: {  	[spmem:s5] =	stream.linear.scatter [tilespmem:s16], [sflag:$0x1], $0x4000, $0x38;
	[tilespmem:$0xA220] =	vst v63  }
0x81: {  	_ =	swait.ge [sflag:s17], $0x4000  }
0x82: {  	[sflag:s17] =	ssyncset.done $0x0  }
0x83: {  	[sflag:s17] =	ssyncadd.s32 $0xFFFFC000  }
0x84: {  	[spmem:s6] =	stream.linear.scatter [tilespmem:s16], [sflag:$0x1], $0x4000, $0x38;
	[tilespmem:$0xA220] =	vst v63  }
0x85: {  	_ =	swait.ge [sflag:s17], $0x4000  }
0x86: {  	[sflag:s17] =	ssyncset.done $0x0  }
0x87: {  	[sflag:s17] =	ssyncadd.s32 $0xFFFFC000  }
0x88: {  	[spmem:s7] =	stream.linear.scatter [tilespmem:s16], [sflag:$0x1], $0x4000, $0x38;
	[tilespmem:$0xA220] =	vst v63  }
0x89: {  	_ =	swait.ge [sflag:s17], $0x4000  }
0x8a: {  	[sflag:s17] =	ssyncset.done $0x0  }
0x8b: {  	[sflag:s17] =	ssyncadd.s32 $0xFFFFC000  }
0x8c: {  	[spmem:s8] =	stream.linear.scatter [tilespmem:s16], [sflag:$0x1], $0x4000, $0x38;
	[tilespmem:$0xA220] =	vst v63  }
0x8d: {  	_ =	swait.ge [sflag:s17], $0x4000  }
0x8e: {  	[sflag:s17] =	ssyncset.done $0x0  }
0x8f: {  	s28 =	simm.s32 @!p0 $0x1400;
	[sflag:s17] =	ssyncadd.s32 $0xFFFFC000  }
0x90: {  	[spmem:s9] =	stream.linear.scatter @!p0 [tilespmem:s28], [sflag:$0x1], $0x4000, $0x38;
	[tilespmem:$0xA220] =	vst v63  }
0x91: {  	s28 =	simm.s32 @!p0 $0x1  }
0x92: {  	_ =	swait.ge @!p0 [sflag:s28], $0x4000  }
0x93: {  	[sflag:s28] =	ssyncset.done @!p0 $0x0  }
0x94: {  	s29 =	simm.s32 $0x0;
	[sflag:s28] =	ssyncadd.s32 @!p0 $0xFFFFC000;
	s28 =	simm.s32 $0x200  }
.LBB2_4:
0x95: {  	p2 =	sne.s32 s28, $0xFE00;
	[tilespmem:s29+$0x1400] =	vst v1;
	s30 =	smov.u32 s28;
	s28 =	sadd.s32 $0x200, s28  }
.Ltmp3:
0x96: {  	[tilespmem:s29+$0x1410] =	vst v1;
	(pc) =	sbr.rel @p2 .LBB2_4-.Ltmp3, $2  }
0x97: {  	_ =	sdelay $0x2  }
0x98: {  	s29 =	sshra.s32 s30, $0x2  }
.Ltmp4:
0x99: {  	(pc) =	sbr.rel @p1 .LBB2_11-.Ltmp4, $3  }
0x9a: {  	[tilespmem:s29+$0x1400] =	vst v1  }
0x9b: {  	[tilespmem:s29+$0x1410] =	vst v1  }
0x9c: {  	[bflag:$0x0] =	sbarrier.arrive $0xFFFF;
	_ =	sdelay $0x1  }
0x9d: {  	s28 =	simm.s32 $0x0  }
0x9e: {  	[tilespmem:s28], [sflag:$0x1] =	stream.linear.gather [hbm4b:s10+s28], $0x1400, $0x38;
	[tilespmem:$0xA220] =	vst v63  }
0x9f: {  	_ =	swait.ge [sflag:s17], $0x1400  }
0xa0: {  	[sflag:s17] =	ssyncset.done $0x0  }
0xa1: {  	s28 =	simm.s32 $0x0;
	[sflag:s17] =	ssyncadd.s32 $0xFFFFEC00  }
0xa2: {  	[spmem:s1] =	stream.indirect.scatter.add.f32 [tilespmem:s16], [sflag:$0x1], $0x20, s28, s18, $0xb8;
	[tilespmem:$0xA220] =	vst v63  }
0xa3: {  	_ =	swait.ge [sflag:s17], $0x1000  }
0xa4: {  	s28 =	simm.s32 $0x200;
	[sflag:s17] =	ssyncset.done $0x0  }
.LBB2_7:
0xa5: {  	s29 =	sshra.s32 s28, $0x2;
	[sflag:s17] =	ssyncadd.s32 $0xFFFFF000;
	p2 =	sne.s32 s28, $0x4E00  }
0xa6: {  	[spmem:s1] =	stream.indirect.scatter.add.f32 [tilespmem:s16], [sflag:$0x1], $0x20, s29, s18, $0xb8;
	[tilespmem:$0xA220] =	vst v63  }
.Ltmp5:
0xa7: {  	_ = 	snop;
	(pc) =	sbr.rel @p2 .LBB2_7-.Ltmp5, $4  }
0xa8: {  	_ = 	snop  }
0xa9: {  	s28 =	sadd.s32 $0x200, s28  }
0xaa: {  	_ =	swait.ge [sflag:s17], $0x1000  }
0xab: {  	[sflag:s17] =	ssyncset.done $0x0  }
0xac: {  	[sflag:s17] =	ssyncadd.s32 $0xFFFFF000;
	s28 =	simm.s32 $0x0  }
0xad: {  	[tilespmem:s28], [sflag:$0x1] =	stream.linear.gather [hbm4b:s11+s28], $0x1400, $0x38;
	[tilespmem:$0xA220] =	vst v63  }
0xae: {  	_ =	swait.ge [sflag:s17], $0x1400  }
0xaf: {  	[sflag:s17] =	ssyncset.done $0x0  }
0xb0: {  	s28 =	simm.s32 $0x0;
	[sflag:s17] =	ssyncadd.s32 $0xFFFFEC00  }
0xb1: {  	[spmem:s1] =	stream.indirect.scatter.add.f32 [tilespmem:s16], [sflag:$0x1], $0x20, s28, s18, $0xb8;
	[tilespmem:$0xA220] =	vst v63  }
0xb2: {  	_ =	swait.ge [sflag:s17], $0x1000  }
0xb3: {  	s28 =	simm.s32 $0x200;
	[sflag:s17] =	ssyncset.done $0x0  }
.LBB2_9:
0xb4: {  	s29 =	sshra.s32 s28, $0x2;
	[sflag:s17] =	ssyncadd.s32 $0xFFFFF000;
	p2 =	seq.s32 s28, $0x4E00  }
0xb5: {  	[spmem:s1] =	stream.indirect.scatter.add.f32 [tilespmem:s16], [sflag:$0x1], $0x20, s29, s18, $0xb8;
	[tilespmem:$0xA220] =	vst v63  }
.Ltmp6:
0xb6: {  	_ = 	snop;
	(pc) =	sbr.rel @!p2 .LBB2_9-.Ltmp6, $4  }
0xb7: {  	_ = 	snop  }
0xb8: {  	s28 =	sadd.s32 $0x200, s28  }
0xb9: {  	_ =	swait.ge [sflag:s17], $0x1000  }
0xba: {  	[sflag:s17] =	ssyncset.done $0x0  }
.Ltmp7:
0xbb: {  	(pc) =	sbr.rel .LBB2_12-.Ltmp7, $2  }
0xbc: {  	_ =	sdelay $0x2  }
0xbd: {  	[sflag:s17] =	ssyncadd.s32 $0xFFFFF000  }
.LBB2_13:
0xbe: {  	_ =	sfence.sel $0x180000  }
0xbf: {  	[bflag:$0x0] =	sbarrier.arrive $0xFFFF  }
0xc0: {  	_ =	strace $0x9000004A  }
0xc1: {  	[bflag:$0x2] =	sbarrier.arrive $0xFFFF  }
0xc2: {  	p0 =	sne.s32 s2, $0x0;
	s0 =	rddreg [dreg:$0x3]  }
0xc3: {  	s0 =	sadd.s32 @!p0 $0x100000, s0  }
0xc4: {  	[sflag:s0] =	ssyncadd.tile.s32 @!p0 $0x1;
	_ =	shalt  }
.Lfunc_end2:
_tile_overlayer_lowered:
.L_overlay_start_2:
0xc5: {  	(tag) =	ssettag $0x2  }
0xc6: {  	s0 =	rddreg [dreg:$0x0];
	s2 =	stileid.u32  }
0xc7: {  	s1 =	rddreg [dreg:$0x1];
	p0 =	sne.s32 s2, $0x0  }
0xc8: {  	s3 =	rddreg [dreg:$0x2];
	[bflag:$0x3] =	sbarrier.arrive $0xFFFF;
	s2 =	simm.s32 @!p0 $0x1C01  }
0xc9: {  	[timem:s3], [sflag:s2] =	dma.local @!p0 [hbm:s0], s1  }
0xca: {  	s0 =	simm.s32 @!p0 $0x1  }
0xcb: {  	_ =	swait.ge @!p0 [sflag:s0], s1  }
0xcc: {  	s1 =	ssub.s32 @!p0 $0x0, s1;
	[sflag:s0] =	ssyncset.done @!p0 $0x0  }
0xcd: {  	[sflag:s0] =	ssyncadd.s32 @!p0 s1  }
0xce: {  	[bflag:$0x3] =	sbarrier.arrive $0xFFFF  }
0xcf: {  	_ =	shalt  }

// kernel: kernel.13.cloned.1.call-start
scs
__scs_entry_jumppad:
0x0: {  	(pc) =	sbr.rel $0x88, $3  }
0x1: {  	(tag) =	ssettag $0x0;
	lr =	simm.s32 $0x1  }
0x2: {  	[smem:$0x3F95] =	sst lr;
	_ =	strace $0xD0000000  }
0x3: {  	_ = 	snop  }
0x4: {  	_ = 	snop  }
0x5: {  	_ = 	snop  }
0x6: {  	_ = 	snop  }
0x7: {  	_ = 	snop  }
__scs_overlays_trampoline_lowered:
0x8: {  	[smem:$0x3FA4] =	sst s0  }
0x9: {  	[smem:$0x3FA5] =	sst s1  }
0xa: {  	[smem:$0x3FA6] =	sst s2  }
0xb: {  	[smem:$0x3FA7] =	sst s3  }
0xc: {  	[smem:$0x3FA8] =	sst s4  }
0xd: {  	[smem:$0x3FA9] =	sst s5  }
0xe: {  	[smem:$0x3FAA] =	sst s6  }
0xf: {  	[smem:$0x3FAB] =	sst s7  }
0x10: {  	[smem:$0x3FAC] =	sst s8  }
0x11: {  	[smem:$0x3FAD] =	sst s9;
	s0 =	simm.s32 @!p0 $0x0  }
0x12: {  	s1 =	sld [smem:$0x3F93];
	s0 =	simm.s32 @p0 $0x1  }
0x13: {  	[smem:$0x3FAE] =	sst s0;
	s0 =	simm.s32 @!p1 $0x0  }
0x14: {  	s2 =	sld [smem:$0x3F92];
	s0 =	simm.s32 @p1 $0x1  }
0x15: {  	[smem:$0x3FAF] =	sst s0;
	s0 =	simm.s32 @!p2 $0x0  }
0x16: {  	s3 =	sld [smem:$0x3FDB];
	s0 =	simm.s32 @p2 $0x1  }
0x17: {  	s4 =	simm.s32 $0x1BF5;
	[smem:$0x3FB1] =	sst s0  }
0x18: {  	s0 =	sld [smem:$0x3F94];
	_ =	swait.ge [sflag:s4], $0x0  }
0x19: {  	s7 =	sld [smem:$0x3F95]  }
0x1a: {  	s8 =	sadd.s32 $0xFFFFE003, lr  }
0x1b: {  	s9 =	sadd.s32 $0xFFFFFEF7, lr;
	s5 =	simm.s32 $0xFFFFFFFF;
	p2 =	slt.u32 s8, $0xFFFFF086  }
0x1c: {  	p1 =	slt.u32 s9, $0xF7A;
	s5 =	simm.s32 @!p2 $0x0  }
0x1d: {  	s5 =	simm.s32 @p1 $0x1;
	p0 =	seq.s32 s7, s2  }
0x1e: {  	s7 =	smul.u32 @!p0 $0xF7A, s2;
	p2 =	seq.s32 @!p0 s5, $0x0  }
0x1f: {  	s9 =	smul.u32 $0xF7A, s1;
	s8 =	simm.s32 @!p0 $0x1BF5;
	p2 =	por !p2, p0  }
0x20: {  	[sflag:s8] =	ssyncset.s32 @!p0 $0xFFFFF086;
	s6 =	sadd.s32 @!p0 s3, s7;
	s7 =	simm.s32 @!p0 $0x108  }
0x21: {  	s3 =	sadd.s32 s3, s9;
	s6 =	sadd.s32 @!p0 $0x88, s6;
	s7 =	simm.s32 @p2 $0x1082  }
0x22: {  	[simem:s7], [sflag:s8] =	dma.local @!p0 [hbm:s6], $0xF7A  }
0x23: {  	s9 =	sor.u32 $0xD0000000, s2;
	s6 =	simm.s32 $0x108;
	_ =	swait.ge @!p0 [sflag:s8], $0x0  }
0x24: {  	s3 =	sadd.s32 $0x88, s3;
	s6 =	simm.s32 @!p1 $0x1082;
	[sflag:s4] =	ssyncset.s32 $0xFFFFF086  }
0x25: {  	[simem:s6], [sflag:s4] =	dma.local [hbm:s3], $0xF7A  }
0x26: {  	[smem:$0x3F95] =	sst s1;
	(tag) =	ssettag s2;
	_ =	strace s9  }
0x27: {  	s1 =	sld [smem:$0x3FA5]  }
0x28: {  	s2 =	sld [smem:$0x3FA6]  }
0x29: {  	s4 =	sld [smem:$0x3FA8]  }
0x2a: {  	p0 =	seq.s32 s5, $0x0;
	s5 =	sld [smem:$0x3FA9]  }
0x2b: {  	s6 =	sld [smem:$0x3FAA]  }
0x2c: {  	s7 =	sld [smem:$0x3FAB]  }
0x2d: {  	s3 =	simm.s32 $0x108;
	s8 =	sld [smem:$0x3FAC]  }
0x2e: {  	s3 =	simm.s32 @!p0 $0x1082;
	s9 =	sld [smem:$0x3FAD]  }
0x2f: {  	lr =	sadd.s32 s0, s3;
	s0 =	sld [smem:$0x3FA4]  }
0x30: {  	s3 =	sld [smem:$0x3FA7]  }
0x31: {  	[smem:$0x3FB0] =	sst s10  }
0x32: {  	s10 =	sld [smem:$0x3FAE];
	_ =	sdelay $0x3  }
0x33: {  	p0 =	seq.s32 s10, $0x1;
	s10 =	sld [smem:$0x3FB0];
	_ =	sdelay $0x3  }
0x34: {  	[smem:$0x3FB0] =	sst s10  }
0x35: {  	s10 =	sld [smem:$0x3FAF];
	_ =	sdelay $0x3  }
0x36: {  	p1 =	seq.s32 s10, $0x1;
	s10 =	sld [smem:$0x3FB0];
	_ =	sdelay $0x3  }
0x37: {  	[smem:$0x3FB0] =	sst s10  }
0x38: {  	s10 =	sld [smem:$0x3FB1]  }
0x39: {  	_ = 	snop;
	(pc) =	sbr.ind lr, $3  }
0x3a: {  	_ = 	snop  }
0x3b: {  	_ = 	snop  }
0x3c: {  	p2 =	seq.s32 s10, $0x1;
	s10 =	sld [smem:$0x3FB0]  }
0x3d: {  	_ =	shalt  }
0x3e: {  	_ =	shalt  }
0x3f: {  	_ =	shalt  }
0x40: {  	_ =	shalt  }
0x41: {  	_ =	shalt  }
0x42: {  	_ =	shalt  }
0x43: {  	_ =	shalt  }
0x44: {  	_ =	shalt  }
0x45: {  	_ =	shalt  }
0x46: {  	_ =	shalt  }
0x47: {  	_ =	shalt  }
0x48: {  	_ =	shalt  }
0x49: {  	_ =	shalt  }
0x4a: {  	_ =	shalt  }
0x4b: {  	_ =	shalt  }
0x4c: {  	_ =	shalt  }
0x4d: {  	_ =	shalt  }
0x4e: {  	_ =	shalt  }
0x4f: {  	_ =	shalt  }
0x50: {  	_ =	shalt  }
0x51: {  	_ =	shalt  }
0x52: {  	_ =	shalt  }
0x53: {  	_ =	shalt  }
0x54: {  	_ =	shalt  }
0x55: {  	_ =	shalt  }
0x56: {  	_ =	shalt  }
0x57: {  	_ =	shalt  }
0x58: {  	_ =	shalt  }
0x59: {  	_ =	shalt  }
0x5a: {  	_ =	shalt  }
0x5b: {  	_ =	shalt  }
0x5c: {  	_ =	shalt  }
0x5d: {  	_ =	shalt  }
0x5e: {  	_ =	shalt  }
0x5f: {  	_ =	shalt  }
0x60: {  	_ =	shalt  }
0x61: {  	_ =	shalt  }
0x62: {  	_ =	shalt  }
0x63: {  	_ =	shalt  }
0x64: {  	_ =	shalt  }
0x65: {  	_ =	shalt  }
0x66: {  	_ =	shalt  }
0x67: {  	_ =	shalt  }
0x68: {  	_ =	shalt  }
0x69: {  	_ =	shalt  }
0x6a: {  	_ =	shalt  }
0x6b: {  	_ =	shalt  }
0x6c: {  	_ =	shalt  }
0x6d: {  	_ =	shalt  }
0x6e: {  	_ =	shalt  }
0x6f: {  	_ =	shalt  }
0x70: {  	_ =	shalt  }
0x71: {  	_ =	shalt  }
0x72: {  	_ =	shalt  }
0x73: {  	_ =	shalt  }
0x74: {  	_ =	shalt  }
0x75: {  	_ =	shalt  }
0x76: {  	_ =	shalt  }
0x77: {  	_ =	shalt  }
0x78: {  	_ =	shalt  }
0x79: {  	_ =	shalt  }
0x7a: {  	_ =	shalt  }
0x7b: {  	_ =	shalt  }
0x7c: {  	_ =	shalt  }
0x7d: {  	_ =	shalt  }
0x7e: {  	_ =	shalt  }
0x7f: {  	_ =	shalt  }
0x80: {  	_ =	shalt  }
0x81: {  	_ =	shalt  }
0x82: {  	_ =	shalt  }
0x83: {  	_ =	shalt  }
0x84: {  	_ =	shalt  }
0x85: {  	_ =	shalt  }
0x86: {  	_ =	shalt  }
0x87: {  	_ =	shalt  }
.Lfunc_end0:
.L_simem_size_0:
called_computation.1_lowered:
.L_overlay_start_0:
0x88: {  	s2 =	sld [smem:$0x3FD9]  }
0x89: {  	s3 =	sld [smem:$0x3FFE];
	_ =	sdelay $0x1  }
0x8a: {  	s1 =	srdreg.scid  }
0x8b: {  	s0 =	sand.u32 $0x1, s1  }
0x8c: {  	s17 =	sshll.u32 s0, $0xA;
	s2 =	sadd.s32 s3, s2  }
0x8d: {  	s2 =	sadd.s32 s2, s17  }
0x8e: {  	[smem:$0x3FBC] =	sst s2  }
0x8f: {  	_ = 	snop  }
0x90: {  	s2 =	sld [smem:$0x3FD0];
	(tm) =	ssettm $0x1  }
0x91: {  	s18 =	sld [smem:$0x3FFB];
	_ =	sdelay $0x3  }
0x92: {  	_ =	strace s18  }
0x93: {  	s3 =	sld [smem:$0x3FFC];
	_ =	sdelay $0x3  }
0x94: {  	_ =	strace s3  }
0x95: {  	s3 =	sld [smem:$0x3FFD];
	_ =	sdelay $0x3  }
0x96: {  	_ =	strace s3  }
0x97: {  	_ =	strace $0x8FFFFFFF  }
0x98: {  	s19 =	sld [smem:$0x3FDB];
	_ =	sdelay $0x1  }
0x99: {  	s4 =	simm.s32 $_scs_section_size  }
0x9a: {  	s5 =	simm.s32 $_size__tile_overlayer_lowered;
	s6 =	simm.s32 $_tile_overlayer_lowered  }
0x9b: {  	s22 =	simm.s32 $0x1BFF;
	s21 =	sshll.u32 s6, $0x1;
	s3 =	sadd.s32 s4, s19  }
0x9c: {  	s7 =	simm.s32 $0x0;
	s20 =	sshll.u32 s5, $0x1;
	s5 =	sadd.s32 s21, s3  }
0x9d: {  	[timem:s7], [sflag:s22] =	dma.local [hbm:s5], s20  }
0x9e: {  	_ =	swait.ge [sflag:s22], s20  }
0x9f: {  	s4 =	ssub.s32 $0x0, s20;
	[sflag:s22] =	ssyncset.done $0x0  }
0xa0: {  	[sflag:s22] =	ssyncadd.s32 s4;
	_ =	sdelay $0x1  }
0xa1: {  	s23 =	simm.s32 $0x1B8B  }
0xa2: {  	_ =	swait.ge [sflag:s23], $0x1  }
0xa3: {  	[sflag:s23] =	ssyncset.done $0x0  }
0xa4: {  	s25 =	simm.s32 $0x1B8E;
	s24 =	sld [smem:$0x3FFE];
	[sflag:s23] =	ssyncadd.s32 $0xFFFFFFFF  }
0xa5: {  	s26 =	simm.s32 $execute0_lowered;
	[smem:$0x3FD2] =	sst s25  }
0xa6: {  	s5 =	sshll.u32 s26, $0x1;
	_ =	strace $0x80000046;
	[dreg:$0x1] =	wrdreg $0xFFFFFFFF  }
0xa7: {  	s28 =	simm.s32 $_size_execute0_lowered;
	s3 =	sadd.s32 s3, s5;
	[dreg:$0x0] =	wrdreg $0x0  }
0xa8: {  	s5 =	sshll.u32 s28, $0x1;
	[dreg:$0x2] =	wrdreg s3  }
0xa9: {  	[dreg:$0x3] =	wrdreg s5  }
0xaa: {  	[dreg:$0x4] =	wrdreg $0xC0  }
0xab: {  	_ =	task [dreg:s7], $0x5FFFF  }
0xac: {  	[dreg:$0x1] =	wrdreg $0xFFFFFFFF  }
0xad: {  	[dreg:$0x0] =	wrdreg $0x60  }
0xae: {  	[dreg:$0x2] =	wrdreg s24  }
0xaf: {  	[dreg:$0x3] =	wrdreg s2  }
0xb0: {  	[dreg:$0x4] =	wrdreg $0xA8000  }
0xb1: {  	[dreg:$0x5] =	wrdreg $0xA  }
0xb2: {  	_ =	task.clear_ibuf [dreg:s7], $0x6FFFF;
	_ =	strace $0x90000046  }
0xb3: {  	s29 =	simm.s32 $0xA;
	_ =	strace $0x80000048  }
0xb4: {  	_ =	swait.ge [sflag:s29], $0x1  }
0xb5: {  	[sflag:s29] =	ssyncadd.s32 $0xFFFFFFFF  }
0xb6: {  	_ =	strace $0x90000048  }
0xb7: {  	_ =	sfence  }
0xb8: {  	s30 =	sld [smem:$0x0];
	_ =	sdelay $0x2  }
0xb9: {  	s31 =	sshll.u32 s1, $0xD;
	s1 =	sshrl.u32 s1, $0x2  }
0xba: {  	s3 =	sand.u32 $0x4000, s31;
	s1 =	sadd.s32 s1, s30  }
0xbb: {  	s0 =	sor.u32 s3, s0;
	s1 =	sshll.u32 s1, $0x11  }
0xbc: {  	s0 =	sor.u32 s1, s0  }
0xbd: {  	s0 =	sadd.s32 $0x8F2B, s0  }
0xbe: {  	[sflag:s0] =	ssyncadd.remote.s32 $0x1  }
0xbf: {  	_ =	sfence.sel $0xFFFF  }
0xc0: {  	[dreg:$0x0] =	wrdreg $0xFFFFFFFF;
	(pc) =	sbr.abs _section_cstart, $3  }
0xc1: {  	[dreg:$0x1] =	wrdreg $0xFFFFFFFF  }
0xc2: {  	_ =	task.clear_ibuf [dreg:s7], $0x2FFFF;
	_ =	strace $0x9FFFFFFF  }
0xc3: {  	(tm) =	ssettm $0x7FFFFFFF  }
tec
execute0_lowered:
.L_overlay_start_1:
0x0: {  	(tag) =	ssettag $0x1  }
0x1: {  	s0 =	rddreg [dreg:$0x0]  }
0x2: {  	s16 =	rddreg [dreg:$0x1]  }
0x3: {  	s2 =	rddreg [dreg:$0x2]  }
0x4: {  	s3 =	simm.s32 $0x0;
	s4 =	srdreg.scid;
	s1 =	stileid.u32  }
0x5: {  	s21 =	simm.s32 $0x3;
	s23 =	simm.s32 $0x80;
	s24 =	simm.s32 $0x6800  }
0x6: {  	s26 =	simm.s32 $0x1;
	s29 =	simm.s32 $0x2;
	s30 =	simm.s32 $0x0  }
0x7: {  	[smem:$0x7FF] =	sst s3;
	s8 =	sand.u32 $0x1, s4;
	s5 =	smul.u32 $0x4E000, s1  }
0x8: {  	s4 =	sadd.s32 $0x3400, s0;
	s0 =	sadd.s32 $0x2A600, s0;
	s11 =	sadd.s32 $0x134800, s2  }
0x9: {  	s15 =	smul.u32 $0x13800, s1;
	p0 =	sne.s32 s1, $0xF;
	_ =	strace $0x80000047  }
0xa: {  	s6 =	sshll.u32 s8, $0x4;
	s7 =	ssub.s32 $0x2, s8;
	s17 =	smul.u32 $0x138800, s8  }
0xb: {  	s22 =	sor.u32 s1, s6;
	s5 =	sshrl.u32 s5, $0x2;
	s31 =	sshrl.u32 s7, $0x1  }
0xc: {  	s5 =	sadd.s32 s5, s2;
	s9 =	smul.u32 $0x2800, s22;
	s19 =	ssub.s32 s7, s31  }
0xd: {  	s18 =	sadd.s32 s15, s17;
	s15 =	sadd.s32 $0x13780, s16;
	s20 =	sshrl.u32 s17, $0x3  }
0xe: {  	p1 =	seq.s32 s22, $0x1F;
	s22 =	simm.s32 $0x1400;
	s6 =	sadd.s32 $0x4000, s5  }
0xf: {  	s7 =	sadd.s32 $0x8000, s5;
	s8 =	sadd.s32 $0xC000, s5;
	s10 =	sadd.s32 $0xF800, s5  }
.Ltmp0:
0x10: {  	s18 =	sshrl.u32 s18, $0x3;
	s19 =	smax.u32 s19, $0x1;
	(pc) =	sbr.rel .LBB2_1-.Ltmp0, $4  }
0x11: {  	s9 =	sshrl.u32 s9, $0x3;
	s17 =	sadd.s32 s0, s18;
	s0 =	sadd.s32 s0, s20  }
0x12: {  	s20 =	simm.s32 $0x2800;
	s9 =	sadd.s32 s16, s9;
	s16 =	sadd.s32 $0x9B00, s16  }
0x13: {  	s18 =	sadd.s32 $0x27000, s0;
	s0 =	sadd.s32 $0x138000, s2;
	s12 =	sadd.s32 $0x9C80, s9  }
0x14: {  	v0 =	vimm.f32 $0.0e+00;
	s13 =	sadd.s32 $0x9F00, s9;
	s14 =	sadd.s32 $0x280, s9;
	s25 =	sshrl.u32 @!p0 s0, $0x3  }
.LBB2_9:
0x15: {  	[tilespmem:s22], [sflag:$0x3] =	stream.linear.gather [hbm4b:s15+s3], $0xA00, $0x38;
	[tilespmem:$0x1E080] =	vst v63  }
0x16: {  	_ =	swait.ge [sflag:s21], $0xA00  }
0x17: {  	[sflag:s21] =	ssyncset.done $0x0  }
0x18: {  	[sflag:s21] =	ssyncadd.s32 $0xFFFFF600  }
0x19: {  	[tilespmem:s3], [sflag:$0x3] =	stream.linear.gather [hbm4b:s16+s3], $0xA00, $0x38;
	[tilespmem:$0x1E080] =	vst v63  }
0x1a: {  	_ =	swait.ge [sflag:s21], $0xA00  }
0x1b: {  	[sflag:s21] =	ssyncset.done $0x0  }
0x1c: {  	[sflag:s21] =	ssyncadd.s32 $0xFFFFF600  }
0x1d: {  	[tilespmem:s20], [sflag:$0x1] =	stream.indirect.gather [hbm4b:s4+s23], $0x80, s3, s23, $0xb8;
	[tilespmem:$0x1E080] =	vst v63  }
0x1e: {  	_ = 	snop  }
0x1f: {  	[tilespmem:s24], [sflag:$0x2] =	stream.indirect.gather [hbm4b:s4+s23], $0x80, s23, s23, $0xb8;
	[tilespmem:$0x1E080] =	vst v63  }
0x20: {  	_ =	swait.ge [sflag:s26], $0x4000  }
0x21: {  	[sflag:s26] =	ssyncset.done $0x0  }
0x22: {  	[sflag:s26] =	ssyncadd.s32 $0xFFFFC000  }
0x23: {  	[spmem:s2] =	stream.indirect.scatter.add.f32 [tilespmem:s20], [sflag:$0x3], $0x80, s22, s23, $0xb8;
	[tilespmem:$0x1E080] =	vst v63  }
0x24: {  	_ =	swait.ge [sflag:s21], $0x4000  }
0x25: {  	[sflag:s21] =	ssyncset.done $0x0  }
0x26: {  	s0 =	simm.s32 $0x100;
	[sflag:s21] =	ssyncadd.s32 $0xFFFFC000  }
0x27: {  	[tilespmem:s20], [sflag:$0x1] =	stream.indirect.gather [hbm4b:s4+s23], $0x80, s0, s23, $0xb8;
	[tilespmem:$0x1E080] =	vst v63  }
0x28: {  	_ =	swait.ge [sflag:s29], $0x4000  }
0x29: {  	[sflag:s29] =	ssyncset.done $0x0  }
0x2a: {  	s28 =	simm.s32 $0x1480;
	[sflag:s29] =	ssyncadd.s32 $0xFFFFC000  }
0x2b: {  	[spmem:s2] =	stream.indirect.scatter.add.f32 [tilespmem:s24], [sflag:$0x3], $0x80, s28, s23, $0xb8;
	[tilespmem:$0x1E080] =	vst v63  }
0x2c: {  	_ =	swait.ge [sflag:s21], $0x4000  }
0x2d: {  	[sflag:s21] =	ssyncset.done $0x0  }
0x2e: {  	s28 =	simm.s32 $0x180;
	[sflag:s21] =	ssyncadd.s32 $0xFFFFC000  }
0x2f: {  	[tilespmem:s24], [sflag:$0x2] =	stream.indirect.gather [hbm4b:s4+s23], $0x80, s28, s23, $0xb8;
	[tilespmem:$0x1E080] =	vst v63  }
0x30: {  	_ =	swait.ge [sflag:s26], $0x4000  }
0x31: {  	[sflag:s26] =	ssyncset.done $0x0  }
0x32: {  	s28 =	simm.s32 $0x1500;
	[sflag:s26] =	ssyncadd.s32 $0xFFFFC000  }
0x33: {  	[spmem:s2] =	stream.indirect.scatter.add.f32 [tilespmem:s20], [sflag:$0x3], $0x80, s28, s23, $0xb8;
	[tilespmem:$0x1E080] =	vst v63  }
0x34: {  	_ =	swait.ge [sflag:s21], $0x4000  }
0x35: {  	[sflag:s21] =	ssyncset.done $0x0  }
0x36: {  	s28 =	simm.s32 $0x200;
	[sflag:s21] =	ssyncadd.s32 $0xFFFFC000  }
0x37: {  	[tilespmem:s20], [sflag:$0x1] =	stream.indirect.gather [hbm4b:s4+s23], $0x80, s28, s23, $0xb8;
	[tilespmem:$0x1E080] =	vst v63  }
0x38: {  	_ =	swait.ge [sflag:s29], $0x4000  }
0x39: {  	[sflag:s29] =	ssyncset.done $0x0  }
0x3a: {  	s28 =	simm.s32 $0x1580;
	[sflag:s29] =	ssyncadd.s32 $0xFFFFC000  }
0x3b: {  	[spmem:s2] =	stream.indirect.scatter.add.f32 [tilespmem:s24], [sflag:$0x3], $0x80, s28, s23, $0xb8;
	[tilespmem:$0x1E080] =	vst v63  }
0x3c: {  	_ =	swait.ge [sflag:s21], $0x4000  }
0x3d: {  	[sflag:s21] =	ssyncset.done $0x0  }
0x3e: {  	s28 =	simm.s32 $0x280;
	[sflag:s21] =	ssyncadd.s32 $0xFFFFC000  }
0x3f: {  	[tilespmem:s24], [sflag:$0x2] =	stream.indirect.gather [hbm4b:s4+s23], $0x80, s28, s23, $0xb8;
	[tilespmem:$0x1E080] =	vst v63  }
0x40: {  	_ =	swait.ge [sflag:s26], $0x4000  }
0x41: {  	[sflag:s26] =	ssyncset.done $0x0  }
0x42: {  	s28 =	simm.s32 $0x1600;
	[sflag:s26] =	ssyncadd.s32 $0xFFFFC000  }
0x43: {  	[spmem:s2] =	stream.indirect.scatter.add.f32 [tilespmem:s20], [sflag:$0x3], $0x80, s28, s23, $0xb8;
	[tilespmem:$0x1E080] =	vst v63  }
0x44: {  	_ =	swait.ge [sflag:s21], $0x4000  }
0x45: {  	[sflag:s21] =	ssyncset.done $0x0  }
0x46: {  	s28 =	simm.s32 $0x300;
	[sflag:s21] =	ssyncadd.s32 $0xFFFFC000  }
0x47: {  	[tilespmem:s20], [sflag:$0x1] =	stream.indirect.gather [hbm4b:s4+s23], $0x80, s28, s23, $0xb8;
	[tilespmem:$0x1E080] =	vst v63  }
0x48: {  	_ =	swait.ge [sflag:s29], $0x4000  }
0x49: {  	[sflag:s29] =	ssyncset.done $0x0  }
0x4a: {  	s28 =	simm.s32 $0x1680;
	[sflag:s29] =	ssyncadd.s32 $0xFFFFC000  }
0x4b: {  	[spmem:s2] =	stream.indirect.scatter.add.f32 [tilespmem:s24], [sflag:$0x3], $0x80, s28, s23, $0xb8;
	[tilespmem:$0x1E080] =	vst v63  }
0x4c: {  	_ =	swait.ge [sflag:s21], $0x4000  }
0x4d: {  	[sflag:s21] =	ssyncset.done $0x0  }
0x4e: {  	s28 =	simm.s32 $0x380;
	[sflag:s21] =	ssyncadd.s32 $0xFFFFC000  }
0x4f: {  	[tilespmem:s24], [sflag:$0x2] =	stream.indirect.gather [hbm4b:s4+s23], $0x80, s28, s23, $0xb8;
	[tilespmem:$0x1E080] =	vst v63  }
0x50: {  	_ =	swait.ge [sflag:s26], $0x4000  }
0x51: {  	[sflag:s26] =	ssyncset.done $0x0  }
0x52: {  	s28 =	simm.s32 $0x1700;
	[sflag:s26] =	ssyncadd.s32 $0xFFFFC000  }
0x53: {  	[spmem:s2] =	stream.indirect.scatter.add.f32 [tilespmem:s20], [sflag:$0x3], $0x80, s28, s23, $0xb8;
	[tilespmem:$0x1E080] =	vst v63  }
0x54: {  	_ =	swait.ge [sflag:s21], $0x4000  }
0x55: {  	[sflag:s21] =	ssyncset.done $0x0  }
0x56: {  	s28 =	simm.s32 $0x400;
	[sflag:s21] =	ssyncadd.s32 $0xFFFFC000  }
0x57: {  	[tilespmem:s20], [sflag:$0x1] =	stream.indirect.gather [hbm4b:s4+s23], $0x80, s28, s23, $0xb8;
	[tilespmem:$0x1E080] =	vst v63  }
0x58: {  	_ =	swait.ge [sflag:s29], $0x4000  }
0x59: {  	[sflag:s29] =	ssyncset.done $0x0  }
0x5a: {  	s28 =	simm.s32 $0x1780;
	[sflag:s29] =	ssyncadd.s32 $0xFFFFC000  }
0x5b: {  	[spmem:s2] =	stream.indirect.scatter.add.f32 [tilespmem:s24], [sflag:$0x3], $0x80, s28, s23, $0xb8;
	[tilespmem:$0x1E080] =	vst v63  }
0x5c: {  	_ =	swait.ge [sflag:s21], $0x4000  }
0x5d: {  	[sflag:s21] =	ssyncset.done $0x0  }
0x5e: {  	s28 =	simm.s32 $0x480;
	[sflag:s21] =	ssyncadd.s32 $0xFFFFC000  }
0x5f: {  	[tilespmem:s24], [sflag:$0x2] =	stream.indirect.gather [hbm4b:s4+s23], $0x80, s28, s23, $0xb8;
	[tilespmem:$0x1E080] =	vst v63  }
0x60: {  	_ =	swait.ge [sflag:s26], $0x4000  }
0x61: {  	[sflag:s26] =	ssyncset.done $0x0  }
0x62: {  	s28 =	simm.s32 $0x1800;
	[sflag:s26] =	ssyncadd.s32 $0xFFFFC000  }
0x63: {  	[spmem:s2] =	stream.indirect.scatter.add.f32 [tilespmem:s20], [sflag:$0x3], $0x80, s28, s23, $0xb8;
	[tilespmem:$0x1E080] =	vst v63  }
0x64: {  	_ =	swait.ge [sflag:s21], $0x4000  }
0x65: {  	[sflag:s21] =	ssyncset.done $0x0  }
0x66: {  	s28 =	simm.s32 $0x500;
	[sflag:s21] =	ssyncadd.s32 $0xFFFFC000  }
0x67: {  	[tilespmem:s20], [sflag:$0x1] =	stream.indirect.gather [hbm4b:s4+s23], $0x80, s28, s23, $0xb8;
	[tilespmem:$0x1E080] =	vst v63  }
0x68: {  	_ =	swait.ge [sflag:s29], $0x4000  }
0x69: {  	[sflag:s29] =	ssyncset.done $0x0  }
0x6a: {  	s28 =	simm.s32 $0x1880;
	[sflag:s29] =	ssyncadd.s32 $0xFFFFC000  }
0x6b: {  	[spmem:s2] =	stream.indirect.scatter.add.f32 [tilespmem:s24], [sflag:$0x3], $0x80, s28, s23, $0xb8;
	[tilespmem:$0x1E080] =	vst v63  }
0x6c: {  	_ =	swait.ge [sflag:s21], $0x4000  }
0x6d: {  	[sflag:s21] =	ssyncset.done $0x0  }
0x6e: {  	s28 =	simm.s32 $0x580;
	[sflag:s21] =	ssyncadd.s32 $0xFFFFC000  }
0x6f: {  	[tilespmem:s24], [sflag:$0x2] =	stream.indirect.gather [hbm4b:s4+s23], $0x80, s28, s23, $0xb8;
	[tilespmem:$0x1E080] =	vst v63  }
0x70: {  	_ =	swait.ge [sflag:s26], $0x4000  }
0x71: {  	[sflag:s26] =	ssyncset.done $0x0  }
0x72: {  	s28 =	simm.s32 $0x1900;
	[sflag:s26] =	ssyncadd.s32 $0xFFFFC000  }
0x73: {  	[spmem:s2] =	stream.indirect.scatter.add.f32 [tilespmem:s20], [sflag:$0x3], $0x80, s28, s23, $0xb8;
	[tilespmem:$0x1E080] =	vst v63  }
0x74: {  	_ =	swait.ge [sflag:s21], $0x4000  }
0x75: {  	[sflag:s21] =	ssyncset.done $0x0  }
0x76: {  	s28 =	simm.s32 $0x600;
	[sflag:s21] =	ssyncadd.s32 $0xFFFFC000  }
0x77: {  	[tilespmem:s20], [sflag:$0x1] =	stream.indirect.gather [hbm4b:s4+s23], $0x80, s28, s23, $0xb8;
	[tilespmem:$0x1E080] =	vst v63  }
0x78: {  	_ =	swait.ge [sflag:s29], $0x4000  }
0x79: {  	[sflag:s29] =	ssyncset.done $0x0  }
0x7a: {  	s28 =	simm.s32 $0x1980;
	[sflag:s29] =	ssyncadd.s32 $0xFFFFC000  }
0x7b: {  	[spmem:s2] =	stream.indirect.scatter.add.f32 [tilespmem:s24], [sflag:$0x3], $0x80, s28, s23, $0xb8;
	[tilespmem:$0x1E080] =	vst v63  }
0x7c: {  	_ =	swait.ge [sflag:s21], $0x4000  }
0x7d: {  	[sflag:s21] =	ssyncset.done $0x0  }
0x7e: {  	s28 =	simm.s32 $0x680;
	[sflag:s21] =	ssyncadd.s32 $0xFFFFC000  }
0x7f: {  	[tilespmem:s24], [sflag:$0x2] =	stream.indirect.gather [hbm4b:s4+s23], $0x80, s28, s23, $0xb8;
	[tilespmem:$0x1E080] =	vst v63  }
0x80: {  	_ =	swait.ge [sflag:s26], $0x4000  }
0x81: {  	[sflag:s26] =	ssyncset.done $0x0  }
0x82: {  	s28 =	simm.s32 $0x1A00;
	[sflag:s26] =	ssyncadd.s32 $0xFFFFC000  }
0x83: {  	[spmem:s2] =	stream.indirect.scatter.add.f32 [tilespmem:s20], [sflag:$0x3], $0x80, s28, s23, $0xb8;
	[tilespmem:$0x1E080] =	vst v63  }
0x84: {  	_ =	swait.ge [sflag:s21], $0x4000  }
0x85: {  	[sflag:s21] =	ssyncset.done $0x0  }
0x86: {  	s28 =	simm.s32 $0x700;
	[sflag:s21] =	ssyncadd.s32 $0xFFFFC000  }
0x87: {  	[tilespmem:s20], [sflag:$0x1] =	stream.indirect.gather [hbm4b:s4+s23], $0x80, s28, s23, $0xb8;
	[tilespmem:$0x1E080] =	vst v63  }
0x88: {  	_ =	swait.ge [sflag:s29], $0x4000  }
0x89: {  	[sflag:s29] =	ssyncset.done $0x0  }
0x8a: {  	s28 =	simm.s32 $0x1A80;
	[sflag:s29] =	ssyncadd.s32 $0xFFFFC000  }
0x8b: {  	[spmem:s2] =	stream.indirect.scatter.add.f32 [tilespmem:s24], [sflag:$0x3], $0x80, s28, s23, $0xb8;
	[tilespmem:$0x1E080] =	vst v63  }
0x8c: {  	_ =	swait.ge [sflag:s21], $0x4000  }
0x8d: {  	[sflag:s21] =	ssyncset.done $0x0  }
0x8e: {  	s28 =	simm.s32 $0x780;
	[sflag:s21] =	ssyncadd.s32 $0xFFFFC000  }
0x8f: {  	[tilespmem:s24], [sflag:$0x2] =	stream.indirect.gather [hbm4b:s4+s23], $0x80, s28, s23, $0xb8;
	[tilespmem:$0x1E080] =	vst v63  }
0x90: {  	_ =	swait.ge [sflag:s26], $0x4000  }
0x91: {  	[sflag:s26] =	ssyncset.done $0x0  }
0x92: {  	s28 =	simm.s32 $0x1B00;
	[sflag:s26] =	ssyncadd.s32 $0xFFFFC000  }
0x93: {  	[spmem:s2] =	stream.indirect.scatter.add.f32 [tilespmem:s20], [sflag:$0x3], $0x80, s28, s23, $0xb8;
	[tilespmem:$0x1E080] =	vst v63  }
0x94: {  	_ =	swait.ge [sflag:s21], $0x4000  }
0x95: {  	[sflag:s21] =	ssyncset.done $0x0  }
0x96: {  	s28 =	simm.s32 $0x800;
	[sflag:s21] =	ssyncadd.s32 $0xFFFFC000  }
0x97: {  	[tilespmem:s20], [sflag:$0x1] =	stream.indirect.gather [hbm4b:s4+s23], $0x80, s28, s23, $0xb8;
	[tilespmem:$0x1E080] =	vst v63  }
0x98: {  	_ =	swait.ge [sflag:s29], $0x4000  }
0x99: {  	[sflag:s29] =	ssyncset.done $0x0  }
0x9a: {  	s28 =	simm.s32 $0x1B80;
	[sflag:s29] =	ssyncadd.s32 $0xFFFFC000  }
0x9b: {  	[spmem:s2] =	stream.indirect.scatter.add.f32 [tilespmem:s24], [sflag:$0x3], $0x80, s28, s23, $0xb8;
	[tilespmem:$0x1E080] =	vst v63  }
0x9c: {  	_ =	swait.ge [sflag:s21], $0x4000  }
0x9d: {  	[sflag:s21] =	ssyncset.done $0x0  }
0x9e: {  	s28 =	simm.s32 $0x880;
	[sflag:s21] =	ssyncadd.s32 $0xFFFFC000  }
0x9f: {  	[tilespmem:s24], [sflag:$0x2] =	stream.indirect.gather [hbm4b:s4+s23], $0x80, s28, s23, $0xb8;
	[tilespmem:$0x1E080] =	vst v63  }
0xa0: {  	_ =	swait.ge [sflag:s26], $0x4000  }
0xa1: {  	[sflag:s26] =	ssyncset.done $0x0  }
0xa2: {  	s28 =	simm.s32 $0x1C00;
	[sflag:s26] =	ssyncadd.s32 $0xFFFFC000  }
0xa3: {  	[spmem:s2] =	stream.indirect.scatter.add.f32 [tilespmem:s20], [sflag:$0x3], $0x80, s28, s23, $0xb8;
	[tilespmem:$0x1E080] =	vst v63  }
0xa4: {  	_ =	swait.ge [sflag:s21], $0x4000  }
0xa5: {  	[sflag:s21] =	ssyncset.done $0x0  }
0xa6: {  	s28 =	simm.s32 $0x900;
	[sflag:s21] =	ssyncadd.s32 $0xFFFFC000  }
0xa7: {  	[tilespmem:s20], [sflag:$0x1] =	stream.indirect.gather [hbm4b:s4+s23], $0x80, s28, s23, $0xb8;
	[tilespmem:$0x1E080] =	vst v63  }
0xa8: {  	_ =	swait.ge [sflag:s29], $0x4000  }
0xa9: {  	[sflag:s29] =	ssyncset.done $0x0  }
0xaa: {  	s28 =	simm.s32 $0x1C80;
	[sflag:s29] =	ssyncadd.s32 $0xFFFFC000  }
0xab: {  	[spmem:s2] =	stream.indirect.scatter.add.f32 [tilespmem:s24], [sflag:$0x3], $0x80, s28, s23, $0xb8;
	[tilespmem:$0x1E080] =	vst v63  }
0xac: {  	_ =	swait.ge [sflag:s21], $0x4000  }
0xad: {  	s31 =	simm.s32 $0x1D00;
	[sflag:s21] =	ssyncset.done $0x0  }
0xae: {  	s0 =	simm.s32 $0x1D80;
	s28 =	simm.s32 $0x980;
	[sflag:s21] =	ssyncadd.s32 $0xFFFFC000  }
0xaf: {  	[tilespmem:s24], [sflag:$0x2] =	stream.indirect.gather [hbm4b:s4+s23], $0x80, s28, s23, $0xb8;
	[tilespmem:$0x1E080] =	vst v63  }
.LBB2_10:
0xb0: {  	_ =	swait.ge [sflag:s26], $0x4000  }
0xb1: {  	[sflag:s26] =	ssyncset.done $0x0  }
0xb2: {  	[sflag:s26] =	ssyncadd.s32 $0xFFFFC000  }
0xb3: {  	[spmem:s2] =	stream.indirect.scatter.add.f32 [tilespmem:s20], [sflag:$0x3], $0x80, s31, s23, $0xb8;
	[tilespmem:$0x1E080] =	vst v63  }
0xb4: {  	_ =	swait.ge [sflag:s21], $0x4000  }
0xb5: {  	[sflag:s21] =	ssyncset.done $0x0  }
0xb6: {  	[sflag:s21] =	ssyncadd.s32 $0xFFFFC000  }
0xb7: {  	_ =	swait.ge [sflag:s29], $0x4000  }
0xb8: {  	[sflag:s29] =	ssyncset.done $0x0  }
0xb9: {  	[sflag:s29] =	ssyncadd.s32 $0xFFFFC000  }
0xba: {  	[spmem:s2] =	stream.indirect.scatter.add.f32 [tilespmem:s24], [sflag:$0x3], $0x80, s0, s23, $0xb8;
	[tilespmem:$0x1E080] =	vst v63  }
0xbb: {  	_ =	swait.ge [sflag:s21], $0x4000  }
0xbc: {  	[sflag:s21] =	ssyncset.done $0x0  }
0xbd: {  	s31 =	sshll.u32 s1, $0x6;
	[sflag:s21] =	ssyncadd.s32 $0xFFFFC000  }
0xbe: {  	s28 =	sshrl.u32 s5, $0x3;
	s0 =	sor.u32 $0x1C03, s31;
	[bflag:$0x0] =	sbarrier.arrive $0xFFFF  }
0xbf: {  	[hbm:s17], [sflag:s0] =	dma.local [spmem:s28], $0x2700  }
0xc0: {  	_ =	swait.ge [sflag:s21], $0x2700  }
0xc1: {  	s30 =	sadd.s32 $0x1, s30;
	[sflag:s21] =	ssyncset.done $0x0  }
0xc2: {  	p2 =	sne.s32 s30, s19;
	[sflag:s21] =	ssyncadd.s32 $0xFFFFD900  }
0xc3: {  	[hbm:s18], [sflag:s0] =	dma.local @!p0 [spmem:s25], $0x100  }
.Ltmp1:
0xc4: {  	_ = 	snop;
	(pc) =	sbr.rel @!p2 .LBB2_11-.Ltmp1, $4  }
0xc5: {  	s0 =	simm.s32 @!p0 $0x3  }
0xc6: {  	_ =	swait.ge @!p0 [sflag:s0], $0x100  }
0xc7: {  	[sflag:s0] =	ssyncset.done @!p0 $0x0  }
0xc8: {  	[sflag:s0] =	ssyncadd.s32 @!p0 $0xFFFFFF00  }
.LBB2_1:
0xc9: {  	s31 =	simm.s32 $0x0;
	s0 =	simm.s32 $0x200  }
.LBB2_2:
0xca: {  	p2 =	sne.s32 s0, $0xFE00;
	[tilespmem:s31+$0x2870] =	vst v0  }
0xcb: {  	[tilespmem:s31+$0x2800] =	vst v0  }
0xcc: {  	[tilespmem:s31+$0x2810] =	vst v0  }
.Ltmp2:
0xcd: {  	[tilespmem:s31+$0x2820] =	vst v0;
	(pc) =	sbr.rel @p2 .LBB2_2-.Ltmp2, $4  }
0xce: {  	[tilespmem:s31+$0x2830] =	vst v0  }
0xcf: {  	[tilespmem:s31+$0x2840] =	vst v0  }
0xd0: {  	[tilespmem:s31+$0x2850] =	vst v0  }
0xd1: {  	[tilespmem:s31+$0x2860] =	vst v0;
	s31 =	sshra.s32 s0, $0x2;
	s0 =	sadd.s32 $0x200, s0  }
0xd2: {  	[tilespmem:s31+$0x2870] =	vst v0  }
0xd3: {  	[tilespmem:s31+$0x2800] =	vst v0  }
0xd4: {  	[tilespmem:s31+$0x2810] =	vst v0  }
0xd5: {  	[tilespmem:s31+$0x2820] =	vst v0  }
0xd6: {  	[tilespmem:s31+$0x2830] =	vst v0  }
0xd7: {  	[tilespmem:s31+$0x2840] =	vst v0  }
0xd8: {  	[tilespmem:s31+$0x2850] =	vst v0  }
0xd9: {  	[tilespmem:s31+$0x2860] =	vst v0  }
0xda: {  	[spmem:s5] =	stream.linear.scatter [tilespmem:s20], [sflag:$0x3], $0x4000, $0x38;
	[tilespmem:$0x1E080] =	vst v63  }
0xdb: {  	_ =	swait.ge [sflag:s21], $0x4000  }
0xdc: {  	[sflag:s21] =	ssyncset.done $0x0  }
0xdd: {  	[sflag:s21] =	ssyncadd.s32 $0xFFFFC000  }
0xde: {  	[spmem:s6] =	stream.linear.scatter [tilespmem:s20], [sflag:$0x3], $0x4000, $0x38;
	[tilespmem:$0x1E080] =	vst v63  }
0xdf: {  	_ =	swait.ge [sflag:s21], $0x4000  }
0xe0: {  	[sflag:s21] =	ssyncset.done $0x0  }
0xe1: {  	[sflag:s21] =	ssyncadd.s32 $0xFFFFC000  }
0xe2: {  	[spmem:s7] =	stream.linear.scatter [tilespmem:s20], [sflag:$0x3], $0x4000, $0x38;
	[tilespmem:$0x1E080] =	vst v63  }
0xe3: {  	_ =	swait.ge [sflag:s21], $0x4000  }
0xe4: {  	[sflag:s21] =	ssyncset.done $0x0  }
0xe5: {  	[sflag:s21] =	ssyncadd.s32 $0xFFFFC000  }
0xe6: {  	[spmem:s8] =	stream.linear.scatter [tilespmem:s20], [sflag:$0x3], $0x4000, $0x38;
	[tilespmem:$0x1E080] =	vst v63  }
0xe7: {  	_ =	swait.ge [sflag:s21], $0x4000  }
0xe8: {  	[sflag:s21] =	ssyncset.done $0x0  }
0xe9: {  	[sflag:s21] =	ssyncadd.s32 $0xFFFFC000  }
0xea: {  	[spmem:s10] =	stream.linear.scatter [tilespmem:s20], [sflag:$0x3], $0x4000, $0x38;
	[tilespmem:$0x1E080] =	vst v63  }
0xeb: {  	_ =	swait.ge [sflag:s21], $0x4000  }
0xec: {  	[sflag:s21] =	ssyncset.done $0x0  }
0xed: {  	s0 =	simm.s32 @!p0 $0x2800;
	[sflag:s21] =	ssyncadd.s32 $0xFFFFC000  }
0xee: {  	[spmem:s11] =	stream.linear.scatter @!p0 [tilespmem:s0], [sflag:$0x3], $0x4000, $0x38;
	[tilespmem:$0x1E080] =	vst v63  }
0xef: {  	s0 =	simm.s32 @!p0 $0x3  }
.Ltmp3:
0xf0: {  	_ =	swait.ge @!p0 [sflag:s0], $0x4000;
	(pc) =	sbr.rel @p1 .LBB2_9-.Ltmp3, $3  }
0xf1: {  	[sflag:s0] =	ssyncset.done @!p0 $0x0  }
0xf2: {  	[sflag:s0] =	ssyncadd.s32 @!p0 $0xFFFFC000  }
0xf3: {  	[bflag:$0x0] =	sbarrier.arrive $0xFFFF;
	_ =	sdelay $0x1  }
0xf4: {  	s0 =	simm.s32 $0x0  }
0xf5: {  	[tilespmem:s22], [sflag:$0x3] =	stream.linear.gather [hbm4b:s12+s0], $0x1400, $0x38;
	[tilespmem:$0x1E080] =	vst v63  }
0xf6: {  	_ =	swait.ge [sflag:s21], $0x1400  }
0xf7: {  	[sflag:s21] =	ssyncset.done $0x0  }
0xf8: {  	[sflag:s21] =	ssyncadd.s32 $0xFFFFEC00  }
0xf9: {  	[tilespmem:s0], [sflag:$0x3] =	stream.linear.gather [hbm4b:s9+s0], $0x1400, $0x38;
	[tilespmem:$0x1E080] =	vst v63  }
0xfa: {  	_ =	swait.ge [sflag:s21], $0x1400  }
0xfb: {  	[sflag:s21] =	ssyncset.done $0x0  }
0xfc: {  	[sflag:s21] =	ssyncadd.s32 $0xFFFFEC00  }
0xfd: {  	[tilespmem:s20], [sflag:$0x1] =	stream.indirect.gather [hbm4b:s4+s23], $0x80, s0, s23, $0xb8;
	[tilespmem:$0x1E080] =	vst v63  }
0xfe: {  	_ = 	snop  }
0xff: {  	[tilespmem:s24], [sflag:$0x2] =	stream.indirect.gather [hbm4b:s4+s23], $0x80, s23, s23, $0xb8;
	[tilespmem:$0x1E080] =	vst v63  }
0x100: {  	_ =	swait.ge [sflag:s26], $0x4000  }
0x101: {  	[sflag:s26] =	ssyncset.done $0x0  }
0x102: {  	s28 =	simm.s32 $0x1400;
	[sflag:s26] =	ssyncadd.s32 $0xFFFFC000  }
0x103: {  	[spmem:s2] =	stream.indirect.scatter.add.f32 [tilespmem:s20], [sflag:$0x3], $0x80, s28, s23, $0xb8;
	[tilespmem:$0x1E080] =	vst v63  }
0x104: {  	_ =	swait.ge [sflag:s21], $0x4000  }
0x105: {  	[sflag:s21] =	ssyncset.done $0x0  }
0x106: {  	s28 =	simm.s32 $0x100;
	[sflag:s21] =	ssyncadd.s32 $0xFFFFC000  }
0x107: {  	[tilespmem:s20], [sflag:$0x1] =	stream.indirect.gather [hbm4b:s4+s23], $0x80, s28, s23, $0xb8;
	[tilespmem:$0x1E080] =	vst v63  }
0x108: {  	_ =	swait.ge [sflag:s29], $0x4000  }
0x109: {  	[sflag:s29] =	ssyncset.done $0x0  }
0x10a: {  	s28 =	simm.s32 $0x1480;
	[sflag:s29] =	ssyncadd.s32 $0xFFFFC000  }
0x10b: {  	[spmem:s2] =	stream.indirect.scatter.add.f32 [tilespmem:s24], [sflag:$0x3], $0x80, s28, s23, $0xb8;
	[tilespmem:$0x1E080] =	vst v63  }
0x10c: {  	_ =	swait.ge [sflag:s21], $0x4000  }
0x10d: {  	[sflag:s21] =	ssyncset.done $0x0  }
0x10e: {  	s31 =	simm.s32 $0x400;
	s0 =	simm.s32 $0x180;
	[sflag:s21] =	ssyncadd.s32 $0xFFFFC000  }
.LBB2_5:
0x10f: {  	[tilespmem:s24], [sflag:$0x2] =	stream.indirect.gather [hbm4b:s4+s23], $0x80, s0, s23, $0xb8;
	[tilespmem:$0x1E080] =	vst v63  }
0x110: {  	s0 =	smov.u32 s31  }
0x111: {  	p2 =	sne.s32 s31, $0x4800;
	s31 =	sadd.s32 $0x400, s31;
	_ =	swait.ge [sflag:s26], $0x4000  }
0x112: {  	s0 =	sshra.s32 s0, $0x2;
	[sflag:s26] =	ssyncset.done $0x0  }
0x113: {  	s28 =	sadd.s32 $0x1400, s0;
	[sflag:s26] =	ssyncadd.s32 $0xFFFFC000  }
0x114: {  	[spmem:s2] =	stream.indirect.scatter.add.f32 [tilespmem:s20], [sflag:$0x3], $0x80, s28, s23, $0xb8;
	[tilespmem:$0x1E080] =	vst v63  }
0x115: {  	_ =	swait.ge [sflag:s21], $0x4000  }
0x116: {  	[sflag:s21] =	ssyncset.done $0x0  }
0x117: {  	s28 =	sadd.s32 $0x100, s0;
	[sflag:s21] =	ssyncadd.s32 $0xFFFFC000  }
0x118: {  	[tilespmem:s20], [sflag:$0x1] =	stream.indirect.gather [hbm4b:s4+s23], $0x80, s28, s23, $0xb8;
	[tilespmem:$0x1E080] =	vst v63  }
0x119: {  	_ =	swait.ge [sflag:s29], $0x4000  }
0x11a: {  	[sflag:s29] =	ssyncset.done $0x0  }
.Ltmp4:
0x11b: {  	s28 =	sadd.s32 $0x1480, s0;
	[sflag:s29] =	ssyncadd.s32 $0xFFFFC000;
	(pc) =	sbr.rel @p2 .LBB2_5-.Ltmp4, $4  }
0x11c: {  	[spmem:s2] =	stream.indirect.scatter.add.f32 [tilespmem:s24], [sflag:$0x3], $0x80, s28, s23, $0xb8;
	[tilespmem:$0x1E080] =	vst v63  }
0x11d: {  	_ =	swait.ge [sflag:s21], $0x4000  }
0x11e: {  	[sflag:s21] =	ssyncset.done $0x0  }
0x11f: {  	s0 =	sadd.s32 $0x180, s0;
	[sflag:s21] =	ssyncadd.s32 $0xFFFFC000  }
0x120: {  	[tilespmem:s24], [sflag:$0x2] =	stream.indirect.gather [hbm4b:s4+s23], $0x80, s0, s23, $0xb8;
	[tilespmem:$0x1E080] =	vst v63  }
0x121: {  	_ =	swait.ge [sflag:s26], $0x4000  }
0x122: {  	[sflag:s26] =	ssyncset.done $0x0  }
0x123: {  	s28 =	simm.s32 $0x2700;
	[sflag:s26] =	ssyncadd.s32 $0xFFFFC000  }
0x124: {  	[spmem:s2] =	stream.indirect.scatter.add.f32 [tilespmem:s20], [sflag:$0x3], $0x80, s28, s23, $0xb8;
	[tilespmem:$0x1E080] =	vst v63  }
0x125: {  	_ =	swait.ge [sflag:s21], $0x4000  }
0x126: {  	[sflag:s21] =	ssyncset.done $0x0  }
0x127: {  	[sflag:s21] =	ssyncadd.s32 $0xFFFFC000  }
0x128: {  	_ =	swait.ge [sflag:s29], $0x4000  }
0x129: {  	[sflag:s29] =	ssyncset.done $0x0  }
0x12a: {  	s28 =	simm.s32 $0x2780;
	[sflag:s29] =	ssyncadd.s32 $0xFFFFC000  }
0x12b: {  	[spmem:s2] =	stream.indirect.scatter.add.f32 [tilespmem:s24], [sflag:$0x3], $0x80, s28, s23, $0xb8;
	[tilespmem:$0x1E080] =	vst v63  }
0x12c: {  	_ =	swait.ge [sflag:s21], $0x4000  }
0x12d: {  	[sflag:s21] =	ssyncset.done $0x0  }
0x12e: {  	s28 =	simm.s32 $0x0;
	[sflag:s21] =	ssyncadd.s32 $0xFFFFC000  }
0x12f: {  	[tilespmem:s22], [sflag:$0x3] =	stream.linear.gather [hbm4b:s13+s28], $0x1400, $0x38;
	[tilespmem:$0x1E080] =	vst v63  }
0x130: {  	_ =	swait.ge [sflag:s21], $0x1400  }
0x131: {  	[sflag:s21] =	ssyncset.done $0x0  }
0x132: {  	[sflag:s21] =	ssyncadd.s32 $0xFFFFEC00  }
0x133: {  	[tilespmem:s28], [sflag:$0x3] =	stream.linear.gather [hbm4b:s14+s28], $0x1400, $0x38;
	[tilespmem:$0x1E080] =	vst v63  }
0x134: {  	_ =	swait.ge [sflag:s21], $0x1400  }
0x135: {  	[sflag:s21] =	ssyncset.done $0x0  }
0x136: {  	[sflag:s21] =	ssyncadd.s32 $0xFFFFEC00  }
0x137: {  	[tilespmem:s20], [sflag:$0x1] =	stream.indirect.gather [hbm4b:s4+s23], $0x80, s28, s23, $0xb8;
	[tilespmem:$0x1E080] =	vst v63  }
0x138: {  	_ = 	snop  }
0x139: {  	[tilespmem:s24], [sflag:$0x2] =	stream.indirect.gather [hbm4b:s4+s23], $0x80, s23, s23, $0xb8;
	[tilespmem:$0x1E080] =	vst v63  }
0x13a: {  	_ =	swait.ge [sflag:s26], $0x4000  }
0x13b: {  	[sflag:s26] =	ssyncset.done $0x0  }
0x13c: {  	s28 =	simm.s32 $0x1400;
	[sflag:s26] =	ssyncadd.s32 $0xFFFFC000  }
0x13d: {  	[spmem:s2] =	stream.indirect.scatter.add.f32 [tilespmem:s20], [sflag:$0x3], $0x80, s28, s23, $0xb8;
	[tilespmem:$0x1E080] =	vst v63  }
0x13e: {  	_ =	swait.ge [sflag:s21], $0x4000  }
0x13f: {  	[sflag:s21] =	ssyncset.done $0x0  }
0x140: {  	s28 =	simm.s32 $0x100;
	[sflag:s21] =	ssyncadd.s32 $0xFFFFC000  }
0x141: {  	[tilespmem:s20], [sflag:$0x1] =	stream.indirect.gather [hbm4b:s4+s23], $0x80, s28, s23, $0xb8;
	[tilespmem:$0x1E080] =	vst v63  }
0x142: {  	_ =	swait.ge [sflag:s29], $0x4000  }
0x143: {  	p2 =	por $0x0, $0x0;
	[sflag:s29] =	ssyncset.done $0x0  }
.Ltmp5:
0x144: {  	s28 =	simm.s32 $0x1480;
	[sflag:s29] =	ssyncadd.s32 $0xFFFFC000;
	(pc) =	sbr.rel @p2 .LBB2_8-.Ltmp5, $4  }
0x145: {  	[spmem:s2] =	stream.indirect.scatter.add.f32 [tilespmem:s24], [sflag:$0x3], $0x80, s28, s23, $0xb8;
	[tilespmem:$0x1E080] =	vst v63  }
0x146: {  	_ =	swait.ge [sflag:s21], $0x4000  }
0x147: {  	[sflag:s21] =	ssyncset.done $0x0  }
0x148: {  	s31 =	simm.s32 $0x400;
	s0 =	simm.s32 $0x180;
	[sflag:s21] =	ssyncadd.s32 $0xFFFFC000  }
.LBB2_7:
0x149: {  	[tilespmem:s24], [sflag:$0x2] =	stream.indirect.gather [hbm4b:s4+s23], $0x80, s0, s23, $0xb8;
	[tilespmem:$0x1E080] =	vst v63  }
0x14a: {  	s0 =	smov.u32 s31  }
0x14b: {  	p2 =	seq.s32 s31, $0x4800;
	s31 =	sadd.s32 $0x400, s31;
	_ =	swait.ge [sflag:s26], $0x4000  }
0x14c: {  	s0 =	sshra.s32 s0, $0x2;
	[sflag:s26] =	ssyncset.done $0x0  }
0x14d: {  	s28 =	sadd.s32 $0x1400, s0;
	[sflag:s26] =	ssyncadd.s32 $0xFFFFC000  }
0x14e: {  	[spmem:s2] =	stream.indirect.scatter.add.f32 [tilespmem:s20], [sflag:$0x3], $0x80, s28, s23, $0xb8;
	[tilespmem:$0x1E080] =	vst v63  }
0x14f: {  	_ =	swait.ge [sflag:s21], $0x4000  }
0x150: {  	[sflag:s21] =	ssyncset.done $0x0  }
0x151: {  	s28 =	sadd.s32 $0x100, s0;
	[sflag:s21] =	ssyncadd.s32 $0xFFFFC000  }
0x152: {  	[tilespmem:s20], [sflag:$0x1] =	stream.indirect.gather [hbm4b:s4+s23], $0x80, s28, s23, $0xb8;
	[tilespmem:$0x1E080] =	vst v63  }
0x153: {  	_ =	swait.ge [sflag:s29], $0x4000  }
0x154: {  	[sflag:s29] =	ssyncset.done $0x0  }
.Ltmp6:
0x155: {  	s28 =	sadd.s32 $0x1480, s0;
	[sflag:s29] =	ssyncadd.s32 $0xFFFFC000;
	(pc) =	sbr.rel @!p2 .LBB2_7-.Ltmp6, $4  }
0x156: {  	[spmem:s2] =	stream.indirect.scatter.add.f32 [tilespmem:s24], [sflag:$0x3], $0x80, s28, s23, $0xb8;
	[tilespmem:$0x1E080] =	vst v63  }
0x157: {  	_ =	swait.ge [sflag:s21], $0x4000  }
0x158: {  	[sflag:s21] =	ssyncset.done $0x0  }
0x159: {  	s0 =	sadd.s32 $0x180, s0;
	[sflag:s21] =	ssyncadd.s32 $0xFFFFC000  }
.LBB2_8:
.Ltmp7:
0x15a: {  	(pc) =	sbr.rel .LBB2_10-.Ltmp7, $3  }
0x15b: {  	_ =	sdelay $0x1  }
0x15c: {  	[tilespmem:s24], [sflag:$0x2] =	stream.indirect.gather [hbm4b:s4+s23], $0x80, s0, s23, $0xb8;
	[tilespmem:$0x1E080] =	vst v63  }
0x15d: {  	s0 =	simm.s32 $0x2780;
	s31 =	simm.s32 $0x2700  }
.LBB2_11:
0x15e: {  	_ =	sfence.sel $0x180000  }
0x15f: {  	[bflag:$0x0] =	sbarrier.arrive $0xFFFF  }
0x160: {  	_ =	strace $0x90000047  }
0x161: {  	[bflag:$0x2] =	sbarrier.arrive $0xFFFF  }
0x162: {  	p0 =	sne.s32 s1, $0x0;
	s0 =	rddreg [dreg:$0x3]  }
0x163: {  	s0 =	sadd.s32 @!p0 $0x100000, s0  }
0x164: {  	[sflag:s0] =	ssyncadd.tile.s32 @!p0 $0x1;
	_ =	shalt  }
.Lfunc_end2:
_tile_overlayer_lowered:
.L_overlay_start_2:
0x165: {  	(tag) =	ssettag $0x2  }
0x166: {  	s0 =	rddreg [dreg:$0x0];
	s2 =	stileid.u32  }
0x167: {  	s1 =	rddreg [dreg:$0x1];
	p0 =	sne.s32 s2, $0x0  }
0x168: {  	s3 =	rddreg [dreg:$0x2];
	[bflag:$0x3] =	sbarrier.arrive $0xFFFF;
	s2 =	simm.s32 @!p0 $0x1C03  }
0x169: {  	[timem:s3], [sflag:s2] =	dma.local @!p0 [hbm:s0], s1  }
0x16a: {  	s0 =	simm.s32 @!p0 $0x3  }
0x16b: {  	_ =	swait.ge @!p0 [sflag:s0], s1  }
0x16c: {  	s1 =	ssub.s32 @!p0 $0x0, s1;
	[sflag:s0] =	ssyncset.done @!p0 $0x0  }
0x16d: {  	[sflag:s0] =	ssyncadd.s32 @!p0 s1  }
0x16e: {  	[bflag:$0x3] =	sbarrier.arrive $0xFFFF  }
0x16f: {  	_ =	shalt  }

// kernel: kernel.16.cloned.1.call-start
scs
__scs_entry_jumppad:
0x0: {  	(pc) =	sbr.rel $0x88, $3  }
0x1: {  	(tag) =	ssettag $0x0;
	lr =	simm.s32 $0x1  }
0x2: {  	[smem:$0x3F95] =	sst lr;
	_ =	strace $0xD0000000  }
0x3: {  	_ = 	snop  }
0x4: {  	_ = 	snop  }
0x5: {  	_ = 	snop  }
0x6: {  	_ = 	snop  }
0x7: {  	_ = 	snop  }
__scs_overlays_trampoline_lowered:
0x8: {  	[smem:$0x3FA4] =	sst s0  }
0x9: {  	[smem:$0x3FA5] =	sst s1  }
0xa: {  	[smem:$0x3FA6] =	sst s2  }
0xb: {  	[smem:$0x3FA7] =	sst s3  }
0xc: {  	[smem:$0x3FA8] =	sst s4  }
0xd: {  	[smem:$0x3FA9] =	sst s5  }
0xe: {  	[smem:$0x3FAA] =	sst s6  }
0xf: {  	[smem:$0x3FAB] =	sst s7  }
0x10: {  	[smem:$0x3FAC] =	sst s8  }
0x11: {  	[smem:$0x3FAD] =	sst s9;
	s0 =	simm.s32 @!p0 $0x0  }
0x12: {  	s1 =	sld [smem:$0x3F93];
	s0 =	simm.s32 @p0 $0x1  }
0x13: {  	[smem:$0x3FAE] =	sst s0;
	s0 =	simm.s32 @!p1 $0x0  }
0x14: {  	s2 =	sld [smem:$0x3F92];
	s0 =	simm.s32 @p1 $0x1  }
0x15: {  	[smem:$0x3FAF] =	sst s0;
	s0 =	simm.s32 @!p2 $0x0  }
0x16: {  	s3 =	sld [smem:$0x3FDB];
	s0 =	simm.s32 @p2 $0x1  }
0x17: {  	s4 =	simm.s32 $0x1BF5;
	[smem:$0x3FB1] =	sst s0  }
0x18: {  	s0 =	sld [smem:$0x3F94];
	_ =	swait.ge [sflag:s4], $0x0  }
0x19: {  	s7 =	sld [smem:$0x3F95]  }
0x1a: {  	s8 =	sadd.s32 $0xFFFFE003, lr  }
0x1b: {  	s9 =	sadd.s32 $0xFFFFFEF7, lr;
	s5 =	simm.s32 $0xFFFFFFFF;
	p2 =	slt.u32 s8, $0xFFFFF086  }
0x1c: {  	p1 =	slt.u32 s9, $0xF7A;
	s5 =	simm.s32 @!p2 $0x0  }
0x1d: {  	s5 =	simm.s32 @p1 $0x1;
	p0 =	seq.s32 s7, s2  }
0x1e: {  	s7 =	smul.u32 @!p0 $0xF7A, s2;
	p2 =	seq.s32 @!p0 s5, $0x0  }
0x1f: {  	s9 =	smul.u32 $0xF7A, s1;
	s8 =	simm.s32 @!p0 $0x1BF5;
	p2 =	por !p2, p0  }
0x20: {  	[sflag:s8] =	ssyncset.s32 @!p0 $0xFFFFF086;
	s6 =	sadd.s32 @!p0 s3, s7;
	s7 =	simm.s32 @!p0 $0x108  }
0x21: {  	s3 =	sadd.s32 s3, s9;
	s6 =	sadd.s32 @!p0 $0x88, s6;
	s7 =	simm.s32 @p2 $0x1082  }
0x22: {  	[simem:s7], [sflag:s8] =	dma.local @!p0 [hbm:s6], $0xF7A  }
0x23: {  	s9 =	sor.u32 $0xD0000000, s2;
	s6 =	simm.s32 $0x108;
	_ =	swait.ge @!p0 [sflag:s8], $0x0  }
0x24: {  	s3 =	sadd.s32 $0x88, s3;
	s6 =	simm.s32 @!p1 $0x1082;
	[sflag:s4] =	ssyncset.s32 $0xFFFFF086  }
0x25: {  	[simem:s6], [sflag:s4] =	dma.local [hbm:s3], $0xF7A  }
0x26: {  	[smem:$0x3F95] =	sst s1;
	(tag) =	ssettag s2;
	_ =	strace s9  }
0x27: {  	s1 =	sld [smem:$0x3FA5]  }
0x28: {  	s2 =	sld [smem:$0x3FA6]  }
0x29: {  	s4 =	sld [smem:$0x3FA8]  }
0x2a: {  	p0 =	seq.s32 s5, $0x0;
	s5 =	sld [smem:$0x3FA9]  }
0x2b: {  	s6 =	sld [smem:$0x3FAA]  }
0x2c: {  	s7 =	sld [smem:$0x3FAB]  }
0x2d: {  	s3 =	simm.s32 $0x108;
	s8 =	sld [smem:$0x3FAC]  }
0x2e: {  	s3 =	simm.s32 @!p0 $0x1082;
	s9 =	sld [smem:$0x3FAD]  }
0x2f: {  	lr =	sadd.s32 s0, s3;
	s0 =	sld [smem:$0x3FA4]  }
0x30: {  	s3 =	sld [smem:$0x3FA7]  }
0x31: {  	[smem:$0x3FB0] =	sst s10  }
0x32: {  	s10 =	sld [smem:$0x3FAE];
	_ =	sdelay $0x3  }
0x33: {  	p0 =	seq.s32 s10, $0x1;
	s10 =	sld [smem:$0x3FB0];
	_ =	sdelay $0x3  }
0x34: {  	[smem:$0x3FB0] =	sst s10  }
0x35: {  	s10 =	sld [smem:$0x3FAF];
	_ =	sdelay $0x3  }
0x36: {  	p1 =	seq.s32 s10, $0x1;
	s10 =	sld [smem:$0x3FB0];
	_ =	sdelay $0x3  }
0x37: {  	[smem:$0x3FB0] =	sst s10  }
0x38: {  	s10 =	sld [smem:$0x3FB1]  }
0x39: {  	_ = 	snop;
	(pc) =	sbr.ind lr, $3  }
0x3a: {  	_ = 	snop  }
0x3b: {  	_ = 	snop  }
0x3c: {  	p2 =	seq.s32 s10, $0x1;
	s10 =	sld [smem:$0x3FB0]  }
0x3d: {  	_ =	shalt  }
0x3e: {  	_ =	shalt  }
0x3f: {  	_ =	shalt  }
0x40: {  	_ =	shalt  }
0x41: {  	_ =	shalt  }
0x42: {  	_ =	shalt  }
0x43: {  	_ =	shalt  }
0x44: {  	_ =	shalt  }
0x45: {  	_ =	shalt  }
0x46: {  	_ =	shalt  }
0x47: {  	_ =	shalt  }
0x48: {  	_ =	shalt  }
0x49: {  	_ =	shalt  }
0x4a: {  	_ =	shalt  }
0x4b: {  	_ =	shalt  }
0x4c: {  	_ =	shalt  }
0x4d: {  	_ =	shalt  }
0x4e: {  	_ =	shalt  }
0x4f: {  	_ =	shalt  }
0x50: {  	_ =	shalt  }
0x51: {  	_ =	shalt  }
0x52: {  	_ =	shalt  }
0x53: {  	_ =	shalt  }
0x54: {  	_ =	shalt  }
0x55: {  	_ =	shalt  }
0x56: {  	_ =	shalt  }
0x57: {  	_ =	shalt  }
0x58: {  	_ =	shalt  }
0x59: {  	_ =	shalt  }
0x5a: {  	_ =	shalt  }
0x5b: {  	_ =	shalt  }
0x5c: {  	_ =	shalt  }
0x5d: {  	_ =	shalt  }
0x5e: {  	_ =	shalt  }
0x5f: {  	_ =	shalt  }
0x60: {  	_ =	shalt  }
0x61: {  	_ =	shalt  }
0x62: {  	_ =	shalt  }
0x63: {  	_ =	shalt  }
0x64: {  	_ =	shalt  }
0x65: {  	_ =	shalt  }
0x66: {  	_ =	shalt  }
0x67: {  	_ =	shalt  }
0x68: {  	_ =	shalt  }
0x69: {  	_ =	shalt  }
0x6a: {  	_ =	shalt  }
0x6b: {  	_ =	shalt  }
0x6c: {  	_ =	shalt  }
0x6d: {  	_ =	shalt  }
0x6e: {  	_ =	shalt  }
0x6f: {  	_ =	shalt  }
0x70: {  	_ =	shalt  }
0x71: {  	_ =	shalt  }
0x72: {  	_ =	shalt  }
0x73: {  	_ =	shalt  }
0x74: {  	_ =	shalt  }
0x75: {  	_ =	shalt  }
0x76: {  	_ =	shalt  }
0x77: {  	_ =	shalt  }
0x78: {  	_ =	shalt  }
0x79: {  	_ =	shalt  }
0x7a: {  	_ =	shalt  }
0x7b: {  	_ =	shalt  }
0x7c: {  	_ =	shalt  }
0x7d: {  	_ =	shalt  }
0x7e: {  	_ =	shalt  }
0x7f: {  	_ =	shalt  }
0x80: {  	_ =	shalt  }
0x81: {  	_ =	shalt  }
0x82: {  	_ =	shalt  }
0x83: {  	_ =	shalt  }
0x84: {  	_ =	shalt  }
0x85: {  	_ =	shalt  }
0x86: {  	_ =	shalt  }
0x87: {  	_ =	shalt  }
.Lfunc_end0:
.L_simem_size_0:
called_computation.2_lowered:
.L_overlay_start_0:
0x88: {  	s2 =	sld [smem:$0x3FD9]  }
0x89: {  	s3 =	sld [smem:$0x3FFE];
	_ =	sdelay $0x1  }
0x8a: {  	s1 =	srdreg.scid  }
0x8b: {  	s0 =	sand.u32 $0x1, s1  }
0x8c: {  	s17 =	sshll.u32 s0, $0xA;
	s2 =	sadd.s32 s3, s2  }
0x8d: {  	s2 =	sadd.s32 s2, s17  }
0x8e: {  	[smem:$0x3FBC] =	sst s2  }
0x8f: {  	_ = 	snop  }
0x90: {  	s2 =	sld [smem:$0x3FD0];
	(tm) =	ssettm $0x1  }
0x91: {  	s18 =	sld [smem:$0x3FFB];
	_ =	sdelay $0x3  }
0x92: {  	_ =	strace s18  }
0x93: {  	s3 =	sld [smem:$0x3FFC];
	_ =	sdelay $0x3  }
0x94: {  	_ =	strace s3  }
0x95: {  	s3 =	sld [smem:$0x3FFD];
	_ =	sdelay $0x3  }
0x96: {  	_ =	strace s3  }
0x97: {  	_ =	strace $0x8FFFFFFF  }
0x98: {  	s19 =	sld [smem:$0x3FDB];
	_ =	sdelay $0x1  }
0x99: {  	s4 =	simm.s32 $_scs_section_size  }
0x9a: {  	s5 =	simm.s32 $_size__tile_overlayer_lowered;
	s6 =	simm.s32 $_tile_overlayer_lowered  }
0x9b: {  	s22 =	simm.s32 $0x1BFF;
	s21 =	sshll.u32 s6, $0x1;
	s3 =	sadd.s32 s4, s19  }
0x9c: {  	s7 =	simm.s32 $0x0;
	s20 =	sshll.u32 s5, $0x1;
	s5 =	sadd.s32 s21, s3  }
0x9d: {  	[timem:s7], [sflag:s22] =	dma.local [hbm:s5], s20  }
0x9e: {  	_ =	swait.ge [sflag:s22], s20  }
0x9f: {  	s4 =	ssub.s32 $0x0, s20;
	[sflag:s22] =	ssyncset.done $0x0  }
0xa0: {  	[sflag:s22] =	ssyncadd.s32 s4;
	_ =	sdelay $0x1  }
0xa1: {  	s23 =	simm.s32 $0x1B8B  }
0xa2: {  	_ =	swait.ge [sflag:s23], $0x1  }
0xa3: {  	[sflag:s23] =	ssyncset.done $0x0  }
0xa4: {  	s25 =	simm.s32 $0x1B8E;
	s24 =	sld [smem:$0x3FFE];
	[sflag:s23] =	ssyncadd.s32 $0xFFFFFFFF  }
0xa5: {  	s26 =	simm.s32 $execute0_lowered;
	[smem:$0x3FD2] =	sst s25  }
0xa6: {  	s5 =	sshll.u32 s26, $0x1;
	_ =	strace $0x8000004C;
	[dreg:$0x1] =	wrdreg $0xFFFFFFFF  }
0xa7: {  	s28 =	simm.s32 $_size_execute0_lowered;
	s3 =	sadd.s32 s3, s5;
	[dreg:$0x0] =	wrdreg $0x0  }
0xa8: {  	s5 =	sshll.u32 s28, $0x1;
	[dreg:$0x2] =	wrdreg s3  }
0xa9: {  	[dreg:$0x3] =	wrdreg s5  }
0xaa: {  	[dreg:$0x4] =	wrdreg $0xC0  }
0xab: {  	_ =	task [dreg:s7], $0x5FFFF  }
0xac: {  	[dreg:$0x1] =	wrdreg $0xFFFFFFFF  }
0xad: {  	[dreg:$0x0] =	wrdreg $0x60  }
0xae: {  	[dreg:$0x2] =	wrdreg s24  }
0xaf: {  	[dreg:$0x3] =	wrdreg s2  }
0xb0: {  	[dreg:$0x4] =	wrdreg $0xA8000  }
0xb1: {  	[dreg:$0x5] =	wrdreg $0x9  }
0xb2: {  	_ =	task.clear_ibuf [dreg:s7], $0x6FFFF;
	_ =	strace $0x9000004C  }
0xb3: {  	s29 =	simm.s32 $0x9;
	_ =	strace $0x8000004E  }
0xb4: {  	_ =	swait.ge [sflag:s29], $0x1  }
0xb5: {  	[sflag:s29] =	ssyncadd.s32 $0xFFFFFFFF  }
0xb6: {  	_ =	strace $0x9000004E  }
0xb7: {  	_ =	sfence  }
0xb8: {  	s30 =	sld [smem:$0x0];
	_ =	sdelay $0x2  }
0xb9: {  	s31 =	sshll.u32 s1, $0xD;
	s1 =	sshrl.u32 s1, $0x2  }
0xba: {  	s3 =	sand.u32 $0x4000, s31;
	s1 =	sadd.s32 s1, s30  }
0xbb: {  	s0 =	sor.u32 s3, s0;
	s1 =	sshll.u32 s1, $0x11  }
0xbc: {  	s0 =	sor.u32 s1, s0  }
0xbd: {  	s0 =	sadd.s32 $0x8F2B, s0  }
0xbe: {  	[sflag:s0] =	ssyncadd.remote.s32 $0x1  }
0xbf: {  	_ =	sfence.sel $0xFFFF  }
0xc0: {  	[dreg:$0x0] =	wrdreg $0xFFFFFFFF;
	(pc) =	sbr.abs _section_cstart, $3  }
0xc1: {  	[dreg:$0x1] =	wrdreg $0xFFFFFFFF  }
0xc2: {  	_ =	task.clear_ibuf [dreg:s7], $0x2FFFF;
	_ =	strace $0x9FFFFFFF  }
0xc3: {  	(tm) =	ssettm $0x7FFFFFFF  }
tec
execute0_lowered:
.L_overlay_start_1:
0x0: {  	(tag) =	ssettag $0x1  }
0x1: {  	s0 =	rddreg [dreg:$0x0]  }
0x2: {  	s16 =	rddreg [dreg:$0x1]  }
0x3: {  	s2 =	rddreg [dreg:$0x2]  }
0x4: {  	s3 =	simm.s32 $0x0;
	s4 =	srdreg.scid;
	s1 =	stileid.u32  }
0x5: {  	s21 =	simm.s32 $0x3;
	s23 =	simm.s32 $0x80;
	s24 =	simm.s32 $0x6800  }
0x6: {  	s26 =	simm.s32 $0x1;
	s29 =	simm.s32 $0x2;
	s30 =	simm.s32 $0x0  }
0x7: {  	[smem:$0x7FF] =	sst s3;
	s8 =	sand.u32 $0x1, s4;
	s5 =	smul.u32 $0x4E000, s1  }
0x8: {  	s4 =	sadd.s32 $0x3400, s0;
	s0 =	sadd.s32 $0x2A600, s0;
	s11 =	sadd.s32 $0x134800, s2  }
0x9: {  	s15 =	smul.u32 $0x13800, s1;
	p0 =	sne.s32 s1, $0xF;
	_ =	strace $0x8000004D  }
0xa: {  	s6 =	sshll.u32 s8, $0x4;
	s7 =	ssub.s32 $0x2, s8;
	s17 =	smul.u32 $0x138800, s8  }
0xb: {  	s22 =	sor.u32 s1, s6;
	s5 =	sshrl.u32 s5, $0x2;
	s31 =	sshrl.u32 s7, $0x1  }
0xc: {  	s5 =	sadd.s32 s5, s2;
	s9 =	smul.u32 $0x2800, s22;
	s19 =	ssub.s32 s7, s31  }
0xd: {  	s18 =	sadd.s32 s15, s17;
	s15 =	sadd.s32 $0x13780, s16;
	s20 =	sshrl.u32 s17, $0x3  }
0xe: {  	p1 =	seq.s32 s22, $0x1F;
	s22 =	simm.s32 $0x1400;
	s6 =	sadd.s32 $0x4000, s5  }
0xf: {  	s7 =	sadd.s32 $0x8000, s5;
	s8 =	sadd.s32 $0xC000, s5;
	s10 =	sadd.s32 $0xF800, s5  }
.Ltmp0:
0x10: {  	s18 =	sshrl.u32 s18, $0x3;
	s19 =	smax.u32 s19, $0x1;
	(pc) =	sbr.rel .LBB2_1-.Ltmp0, $4  }
0x11: {  	s9 =	sshrl.u32 s9, $0x3;
	s17 =	sadd.s32 s0, s18;
	s0 =	sadd.s32 s0, s20  }
0x12: {  	s20 =	simm.s32 $0x2800;
	s9 =	sadd.s32 s16, s9;
	s16 =	sadd.s32 $0x9B00, s16  }
0x13: {  	s18 =	sadd.s32 $0x27000, s0;
	s0 =	sadd.s32 $0x138000, s2;
	s12 =	sadd.s32 $0x9C80, s9  }
0x14: {  	v0 =	vimm.f32 $0.0e+00;
	s13 =	sadd.s32 $0x9F00, s9;
	s14 =	sadd.s32 $0x280, s9;
	s25 =	sshrl.u32 @!p0 s0, $0x3  }
.LBB2_9:
0x15: {  	[tilespmem:s22], [sflag:$0x3] =	stream.linear.gather [hbm4b:s15+s3], $0xA00, $0x38;
	[tilespmem:$0x1E080] =	vst v63  }
0x16: {  	_ =	swait.ge [sflag:s21], $0xA00  }
0x17: {  	[sflag:s21] =	ssyncset.done $0x0  }
0x18: {  	[sflag:s21] =	ssyncadd.s32 $0xFFFFF600  }
0x19: {  	[tilespmem:s3], [sflag:$0x3] =	stream.linear.gather [hbm4b:s16+s3], $0xA00, $0x38;
	[tilespmem:$0x1E080] =	vst v63  }
0x1a: {  	_ =	swait.ge [sflag:s21], $0xA00  }
0x1b: {  	[sflag:s21] =	ssyncset.done $0x0  }
0x1c: {  	[sflag:s21] =	ssyncadd.s32 $0xFFFFF600  }
0x1d: {  	[tilespmem:s20], [sflag:$0x1] =	stream.indirect.gather [hbm4b:s4+s23], $0x80, s3, s23, $0xb8;
	[tilespmem:$0x1E080] =	vst v63  }
0x1e: {  	_ = 	snop  }
0x1f: {  	[tilespmem:s24], [sflag:$0x2] =	stream.indirect.gather [hbm4b:s4+s23], $0x80, s23, s23, $0xb8;
	[tilespmem:$0x1E080] =	vst v63  }
0x20: {  	_ =	swait.ge [sflag:s26], $0x4000  }
0x21: {  	[sflag:s26] =	ssyncset.done $0x0  }
0x22: {  	[sflag:s26] =	ssyncadd.s32 $0xFFFFC000  }
0x23: {  	[spmem:s2] =	stream.indirect.scatter.add.f32 [tilespmem:s20], [sflag:$0x3], $0x80, s22, s23, $0xb8;
	[tilespmem:$0x1E080] =	vst v63  }
0x24: {  	_ =	swait.ge [sflag:s21], $0x4000  }
0x25: {  	[sflag:s21] =	ssyncset.done $0x0  }
0x26: {  	s0 =	simm.s32 $0x100;
	[sflag:s21] =	ssyncadd.s32 $0xFFFFC000  }
0x27: {  	[tilespmem:s20], [sflag:$0x1] =	stream.indirect.gather [hbm4b:s4+s23], $0x80, s0, s23, $0xb8;
	[tilespmem:$0x1E080] =	vst v63  }
0x28: {  	_ =	swait.ge [sflag:s29], $0x4000  }
0x29: {  	[sflag:s29] =	ssyncset.done $0x0  }
0x2a: {  	s28 =	simm.s32 $0x1480;
	[sflag:s29] =	ssyncadd.s32 $0xFFFFC000  }
0x2b: {  	[spmem:s2] =	stream.indirect.scatter.add.f32 [tilespmem:s24], [sflag:$0x3], $0x80, s28, s23, $0xb8;
	[tilespmem:$0x1E080] =	vst v63  }
0x2c: {  	_ =	swait.ge [sflag:s21], $0x4000  }
0x2d: {  	[sflag:s21] =	ssyncset.done $0x0  }
0x2e: {  	s28 =	simm.s32 $0x180;
	[sflag:s21] =	ssyncadd.s32 $0xFFFFC000  }
0x2f: {  	[tilespmem:s24], [sflag:$0x2] =	stream.indirect.gather [hbm4b:s4+s23], $0x80, s28, s23, $0xb8;
	[tilespmem:$0x1E080] =	vst v63  }
0x30: {  	_ =	swait.ge [sflag:s26], $0x4000  }
0x31: {  	[sflag:s26] =	ssyncset.done $0x0  }
0x32: {  	s28 =	simm.s32 $0x1500;
	[sflag:s26] =	ssyncadd.s32 $0xFFFFC000  }
0x33: {  	[spmem:s2] =	stream.indirect.scatter.add.f32 [tilespmem:s20], [sflag:$0x3], $0x80, s28, s23, $0xb8;
	[tilespmem:$0x1E080] =	vst v63  }
0x34: {  	_ =	swait.ge [sflag:s21], $0x4000  }
0x35: {  	[sflag:s21] =	ssyncset.done $0x0  }
0x36: {  	s28 =	simm.s32 $0x200;
	[sflag:s21] =	ssyncadd.s32 $0xFFFFC000  }
0x37: {  	[tilespmem:s20], [sflag:$0x1] =	stream.indirect.gather [hbm4b:s4+s23], $0x80, s28, s23, $0xb8;
	[tilespmem:$0x1E080] =	vst v63  }
0x38: {  	_ =	swait.ge [sflag:s29], $0x4000  }
0x39: {  	[sflag:s29] =	ssyncset.done $0x0  }
0x3a: {  	s28 =	simm.s32 $0x1580;
	[sflag:s29] =	ssyncadd.s32 $0xFFFFC000  }
0x3b: {  	[spmem:s2] =	stream.indirect.scatter.add.f32 [tilespmem:s24], [sflag:$0x3], $0x80, s28, s23, $0xb8;
	[tilespmem:$0x1E080] =	vst v63  }
0x3c: {  	_ =	swait.ge [sflag:s21], $0x4000  }
0x3d: {  	[sflag:s21] =	ssyncset.done $0x0  }
0x3e: {  	s28 =	simm.s32 $0x280;
	[sflag:s21] =	ssyncadd.s32 $0xFFFFC000  }
0x3f: {  	[tilespmem:s24], [sflag:$0x2] =	stream.indirect.gather [hbm4b:s4+s23], $0x80, s28, s23, $0xb8;
	[tilespmem:$0x1E080] =	vst v63  }
0x40: {  	_ =	swait.ge [sflag:s26], $0x4000  }
0x41: {  	[sflag:s26] =	ssyncset.done $0x0  }
0x42: {  	s28 =	simm.s32 $0x1600;
	[sflag:s26] =	ssyncadd.s32 $0xFFFFC000  }
0x43: {  	[spmem:s2] =	stream.indirect.scatter.add.f32 [tilespmem:s20], [sflag:$0x3], $0x80, s28, s23, $0xb8;
	[tilespmem:$0x1E080] =	vst v63  }
0x44: {  	_ =	swait.ge [sflag:s21], $0x4000  }
0x45: {  	[sflag:s21] =	ssyncset.done $0x0  }
0x46: {  	s28 =	simm.s32 $0x300;
	[sflag:s21] =	ssyncadd.s32 $0xFFFFC000  }
0x47: {  	[tilespmem:s20], [sflag:$0x1] =	stream.indirect.gather [hbm4b:s4+s23], $0x80, s28, s23, $0xb8;
	[tilespmem:$0x1E080] =	vst v63  }
0x48: {  	_ =	swait.ge [sflag:s29], $0x4000  }
0x49: {  	[sflag:s29] =	ssyncset.done $0x0  }
0x4a: {  	s28 =	simm.s32 $0x1680;
	[sflag:s29] =	ssyncadd.s32 $0xFFFFC000  }
0x4b: {  	[spmem:s2] =	stream.indirect.scatter.add.f32 [tilespmem:s24], [sflag:$0x3], $0x80, s28, s23, $0xb8;
	[tilespmem:$0x1E080] =	vst v63  }
0x4c: {  	_ =	swait.ge [sflag:s21], $0x4000  }
0x4d: {  	[sflag:s21] =	ssyncset.done $0x0  }
0x4e: {  	s28 =	simm.s32 $0x380;
	[sflag:s21] =	ssyncadd.s32 $0xFFFFC000  }
0x4f: {  	[tilespmem:s24], [sflag:$0x2] =	stream.indirect.gather [hbm4b:s4+s23], $0x80, s28, s23, $0xb8;
	[tilespmem:$0x1E080] =	vst v63  }
0x50: {  	_ =	swait.ge [sflag:s26], $0x4000  }
0x51: {  	[sflag:s26] =	ssyncset.done $0x0  }
0x52: {  	s28 =	simm.s32 $0x1700;
	[sflag:s26] =	ssyncadd.s32 $0xFFFFC000  }
0x53: {  	[spmem:s2] =	stream.indirect.scatter.add.f32 [tilespmem:s20], [sflag:$0x3], $0x80, s28, s23, $0xb8;
	[tilespmem:$0x1E080] =	vst v63  }
0x54: {  	_ =	swait.ge [sflag:s21], $0x4000  }
0x55: {  	[sflag:s21] =	ssyncset.done $0x0  }
0x56: {  	s28 =	simm.s32 $0x400;
	[sflag:s21] =	ssyncadd.s32 $0xFFFFC000  }
0x57: {  	[tilespmem:s20], [sflag:$0x1] =	stream.indirect.gather [hbm4b:s4+s23], $0x80, s28, s23, $0xb8;
	[tilespmem:$0x1E080] =	vst v63  }
0x58: {  	_ =	swait.ge [sflag:s29], $0x4000  }
0x59: {  	[sflag:s29] =	ssyncset.done $0x0  }
0x5a: {  	s28 =	simm.s32 $0x1780;
	[sflag:s29] =	ssyncadd.s32 $0xFFFFC000  }
0x5b: {  	[spmem:s2] =	stream.indirect.scatter.add.f32 [tilespmem:s24], [sflag:$0x3], $0x80, s28, s23, $0xb8;
	[tilespmem:$0x1E080] =	vst v63  }
0x5c: {  	_ =	swait.ge [sflag:s21], $0x4000  }
0x5d: {  	[sflag:s21] =	ssyncset.done $0x0  }
0x5e: {  	s28 =	simm.s32 $0x480;
	[sflag:s21] =	ssyncadd.s32 $0xFFFFC000  }
0x5f: {  	[tilespmem:s24], [sflag:$0x2] =	stream.indirect.gather [hbm4b:s4+s23], $0x80, s28, s23, $0xb8;
	[tilespmem:$0x1E080] =	vst v63  }
0x60: {  	_ =	swait.ge [sflag:s26], $0x4000  }
0x61: {  	[sflag:s26] =	ssyncset.done $0x0  }
0x62: {  	s28 =	simm.s32 $0x1800;
	[sflag:s26] =	ssyncadd.s32 $0xFFFFC000  }
0x63: {  	[spmem:s2] =	stream.indirect.scatter.add.f32 [tilespmem:s20], [sflag:$0x3], $0x80, s28, s23, $0xb8;
	[tilespmem:$0x1E080] =	vst v63  }
0x64: {  	_ =	swait.ge [sflag:s21], $0x4000  }
0x65: {  	[sflag:s21] =	ssyncset.done $0x0  }
0x66: {  	s28 =	simm.s32 $0x500;
	[sflag:s21] =	ssyncadd.s32 $0xFFFFC000  }
0x67: {  	[tilespmem:s20], [sflag:$0x1] =	stream.indirect.gather [hbm4b:s4+s23], $0x80, s28, s23, $0xb8;
	[tilespmem:$0x1E080] =	vst v63  }
0x68: {  	_ =	swait.ge [sflag:s29], $0x4000  }
0x69: {  	[sflag:s29] =	ssyncset.done $0x0  }
0x6a: {  	s28 =	simm.s32 $0x1880;
	[sflag:s29] =	ssyncadd.s32 $0xFFFFC000  }
0x6b: {  	[spmem:s2] =	stream.indirect.scatter.add.f32 [tilespmem:s24], [sflag:$0x3], $0x80, s28, s23, $0xb8;
	[tilespmem:$0x1E080] =	vst v63  }
0x6c: {  	_ =	swait.ge [sflag:s21], $0x4000  }
0x6d: {  	[sflag:s21] =	ssyncset.done $0x0  }
0x6e: {  	s28 =	simm.s32 $0x580;
	[sflag:s21] =	ssyncadd.s32 $0xFFFFC000  }
0x6f: {  	[tilespmem:s24], [sflag:$0x2] =	stream.indirect.gather [hbm4b:s4+s23], $0x80, s28, s23, $0xb8;
	[tilespmem:$0x1E080] =	vst v63  }
0x70: {  	_ =	swait.ge [sflag:s26], $0x4000  }
0x71: {  	[sflag:s26] =	ssyncset.done $0x0  }
0x72: {  	s28 =	simm.s32 $0x1900;
	[sflag:s26] =	ssyncadd.s32 $0xFFFFC000  }
0x73: {  	[spmem:s2] =	stream.indirect.scatter.add.f32 [tilespmem:s20], [sflag:$0x3], $0x80, s28, s23, $0xb8;
	[tilespmem:$0x1E080] =	vst v63  }
0x74: {  	_ =	swait.ge [sflag:s21], $0x4000  }
0x75: {  	[sflag:s21] =	ssyncset.done $0x0  }
0x76: {  	s28 =	simm.s32 $0x600;
	[sflag:s21] =	ssyncadd.s32 $0xFFFFC000  }
0x77: {  	[tilespmem:s20], [sflag:$0x1] =	stream.indirect.gather [hbm4b:s4+s23], $0x80, s28, s23, $0xb8;
	[tilespmem:$0x1E080] =	vst v63  }
0x78: {  	_ =	swait.ge [sflag:s29], $0x4000  }
0x79: {  	[sflag:s29] =	ssyncset.done $0x0  }
0x7a: {  	s28 =	simm.s32 $0x1980;
	[sflag:s29] =	ssyncadd.s32 $0xFFFFC000  }
0x7b: {  	[spmem:s2] =	stream.indirect.scatter.add.f32 [tilespmem:s24], [sflag:$0x3], $0x80, s28, s23, $0xb8;
	[tilespmem:$0x1E080] =	vst v63  }
0x7c: {  	_ =	swait.ge [sflag:s21], $0x4000  }
0x7d: {  	[sflag:s21] =	ssyncset.done $0x0  }
0x7e: {  	s28 =	simm.s32 $0x680;
	[sflag:s21] =	ssyncadd.s32 $0xFFFFC000  }
0x7f: {  	[tilespmem:s24], [sflag:$0x2] =	stream.indirect.gather [hbm4b:s4+s23], $0x80, s28, s23, $0xb8;
	[tilespmem:$0x1E080] =	vst v63  }
0x80: {  	_ =	swait.ge [sflag:s26], $0x4000  }
0x81: {  	[sflag:s26] =	ssyncset.done $0x0  }
0x82: {  	s28 =	simm.s32 $0x1A00;
	[sflag:s26] =	ssyncadd.s32 $0xFFFFC000  }
0x83: {  	[spmem:s2] =	stream.indirect.scatter.add.f32 [tilespmem:s20], [sflag:$0x3], $0x80, s28, s23, $0xb8;
	[tilespmem:$0x1E080] =	vst v63  }
0x84: {  	_ =	swait.ge [sflag:s21], $0x4000  }
0x85: {  	[sflag:s21] =	ssyncset.done $0x0  }
0x86: {  	s28 =	simm.s32 $0x700;
	[sflag:s21] =	ssyncadd.s32 $0xFFFFC000  }
0x87: {  	[tilespmem:s20], [sflag:$0x1] =	stream.indirect.gather [hbm4b:s4+s23], $0x80, s28, s23, $0xb8;
	[tilespmem:$0x1E080] =	vst v63  }
0x88: {  	_ =	swait.ge [sflag:s29], $0x4000  }
0x89: {  	[sflag:s29] =	ssyncset.done $0x0  }
0x8a: {  	s28 =	simm.s32 $0x1A80;
	[sflag:s29] =	ssyncadd.s32 $0xFFFFC000  }
0x8b: {  	[spmem:s2] =	stream.indirect.scatter.add.f32 [tilespmem:s24], [sflag:$0x3], $0x80, s28, s23, $0xb8;
	[tilespmem:$0x1E080] =	vst v63  }
0x8c: {  	_ =	swait.ge [sflag:s21], $0x4000  }
0x8d: {  	[sflag:s21] =	ssyncset.done $0x0  }
0x8e: {  	s28 =	simm.s32 $0x780;
	[sflag:s21] =	ssyncadd.s32 $0xFFFFC000  }
0x8f: {  	[tilespmem:s24], [sflag:$0x2] =	stream.indirect.gather [hbm4b:s4+s23], $0x80, s28, s23, $0xb8;
	[tilespmem:$0x1E080] =	vst v63  }
0x90: {  	_ =	swait.ge [sflag:s26], $0x4000  }
0x91: {  	[sflag:s26] =	ssyncset.done $0x0  }
0x92: {  	s28 =	simm.s32 $0x1B00;
	[sflag:s26] =	ssyncadd.s32 $0xFFFFC000  }
0x93: {  	[spmem:s2] =	stream.indirect.scatter.add.f32 [tilespmem:s20], [sflag:$0x3], $0x80, s28, s23, $0xb8;
	[tilespmem:$0x1E080] =	vst v63  }
0x94: {  	_ =	swait.ge [sflag:s21], $0x4000  }
0x95: {  	[sflag:s21] =	ssyncset.done $0x0  }
0x96: {  	s28 =	simm.s32 $0x800;
	[sflag:s21] =	ssyncadd.s32 $0xFFFFC000  }
0x97: {  	[tilespmem:s20], [sflag:$0x1] =	stream.indirect.gather [hbm4b:s4+s23], $0x80, s28, s23, $0xb8;
	[tilespmem:$0x1E080] =	vst v63  }
0x98: {  	_ =	swait.ge [sflag:s29], $0x4000  }
0x99: {  	[sflag:s29] =	ssyncset.done $0x0  }
0x9a: {  	s28 =	simm.s32 $0x1B80;
	[sflag:s29] =	ssyncadd.s32 $0xFFFFC000  }
0x9b: {  	[spmem:s2] =	stream.indirect.scatter.add.f32 [tilespmem:s24], [sflag:$0x3], $0x80, s28, s23, $0xb8;
	[tilespmem:$0x1E080] =	vst v63  }
0x9c: {  	_ =	swait.ge [sflag:s21], $0x4000  }
0x9d: {  	[sflag:s21] =	ssyncset.done $0x0  }
0x9e: {  	s28 =	simm.s32 $0x880;
	[sflag:s21] =	ssyncadd.s32 $0xFFFFC000  }
0x9f: {  	[tilespmem:s24], [sflag:$0x2] =	stream.indirect.gather [hbm4b:s4+s23], $0x80, s28, s23, $0xb8;
	[tilespmem:$0x1E080] =	vst v63  }
0xa0: {  	_ =	swait.ge [sflag:s26], $0x4000  }
0xa1: {  	[sflag:s26] =	ssyncset.done $0x0  }
0xa2: {  	s28 =	simm.s32 $0x1C00;
	[sflag:s26] =	ssyncadd.s32 $0xFFFFC000  }
0xa3: {  	[spmem:s2] =	stream.indirect.scatter.add.f32 [tilespmem:s20], [sflag:$0x3], $0x80, s28, s23, $0xb8;
	[tilespmem:$0x1E080] =	vst v63  }
0xa4: {  	_ =	swait.ge [sflag:s21], $0x4000  }
0xa5: {  	[sflag:s21] =	ssyncset.done $0x0  }
0xa6: {  	s28 =	simm.s32 $0x900;
	[sflag:s21] =	ssyncadd.s32 $0xFFFFC000  }
0xa7: {  	[tilespmem:s20], [sflag:$0x1] =	stream.indirect.gather [hbm4b:s4+s23], $0x80, s28, s23, $0xb8;
	[tilespmem:$0x1E080] =	vst v63  }
0xa8: {  	_ =	swait.ge [sflag:s29], $0x4000  }
0xa9: {  	[sflag:s29] =	ssyncset.done $0x0  }
0xaa: {  	s28 =	simm.s32 $0x1C80;
	[sflag:s29] =	ssyncadd.s32 $0xFFFFC000  }
0xab: {  	[spmem:s2] =	stream.indirect.scatter.add.f32 [tilespmem:s24], [sflag:$0x3], $0x80, s28, s23, $0xb8;
	[tilespmem:$0x1E080] =	vst v63  }
0xac: {  	_ =	swait.ge [sflag:s21], $0x4000  }
0xad: {  	s31 =	simm.s32 $0x1D00;
	[sflag:s21] =	ssyncset.done $0x0  }
0xae: {  	s0 =	simm.s32 $0x1D80;
	s28 =	simm.s32 $0x980;
	[sflag:s21] =	ssyncadd.s32 $0xFFFFC000  }
0xaf: {  	[tilespmem:s24], [sflag:$0x2] =	stream.indirect.gather [hbm4b:s4+s23], $0x80, s28, s23, $0xb8;
	[tilespmem:$0x1E080] =	vst v63  }
.LBB2_10:
0xb0: {  	_ =	swait.ge [sflag:s26], $0x4000  }
0xb1: {  	[sflag:s26] =	ssyncset.done $0x0  }
0xb2: {  	[sflag:s26] =	ssyncadd.s32 $0xFFFFC000  }
0xb3: {  	[spmem:s2] =	stream.indirect.scatter.add.f32 [tilespmem:s20], [sflag:$0x3], $0x80, s31, s23, $0xb8;
	[tilespmem:$0x1E080] =	vst v63  }
0xb4: {  	_ =	swait.ge [sflag:s21], $0x4000  }
0xb5: {  	[sflag:s21] =	ssyncset.done $0x0  }
0xb6: {  	[sflag:s21] =	ssyncadd.s32 $0xFFFFC000  }
0xb7: {  	_ =	swait.ge [sflag:s29], $0x4000  }
0xb8: {  	[sflag:s29] =	ssyncset.done $0x0  }
0xb9: {  	[sflag:s29] =	ssyncadd.s32 $0xFFFFC000  }
0xba: {  	[spmem:s2] =	stream.indirect.scatter.add.f32 [tilespmem:s24], [sflag:$0x3], $0x80, s0, s23, $0xb8;
	[tilespmem:$0x1E080] =	vst v63  }
0xbb: {  	_ =	swait.ge [sflag:s21], $0x4000  }
0xbc: {  	[sflag:s21] =	ssyncset.done $0x0  }
0xbd: {  	s31 =	sshll.u32 s1, $0x6;
	[sflag:s21] =	ssyncadd.s32 $0xFFFFC000  }
0xbe: {  	s28 =	sshrl.u32 s5, $0x3;
	s0 =	sor.u32 $0x1C03, s31;
	[bflag:$0x0] =	sbarrier.arrive $0xFFFF  }
0xbf: {  	[hbm:s17], [sflag:s0] =	dma.local [spmem:s28], $0x2700  }
0xc0: {  	_ =	swait.ge [sflag:s21], $0x2700  }
0xc1: {  	s30 =	sadd.s32 $0x1, s30;
	[sflag:s21] =	ssyncset.done $0x0  }
0xc2: {  	p2 =	sne.s32 s30, s19;
	[sflag:s21] =	ssyncadd.s32 $0xFFFFD900  }
0xc3: {  	[hbm:s18], [sflag:s0] =	dma.local @!p0 [spmem:s25], $0x100  }
.Ltmp1:
0xc4: {  	_ = 	snop;
	(pc) =	sbr.rel @!p2 .LBB2_11-.Ltmp1, $4  }
0xc5: {  	s0 =	simm.s32 @!p0 $0x3  }
0xc6: {  	_ =	swait.ge @!p0 [sflag:s0], $0x100  }
0xc7: {  	[sflag:s0] =	ssyncset.done @!p0 $0x0  }
0xc8: {  	[sflag:s0] =	ssyncadd.s32 @!p0 $0xFFFFFF00  }
.LBB2_1:
0xc9: {  	s31 =	simm.s32 $0x0;
	s0 =	simm.s32 $0x200  }
.LBB2_2:
0xca: {  	p2 =	sne.s32 s0, $0xFE00;
	[tilespmem:s31+$0x2870] =	vst v0  }
0xcb: {  	[tilespmem:s31+$0x2800] =	vst v0  }
0xcc: {  	[tilespmem:s31+$0x2810] =	vst v0  }
.Ltmp2:
0xcd: {  	[tilespmem:s31+$0x2820] =	vst v0;
	(pc) =	sbr.rel @p2 .LBB2_2-.Ltmp2, $4  }
0xce: {  	[tilespmem:s31+$0x2830] =	vst v0  }
0xcf: {  	[tilespmem:s31+$0x2840] =	vst v0  }
0xd0: {  	[tilespmem:s31+$0x2850] =	vst v0  }
0xd1: {  	[tilespmem:s31+$0x2860] =	vst v0;
	s31 =	sshra.s32 s0, $0x2;
	s0 =	sadd.s32 $0x200, s0  }
0xd2: {  	[tilespmem:s31+$0x2870] =	vst v0  }
0xd3: {  	[tilespmem:s31+$0x2800] =	vst v0  }
0xd4: {  	[tilespmem:s31+$0x2810] =	vst v0  }
0xd5: {  	[tilespmem:s31+$0x2820] =	vst v0  }
0xd6: {  	[tilespmem:s31+$0x2830] =	vst v0  }
0xd7: {  	[tilespmem:s31+$0x2840] =	vst v0  }
0xd8: {  	[tilespmem:s31+$0x2850] =	vst v0  }
0xd9: {  	[tilespmem:s31+$0x2860] =	vst v0  }
0xda: {  	[spmem:s5] =	stream.linear.scatter [tilespmem:s20], [sflag:$0x3], $0x4000, $0x38;
	[tilespmem:$0x1E080] =	vst v63  }
0xdb: {  	_ =	swait.ge [sflag:s21], $0x4000  }
0xdc: {  	[sflag:s21] =	ssyncset.done $0x0  }
0xdd: {  	[sflag:s21] =	ssyncadd.s32 $0xFFFFC000  }
0xde: {  	[spmem:s6] =	stream.linear.scatter [tilespmem:s20], [sflag:$0x3], $0x4000, $0x38;
	[tilespmem:$0x1E080] =	vst v63  }
0xdf: {  	_ =	swait.ge [sflag:s21], $0x4000  }
0xe0: {  	[sflag:s21] =	ssyncset.done $0x0  }
0xe1: {  	[sflag:s21] =	ssyncadd.s32 $0xFFFFC000  }
0xe2: {  	[spmem:s7] =	stream.linear.scatter [tilespmem:s20], [sflag:$0x3], $0x4000, $0x38;
	[tilespmem:$0x1E080] =	vst v63  }
0xe3: {  	_ =	swait.ge [sflag:s21], $0x4000  }
0xe4: {  	[sflag:s21] =	ssyncset.done $0x0  }
0xe5: {  	[sflag:s21] =	ssyncadd.s32 $0xFFFFC000  }
0xe6: {  	[spmem:s8] =	stream.linear.scatter [tilespmem:s20], [sflag:$0x3], $0x4000, $0x38;
	[tilespmem:$0x1E080] =	vst v63  }
0xe7: {  	_ =	swait.ge [sflag:s21], $0x4000  }
0xe8: {  	[sflag:s21] =	ssyncset.done $0x0  }
0xe9: {  	[sflag:s21] =	ssyncadd.s32 $0xFFFFC000  }
0xea: {  	[spmem:s10] =	stream.linear.scatter [tilespmem:s20], [sflag:$0x3], $0x4000, $0x38;
	[tilespmem:$0x1E080] =	vst v63  }
0xeb: {  	_ =	swait.ge [sflag:s21], $0x4000  }
0xec: {  	[sflag:s21] =	ssyncset.done $0x0  }
0xed: {  	s0 =	simm.s32 @!p0 $0x2800;
	[sflag:s21] =	ssyncadd.s32 $0xFFFFC000  }
0xee: {  	[spmem:s11] =	stream.linear.scatter @!p0 [tilespmem:s0], [sflag:$0x3], $0x4000, $0x38;
	[tilespmem:$0x1E080] =	vst v63  }
0xef: {  	s0 =	simm.s32 @!p0 $0x3  }
.Ltmp3:
0xf0: {  	_ =	swait.ge @!p0 [sflag:s0], $0x4000;
	(pc) =	sbr.rel @p1 .LBB2_9-.Ltmp3, $3  }
0xf1: {  	[sflag:s0] =	ssyncset.done @!p0 $0x0  }
0xf2: {  	[sflag:s0] =	ssyncadd.s32 @!p0 $0xFFFFC000  }
0xf3: {  	[bflag:$0x0] =	sbarrier.arrive $0xFFFF;
	_ =	sdelay $0x1  }
0xf4: {  	s0 =	simm.s32 $0x0  }
0xf5: {  	[tilespmem:s22], [sflag:$0x3] =	stream.linear.gather [hbm4b:s12+s0], $0x1400, $0x38;
	[tilespmem:$0x1E080] =	vst v63  }
0xf6: {  	_ =	swait.ge [sflag:s21], $0x1400  }
0xf7: {  	[sflag:s21] =	ssyncset.done $0x0  }
0xf8: {  	[sflag:s21] =	ssyncadd.s32 $0xFFFFEC00  }
0xf9: {  	[tilespmem:s0], [sflag:$0x3] =	stream.linear.gather [hbm4b:s9+s0], $0x1400, $0x38;
	[tilespmem:$0x1E080] =	vst v63  }
0xfa: {  	_ =	swait.ge [sflag:s21], $0x1400  }
0xfb: {  	[sflag:s21] =	ssyncset.done $0x0  }
0xfc: {  	[sflag:s21] =	ssyncadd.s32 $0xFFFFEC00  }
0xfd: {  	[tilespmem:s20], [sflag:$0x1] =	stream.indirect.gather [hbm4b:s4+s23], $0x80, s0, s23, $0xb8;
	[tilespmem:$0x1E080] =	vst v63  }
0xfe: {  	_ = 	snop  }
0xff: {  	[tilespmem:s24], [sflag:$0x2] =	stream.indirect.gather [hbm4b:s4+s23], $0x80, s23, s23, $0xb8;
	[tilespmem:$0x1E080] =	vst v63  }
0x100: {  	_ =	swait.ge [sflag:s26], $0x4000  }
0x101: {  	[sflag:s26] =	ssyncset.done $0x0  }
0x102: {  	s28 =	simm.s32 $0x1400;
	[sflag:s26] =	ssyncadd.s32 $0xFFFFC000  }
0x103: {  	[spmem:s2] =	stream.indirect.scatter.add.f32 [tilespmem:s20], [sflag:$0x3], $0x80, s28, s23, $0xb8;
	[tilespmem:$0x1E080] =	vst v63  }
0x104: {  	_ =	swait.ge [sflag:s21], $0x4000  }
0x105: {  	[sflag:s21] =	ssyncset.done $0x0  }
0x106: {  	s28 =	simm.s32 $0x100;
	[sflag:s21] =	ssyncadd.s32 $0xFFFFC000  }
0x107: {  	[tilespmem:s20], [sflag:$0x1] =	stream.indirect.gather [hbm4b:s4+s23], $0x80, s28, s23, $0xb8;
	[tilespmem:$0x1E080] =	vst v63  }
0x108: {  	_ =	swait.ge [sflag:s29], $0x4000  }
0x109: {  	[sflag:s29] =	ssyncset.done $0x0  }
0x10a: {  	s28 =	simm.s32 $0x1480;
	[sflag:s29] =	ssyncadd.s32 $0xFFFFC000  }
0x10b: {  	[spmem:s2] =	stream.indirect.scatter.add.f32 [tilespmem:s24], [sflag:$0x3], $0x80, s28, s23, $0xb8;
	[tilespmem:$0x1E080] =	vst v63  }
0x10c: {  	_ =	swait.ge [sflag:s21], $0x4000  }
0x10d: {  	[sflag:s21] =	ssyncset.done $0x0  }
0x10e: {  	s31 =	simm.s32 $0x400;
	s0 =	simm.s32 $0x180;
	[sflag:s21] =	ssyncadd.s32 $0xFFFFC000  }
.LBB2_5:
0x10f: {  	[tilespmem:s24], [sflag:$0x2] =	stream.indirect.gather [hbm4b:s4+s23], $0x80, s0, s23, $0xb8;
	[tilespmem:$0x1E080] =	vst v63  }
0x110: {  	s0 =	smov.u32 s31  }
0x111: {  	p2 =	sne.s32 s31, $0x4800;
	s31 =	sadd.s32 $0x400, s31;
	_ =	swait.ge [sflag:s26], $0x4000  }
0x112: {  	s0 =	sshra.s32 s0, $0x2;
	[sflag:s26] =	ssyncset.done $0x0  }
0x113: {  	s28 =	sadd.s32 $0x1400, s0;
	[sflag:s26] =	ssyncadd.s32 $0xFFFFC000  }
0x114: {  	[spmem:s2] =	stream.indirect.scatter.add.f32 [tilespmem:s20], [sflag:$0x3], $0x80, s28, s23, $0xb8;
	[tilespmem:$0x1E080] =	vst v63  }
0x115: {  	_ =	swait.ge [sflag:s21], $0x4000  }
0x116: {  	[sflag:s21] =	ssyncset.done $0x0  }
0x117: {  	s28 =	sadd.s32 $0x100, s0;
	[sflag:s21] =	ssyncadd.s32 $0xFFFFC000  }
0x118: {  	[tilespmem:s20], [sflag:$0x1] =	stream.indirect.gather [hbm4b:s4+s23], $0x80, s28, s23, $0xb8;
	[tilespmem:$0x1E080] =	vst v63  }
0x119: {  	_ =	swait.ge [sflag:s29], $0x4000  }
0x11a: {  	[sflag:s29] =	ssyncset.done $0x0  }
.Ltmp4:
0x11b: {  	s28 =	sadd.s32 $0x1480, s0;
	[sflag:s29] =	ssyncadd.s32 $0xFFFFC000;
	(pc) =	sbr.rel @p2 .LBB2_5-.Ltmp4, $4  }
0x11c: {  	[spmem:s2] =	stream.indirect.scatter.add.f32 [tilespmem:s24], [sflag:$0x3], $0x80, s28, s23, $0xb8;
	[tilespmem:$0x1E080] =	vst v63  }
0x11d: {  	_ =	swait.ge [sflag:s21], $0x4000  }
0x11e: {  	[sflag:s21] =	ssyncset.done $0x0  }
0x11f: {  	s0 =	sadd.s32 $0x180, s0;
	[sflag:s21] =	ssyncadd.s32 $0xFFFFC000  }
0x120: {  	[tilespmem:s24], [sflag:$0x2] =	stream.indirect.gather [hbm4b:s4+s23], $0x80, s0, s23, $0xb8;
	[tilespmem:$0x1E080] =	vst v63  }
0x121: {  	_ =	swait.ge [sflag:s26], $0x4000  }
0x122: {  	[sflag:s26] =	ssyncset.done $0x0  }
0x123: {  	s28 =	simm.s32 $0x2700;
	[sflag:s26] =	ssyncadd.s32 $0xFFFFC000  }
0x124: {  	[spmem:s2] =	stream.indirect.scatter.add.f32 [tilespmem:s20], [sflag:$0x3], $0x80, s28, s23, $0xb8;
	[tilespmem:$0x1E080] =	vst v63  }
0x125: {  	_ =	swait.ge [sflag:s21], $0x4000  }
0x126: {  	[sflag:s21] =	ssyncset.done $0x0  }
0x127: {  	[sflag:s21] =	ssyncadd.s32 $0xFFFFC000  }
0x128: {  	_ =	swait.ge [sflag:s29], $0x4000  }
0x129: {  	[sflag:s29] =	ssyncset.done $0x0  }
0x12a: {  	s28 =	simm.s32 $0x2780;
	[sflag:s29] =	ssyncadd.s32 $0xFFFFC000  }
0x12b: {  	[spmem:s2] =	stream.indirect.scatter.add.f32 [tilespmem:s24], [sflag:$0x3], $0x80, s28, s23, $0xb8;
	[tilespmem:$0x1E080] =	vst v63  }
0x12c: {  	_ =	swait.ge [sflag:s21], $0x4000  }
0x12d: {  	[sflag:s21] =	ssyncset.done $0x0  }
0x12e: {  	s28 =	simm.s32 $0x0;
	[sflag:s21] =	ssyncadd.s32 $0xFFFFC000  }
0x12f: {  	[tilespmem:s22], [sflag:$0x3] =	stream.linear.gather [hbm4b:s13+s28], $0x1400, $0x38;
	[tilespmem:$0x1E080] =	vst v63  }
0x130: {  	_ =	swait.ge [sflag:s21], $0x1400  }
0x131: {  	[sflag:s21] =	ssyncset.done $0x0  }
0x132: {  	[sflag:s21] =	ssyncadd.s32 $0xFFFFEC00  }
0x133: {  	[tilespmem:s28], [sflag:$0x3] =	stream.linear.gather [hbm4b:s14+s28], $0x1400, $0x38;
	[tilespmem:$0x1E080] =	vst v63  }
0x134: {  	_ =	swait.ge [sflag:s21], $0x1400  }
0x135: {  	[sflag:s21] =	ssyncset.done $0x0  }
0x136: {  	[sflag:s21] =	ssyncadd.s32 $0xFFFFEC00  }
0x137: {  	[tilespmem:s20], [sflag:$0x1] =	stream.indirect.gather [hbm4b:s4+s23], $0x80, s28, s23, $0xb8;
	[tilespmem:$0x1E080] =	vst v63  }
0x138: {  	_ = 	snop  }
0x139: {  	[tilespmem:s24], [sflag:$0x2] =	stream.indirect.gather [hbm4b:s4+s23], $0x80, s23, s23, $0xb8;
	[tilespmem:$0x1E080] =	vst v63  }
0x13a: {  	_ =	swait.ge [sflag:s26], $0x4000  }
0x13b: {  	[sflag:s26] =	ssyncset.done $0x0  }
0x13c: {  	s28 =	simm.s32 $0x1400;
	[sflag:s26] =	ssyncadd.s32 $0xFFFFC000  }
0x13d: {  	[spmem:s2] =	stream.indirect.scatter.add.f32 [tilespmem:s20], [sflag:$0x3], $0x80, s28, s23, $0xb8;
	[tilespmem:$0x1E080] =	vst v63  }
0x13e: {  	_ =	swait.ge [sflag:s21], $0x4000  }
0x13f: {  	[sflag:s21] =	ssyncset.done $0x0  }
0x140: {  	s28 =	simm.s32 $0x100;
	[sflag:s21] =	ssyncadd.s32 $0xFFFFC000  }
0x141: {  	[tilespmem:s20], [sflag:$0x1] =	stream.indirect.gather [hbm4b:s4+s23], $0x80, s28, s23, $0xb8;
	[tilespmem:$0x1E080] =	vst v63  }
0x142: {  	_ =	swait.ge [sflag:s29], $0x4000  }
0x143: {  	p2 =	por $0x0, $0x0;
	[sflag:s29] =	ssyncset.done $0x0  }
.Ltmp5:
0x144: {  	s28 =	simm.s32 $0x1480;
	[sflag:s29] =	ssyncadd.s32 $0xFFFFC000;
	(pc) =	sbr.rel @p2 .LBB2_8-.Ltmp5, $4  }
0x145: {  	[spmem:s2] =	stream.indirect.scatter.add.f32 [tilespmem:s24], [sflag:$0x3], $0x80, s28, s23, $0xb8;
	[tilespmem:$0x1E080] =	vst v63  }
0x146: {  	_ =	swait.ge [sflag:s21], $0x4000  }
0x147: {  	[sflag:s21] =	ssyncset.done $0x0  }
0x148: {  	s31 =	simm.s32 $0x400;
	s0 =	simm.s32 $0x180;
	[sflag:s21] =	ssyncadd.s32 $0xFFFFC000  }
.LBB2_7:
0x149: {  	[tilespmem:s24], [sflag:$0x2] =	stream.indirect.gather [hbm4b:s4+s23], $0x80, s0, s23, $0xb8;
	[tilespmem:$0x1E080] =	vst v63  }
0x14a: {  	s0 =	smov.u32 s31  }
0x14b: {  	p2 =	seq.s32 s31, $0x4800;
	s31 =	sadd.s32 $0x400, s31;
	_ =	swait.ge [sflag:s26], $0x4000  }
0x14c: {  	s0 =	sshra.s32 s0, $0x2;
	[sflag:s26] =	ssyncset.done $0x0  }
0x14d: {  	s28 =	sadd.s32 $0x1400, s0;
	[sflag:s26] =	ssyncadd.s32 $0xFFFFC000  }
0x14e: {  	[spmem:s2] =	stream.indirect.scatter.add.f32 [tilespmem:s20], [sflag:$0x3], $0x80, s28, s23, $0xb8;
	[tilespmem:$0x1E080] =	vst v63  }
0x14f: {  	_ =	swait.ge [sflag:s21], $0x4000  }
0x150: {  	[sflag:s21] =	ssyncset.done $0x0  }
0x151: {  	s28 =	sadd.s32 $0x100, s0;
	[sflag:s21] =	ssyncadd.s32 $0xFFFFC000  }
0x152: {  	[tilespmem:s20], [sflag:$0x1] =	stream.indirect.gather [hbm4b:s4+s23], $0x80, s28, s23, $0xb8;
	[tilespmem:$0x1E080] =	vst v63  }
0x153: {  	_ =	swait.ge [sflag:s29], $0x4000  }
0x154: {  	[sflag:s29] =	ssyncset.done $0x0  }
.Ltmp6:
0x155: {  	s28 =	sadd.s32 $0x1480, s0;
	[sflag:s29] =	ssyncadd.s32 $0xFFFFC000;
	(pc) =	sbr.rel @!p2 .LBB2_7-.Ltmp6, $4  }
0x156: {  	[spmem:s2] =	stream.indirect.scatter.add.f32 [tilespmem:s24], [sflag:$0x3], $0x80, s28, s23, $0xb8;
	[tilespmem:$0x1E080] =	vst v63  }
0x157: {  	_ =	swait.ge [sflag:s21], $0x4000  }
0x158: {  	[sflag:s21] =	ssyncset.done $0x0  }
0x159: {  	s0 =	sadd.s32 $0x180, s0;
	[sflag:s21] =	ssyncadd.s32 $0xFFFFC000  }
.LBB2_8:
.Ltmp7:
0x15a: {  	(pc) =	sbr.rel .LBB2_10-.Ltmp7, $3  }
0x15b: {  	_ =	sdelay $0x1  }
0x15c: {  	[tilespmem:s24], [sflag:$0x2] =	stream.indirect.gather [hbm4b:s4+s23], $0x80, s0, s23, $0xb8;
	[tilespmem:$0x1E080] =	vst v63  }
0x15d: {  	s0 =	simm.s32 $0x2780;
	s31 =	simm.s32 $0x2700  }
.LBB2_11:
0x15e: {  	_ =	sfence.sel $0x180000  }
0x15f: {  	[bflag:$0x0] =	sbarrier.arrive $0xFFFF  }
0x160: {  	_ =	strace $0x9000004D  }
0x161: {  	[bflag:$0x2] =	sbarrier.arrive $0xFFFF  }
0x162: {  	p0 =	sne.s32 s1, $0x0;
	s0 =	rddreg [dreg:$0x3]  }
0x163: {  	s0 =	sadd.s32 @!p0 $0x100000, s0  }
0x164: {  	[sflag:s0] =	ssyncadd.tile.s32 @!p0 $0x1;
	_ =	shalt  }
.Lfunc_end2:
_tile_overlayer_lowered:
.L_overlay_start_2:
0x165: {  	(tag) =	ssettag $0x2  }
0x166: {  	s0 =	rddreg [dreg:$0x0];
	s2 =	stileid.u32  }
0x167: {  	s1 =	rddreg [dreg:$0x1];
	p0 =	sne.s32 s2, $0x0  }
0x168: {  	s3 =	rddreg [dreg:$0x2];
	[bflag:$0x3] =	sbarrier.arrive $0xFFFF;
	s2 =	simm.s32 @!p0 $0x1C03  }
0x169: {  	[timem:s3], [sflag:s2] =	dma.local @!p0 [hbm:s0], s1  }
0x16a: {  	s0 =	simm.s32 @!p0 $0x3  }
0x16b: {  	_ =	swait.ge @!p0 [sflag:s0], s1  }
0x16c: {  	s1 =	ssub.s32 @!p0 $0x0, s1;
	[sflag:s0] =	ssyncset.done @!p0 $0x0  }
0x16d: {  	[sflag:s0] =	ssyncadd.s32 @!p0 s1  }
0x16e: {  	[bflag:$0x3] =	sbarrier.arrive $0xFFFF  }
0x16f: {  	_ =	shalt  }

</sc_bundles>
